<compile_context>
chip_gen: v7x
topology: tpu7x:2x2x1
jax: 0.10.2.dev20260603
libtpu: 0.0.44.dev20260713+nightly
codegen_flags: <defaults>
</compile_context>

<pallas_src>
import jax
import jax.numpy as jnp
from jax import lax
from jax.experimental import pallas as pl
from jax.experimental.pallas import tpu as pltpu
from jax.experimental.pallas import tpu_sc as plsc

_B = 16384
_L = 50
_V1, _V2, _V3 = 101, 101, 49
_E1, _E2, _E3 = 96, 96, 64
_TE = _E1 + _E2 + _E3
_MD = 256

_NC, _NS = 2, 16
_NW = _NC * _NS
_VS = _V1 + _V2 + _V3
_TV = _L * _VS
_CPT = _MD // _NW
_QPT = _CPT // 2
_TFL = _QPT * _TV
_NJ = 150
_CB = 128
_NCH = _B // _CB
_UNROLL = 3


def _tables_body(w_ref, e1_ref, e2_ref, e3_ref, t_ref):
    w = w_ref[0]
    dn = (((1,), (1,)), ((), ()))
    t_ref[0, 0:_V1, :] = lax.dot_general(
        e1_ref[...], w[:, 0:_E1], dn,
        preferred_element_type=jnp.float32).astype(jnp.bfloat16)
    t_ref[0, _V1:_V1 + _V2, :] = lax.dot_general(
        e2_ref[...], w[:, _E1:_E1 + _E2], dn,
        preferred_element_type=jnp.float32).astype(jnp.bfloat16)
    t_ref[0, _V1 + _V2:_VS, :] = lax.dot_general(
        e3_ref[...], w[:, _E1 + _E2:_TE], dn,
        preferred_element_type=jnp.float32).astype(jnp.bfloat16)


def _make_tables(W1, emb1, emb2, emb3):
    w1r = W1.reshape(_MD, _L, _TE).transpose(1, 0, 2)
    t = pl.pallas_call(
        _tables_body,
        grid=(_L,),
        in_specs=[
            pl.BlockSpec((1, _MD, _TE), lambda l: (l, 0, 0)),
            pl.BlockSpec((_V1, _E1), lambda l: (0, 0)),
            pl.BlockSpec((_V2, _E2), lambda l: (0, 0)),
            pl.BlockSpec((_V3, _E3), lambda l: (0, 0)),
        ],
        out_specs=pl.BlockSpec((1, _VS, _MD), lambda l: (l, 0, 0)),
        out_shape=jax.ShapeDtypeStruct((_L, _VS, _MD), jnp.bfloat16),
    )(w1r, emb1, emb2, emb3)
    return t.reshape(_TV, _MD)


def _bag_body(ts_h, idx_h, out_h, tbl, ha, hb, oa, ob,
              sem_a, sem_b, sem_oa, sem_ob):
    cid = lax.axis_index("c")
    sid = lax.axis_index("s")
    wid = sid * _NC + cid

    pltpu.sync_copy(ts_h.at[pl.ds(wid * _TFL, _TFL)], tbl)

    def issue(ch, buf, sem):
        pltpu.async_copy(
            idx_h.at[pl.ds(0, _NJ), pl.ds(ch * _CB, _CB)], buf, sem)

    def drain(buf, sem):
        pltpu.make_async_copy(idx_h.at[pl.ds(0, _NJ), pl.ds(0, _CB)],
                              buf, sem).wait()

    def drain_out(ob, sem):
        pltpu.make_async_copy(ob, out_h.at[0, :, pl.ds(0, _CB)], sem).wait()

    def accum_chunk(ch, hbuf, ob, sem):
        for bb in range(_CB // 16):
            def jbody(j8, a, bb=bb):
                jb = j8 * _UNROLL
                for jj in range(_UNROLL):
                    iv = hbuf[jb + jj, pl.ds(bb * 16, 16)]
                    for q in range(_QPT):
                        g = plsc.load_gather(tbl, [iv + (q * _TV)])
                        ab = plsc.bitcast(g, jnp.bfloat16)
                        lo, hi = plsc.unpack(
                            ab, format=plsc.PackFormat.INTERLEAVED)
                        a = (a[:2 * q]
                             + (a[2 * q] + lo, a[2 * q + 1] + hi)
                             + a[2 * q + 2:])
                return a

            acc = plsc.parallel_loop(
                0, _NJ // _UNROLL,
                carry=(jnp.zeros((16,), jnp.float32),) * _CPT)(jbody)
            for c in range(_CPT):
                ob[c, pl.ds(bb * 16, 16)] = acc[c]
        pltpu.async_copy(ob, out_h.at[wid, :, pl.ds(ch * _CB, _CB)], sem)

    issue(0, ha, sem_a)

    def pair_body(k, carry):
        ch = k * 2
        issue(ch + 1, hb, sem_b)
        drain(ha, sem_a)

        @pl.when(k > 0)
        def _():
            drain_out(oa, sem_oa)

        accum_chunk(ch, ha, oa, sem_oa)

        @pl.when(k < _NCH // 2 - 1)
        def _():
            issue(ch + 2, ha, sem_a)

        drain(hb, sem_b)

        @pl.when(k > 0)
        def _():
            drain_out(ob, sem_ob)

        accum_chunk(ch + 1, hb, ob, sem_ob)
        return carry

    lax.fori_loop(0, _NCH // 2, pair_body, 0)
    drain_out(oa, sem_oa)
    drain_out(ob, sem_ob)


def _bag(ts, idxt):
    mesh = plsc.VectorSubcoreMesh(core_axis_name="c", subcore_axis_name="s",
                                  num_cores=_NC, num_subcores=_NS)
    return pl.kernel(
        _bag_body,
        out_type=jax.ShapeDtypeStruct((_NW, _CPT, _B), jnp.float32),
        mesh=mesh,
        compiler_params=pltpu.CompilerParams(needs_layout_passes=False),
        scratch_types=[
            pltpu.VMEM((_TFL,), jnp.int32),
            pltpu.VMEM((_NJ, _CB), jnp.int32),
            pltpu.VMEM((_NJ, _CB), jnp.int32),
            pltpu.VMEM((_CPT, _CB), jnp.float32),
            pltpu.VMEM((_CPT, _CB), jnp.float32),
            pltpu.SemaphoreType.DMA,
            pltpu.SemaphoreType.DMA,
            pltpu.SemaphoreType.DMA,
            pltpu.SemaphoreType.DMA,
        ],
    )(ts, idxt)


_MLP_BLK = 1024


def _mlp_body(h_ref, b1_ref, w2_ref, b2_ref, w3_ref, b3_ref, o_ref):
    xt = h_ref[...].reshape(_MD, _MLP_BLK)
    xt = jnp.maximum(xt + b1_ref[...], 0.0)
    dn = (((1,), (0,)), ((), ()))
    h2 = lax.dot_general(w2_ref[...], xt, dn,
                         preferred_element_type=jnp.float32) + b2_ref[...]
    h2 = jnp.maximum(h2, 0.0)
    o = lax.dot_general(w3_ref[...], h2, dn,
                        preferred_element_type=jnp.float32) + b3_ref[0, 0]
    o_ref[...] = o[0:1, :]


def _mlp(strips, b1, W2, b2, W3, b3):
    b1b = jnp.broadcast_to(b1[:, None], (_MD, _MLP_BLK))
    b2b = jnp.broadcast_to(b2[:, None], (_MD, _MLP_BLK))
    out = pl.pallas_call(
        _mlp_body,
        grid=(_B // _MLP_BLK,),
        in_specs=[
            pl.BlockSpec((_NW, _CPT, _MLP_BLK), lambda i: (0, 0, i)),
            pl.BlockSpec((_MD, _MLP_BLK), lambda i: (0, 0)),
            pl.BlockSpec((_MD, _MD), lambda i: (0, 0)),
            pl.BlockSpec((_MD, _MLP_BLK), lambda i: (0, 0)),
            pl.BlockSpec((8, _MD), lambda i: (0, 0)),
            pl.BlockSpec((1, 1), lambda i: (0, 0)),
        ],
        out_specs=pl.BlockSpec((1, _MLP_BLK), lambda i: (0, i)),
        out_shape=jax.ShapeDtypeStruct((1, _B), jnp.float32),
    )(strips, b1b, W2, b2b,
      jnp.pad(W3, ((0, 7), (0, 0))), b3.reshape(1, 1))
    return out.reshape(_B, 1)


def kernel(x1, x2, x3, mask, device, emb1, emb2, emb3,
           W1, b1, W2, b2, W3, b3):
    del mask, device
    tflat = _make_tables(W1, emb1, emb2, emb3)
    ts = lax.bitcast_convert_type(
        tflat.reshape(_TV, _MD // 2, 2).transpose(1, 0, 2),
        jnp.int32).reshape(_NW * _TFL)

    x1i, x2i, x3i = (x.astype(jnp.int32) for x in (x1, x2, x3))
    pos = jnp.arange(_L, dtype=jnp.int32)[None, :] * _VS
    idx = jnp.concatenate([
        x1i + pos,
        x2i + pos + _V1,
        x3i + pos + _V1 + _V2,
    ], axis=1).T

    strips = _bag(ts, idx)
    return _mlp(strips, b1, W2, b2, W3, b3)

# --- scband reference (transcript-rebuilt; emitter-appended) ---
"""Pipeline reference for scband-fully-connected-model-45801531245147 (READ-ONLY COPY).

The authoritative reference and input builder live on the scoring server;
editing this copy changes nothing except your own understanding.
"""

import jax, jax.numpy as jnp
import numpy as np

B = 16384
L = 50
DIM_X = 101
DIM_Y = 101
DIM_W = 49
ED1, ED2, ED3 = 96, 96, 64
TOTAL_ED = ED1 + ED2 + ED3
MODEL_DIM = 256


def setup_inputs(seed: int = 0) -> dict:
    key = jax.random.key(seed)
    ks = jax.random.split(key, 16)
    x1 = jax.random.randint(ks[0], (B, L), 0, DIM_X, dtype=jnp.int64 if jax.config.jax_enable_x64 else jnp.int32)
    x2 = jax.random.randint(ks[1], (B, L), 0, DIM_Y, dtype=jnp.int64 if jax.config.jax_enable_x64 else jnp.int32)
    x3 = jax.random.randint(ks[2], (B, L), 0, DIM_W, dtype=jnp.int64 if jax.config.jax_enable_x64 else jnp.int32)
    mask = jnp.ones((B, L), dtype=jnp.bool_)
    device = 0
    emb1 = jax.random.normal(ks[3], (DIM_X, ED1), dtype=jnp.float32)
    emb2 = jax.random.normal(ks[4], (DIM_Y, ED2), dtype=jnp.float32)
    emb3 = jax.random.normal(ks[5], (DIM_W, ED3), dtype=jnp.float32)
    fan_in1 = TOTAL_ED * L
    W1 = jax.random.uniform(ks[6], (MODEL_DIM, fan_in1), jnp.float32, -1.0, 1.0) / np.sqrt(fan_in1)
    b1 = jax.random.uniform(ks[7], (MODEL_DIM,), jnp.float32, -1.0, 1.0) / np.sqrt(fan_in1)
    W2 = jax.random.uniform(ks[8], (MODEL_DIM, MODEL_DIM), jnp.float32, -1.0, 1.0) / np.sqrt(MODEL_DIM)
    b2 = jax.random.uniform(ks[9], (MODEL_DIM,), jnp.float32, -1.0, 1.0) / np.sqrt(MODEL_DIM)
    W3 = jax.random.uniform(ks[10], (1, MODEL_DIM), jnp.float32, -1.0, 1.0) / np.sqrt(MODEL_DIM)
    b3 = jax.random.uniform(ks[11], (1,), jnp.float32, -1.0, 1.0) / np.sqrt(MODEL_DIM)
    return {"x1": x1, "x2": x2, "x3": x3, "mask": mask, "device": device,
            "emb1": emb1, "emb2": emb2, "emb3": emb3,
            "W1": W1, "b1": b1, "W2": W2, "b2": b2, "W3": W3, "b3": b3}


def reference(x1, x2, x3, mask, device, emb1, emb2, emb3, W1, b1, W2, b2, W3, b3):
    e1 = jnp.take(emb1, x1, axis=0)   # [B, L, ED1]
    e2 = jnp.take(emb2, x2, axis=0)   # [B, L, ED2]
    e3 = jnp.take(emb3, x3, axis=0)   # [B, L, ED3]
    x = jnp.concatenate((e1, e2, e3), axis=-1)  # [B, L, TOTAL_ED]
    x = x.reshape(x.shape[0], -1)               # [B, L*TOTAL_ED]
    x = jax.nn.relu(x @ W1.T + b1)
    x = jax.nn.relu(x @ W2.T + b2)
    x = x @ W3.T + b3                            # [B, 1]
    return x

if __name__ == "__main__":
    import jax
    _d = setup_inputs()
    print(jax.jit(kernel)(*tuple(_d.values())))

</pallas_src>

<mosaic_0001>
#map = affine_map<(d0, d1) -> (0)>
#map1 = affine_map<(d0, d1) -> (0, 0)>
#map2 = affine_map<(d0, d1) -> (0, 0, 0)>
module attributes {stable_mosaic.version = 14 : i64} {
  func.func @_bag_body(%arg0: i32, %arg1: i32, %arg2: memref<1606400xi32, #tpu.memory_space<hbm>>, %arg3: memref<150x16384xi32, #tpu.memory_space<hbm>>, %arg4: memref<32x8x16384xf32, #tpu.memory_space<hbm>>, %arg5: memref<50200xi32, #tpu.memory_space<vmem>>, %arg6: memref<150x128xi32, #tpu.memory_space<vmem>>, %arg7: memref<150x128xi32, #tpu.memory_space<vmem>>, %arg8: memref<8x128xf32, #tpu.memory_space<vmem>>, %arg9: memref<8x128xf32, #tpu.memory_space<vmem>>, %arg10: memref<!tpu.dma_semaphore, #tpu.memory_space<semaphore_mem>>, %arg11: memref<!tpu.dma_semaphore, #tpu.memory_space<semaphore_mem>>, %arg12: memref<!tpu.dma_semaphore, #tpu.memory_space<semaphore_mem>>, %arg13: memref<!tpu.dma_semaphore, #tpu.memory_space<semaphore_mem>>) attributes {dimension_semantics = [#tpu.dimension_semantics<core_parallel>, #tpu.dimension_semantics<subcore_parallel>], iteration_bounds = array<i64: 2, 16>, scalar_prefetch = 0 : i64, scratch_operands = 9 : i64, tpu.core_type = #tpu.core_type<sc_vector_subcore>, window_params = [{transform_indices = #map}, {transform_indices = #map1}, {transform_indices = #map2}]} {
    %mul3A = arith.constant 2 : i32
    %mul3A_0 = arith.muli %arg1, %mul3A : i32
    %add3A = arith.addi %mul3A_0, %arg0 : i32
    %mul3A_1 = arith.constant 50200 : i32
    %mul3A_2 = arith.muli %add3A, %mul3A_1 : i32
    "tpu.region"() ({
      %run_scoped3A = tpu.sem_alloc : memref<!tpu.dma_semaphore, #tpu.memory_space<semaphore_mem>>
      %dma_start3A_30 = tpu.memref_slice %arg2[%mul3A_2] : memref<1606400xi32, #tpu.memory_space<hbm>> -> memref<50200xi32, #tpu.memory_space<hbm>>
      %dma_start3A_31 = tpu.memref_slice %arg2[%mul3A_2] : memref<1606400xi32, #tpu.memory_space<hbm>> -> memref<50200xi32, #tpu.memory_space<hbm>>
      tpu.enqueue_dma source(%dma_start3A_31 : memref<50200xi32, #tpu.memory_space<hbm>>) target(%arg5 : memref<50200xi32, #tpu.memory_space<vmem>>) target_semaphore(%run_scoped3A : memref<!tpu.dma_semaphore, #tpu.memory_space<semaphore_mem>>)
      %dma_wait3A_32 = tpu.memref_slice %arg2[%mul3A_2] : memref<1606400xi32, #tpu.memory_space<hbm>> -> memref<50200xi32, #tpu.memory_space<hbm>>
      %dma_wait3A_33 = tpu.memref_slice %arg2[%mul3A_2] : memref<1606400xi32, #tpu.memory_space<hbm>> -> memref<50200xi32, #tpu.memory_space<hbm>>
      tpu.wait_dma2 semaphore(%run_scoped3A : memref<!tpu.dma_semaphore, #tpu.memory_space<semaphore_mem>>) src(%dma_wait3A_33 : memref<50200xi32, #tpu.memory_space<hbm>>) dst(%arg5 : memref<50200xi32, #tpu.memory_space<vmem>>)
      tpu.yield
    }) : () -> ()
    %dma_start3A = arith.constant 0 : i32
    %dma_start3A_3 = arith.constant 0 : i32
    %dma_start3A_4 = tpu.memref_slice %arg3[%dma_start3A, %dma_start3A_3] : memref<150x16384xi32, #tpu.memory_space<hbm>> -> memref<150x128xi32, #tpu.memory_space<hbm>>
    %dma_start3A_5 = arith.constant 0 : i32
    %dma_start3A_6 = arith.constant 0 : i32
    %dma_start3A_7 = tpu.memref_slice %arg3[%dma_start3A_5, %dma_start3A_6] : memref<150x16384xi32, #tpu.memory_space<hbm>> -> memref<150x128xi32, #tpu.memory_space<hbm>>
    tpu.enqueue_dma source(%dma_start3A_7 : memref<150x128xi32, #tpu.memory_space<hbm>>) target(%arg6 : memref<150x128xi32, #tpu.memory_space<vmem>>) target_semaphore(%arg10 : memref<!tpu.dma_semaphore, #tpu.memory_space<semaphore_mem>>)
    %scan3A = arith.constant 0 : i32
    %scan3A_8 = arith.constant 0 : i32
    %scan3A_9 = arith.constant 64 : i32
    %scan3A_10 = arith.addi %scan3A_8, %scan3A_9 : i32
    %scan3A_11 = arith.constant 1 : i32
    scf.for %scan3A_30 = %scan3A_8 to %scan3A_10 step %scan3A_11  : i32 {
      %mul3A_31 = arith.constant 2 : i32
      %mul3A_32 = arith.muli %scan3A_30, %mul3A_31 : i32
      %add3A_33 = arith.constant 1 : i32
      %add3A_34 = arith.addi %mul3A_32, %add3A_33 : i32
      %mul3A_35 = arith.constant 128 : i32
      %mul3A_36 = arith.muli %add3A_34, %mul3A_35 : i32
      %dma_start3A_37 = arith.constant 0 : i32
      %dma_start3A_38 = tpu.memref_slice %arg3[%dma_start3A_37, %mul3A_36] : memref<150x16384xi32, #tpu.memory_space<hbm>> -> memref<150x128xi32, #tpu.memory_space<hbm>>
      %dma_start3A_39 = arith.constant 0 : i32
      %dma_start3A_40 = tpu.memref_slice %arg3[%dma_start3A_39, %mul3A_36] : memref<150x16384xi32, #tpu.memory_space<hbm>> -> memref<150x128xi32, #tpu.memory_space<hbm>>
      tpu.enqueue_dma source(%dma_start3A_40 : memref<150x128xi32, #tpu.memory_space<hbm>>) target(%arg7 : memref<150x128xi32, #tpu.memory_space<vmem>>) target_semaphore(%arg11 : memref<!tpu.dma_semaphore, #tpu.memory_space<semaphore_mem>>)
      %dma_wait3A_41 = arith.constant 0 : i32
      %dma_wait3A_42 = arith.constant 0 : i32
      %dma_wait3A_43 = tpu.memref_slice %arg3[%dma_wait3A_41, %dma_wait3A_42] : memref<150x16384xi32, #tpu.memory_space<hbm>> -> memref<150x128xi32, #tpu.memory_space<hbm>>
      %dma_wait3A_44 = arith.constant 0 : i32
      %dma_wait3A_45 = arith.constant 0 : i32
      %dma_wait3A_46 = tpu.memref_slice %arg3[%dma_wait3A_44, %dma_wait3A_45] : memref<150x16384xi32, #tpu.memory_space<hbm>> -> memref<150x128xi32, #tpu.memory_space<hbm>>
      tpu.wait_dma2 semaphore(%arg10 : memref<!tpu.dma_semaphore, #tpu.memory_space<semaphore_mem>>) src(%dma_wait3A_46 : memref<150x128xi32, #tpu.memory_space<hbm>>) dst(%arg6 : memref<150x128xi32, #tpu.memory_space<vmem>>)
      %gt3A = arith.constant 0 : i32
      %gt3A_47 = arith.cmpi sgt, %scan3A_30, %gt3A : i32
      %convert_element_type3A = arith.extui %gt3A_47 : i1 to i32
      %cond3A = arith.constant 0 : i32
      %cond3A_48 = arith.cmpi ne, %convert_element_type3A, %cond3A : i32
      scf.if %cond3A_48 {
        %dma_wait3A_687 = arith.constant 0 : i32
        %dma_wait3A_688 = arith.constant 0 : i32
        %dma_wait3A_689 = arith.constant 0 : i32
        %dma_wait3A_690 = tpu.memref_slice %arg4[%dma_wait3A_687, %dma_wait3A_688, %dma_wait3A_689] : memref<32x8x16384xf32, #tpu.memory_space<hbm>> -> memref<1x8x128xf32, #tpu.memory_space<hbm>>
        %dma_wait3A_691 = tpu.memref_squeeze %dma_wait3A_690 : memref<1x8x128xf32, #tpu.memory_space<hbm>> -> memref<8x128xf32, #tpu.memory_space<hbm>>
        %dma_wait3A_692 = arith.constant 0 : i32
        %dma_wait3A_693 = arith.constant 0 : i32
        %dma_wait3A_694 = tpu.memref_slice %arg4[%dma_wait3A_687, %dma_wait3A_692, %dma_wait3A_693] : memref<32x8x16384xf32, #tpu.memory_space<hbm>> -> memref<1x8x128xf32, #tpu.memory_space<hbm>>
        %dma_wait3A_695 = tpu.memref_squeeze %dma_wait3A_694 : memref<1x8x128xf32, #tpu.memory_space<hbm>> -> memref<8x128xf32, #tpu.memory_space<hbm>>
        tpu.wait_dma2 semaphore(%arg12 : memref<!tpu.dma_semaphore, #tpu.memory_space<semaphore_mem>>) src(%arg8 : memref<8x128xf32, #tpu.memory_space<vmem>>) dst(%dma_wait3A_695 : memref<8x128xf32, #tpu.memory_space<hbm>>)
      } else {
      }
      %broadcast_in_dim3A = arith.constant 0.000000e+00 : f32
      %broadcast_in_dim3A_49 = vector.broadcast %broadcast_in_dim3A : f32 to vector<16xf32>
      %parallel_loop3A = arith.constant 0 : i32
      %parallel_loop3A_50 = arith.constant 50 : i32
      %parallel_loop3A_51 = arith.constant 1 : i32
      %parallel_loop3A_52:8 = scf.for %parallel_loop3A_687 = %parallel_loop3A to %parallel_loop3A_50 step %parallel_loop3A_51 iter_args(%parallel_loop3A_688 = %broadcast_in_dim3A_49, %parallel_loop3A_689 = %broadcast_in_dim3A_49, %parallel_loop3A_690 = %broadcast_in_dim3A_49, %parallel_loop3A_691 = %broadcast_in_dim3A_49, %parallel_loop3A_692 = %broadcast_in_dim3A_49, %parallel_loop3A_693 = %broadcast_in_dim3A_49, %parallel_loop3A_694 = %broadcast_in_dim3A_49, %parallel_loop3A_695 = %broadcast_in_dim3A_49) -> (vector<16xf32>, vector<16xf32>, vector<16xf32>, vector<16xf32>, vector<16xf32>, vector<16xf32>, vector<16xf32>, vector<16xf32>)  : i32 {
        %parallel_loop3A_696 = arith.constant 3 : i32
        %parallel_loop3A_697 = arith.muli %parallel_loop3A_687, %parallel_loop3A_696 : i32
        %parallel_loop3A_698 = arith.constant 0 : i32
        %parallel_loop3A_699 = arith.addi %parallel_loop3A_697, %parallel_loop3A_698 : i32
        %parallel_loop3A_700 = arith.index_cast %parallel_loop3A_699 : i32 to index
        %parallel_loop3A_701 = arith.constant 0 : index
        %parallel_loop3A_702 = tpu.vector_load %arg6[%parallel_loop3A_700, %parallel_loop3A_701] {strides = array<i32>} : memref<150x128xi32, #tpu.memory_space<vmem>>, vector<16xi32>,
        %parallel_loop3A_703 = arith.constant 0 : i32
        %parallel_loop3A_704 = vector.broadcast %parallel_loop3A_703 : i32 to vector<16xi32>
        %parallel_loop3A_705 = arith.addi %parallel_loop3A_702, %parallel_loop3A_704 : vector<16xi32>
        %parallel_loop3A_706 = tpu.vector_load_idx %arg5[%parallel_loop3A_705] : memref<50200xi32, #tpu.memory_space<vmem>>[vector<16xi32>], vector<16xi32>,
        %parallel_loop3A_707 = vector.bitcast %parallel_loop3A_706 : vector<16xi32> to vector<32xbf16>
        %parallel_loop3A_708 = tpu.unpack_subelements %parallel_loop3A_707, 0 {pack_format = #tpu.pack_format<interleaved>} : vector<32xbf16> -> vector<16xf32>
        %parallel_loop3A_709 = tpu.unpack_subelements %parallel_loop3A_707, 1 {pack_format = #tpu.pack_format<interleaved>} : vector<32xbf16> -> vector<16xf32>
        %parallel_loop3A_710 = arith.addf %parallel_loop3A_688, %parallel_loop3A_708 : vector<16xf32>
        %parallel_loop3A_711 = arith.addf %parallel_loop3A_689, %parallel_loop3A_709 : vector<16xf32>
        %parallel_loop3A_712 = arith.constant 12550 : i32
        %parallel_loop3A_713 = vector.broadcast %parallel_loop3A_712 : i32 to vector<16xi32>
        %parallel_loop3A_714 = arith.addi %parallel_loop3A_702, %parallel_loop3A_713 : vector<16xi32>
        %parallel_loop3A_715 = tpu.vector_load_idx %arg5[%parallel_loop3A_714] : memref<50200xi32, #tpu.memory_space<vmem>>[vector<16xi32>], vector<16xi32>,
        %parallel_loop3A_716 = vector.bitcast %parallel_loop3A_715 : vector<16xi32> to vector<32xbf16>
        %parallel_loop3A_717 = tpu.unpack_subelements %parallel_loop3A_716, 0 {pack_format = #tpu.pack_format<interleaved>} : vector<32xbf16> -> vector<16xf32>
        %parallel_loop3A_718 = tpu.unpack_subelements %parallel_loop3A_716, 1 {pack_format = #tpu.pack_format<interleaved>} : vector<32xbf16> -> vector<16xf32>
        %parallel_loop3A_719 = arith.addf %parallel_loop3A_690, %parallel_loop3A_717 : vector<16xf32>
        %parallel_loop3A_720 = arith.addf %parallel_loop3A_691, %parallel_loop3A_718 : vector<16xf32>
        %parallel_loop3A_721 = arith.constant 25100 : i32
        %parallel_loop3A_722 = vector.broadcast %parallel_loop3A_721 : i32 to vector<16xi32>
        %parallel_loop3A_723 = arith.addi %parallel_loop3A_702, %parallel_loop3A_722 : vector<16xi32>
        %parallel_loop3A_724 = tpu.vector_load_idx %arg5[%parallel_loop3A_723] : memref<50200xi32, #tpu.memory_space<vmem>>[vector<16xi32>], vector<16xi32>,
        %parallel_loop3A_725 = vector.bitcast %parallel_loop3A_724 : vector<16xi32> to vector<32xbf16>
        %parallel_loop3A_726 = tpu.unpack_subelements %parallel_loop3A_725, 0 {pack_format = #tpu.pack_format<interleaved>} : vector<32xbf16> -> vector<16xf32>
        %parallel_loop3A_727 = tpu.unpack_subelements %parallel_loop3A_725, 1 {pack_format = #tpu.pack_format<interleaved>} : vector<32xbf16> -> vector<16xf32>
        %parallel_loop3A_728 = arith.addf %parallel_loop3A_692, %parallel_loop3A_726 : vector<16xf32>
        %parallel_loop3A_729 = arith.addf %parallel_loop3A_693, %parallel_loop3A_727 : vector<16xf32>
        %parallel_loop3A_730 = arith.constant 37650 : i32
        %parallel_loop3A_731 = vector.broadcast %parallel_loop3A_730 : i32 to vector<16xi32>
        %parallel_loop3A_732 = arith.addi %parallel_loop3A_702, %parallel_loop3A_731 : vector<16xi32>
        %parallel_loop3A_733 = tpu.vector_load_idx %arg5[%parallel_loop3A_732] : memref<50200xi32, #tpu.memory_space<vmem>>[vector<16xi32>], vector<16xi32>,
        %parallel_loop3A_734 = vector.bitcast %parallel_loop3A_733 : vector<16xi32> to vector<32xbf16>
        %parallel_loop3A_735 = tpu.unpack_subelements %parallel_loop3A_734, 0 {pack_format = #tpu.pack_format<interleaved>} : vector<32xbf16> -> vector<16xf32>
        %parallel_loop3A_736 = tpu.unpack_subelements %parallel_loop3A_734, 1 {pack_format = #tpu.pack_format<interleaved>} : vector<32xbf16> -> vector<16xf32>
        %parallel_loop3A_737 = arith.addf %parallel_loop3A_694, %parallel_loop3A_735 : vector<16xf32>
        %parallel_loop3A_738 = arith.addf %parallel_loop3A_695, %parallel_loop3A_736 : vector<16xf32>
        %parallel_loop3A_739 = arith.constant 1 : i32
        %parallel_loop3A_740 = arith.addi %parallel_loop3A_697, %parallel_loop3A_739 : i32
        %parallel_loop3A_741 = arith.index_cast %parallel_loop3A_740 : i32 to index
        %parallel_loop3A_742 = arith.constant 0 : index
        %parallel_loop3A_743 = tpu.vector_load %arg6[%parallel_loop3A_741, %parallel_loop3A_742] {strides = array<i32>} : memref<150x128xi32, #tpu.memory_space<vmem>>, vector<16xi32>,
        %parallel_loop3A_744 = arith.constant 0 : i32
        %parallel_loop3A_745 = vector.broadcast %parallel_loop3A_744 : i32 to vector<16xi32>
        %parallel_loop3A_746 = arith.addi %parallel_loop3A_743, %parallel_loop3A_745 : vector<16xi32>
        %parallel_loop3A_747 = tpu.vector_load_idx %arg5[%parallel_loop3A_746] : memref<50200xi32, #tpu.memory_space<vmem>>[vector<16xi32>], vector<16xi32>,
        %parallel_loop3A_748 = vector.bitcast %parallel_loop3A_747 : vector<16xi32> to vector<32xbf16>
        %parallel_loop3A_749 = tpu.unpack_subelements %parallel_loop3A_748, 0 {pack_format = #tpu.pack_format<interleaved>} : vector<32xbf16> -> vector<16xf32>
        %parallel_loop3A_750 = tpu.unpack_subelements %parallel_loop3A_748, 1 {pack_format = #tpu.pack_format<interleaved>} : vector<32xbf16> -> vector<16xf32>
        %parallel_loop3A_751 = arith.addf %parallel_loop3A_710, %parallel_loop3A_749 : vector<16xf32>
        %parallel_loop3A_752 = arith.addf %parallel_loop3A_711, %parallel_loop3A_750 : vector<16xf32>
        %parallel_loop3A_753 = arith.constant 12550 : i32
        %parallel_loop3A_754 = vector.broadcast %parallel_loop3A_753 : i32 to vector<16xi32>
        %parallel_loop3A_755 = arith.addi %parallel_loop3A_743, %parallel_loop3A_754 : vector<16xi32>
        %parallel_loop3A_756 = tpu.vector_load_idx %arg5[%parallel_loop3A_755] : memref<50200xi32, #tpu.memory_space<vmem>>[vector<16xi32>], vector<16xi32>,
        %parallel_loop3A_757 = vector.bitcast %parallel_loop3A_756 : vector<16xi32> to vector<32xbf16>
        %parallel_loop3A_758 = tpu.unpack_subelements %parallel_loop3A_757, 0 {pack_format = #tpu.pack_format<interleaved>} : vector<32xbf16> -> vector<16xf32>
        %parallel_loop3A_759 = tpu.unpack_subelements %parallel_loop3A_757, 1 {pack_format = #tpu.pack_format<interleaved>} : vector<32xbf16> -> vector<16xf32>
        %parallel_loop3A_760 = arith.addf %parallel_loop3A_719, %parallel_loop3A_758 : vector<16xf32>
        %parallel_loop3A_761 = arith.addf %parallel_loop3A_720, %parallel_loop3A_759 : vector<16xf32>
        %parallel_loop3A_762 = arith.constant 25100 : i32
        %parallel_loop3A_763 = vector.broadcast %parallel_loop3A_762 : i32 to vector<16xi32>
        %parallel_loop3A_764 = arith.addi %parallel_loop3A_743, %parallel_loop3A_763 : vector<16xi32>
        %parallel_loop3A_765 = tpu.vector_load_idx %arg5[%parallel_loop3A_764] : memref<50200xi32, #tpu.memory_space<vmem>>[vector<16xi32>], vector<16xi32>,
        %parallel_loop3A_766 = vector.bitcast %parallel_loop3A_765 : vector<16xi32> to vector<32xbf16>
        %parallel_loop3A_767 = tpu.unpack_subelements %parallel_loop3A_766, 0 {pack_format = #tpu.pack_format<interleaved>} : vector<32xbf16> -> vector<16xf32>
        %parallel_loop3A_768 = tpu.unpack_subelements %parallel_loop3A_766, 1 {pack_format = #tpu.pack_format<interleaved>} : vector<32xbf16> -> vector<16xf32>
        %parallel_loop3A_769 = arith.addf %parallel_loop3A_728, %parallel_loop3A_767 : vector<16xf32>
        %parallel_loop3A_770 = arith.addf %parallel_loop3A_729, %parallel_loop3A_768 : vector<16xf32>
        %parallel_loop3A_771 = arith.constant 37650 : i32
        %parallel_loop3A_772 = vector.broadcast %parallel_loop3A_771 : i32 to vector<16xi32>
        %parallel_loop3A_773 = arith.addi %parallel_loop3A_743, %parallel_loop3A_772 : vector<16xi32>
        %parallel_loop3A_774 = tpu.vector_load_idx %arg5[%parallel_loop3A_773] : memref<50200xi32, #tpu.memory_space<vmem>>[vector<16xi32>], vector<16xi32>,
        %parallel_loop3A_775 = vector.bitcast %parallel_loop3A_774 : vector<16xi32> to vector<32xbf16>
        %parallel_loop3A_776 = tpu.unpack_subelements %parallel_loop3A_775, 0 {pack_format = #tpu.pack_format<interleaved>} : vector<32xbf16> -> vector<16xf32>
        %parallel_loop3A_777 = tpu.unpack_subelements %parallel_loop3A_775, 1 {pack_format = #tpu.pack_format<interleaved>} : vector<32xbf16> -> vector<16xf32>
        %parallel_loop3A_778 = arith.addf %parallel_loop3A_737, %parallel_loop3A_776 : vector<16xf32>
        %parallel_loop3A_779 = arith.addf %parallel_loop3A_738, %parallel_loop3A_777 : vector<16xf32>
        %parallel_loop3A_780 = arith.constant 2 : i32
        %parallel_loop3A_781 = arith.addi %parallel_loop3A_697, %parallel_loop3A_780 : i32
        %parallel_loop3A_782 = arith.index_cast %parallel_loop3A_781 : i32 to index
        %parallel_loop3A_783 = arith.constant 0 : index
        %parallel_loop3A_784 = tpu.vector_load %arg6[%parallel_loop3A_782, %parallel_loop3A_783] {strides = array<i32>} : memref<150x128xi32, #tpu.memory_space<vmem>>, vector<16xi32>,
        %parallel_loop3A_785 = arith.constant 0 : i32
        %parallel_loop3A_786 = vector.broadcast %parallel_loop3A_785 : i32 to vector<16xi32>
        %parallel_loop3A_787 = arith.addi %parallel_loop3A_784, %parallel_loop3A_786 : vector<16xi32>
        %parallel_loop3A_788 = tpu.vector_load_idx %arg5[%parallel_loop3A_787] : memref<50200xi32, #tpu.memory_space<vmem>>[vector<16xi32>], vector<16xi32>,
        %parallel_loop3A_789 = vector.bitcast %parallel_loop3A_788 : vector<16xi32> to vector<32xbf16>
        %parallel_loop3A_790 = tpu.unpack_subelements %parallel_loop3A_789, 0 {pack_format = #tpu.pack_format<interleaved>} : vector<32xbf16> -> vector<16xf32>
        %parallel_loop3A_791 = tpu.unpack_subelements %parallel_loop3A_789, 1 {pack_format = #tpu.pack_format<interleaved>} : vector<32xbf16> -> vector<16xf32>
        %parallel_loop3A_792 = arith.addf %parallel_loop3A_751, %parallel_loop3A_790 : vector<16xf32>
        %parallel_loop3A_793 = arith.addf %parallel_loop3A_752, %parallel_loop3A_791 : vector<16xf32>
        %parallel_loop3A_794 = arith.constant 12550 : i32
        %parallel_loop3A_795 = vector.broadcast %parallel_loop3A_794 : i32 to vector<16xi32>
        %parallel_loop3A_796 = arith.addi %parallel_loop3A_784, %parallel_loop3A_795 : vector<16xi32>
        %parallel_loop3A_797 = tpu.vector_load_idx %arg5[%parallel_loop3A_796] : memref<50200xi32, #tpu.memory_space<vmem>>[vector<16xi32>], vector<16xi32>,
        %parallel_loop3A_798 = vector.bitcast %parallel_loop3A_797 : vector<16xi32> to vector<32xbf16>
        %parallel_loop3A_799 = tpu.unpack_subelements %parallel_loop3A_798, 0 {pack_format = #tpu.pack_format<interleaved>} : vector<32xbf16> -> vector<16xf32>
        %parallel_loop3A_800 = tpu.unpack_subelements %parallel_loop3A_798, 1 {pack_format = #tpu.pack_format<interleaved>} : vector<32xbf16> -> vector<16xf32>
        %parallel_loop3A_801 = arith.addf %parallel_loop3A_760, %parallel_loop3A_799 : vector<16xf32>
        %parallel_loop3A_802 = arith.addf %parallel_loop3A_761, %parallel_loop3A_800 : vector<16xf32>
        %parallel_loop3A_803 = arith.constant 25100 : i32
        %parallel_loop3A_804 = vector.broadcast %parallel_loop3A_803 : i32 to vector<16xi32>
        %parallel_loop3A_805 = arith.addi %parallel_loop3A_784, %parallel_loop3A_804 : vector<16xi32>
        %parallel_loop3A_806 = tpu.vector_load_idx %arg5[%parallel_loop3A_805] : memref<50200xi32, #tpu.memory_space<vmem>>[vector<16xi32>], vector<16xi32>,
        %parallel_loop3A_807 = vector.bitcast %parallel_loop3A_806 : vector<16xi32> to vector<32xbf16>
        %parallel_loop3A_808 = tpu.unpack_subelements %parallel_loop3A_807, 0 {pack_format = #tpu.pack_format<interleaved>} : vector<32xbf16> -> vector<16xf32>
        %parallel_loop3A_809 = tpu.unpack_subelements %parallel_loop3A_807, 1 {pack_format = #tpu.pack_format<interleaved>} : vector<32xbf16> -> vector<16xf32>
        %parallel_loop3A_810 = arith.addf %parallel_loop3A_769, %parallel_loop3A_808 : vector<16xf32>
        %parallel_loop3A_811 = arith.addf %parallel_loop3A_770, %parallel_loop3A_809 : vector<16xf32>
        %parallel_loop3A_812 = arith.constant 37650 : i32
        %parallel_loop3A_813 = vector.broadcast %parallel_loop3A_812 : i32 to vector<16xi32>
        %parallel_loop3A_814 = arith.addi %parallel_loop3A_784, %parallel_loop3A_813 : vector<16xi32>
        %parallel_loop3A_815 = tpu.vector_load_idx %arg5[%parallel_loop3A_814] : memref<50200xi32, #tpu.memory_space<vmem>>[vector<16xi32>], vector<16xi32>,
        %parallel_loop3A_816 = vector.bitcast %parallel_loop3A_815 : vector<16xi32> to vector<32xbf16>
        %parallel_loop3A_817 = tpu.unpack_subelements %parallel_loop3A_816, 0 {pack_format = #tpu.pack_format<interleaved>} : vector<32xbf16> -> vector<16xf32>
        %parallel_loop3A_818 = tpu.unpack_subelements %parallel_loop3A_816, 1 {pack_format = #tpu.pack_format<interleaved>} : vector<32xbf16> -> vector<16xf32>
        %parallel_loop3A_819 = arith.addf %parallel_loop3A_778, %parallel_loop3A_817 : vector<16xf32>
        %parallel_loop3A_820 = arith.addf %parallel_loop3A_779, %parallel_loop3A_818 : vector<16xf32>
        scf.yield %parallel_loop3A_792, %parallel_loop3A_793, %parallel_loop3A_801, %parallel_loop3A_802, %parallel_loop3A_810, %parallel_loop3A_811, %parallel_loop3A_819, %parallel_loop3A_820 : vector<16xf32>, vector<16xf32>, vector<16xf32>, vector<16xf32>, vector<16xf32>, vector<16xf32>, vector<16xf32>, vector<16xf32>
      } {sc.loop_unroll_factor = 1 : i64, sc.parallel_access}
      %swap3A = arith.constant 0 : i32
      %swap3A_53 = arith.index_cast %swap3A : i32 to index
      %swap3A_54 = arith.constant 0 : index
      %swap3A_55 = tpu.vector_load %arg8[%swap3A_53, %swap3A_54] {strides = array<i32>} : memref<8x128xf32, #tpu.memory_space<vmem>>, vector<16xf32>,
      tpu.vector_store %arg8[%swap3A_53, %swap3A_54], %parallel_loop3A_52#0 {strides = array<i32>} : memref<8x128xf32, #tpu.memory_space<vmem>>, vector<16xf32>,
      %swap3A_56 = arith.constant 1 : i32
      %swap3A_57 = arith.index_cast %swap3A_56 : i32 to index
      %swap3A_58 = arith.constant 0 : index
      %swap3A_59 = tpu.vector_load %arg8[%swap3A_57, %swap3A_58] {strides = array<i32>} : memref<8x128xf32, #tpu.memory_space<vmem>>, vector<16xf32>,
      tpu.vector_store %arg8[%swap3A_57, %swap3A_58], %parallel_loop3A_52#1 {strides = array<i32>} : memref<8x128xf32, #tpu.memory_space<vmem>>, vector<16xf32>,
      %swap3A_60 = arith.constant 2 : i32
      %swap3A_61 = arith.index_cast %swap3A_60 : i32 to index
      %swap3A_62 = arith.constant 0 : index
      %swap3A_63 = tpu.vector_load %arg8[%swap3A_61, %swap3A_62] {strides = array<i32>} : memref<8x128xf32, #tpu.memory_space<vmem>>, vector<16xf32>,
      tpu.vector_store %arg8[%swap3A_61, %swap3A_62], %parallel_loop3A_52#2 {strides = array<i32>} : memref<8x128xf32, #tpu.memory_space<vmem>>, vector<16xf32>,
      %swap3A_64 = arith.constant 3 : i32
      %swap3A_65 = arith.index_cast %swap3A_64 : i32 to index
      %swap3A_66 = arith.constant 0 : index
      %swap3A_67 = tpu.vector_load %arg8[%swap3A_65, %swap3A_66] {strides = array<i32>} : memref<8x128xf32, #tpu.memory_space<vmem>>, vector<16xf32>,
      tpu.vector_store %arg8[%swap3A_65, %swap3A_66], %parallel_loop3A_52#3 {strides = array<i32>} : memref<8x128xf32, #tpu.memory_space<vmem>>, vector<16xf32>,
      %swap3A_68 = arith.constant 4 : i32
      %swap3A_69 = arith.index_cast %swap3A_68 : i32 to index
      %swap3A_70 = arith.constant 0 : index
      %swap3A_71 = tpu.vector_load %arg8[%swap3A_69, %swap3A_70] {strides = array<i32>} : memref<8x128xf32, #tpu.memory_space<vmem>>, vector<16xf32>,
      tpu.vector_store %arg8[%swap3A_69, %swap3A_70], %parallel_loop3A_52#4 {strides = array<i32>} : memref<8x128xf32, #tpu.memory_space<vmem>>, vector<16xf32>,
      %swap3A_72 = arith.constant 5 : i32
      %swap3A_73 = arith.index_cast %swap3A_72 : i32 to index
      %swap3A_74 = arith.constant 0 : index
      %swap3A_75 = tpu.vector_load %arg8[%swap3A_73, %swap3A_74] {strides = array<i32>} : memref<8x128xf32, #tpu.memory_space<vmem>>, vector<16xf32>,
      tpu.vector_store %arg8[%swap3A_73, %swap3A_74], %parallel_loop3A_52#5 {strides = array<i32>} : memref<8x128xf32, #tpu.memory_space<vmem>>, vector<16xf32>,
      %swap3A_76 = arith.constant 6 : i32
      %swap3A_77 = arith.index_cast %swap3A_76 : i32 to index
      %swap3A_78 = arith.constant 0 : index
      %swap3A_79 = tpu.vector_load %arg8[%swap3A_77, %swap3A_78] {strides = array<i32>} : memref<8x128xf32, #tpu.memory_space<vmem>>, vector<16xf32>,
      tpu.vector_store %arg8[%swap3A_77, %swap3A_78], %parallel_loop3A_52#6 {strides = array<i32>} : memref<8x128xf32, #tpu.memory_space<vmem>>, vector<16xf32>,
      %swap3A_80 = arith.constant 7 : i32
      %swap3A_81 = arith.index_cast %swap3A_80 : i32 to index
      %swap3A_82 = arith.constant 0 : index
      %swap3A_83 = tpu.vector_load %arg8[%swap3A_81, %swap3A_82] {strides = array<i32>} : memref<8x128xf32, #tpu.memory_space<vmem>>, vector<16xf32>,
      tpu.vector_store %arg8[%swap3A_81, %swap3A_82], %parallel_loop3A_52#7 {strides = array<i32>} : memref<8x128xf32, #tpu.memory_space<vmem>>, vector<16xf32>,
      %broadcast_in_dim3A_84 = arith.constant 0.000000e+00 : f32
      %broadcast_in_dim3A_85 = vector.broadcast %broadcast_in_dim3A_84 : f32 to vector<16xf32>
      %parallel_loop3A_86 = arith.constant 0 : i32
      %parallel_loop3A_87 = arith.constant 50 : i32
      %parallel_loop3A_88 = arith.constant 1 : i32
      %parallel_loop3A_89:8 = scf.for %parallel_loop3A_687 = %parallel_loop3A_86 to %parallel_loop3A_87 step %parallel_loop3A_88 iter_args(%parallel_loop3A_688 = %broadcast_in_dim3A_85, %parallel_loop3A_689 = %broadcast_in_dim3A_85, %parallel_loop3A_690 = %broadcast_in_dim3A_85, %parallel_loop3A_691 = %broadcast_in_dim3A_85, %parallel_loop3A_692 = %broadcast_in_dim3A_85, %parallel_loop3A_693 = %broadcast_in_dim3A_85, %parallel_loop3A_694 = %broadcast_in_dim3A_85, %parallel_loop3A_695 = %broadcast_in_dim3A_85) -> (vector<16xf32>, vector<16xf32>, vector<16xf32>, vector<16xf32>, vector<16xf32>, vector<16xf32>, vector<16xf32>, vector<16xf32>)  : i32 {
        %parallel_loop3A_696 = arith.constant 3 : i32
        %parallel_loop3A_697 = arith.muli %parallel_loop3A_687, %parallel_loop3A_696 : i32
        %parallel_loop3A_698 = arith.constant 0 : i32
        %parallel_loop3A_699 = arith.addi %parallel_loop3A_697, %parallel_loop3A_698 : i32
        %parallel_loop3A_700 = arith.index_cast %parallel_loop3A_699 : i32 to index
        %parallel_loop3A_701 = arith.constant 16 : index
        %parallel_loop3A_702 = tpu.vector_load %arg6[%parallel_loop3A_700, %parallel_loop3A_701] {strides = array<i32>} : memref<150x128xi32, #tpu.memory_space<vmem>>, vector<16xi32>,
        %parallel_loop3A_703 = arith.constant 0 : i32
        %parallel_loop3A_704 = vector.broadcast %parallel_loop3A_703 : i32 to vector<16xi32>
        %parallel_loop3A_705 = arith.addi %parallel_loop3A_702, %parallel_loop3A_704 : vector<16xi32>
        %parallel_loop3A_706 = tpu.vector_load_idx %arg5[%parallel_loop3A_705] : memref<50200xi32, #tpu.memory_space<vmem>>[vector<16xi32>], vector<16xi32>,
        %parallel_loop3A_707 = vector.bitcast %parallel_loop3A_706 : vector<16xi32> to vector<32xbf16>
        %parallel_loop3A_708 = tpu.unpack_subelements %parallel_loop3A_707, 0 {pack_format = #tpu.pack_format<interleaved>} : vector<32xbf16> -> vector<16xf32>
        %parallel_loop3A_709 = tpu.unpack_subelements %parallel_loop3A_707, 1 {pack_format = #tpu.pack_format<interleaved>} : vector<32xbf16> -> vector<16xf32>
        %parallel_loop3A_710 = arith.addf %parallel_loop3A_688, %parallel_loop3A_708 : vector<16xf32>
        %parallel_loop3A_711 = arith.addf %parallel_loop3A_689, %parallel_loop3A_709 : vector<16xf32>
        %parallel_loop3A_712 = arith.constant 12550 : i32
        %parallel_loop3A_713 = vector.broadcast %parallel_loop3A_712 : i32 to vector<16xi32>
        %parallel_loop3A_714 = arith.addi %parallel_loop3A_702, %parallel_loop3A_713 : vector<16xi32>
        %parallel_loop3A_715 = tpu.vector_load_idx %arg5[%parallel_loop3A_714] : memref<50200xi32, #tpu.memory_space<vmem>>[vector<16xi32>], vector<16xi32>,
        %parallel_loop3A_716 = vector.bitcast %parallel_loop3A_715 : vector<16xi32> to vector<32xbf16>
        %parallel_loop3A_717 = tpu.unpack_subelements %parallel_loop3A_716, 0 {pack_format = #tpu.pack_format<interleaved>} : vector<32xbf16> -> vector<16xf32>
        %parallel_loop3A_718 = tpu.unpack_subelements %parallel_loop3A_716, 1 {pack_format = #tpu.pack_format<interleaved>} : vector<32xbf16> -> vector<16xf32>
        %parallel_loop3A_719 = arith.addf %parallel_loop3A_690, %parallel_loop3A_717 : vector<16xf32>
        %parallel_loop3A_720 = arith.addf %parallel_loop3A_691, %parallel_loop3A_718 : vector<16xf32>
        %parallel_loop3A_721 = arith.constant 25100 : i32
        %parallel_loop3A_722 = vector.broadcast %parallel_loop3A_721 : i32 to vector<16xi32>
        %parallel_loop3A_723 = arith.addi %parallel_loop3A_702, %parallel_loop3A_722 : vector<16xi32>
        %parallel_loop3A_724 = tpu.vector_load_idx %arg5[%parallel_loop3A_723] : memref<50200xi32, #tpu.memory_space<vmem>>[vector<16xi32>], vector<16xi32>,
        %parallel_loop3A_725 = vector.bitcast %parallel_loop3A_724 : vector<16xi32> to vector<32xbf16>
        %parallel_loop3A_726 = tpu.unpack_subelements %parallel_loop3A_725, 0 {pack_format = #tpu.pack_format<interleaved>} : vector<32xbf16> -> vector<16xf32>
        %parallel_loop3A_727 = tpu.unpack_subelements %parallel_loop3A_725, 1 {pack_format = #tpu.pack_format<interleaved>} : vector<32xbf16> -> vector<16xf32>
        %parallel_loop3A_728 = arith.addf %parallel_loop3A_692, %parallel_loop3A_726 : vector<16xf32>
        %parallel_loop3A_729 = arith.addf %parallel_loop3A_693, %parallel_loop3A_727 : vector<16xf32>
        %parallel_loop3A_730 = arith.constant 37650 : i32
        %parallel_loop3A_731 = vector.broadcast %parallel_loop3A_730 : i32 to vector<16xi32>
        %parallel_loop3A_732 = arith.addi %parallel_loop3A_702, %parallel_loop3A_731 : vector<16xi32>
        %parallel_loop3A_733 = tpu.vector_load_idx %arg5[%parallel_loop3A_732] : memref<50200xi32, #tpu.memory_space<vmem>>[vector<16xi32>], vector<16xi32>,
        %parallel_loop3A_734 = vector.bitcast %parallel_loop3A_733 : vector<16xi32> to vector<32xbf16>
        %parallel_loop3A_735 = tpu.unpack_subelements %parallel_loop3A_734, 0 {pack_format = #tpu.pack_format<interleaved>} : vector<32xbf16> -> vector<16xf32>
        %parallel_loop3A_736 = tpu.unpack_subelements %parallel_loop3A_734, 1 {pack_format = #tpu.pack_format<interleaved>} : vector<32xbf16> -> vector<16xf32>
        %parallel_loop3A_737 = arith.addf %parallel_loop3A_694, %parallel_loop3A_735 : vector<16xf32>
        %parallel_loop3A_738 = arith.addf %parallel_loop3A_695, %parallel_loop3A_736 : vector<16xf32>
        %parallel_loop3A_739 = arith.constant 1 : i32
        %parallel_loop3A_740 = arith.addi %parallel_loop3A_697, %parallel_loop3A_739 : i32
        %parallel_loop3A_741 = arith.index_cast %parallel_loop3A_740 : i32 to index
        %parallel_loop3A_742 = arith.constant 16 : index
        %parallel_loop3A_743 = tpu.vector_load %arg6[%parallel_loop3A_741, %parallel_loop3A_742] {strides = array<i32>} : memref<150x128xi32, #tpu.memory_space<vmem>>, vector<16xi32>,
        %parallel_loop3A_744 = arith.constant 0 : i32
        %parallel_loop3A_745 = vector.broadcast %parallel_loop3A_744 : i32 to vector<16xi32>
        %parallel_loop3A_746 = arith.addi %parallel_loop3A_743, %parallel_loop3A_745 : vector<16xi32>
        %parallel_loop3A_747 = tpu.vector_load_idx %arg5[%parallel_loop3A_746] : memref<50200xi32, #tpu.memory_space<vmem>>[vector<16xi32>], vector<16xi32>,
        %parallel_loop3A_748 = vector.bitcast %parallel_loop3A_747 : vector<16xi32> to vector<32xbf16>
        %parallel_loop3A_749 = tpu.unpack_subelements %parallel_loop3A_748, 0 {pack_format = #tpu.pack_format<interleaved>} : vector<32xbf16> -> vector<16xf32>
        %parallel_loop3A_750 = tpu.unpack_subelements %parallel_loop3A_748, 1 {pack_format = #tpu.pack_format<interleaved>} : vector<32xbf16> -> vector<16xf32>
        %parallel_loop3A_751 = arith.addf %parallel_loop3A_710, %parallel_loop3A_749 : vector<16xf32>
        %parallel_loop3A_752 = arith.addf %parallel_loop3A_711, %parallel_loop3A_750 : vector<16xf32>
        %parallel_loop3A_753 = arith.constant 12550 : i32
        %parallel_loop3A_754 = vector.broadcast %parallel_loop3A_753 : i32 to vector<16xi32>
        %parallel_loop3A_755 = arith.addi %parallel_loop3A_743, %parallel_loop3A_754 : vector<16xi32>
        %parallel_loop3A_756 = tpu.vector_load_idx %arg5[%parallel_loop3A_755] : memref<50200xi32, #tpu.memory_space<vmem>>[vector<16xi32>], vector<16xi32>,
        %parallel_loop3A_757 = vector.bitcast %parallel_loop3A_756 : vector<16xi32> to vector<32xbf16>
        %parallel_loop3A_758 = tpu.unpack_subelements %parallel_loop3A_757, 0 {pack_format = #tpu.pack_format<interleaved>} : vector<32xbf16> -> vector<16xf32>
        %parallel_loop3A_759 = tpu.unpack_subelements %parallel_loop3A_757, 1 {pack_format = #tpu.pack_format<interleaved>} : vector<32xbf16> -> vector<16xf32>
        %parallel_loop3A_760 = arith.addf %parallel_loop3A_719, %parallel_loop3A_758 : vector<16xf32>
        %parallel_loop3A_761 = arith.addf %parallel_loop3A_720, %parallel_loop3A_759 : vector<16xf32>
        %parallel_loop3A_762 = arith.constant 25100 : i32
        %parallel_loop3A_763 = vector.broadcast %parallel_loop3A_762 : i32 to vector<16xi32>
        %parallel_loop3A_764 = arith.addi %parallel_loop3A_743, %parallel_loop3A_763 : vector<16xi32>
        %parallel_loop3A_765 = tpu.vector_load_idx %arg5[%parallel_loop3A_764] : memref<50200xi32, #tpu.memory_space<vmem>>[vector<16xi32>], vector<16xi32>,
        %parallel_loop3A_766 = vector.bitcast %parallel_loop3A_765 : vector<16xi32> to vector<32xbf16>
        %parallel_loop3A_767 = tpu.unpack_subelements %parallel_loop3A_766, 0 {pack_format = #tpu.pack_format<interleaved>} : vector<32xbf16> -> vector<16xf32>
        %parallel_loop3A_768 = tpu.unpack_subelements %parallel_loop3A_766, 1 {pack_format = #tpu.pack_format<interleaved>} : vector<32xbf16> -> vector<16xf32>
        %parallel_loop3A_769 = arith.addf %parallel_loop3A_728, %parallel_loop3A_767 : vector<16xf32>
        %parallel_loop3A_770 = arith.addf %parallel_loop3A_729, %parallel_loop3A_768 : vector<16xf32>
        %parallel_loop3A_771 = arith.constant 37650 : i32
        %parallel_loop3A_772 = vector.broadcast %parallel_loop3A_771 : i32 to vector<16xi32>
        %parallel_loop3A_773 = arith.addi %parallel_loop3A_743, %parallel_loop3A_772 : vector<16xi32>
        %parallel_loop3A_774 = tpu.vector_load_idx %arg5[%parallel_loop3A_773] : memref<50200xi32, #tpu.memory_space<vmem>>[vector<16xi32>], vector<16xi32>,
        %parallel_loop3A_775 = vector.bitcast %parallel_loop3A_774 : vector<16xi32> to vector<32xbf16>
        %parallel_loop3A_776 = tpu.unpack_subelements %parallel_loop3A_775, 0 {pack_format = #tpu.pack_format<interleaved>} : vector<32xbf16> -> vector<16xf32>
        %parallel_loop3A_777 = tpu.unpack_subelements %parallel_loop3A_775, 1 {pack_format = #tpu.pack_format<interleaved>} : vector<32xbf16> -> vector<16xf32>
        %parallel_loop3A_778 = arith.addf %parallel_loop3A_737, %parallel_loop3A_776 : vector<16xf32>
        %parallel_loop3A_779 = arith.addf %parallel_loop3A_738, %parallel_loop3A_777 : vector<16xf32>
        %parallel_loop3A_780 = arith.constant 2 : i32
        %parallel_loop3A_781 = arith.addi %parallel_loop3A_697, %parallel_loop3A_780 : i32
        %parallel_loop3A_782 = arith.index_cast %parallel_loop3A_781 : i32 to index
        %parallel_loop3A_783 = arith.constant 16 : index
        %parallel_loop3A_784 = tpu.vector_load %arg6[%parallel_loop3A_782, %parallel_loop3A_783] {strides = array<i32>} : memref<150x128xi32, #tpu.memory_space<vmem>>, vector<16xi32>,
        %parallel_loop3A_785 = arith.constant 0 : i32
        %parallel_loop3A_786 = vector.broadcast %parallel_loop3A_785 : i32 to vector<16xi32>
        %parallel_loop3A_787 = arith.addi %parallel_loop3A_784, %parallel_loop3A_786 : vector<16xi32>
        %parallel_loop3A_788 = tpu.vector_load_idx %arg5[%parallel_loop3A_787] : memref<50200xi32, #tpu.memory_space<vmem>>[vector<16xi32>], vector<16xi32>,
        %parallel_loop3A_789 = vector.bitcast %parallel_loop3A_788 : vector<16xi32> to vector<32xbf16>
        %parallel_loop3A_790 = tpu.unpack_subelements %parallel_loop3A_789, 0 {pack_format = #tpu.pack_format<interleaved>} : vector<32xbf16> -> vector<16xf32>
        %parallel_loop3A_791 = tpu.unpack_subelements %parallel_loop3A_789, 1 {pack_format = #tpu.pack_format<interleaved>} : vector<32xbf16> -> vector<16xf32>
        %parallel_loop3A_792 = arith.addf %parallel_loop3A_751, %parallel_loop3A_790 : vector<16xf32>
        %parallel_loop3A_793 = arith.addf %parallel_loop3A_752, %parallel_loop3A_791 : vector<16xf32>
        %parallel_loop3A_794 = arith.constant 12550 : i32
        %parallel_loop3A_795 = vector.broadcast %parallel_loop3A_794 : i32 to vector<16xi32>
        %parallel_loop3A_796 = arith.addi %parallel_loop3A_784, %parallel_loop3A_795 : vector<16xi32>
        %parallel_loop3A_797 = tpu.vector_load_idx %arg5[%parallel_loop3A_796] : memref<50200xi32, #tpu.memory_space<vmem>>[vector<16xi32>], vector<16xi32>,
        %parallel_loop3A_798 = vector.bitcast %parallel_loop3A_797 : vector<16xi32> to vector<32xbf16>
        %parallel_loop3A_799 = tpu.unpack_subelements %parallel_loop3A_798, 0 {pack_format = #tpu.pack_format<interleaved>} : vector<32xbf16> -> vector<16xf32>
        %parallel_loop3A_800 = tpu.unpack_subelements %parallel_loop3A_798, 1 {pack_format = #tpu.pack_format<interleaved>} : vector<32xbf16> -> vector<16xf32>
        %parallel_loop3A_801 = arith.addf %parallel_loop3A_760, %parallel_loop3A_799 : vector<16xf32>
        %parallel_loop3A_802 = arith.addf %parallel_loop3A_761, %parallel_loop3A_800 : vector<16xf32>
        %parallel_loop3A_803 = arith.constant 25100 : i32
        %parallel_loop3A_804 = vector.broadcast %parallel_loop3A_803 : i32 to vector<16xi32>
        %parallel_loop3A_805 = arith.addi %parallel_loop3A_784, %parallel_loop3A_804 : vector<16xi32>
        %parallel_loop3A_806 = tpu.vector_load_idx %arg5[%parallel_loop3A_805] : memref<50200xi32, #tpu.memory_space<vmem>>[vector<16xi32>], vector<16xi32>,
        %parallel_loop3A_807 = vector.bitcast %parallel_loop3A_806 : vector<16xi32> to vector<32xbf16>
        %parallel_loop3A_808 = tpu.unpack_subelements %parallel_loop3A_807, 0 {pack_format = #tpu.pack_format<interleaved>} : vector<32xbf16> -> vector<16xf32>
        %parallel_loop3A_809 = tpu.unpack_subelements %parallel_loop3A_807, 1 {pack_format = #tpu.pack_format<interleaved>} : vector<32xbf16> -> vector<16xf32>
        %parallel_loop3A_810 = arith.addf %parallel_loop3A_769, %parallel_loop3A_808 : vector<16xf32>
        %parallel_loop3A_811 = arith.addf %parallel_loop3A_770, %parallel_loop3A_809 : vector<16xf32>
        %parallel_loop3A_812 = arith.constant 37650 : i32
        %parallel_loop3A_813 = vector.broadcast %parallel_loop3A_812 : i32 to vector<16xi32>
        %parallel_loop3A_814 = arith.addi %parallel_loop3A_784, %parallel_loop3A_813 : vector<16xi32>
        %parallel_loop3A_815 = tpu.vector_load_idx %arg5[%parallel_loop3A_814] : memref<50200xi32, #tpu.memory_space<vmem>>[vector<16xi32>], vector<16xi32>,
        %parallel_loop3A_816 = vector.bitcast %parallel_loop3A_815 : vector<16xi32> to vector<32xbf16>
        %parallel_loop3A_817 = tpu.unpack_subelements %parallel_loop3A_816, 0 {pack_format = #tpu.pack_format<interleaved>} : vector<32xbf16> -> vector<16xf32>
        %parallel_loop3A_818 = tpu.unpack_subelements %parallel_loop3A_816, 1 {pack_format = #tpu.pack_format<interleaved>} : vector<32xbf16> -> vector<16xf32>
        %parallel_loop3A_819 = arith.addf %parallel_loop3A_778, %parallel_loop3A_817 : vector<16xf32>
        %parallel_loop3A_820 = arith.addf %parallel_loop3A_779, %parallel_loop3A_818 : vector<16xf32>
        scf.yield %parallel_loop3A_792, %parallel_loop3A_793, %parallel_loop3A_801, %parallel_loop3A_802, %parallel_loop3A_810, %parallel_loop3A_811, %parallel_loop3A_819, %parallel_loop3A_820 : vector<16xf32>, vector<16xf32>, vector<16xf32>, vector<16xf32>, vector<16xf32>, vector<16xf32>, vector<16xf32>, vector<16xf32>
      } {sc.loop_unroll_factor = 1 : i64, sc.parallel_access}
      %swap3A_90 = arith.constant 0 : i32
      %swap3A_91 = arith.index_cast %swap3A_90 : i32 to index
      %swap3A_92 = arith.constant 16 : index
      %swap3A_93 = tpu.vector_load %arg8[%swap3A_91, %swap3A_92] {strides = array<i32>} : memref<8x128xf32, #tpu.memory_space<vmem>>, vector<16xf32>,
      tpu.vector_store %arg8[%swap3A_91, %swap3A_92], %parallel_loop3A_89#0 {strides = array<i32>} : memref<8x128xf32, #tpu.memory_space<vmem>>, vector<16xf32>,
      %swap3A_94 = arith.constant 1 : i32
      %swap3A_95 = arith.index_cast %swap3A_94 : i32 to index
      %swap3A_96 = arith.constant 16 : index
      %swap3A_97 = tpu.vector_load %arg8[%swap3A_95, %swap3A_96] {strides = array<i32>} : memref<8x128xf32, #tpu.memory_space<vmem>>, vector<16xf32>,
      tpu.vector_store %arg8[%swap3A_95, %swap3A_96], %parallel_loop3A_89#1 {strides = array<i32>} : memref<8x128xf32, #tpu.memory_space<vmem>>, vector<16xf32>,
      %swap3A_98 = arith.constant 2 : i32
      %swap3A_99 = arith.index_cast %swap3A_98 : i32 to index
      %swap3A_100 = arith.constant 16 : index
      %swap3A_101 = tpu.vector_load %arg8[%swap3A_99, %swap3A_100] {strides = array<i32>} : memref<8x128xf32, #tpu.memory_space<vmem>>, vector<16xf32>,
      tpu.vector_store %arg8[%swap3A_99, %swap3A_100], %parallel_loop3A_89#2 {strides = array<i32>} : memref<8x128xf32, #tpu.memory_space<vmem>>, vector<16xf32>,
      %swap3A_102 = arith.constant 3 : i32
      %swap3A_103 = arith.index_cast %swap3A_102 : i32 to index
      %swap3A_104 = arith.constant 16 : index
      %swap3A_105 = tpu.vector_load %arg8[%swap3A_103, %swap3A_104] {strides = array<i32>} : memref<8x128xf32, #tpu.memory_space<vmem>>, vector<16xf32>,
      tpu.vector_store %arg8[%swap3A_103, %swap3A_104], %parallel_loop3A_89#3 {strides = array<i32>} : memref<8x128xf32, #tpu.memory_space<vmem>>, vector<16xf32>,
      %swap3A_106 = arith.constant 4 : i32
      %swap3A_107 = arith.index_cast %swap3A_106 : i32 to index
      %swap3A_108 = arith.constant 16 : index
      %swap3A_109 = tpu.vector_load %arg8[%swap3A_107, %swap3A_108] {strides = array<i32>} : memref<8x128xf32, #tpu.memory_space<vmem>>, vector<16xf32>,
      tpu.vector_store %arg8[%swap3A_107, %swap3A_108], %parallel_loop3A_89#4 {strides = array<i32>} : memref<8x128xf32, #tpu.memory_space<vmem>>, vector<16xf32>,
      %swap3A_110 = arith.constant 5 : i32
      %swap3A_111 = arith.index_cast %swap3A_110 : i32 to index
      %swap3A_112 = arith.constant 16 : index
      %swap3A_113 = tpu.vector_load %arg8[%swap3A_111, %swap3A_112] {strides = array<i32>} : memref<8x128xf32, #tpu.memory_space<vmem>>, vector<16xf32>,
      tpu.vector_store %arg8[%swap3A_111, %swap3A_112], %parallel_loop3A_89#5 {strides = array<i32>} : memref<8x128xf32, #tpu.memory_space<vmem>>, vector<16xf32>,
      %swap3A_114 = arith.constant 6 : i32
      %swap3A_115 = arith.index_cast %swap3A_114 : i32 to index
      %swap3A_116 = arith.constant 16 : index
      %swap3A_117 = tpu.vector_load %arg8[%swap3A_115, %swap3A_116] {strides = array<i32>} : memref<8x128xf32, #tpu.memory_space<vmem>>, vector<16xf32>,
      tpu.vector_store %arg8[%swap3A_115, %swap3A_116], %parallel_loop3A_89#6 {strides = array<i32>} : memref<8x128xf32, #tpu.memory_space<vmem>>, vector<16xf32>,
      %swap3A_118 = arith.constant 7 : i32
      %swap3A_119 = arith.index_cast %swap3A_118 : i32 to index
      %swap3A_120 = arith.constant 16 : index
      %swap3A_121 = tpu.vector_load %arg8[%swap3A_119, %swap3A_120] {strides = array<i32>} : memref<8x128xf32, #tpu.memory_space<vmem>>, vector<16xf32>,
      tpu.vector_store %arg8[%swap3A_119, %swap3A_120], %parallel_loop3A_89#7 {strides = array<i32>} : memref<8x128xf32, #tpu.memory_space<vmem>>, vector<16xf32>,
      %broadcast_in_dim3A_122 = arith.constant 0.000000e+00 : f32
      %broadcast_in_dim3A_123 = vector.broadcast %broadcast_in_dim3A_122 : f32 to vector<16xf32>
      %parallel_loop3A_124 = arith.constant 0 : i32
      %parallel_loop3A_125 = arith.constant 50 : i32
      %parallel_loop3A_126 = arith.constant 1 : i32
      %parallel_loop3A_127:8 = scf.for %parallel_loop3A_687 = %parallel_loop3A_124 to %parallel_loop3A_125 step %parallel_loop3A_126 iter_args(%parallel_loop3A_688 = %broadcast_in_dim3A_123, %parallel_loop3A_689 = %broadcast_in_dim3A_123, %parallel_loop3A_690 = %broadcast_in_dim3A_123, %parallel_loop3A_691 = %broadcast_in_dim3A_123, %parallel_loop3A_692 = %broadcast_in_dim3A_123, %parallel_loop3A_693 = %broadcast_in_dim3A_123, %parallel_loop3A_694 = %broadcast_in_dim3A_123, %parallel_loop3A_695 = %broadcast_in_dim3A_123) -> (vector<16xf32>, vector<16xf32>, vector<16xf32>, vector<16xf32>, vector<16xf32>, vector<16xf32>, vector<16xf32>, vector<16xf32>)  : i32 {
        %parallel_loop3A_696 = arith.constant 3 : i32
        %parallel_loop3A_697 = arith.muli %parallel_loop3A_687, %parallel_loop3A_696 : i32
        %parallel_loop3A_698 = arith.constant 0 : i32
        %parallel_loop3A_699 = arith.addi %parallel_loop3A_697, %parallel_loop3A_698 : i32
        %parallel_loop3A_700 = arith.index_cast %parallel_loop3A_699 : i32 to index
        %parallel_loop3A_701 = arith.constant 32 : index
        %parallel_loop3A_702 = tpu.vector_load %arg6[%parallel_loop3A_700, %parallel_loop3A_701] {strides = array<i32>} : memref<150x128xi32, #tpu.memory_space<vmem>>, vector<16xi32>,
        %parallel_loop3A_703 = arith.constant 0 : i32
        %parallel_loop3A_704 = vector.broadcast %parallel_loop3A_703 : i32 to vector<16xi32>
        %parallel_loop3A_705 = arith.addi %parallel_loop3A_702, %parallel_loop3A_704 : vector<16xi32>
        %parallel_loop3A_706 = tpu.vector_load_idx %arg5[%parallel_loop3A_705] : memref<50200xi32, #tpu.memory_space<vmem>>[vector<16xi32>], vector<16xi32>,
        %parallel_loop3A_707 = vector.bitcast %parallel_loop3A_706 : vector<16xi32> to vector<32xbf16>
        %parallel_loop3A_708 = tpu.unpack_subelements %parallel_loop3A_707, 0 {pack_format = #tpu.pack_format<interleaved>} : vector<32xbf16> -> vector<16xf32>
        %parallel_loop3A_709 = tpu.unpack_subelements %parallel_loop3A_707, 1 {pack_format = #tpu.pack_format<interleaved>} : vector<32xbf16> -> vector<16xf32>
        %parallel_loop3A_710 = arith.addf %parallel_loop3A_688, %parallel_loop3A_708 : vector<16xf32>
        %parallel_loop3A_711 = arith.addf %parallel_loop3A_689, %parallel_loop3A_709 : vector<16xf32>
        %parallel_loop3A_712 = arith.constant 12550 : i32
        %parallel_loop3A_713 = vector.broadcast %parallel_loop3A_712 : i32 to vector<16xi32>
        %parallel_loop3A_714 = arith.addi %parallel_loop3A_702, %parallel_loop3A_713 : vector<16xi32>
        %parallel_loop3A_715 = tpu.vector_load_idx %arg5[%parallel_loop3A_714] : memref<50200xi32, #tpu.memory_space<vmem>>[vector<16xi32>], vector<16xi32>,
        %parallel_loop3A_716 = vector.bitcast %parallel_loop3A_715 : vector<16xi32> to vector<32xbf16>
        %parallel_loop3A_717 = tpu.unpack_subelements %parallel_loop3A_716, 0 {pack_format = #tpu.pack_format<interleaved>} : vector<32xbf16> -> vector<16xf32>
        %parallel_loop3A_718 = tpu.unpack_subelements %parallel_loop3A_716, 1 {pack_format = #tpu.pack_format<interleaved>} : vector<32xbf16> -> vector<16xf32>
        %parallel_loop3A_719 = arith.addf %parallel_loop3A_690, %parallel_loop3A_717 : vector<16xf32>
        %parallel_loop3A_720 = arith.addf %parallel_loop3A_691, %parallel_loop3A_718 : vector<16xf32>
        %parallel_loop3A_721 = arith.constant 25100 : i32
        %parallel_loop3A_722 = vector.broadcast %parallel_loop3A_721 : i32 to vector<16xi32>
        %parallel_loop3A_723 = arith.addi %parallel_loop3A_702, %parallel_loop3A_722 : vector<16xi32>
        %parallel_loop3A_724 = tpu.vector_load_idx %arg5[%parallel_loop3A_723] : memref<50200xi32, #tpu.memory_space<vmem>>[vector<16xi32>], vector<16xi32>,
        %parallel_loop3A_725 = vector.bitcast %parallel_loop3A_724 : vector<16xi32> to vector<32xbf16>
        %parallel_loop3A_726 = tpu.unpack_subelements %parallel_loop3A_725, 0 {pack_format = #tpu.pack_format<interleaved>} : vector<32xbf16> -> vector<16xf32>
        %parallel_loop3A_727 = tpu.unpack_subelements %parallel_loop3A_725, 1 {pack_format = #tpu.pack_format<interleaved>} : vector<32xbf16> -> vector<16xf32>
        %parallel_loop3A_728 = arith.addf %parallel_loop3A_692, %parallel_loop3A_726 : vector<16xf32>
        %parallel_loop3A_729 = arith.addf %parallel_loop3A_693, %parallel_loop3A_727 : vector<16xf32>
        %parallel_loop3A_730 = arith.constant 37650 : i32
        %parallel_loop3A_731 = vector.broadcast %parallel_loop3A_730 : i32 to vector<16xi32>
        %parallel_loop3A_732 = arith.addi %parallel_loop3A_702, %parallel_loop3A_731 : vector<16xi32>
        %parallel_loop3A_733 = tpu.vector_load_idx %arg5[%parallel_loop3A_732] : memref<50200xi32, #tpu.memory_space<vmem>>[vector<16xi32>], vector<16xi32>,
        %parallel_loop3A_734 = vector.bitcast %parallel_loop3A_733 : vector<16xi32> to vector<32xbf16>
        %parallel_loop3A_735 = tpu.unpack_subelements %parallel_loop3A_734, 0 {pack_format = #tpu.pack_format<interleaved>} : vector<32xbf16> -> vector<16xf32>
        %parallel_loop3A_736 = tpu.unpack_subelements %parallel_loop3A_734, 1 {pack_format = #tpu.pack_format<interleaved>} : vector<32xbf16> -> vector<16xf32>
        %parallel_loop3A_737 = arith.addf %parallel_loop3A_694, %parallel_loop3A_735 : vector<16xf32>
        %parallel_loop3A_738 = arith.addf %parallel_loop3A_695, %parallel_loop3A_736 : vector<16xf32>
        %parallel_loop3A_739 = arith.constant 1 : i32
        %parallel_loop3A_740 = arith.addi %parallel_loop3A_697, %parallel_loop3A_739 : i32
        %parallel_loop3A_741 = arith.index_cast %parallel_loop3A_740 : i32 to index
        %parallel_loop3A_742 = arith.constant 32 : index
        %parallel_loop3A_743 = tpu.vector_load %arg6[%parallel_loop3A_741, %parallel_loop3A_742] {strides = array<i32>} : memref<150x128xi32, #tpu.memory_space<vmem>>, vector<16xi32>,
        %parallel_loop3A_744 = arith.constant 0 : i32
        %parallel_loop3A_745 = vector.broadcast %parallel_loop3A_744 : i32 to vector<16xi32>
        %parallel_loop3A_746 = arith.addi %parallel_loop3A_743, %parallel_loop3A_745 : vector<16xi32>
        %parallel_loop3A_747 = tpu.vector_load_idx %arg5[%parallel_loop3A_746] : memref<50200xi32, #tpu.memory_space<vmem>>[vector<16xi32>], vector<16xi32>,
        %parallel_loop3A_748 = vector.bitcast %parallel_loop3A_747 : vector<16xi32> to vector<32xbf16>
        %parallel_loop3A_749 = tpu.unpack_subelements %parallel_loop3A_748, 0 {pack_format = #tpu.pack_format<interleaved>} : vector<32xbf16> -> vector<16xf32>
        %parallel_loop3A_750 = tpu.unpack_subelements %parallel_loop3A_748, 1 {pack_format = #tpu.pack_format<interleaved>} : vector<32xbf16> -> vector<16xf32>
        %parallel_loop3A_751 = arith.addf %parallel_loop3A_710, %parallel_loop3A_749 : vector<16xf32>
        %parallel_loop3A_752 = arith.addf %parallel_loop3A_711, %parallel_loop3A_750 : vector<16xf32>
        %parallel_loop3A_753 = arith.constant 12550 : i32
        %parallel_loop3A_754 = vector.broadcast %parallel_loop3A_753 : i32 to vector<16xi32>
        %parallel_loop3A_755 = arith.addi %parallel_loop3A_743, %parallel_loop3A_754 : vector<16xi32>
        %parallel_loop3A_756 = tpu.vector_load_idx %arg5[%parallel_loop3A_755] : memref<50200xi32, #tpu.memory_space<vmem>>[vector<16xi32>], vector<16xi32>,
        %parallel_loop3A_757 = vector.bitcast %parallel_loop3A_756 : vector<16xi32> to vector<32xbf16>
        %parallel_loop3A_758 = tpu.unpack_subelements %parallel_loop3A_757, 0 {pack_format = #tpu.pack_format<interleaved>} : vector<32xbf16> -> vector<16xf32>
        %parallel_loop3A_759 = tpu.unpack_subelements %parallel_loop3A_757, 1 {pack_format = #tpu.pack_format<interleaved>} : vector<32xbf16> -> vector<16xf32>
        %parallel_loop3A_760 = arith.addf %parallel_loop3A_719, %parallel_loop3A_758 : vector<16xf32>
        %parallel_loop3A_761 = arith.addf %parallel_loop3A_720, %parallel_loop3A_759 : vector<16xf32>
        %parallel_loop3A_762 = arith.constant 25100 : i32
        %parallel_loop3A_763 = vector.broadcast %parallel_loop3A_762 : i32 to vector<16xi32>
        %parallel_loop3A_764 = arith.addi %parallel_loop3A_743, %parallel_loop3A_763 : vector<16xi32>
        %parallel_loop3A_765 = tpu.vector_load_idx %arg5[%parallel_loop3A_764] : memref<50200xi32, #tpu.memory_space<vmem>>[vector<16xi32>], vector<16xi32>,
        %parallel_loop3A_766 = vector.bitcast %parallel_loop3A_765 : vector<16xi32> to vector<32xbf16>
        %parallel_loop3A_767 = tpu.unpack_subelements %parallel_loop3A_766, 0 {pack_format = #tpu.pack_format<interleaved>} : vector<32xbf16> -> vector<16xf32>
        %parallel_loop3A_768 = tpu.unpack_subelements %parallel_loop3A_766, 1 {pack_format = #tpu.pack_format<interleaved>} : vector<32xbf16> -> vector<16xf32>
        %parallel_loop3A_769 = arith.addf %parallel_loop3A_728, %parallel_loop3A_767 : vector<16xf32>
        %parallel_loop3A_770 = arith.addf %parallel_loop3A_729, %parallel_loop3A_768 : vector<16xf32>
        %parallel_loop3A_771 = arith.constant 37650 : i32
        %parallel_loop3A_772 = vector.broadcast %parallel_loop3A_771 : i32 to vector<16xi32>
        %parallel_loop3A_773 = arith.addi %parallel_loop3A_743, %parallel_loop3A_772 : vector<16xi32>
        %parallel_loop3A_774 = tpu.vector_load_idx %arg5[%parallel_loop3A_773] : memref<50200xi32, #tpu.memory_space<vmem>>[vector<16xi32>], vector<16xi32>,
        %parallel_loop3A_775 = vector.bitcast %parallel_loop3A_774 : vector<16xi32> to vector<32xbf16>
        %parallel_loop3A_776 = tpu.unpack_subelements %parallel_loop3A_775, 0 {pack_format = #tpu.pack_format<interleaved>} : vector<32xbf16> -> vector<16xf32>
        %parallel_loop3A_777 = tpu.unpack_subelements %parallel_loop3A_775, 1 {pack_format = #tpu.pack_format<interleaved>} : vector<32xbf16> -> vector<16xf32>
        %parallel_loop3A_778 = arith.addf %parallel_loop3A_737, %parallel_loop3A_776 : vector<16xf32>
        %parallel_loop3A_779 = arith.addf %parallel_loop3A_738, %parallel_loop3A_777 : vector<16xf32>
        %parallel_loop3A_780 = arith.constant 2 : i32
        %parallel_loop3A_781 = arith.addi %parallel_loop3A_697, %parallel_loop3A_780 : i32
        %parallel_loop3A_782 = arith.index_cast %parallel_loop3A_781 : i32 to index
        %parallel_loop3A_783 = arith.constant 32 : index
        %parallel_loop3A_784 = tpu.vector_load %arg6[%parallel_loop3A_782, %parallel_loop3A_783] {strides = array<i32>} : memref<150x128xi32, #tpu.memory_space<vmem>>, vector<16xi32>,
        %parallel_loop3A_785 = arith.constant 0 : i32
        %parallel_loop3A_786 = vector.broadcast %parallel_loop3A_785 : i32 to vector<16xi32>
        %parallel_loop3A_787 = arith.addi %parallel_loop3A_784, %parallel_loop3A_786 : vector<16xi32>
        %parallel_loop3A_788 = tpu.vector_load_idx %arg5[%parallel_loop3A_787] : memref<50200xi32, #tpu.memory_space<vmem>>[vector<16xi32>], vector<16xi32>,
        %parallel_loop3A_789 = vector.bitcast %parallel_loop3A_788 : vector<16xi32> to vector<32xbf16>
        %parallel_loop3A_790 = tpu.unpack_subelements %parallel_loop3A_789, 0 {pack_format = #tpu.pack_format<interleaved>} : vector<32xbf16> -> vector<16xf32>
        %parallel_loop3A_791 = tpu.unpack_subelements %parallel_loop3A_789, 1 {pack_format = #tpu.pack_format<interleaved>} : vector<32xbf16> -> vector<16xf32>
        %parallel_loop3A_792 = arith.addf %parallel_loop3A_751, %parallel_loop3A_790 : vector<16xf32>
        %parallel_loop3A_793 = arith.addf %parallel_loop3A_752, %parallel_loop3A_791 : vector<16xf32>
        %parallel_loop3A_794 = arith.constant 12550 : i32
        %parallel_loop3A_795 = vector.broadcast %parallel_loop3A_794 : i32 to vector<16xi32>
        %parallel_loop3A_796 = arith.addi %parallel_loop3A_784, %parallel_loop3A_795 : vector<16xi32>
        %parallel_loop3A_797 = tpu.vector_load_idx %arg5[%parallel_loop3A_796] : memref<50200xi32, #tpu.memory_space<vmem>>[vector<16xi32>], vector<16xi32>,
        %parallel_loop3A_798 = vector.bitcast %parallel_loop3A_797 : vector<16xi32> to vector<32xbf16>
        %parallel_loop3A_799 = tpu.unpack_subelements %parallel_loop3A_798, 0 {pack_format = #tpu.pack_format<interleaved>} : vector<32xbf16> -> vector<16xf32>
        %parallel_loop3A_800 = tpu.unpack_subelements %parallel_loop3A_798, 1 {pack_format = #tpu.pack_format<interleaved>} : vector<32xbf16> -> vector<16xf32>
        %parallel_loop3A_801 = arith.addf %parallel_loop3A_760, %parallel_loop3A_799 : vector<16xf32>
        %parallel_loop3A_802 = arith.addf %parallel_loop3A_761, %parallel_loop3A_800 : vector<16xf32>
        %parallel_loop3A_803 = arith.constant 25100 : i32
        %parallel_loop3A_804 = vector.broadcast %parallel_loop3A_803 : i32 to vector<16xi32>
        %parallel_loop3A_805 = arith.addi %parallel_loop3A_784, %parallel_loop3A_804 : vector<16xi32>
        %parallel_loop3A_806 = tpu.vector_load_idx %arg5[%parallel_loop3A_805] : memref<50200xi32, #tpu.memory_space<vmem>>[vector<16xi32>], vector<16xi32>,
        %parallel_loop3A_807 = vector.bitcast %parallel_loop3A_806 : vector<16xi32> to vector<32xbf16>
        %parallel_loop3A_808 = tpu.unpack_subelements %parallel_loop3A_807, 0 {pack_format = #tpu.pack_format<interleaved>} : vector<32xbf16> -> vector<16xf32>
        %parallel_loop3A_809 = tpu.unpack_subelements %parallel_loop3A_807, 1 {pack_format = #tpu.pack_format<interleaved>} : vector<32xbf16> -> vector<16xf32>
        %parallel_loop3A_810 = arith.addf %parallel_loop3A_769, %parallel_loop3A_808 : vector<16xf32>
        %parallel_loop3A_811 = arith.addf %parallel_loop3A_770, %parallel_loop3A_809 : vector<16xf32>
        %parallel_loop3A_812 = arith.constant 37650 : i32
        %parallel_loop3A_813 = vector.broadcast %parallel_loop3A_812 : i32 to vector<16xi32>
        %parallel_loop3A_814 = arith.addi %parallel_loop3A_784, %parallel_loop3A_813 : vector<16xi32>
        %parallel_loop3A_815 = tpu.vector_load_idx %arg5[%parallel_loop3A_814] : memref<50200xi32, #tpu.memory_space<vmem>>[vector<16xi32>], vector<16xi32>,
        %parallel_loop3A_816 = vector.bitcast %parallel_loop3A_815 : vector<16xi32> to vector<32xbf16>
        %parallel_loop3A_817 = tpu.unpack_subelements %parallel_loop3A_816, 0 {pack_format = #tpu.pack_format<interleaved>} : vector<32xbf16> -> vector<16xf32>
        %parallel_loop3A_818 = tpu.unpack_subelements %parallel_loop3A_816, 1 {pack_format = #tpu.pack_format<interleaved>} : vector<32xbf16> -> vector<16xf32>
        %parallel_loop3A_819 = arith.addf %parallel_loop3A_778, %parallel_loop3A_817 : vector<16xf32>
        %parallel_loop3A_820 = arith.addf %parallel_loop3A_779, %parallel_loop3A_818 : vector<16xf32>
        scf.yield %parallel_loop3A_792, %parallel_loop3A_793, %parallel_loop3A_801, %parallel_loop3A_802, %parallel_loop3A_810, %parallel_loop3A_811, %parallel_loop3A_819, %parallel_loop3A_820 : vector<16xf32>, vector<16xf32>, vector<16xf32>, vector<16xf32>, vector<16xf32>, vector<16xf32>, vector<16xf32>, vector<16xf32>
      } {sc.loop_unroll_factor = 1 : i64, sc.parallel_access}
      %swap3A_128 = arith.constant 0 : i32
      %swap3A_129 = arith.index_cast %swap3A_128 : i32 to index
      %swap3A_130 = arith.constant 32 : index
      %swap3A_131 = tpu.vector_load %arg8[%swap3A_129, %swap3A_130] {strides = array<i32>} : memref<8x128xf32, #tpu.memory_space<vmem>>, vector<16xf32>,
      tpu.vector_store %arg8[%swap3A_129, %swap3A_130], %parallel_loop3A_127#0 {strides = array<i32>} : memref<8x128xf32, #tpu.memory_space<vmem>>, vector<16xf32>,
      %swap3A_132 = arith.constant 1 : i32
      %swap3A_133 = arith.index_cast %swap3A_132 : i32 to index
      %swap3A_134 = arith.constant 32 : index
      %swap3A_135 = tpu.vector_load %arg8[%swap3A_133, %swap3A_134] {strides = array<i32>} : memref<8x128xf32, #tpu.memory_space<vmem>>, vector<16xf32>,
      tpu.vector_store %arg8[%swap3A_133, %swap3A_134], %parallel_loop3A_127#1 {strides = array<i32>} : memref<8x128xf32, #tpu.memory_space<vmem>>, vector<16xf32>,
      %swap3A_136 = arith.constant 2 : i32
      %swap3A_137 = arith.index_cast %swap3A_136 : i32 to index
      %swap3A_138 = arith.constant 32 : index
      %swap3A_139 = tpu.vector_load %arg8[%swap3A_137, %swap3A_138] {strides = array<i32>} : memref<8x128xf32, #tpu.memory_space<vmem>>, vector<16xf32>,
      tpu.vector_store %arg8[%swap3A_137, %swap3A_138], %parallel_loop3A_127#2 {strides = array<i32>} : memref<8x128xf32, #tpu.memory_space<vmem>>, vector<16xf32>,
      %swap3A_140 = arith.constant 3 : i32
      %swap3A_141 = arith.index_cast %swap3A_140 : i32 to index
      %swap3A_142 = arith.constant 32 : index
      %swap3A_143 = tpu.vector_load %arg8[%swap3A_141, %swap3A_142] {strides = array<i32>} : memref<8x128xf32, #tpu.memory_space<vmem>>, vector<16xf32>,
      tpu.vector_store %arg8[%swap3A_141, %swap3A_142], %parallel_loop3A_127#3 {strides = array<i32>} : memref<8x128xf32, #tpu.memory_space<vmem>>, vector<16xf32>,
      %swap3A_144 = arith.constant 4 : i32
      %swap3A_145 = arith.index_cast %swap3A_144 : i32 to index
      %swap3A_146 = arith.constant 32 : index
      %swap3A_147 = tpu.vector_load %arg8[%swap3A_145, %swap3A_146] {strides = array<i32>} : memref<8x128xf32, #tpu.memory_space<vmem>>, vector<16xf32>,
      tpu.vector_store %arg8[%swap3A_145, %swap3A_146], %parallel_loop3A_127#4 {strides = array<i32>} : memref<8x128xf32, #tpu.memory_space<vmem>>, vector<16xf32>,
      %swap3A_148 = arith.constant 5 : i32
      %swap3A_149 = arith.index_cast %swap3A_148 : i32 to index
      %swap3A_150 = arith.constant 32 : index
      %swap3A_151 = tpu.vector_load %arg8[%swap3A_149, %swap3A_150] {strides = array<i32>} : memref<8x128xf32, #tpu.memory_space<vmem>>, vector<16xf32>,
      tpu.vector_store %arg8[%swap3A_149, %swap3A_150], %parallel_loop3A_127#5 {strides = array<i32>} : memref<8x128xf32, #tpu.memory_space<vmem>>, vector<16xf32>,
      %swap3A_152 = arith.constant 6 : i32
      %swap3A_153 = arith.index_cast %swap3A_152 : i32 to index
      %swap3A_154 = arith.constant 32 : index
      %swap3A_155 = tpu.vector_load %arg8[%swap3A_153, %swap3A_154] {strides = array<i32>} : memref<8x128xf32, #tpu.memory_space<vmem>>, vector<16xf32>,
      tpu.vector_store %arg8[%swap3A_153, %swap3A_154], %parallel_loop3A_127#6 {strides = array<i32>} : memref<8x128xf32, #tpu.memory_space<vmem>>, vector<16xf32>,
      %swap3A_156 = arith.constant 7 : i32
      %swap3A_157 = arith.index_cast %swap3A_156 : i32 to index
      %swap3A_158 = arith.constant 32 : index
      %swap3A_159 = tpu.vector_load %arg8[%swap3A_157, %swap3A_158] {strides = array<i32>} : memref<8x128xf32, #tpu.memory_space<vmem>>, vector<16xf32>,
      tpu.vector_store %arg8[%swap3A_157, %swap3A_158], %parallel_loop3A_127#7 {strides = array<i32>} : memref<8x128xf32, #tpu.memory_space<vmem>>, vector<16xf32>,
      %broadcast_in_dim3A_160 = arith.constant 0.000000e+00 : f32
      %broadcast_in_dim3A_161 = vector.broadcast %broadcast_in_dim3A_160 : f32 to vector<16xf32>
      %parallel_loop3A_162 = arith.constant 0 : i32
      %parallel_loop3A_163 = arith.constant 50 : i32
      %parallel_loop3A_164 = arith.constant 1 : i32
      %parallel_loop3A_165:8 = scf.for %parallel_loop3A_687 = %parallel_loop3A_162 to %parallel_loop3A_163 step %parallel_loop3A_164 iter_args(%parallel_loop3A_688 = %broadcast_in_dim3A_161, %parallel_loop3A_689 = %broadcast_in_dim3A_161, %parallel_loop3A_690 = %broadcast_in_dim3A_161, %parallel_loop3A_691 = %broadcast_in_dim3A_161, %parallel_loop3A_692 = %broadcast_in_dim3A_161, %parallel_loop3A_693 = %broadcast_in_dim3A_161, %parallel_loop3A_694 = %broadcast_in_dim3A_161, %parallel_loop3A_695 = %broadcast_in_dim3A_161) -> (vector<16xf32>, vector<16xf32>, vector<16xf32>, vector<16xf32>, vector<16xf32>, vector<16xf32>, vector<16xf32>, vector<16xf32>)  : i32 {
        %parallel_loop3A_696 = arith.constant 3 : i32
        %parallel_loop3A_697 = arith.muli %parallel_loop3A_687, %parallel_loop3A_696 : i32
        %parallel_loop3A_698 = arith.constant 0 : i32
        %parallel_loop3A_699 = arith.addi %parallel_loop3A_697, %parallel_loop3A_698 : i32
        %parallel_loop3A_700 = arith.index_cast %parallel_loop3A_699 : i32 to index
        %parallel_loop3A_701 = arith.constant 48 : index
        %parallel_loop3A_702 = tpu.vector_load %arg6[%parallel_loop3A_700, %parallel_loop3A_701] {strides = array<i32>} : memref<150x128xi32, #tpu.memory_space<vmem>>, vector<16xi32>,
        %parallel_loop3A_703 = arith.constant 0 : i32
        %parallel_loop3A_704 = vector.broadcast %parallel_loop3A_703 : i32 to vector<16xi32>
        %parallel_loop3A_705 = arith.addi %parallel_loop3A_702, %parallel_loop3A_704 : vector<16xi32>
        %parallel_loop3A_706 = tpu.vector_load_idx %arg5[%parallel_loop3A_705] : memref<50200xi32, #tpu.memory_space<vmem>>[vector<16xi32>], vector<16xi32>,
        %parallel_loop3A_707 = vector.bitcast %parallel_loop3A_706 : vector<16xi32> to vector<32xbf16>
        %parallel_loop3A_708 = tpu.unpack_subelements %parallel_loop3A_707, 0 {pack_format = #tpu.pack_format<interleaved>} : vector<32xbf16> -> vector<16xf32>
        %parallel_loop3A_709 = tpu.unpack_subelements %parallel_loop3A_707, 1 {pack_format = #tpu.pack_format<interleaved>} : vector<32xbf16> -> vector<16xf32>
        %parallel_loop3A_710 = arith.addf %parallel_loop3A_688, %parallel_loop3A_708 : vector<16xf32>
        %parallel_loop3A_711 = arith.addf %parallel_loop3A_689, %parallel_loop3A_709 : vector<16xf32>
        %parallel_loop3A_712 = arith.constant 12550 : i32
        %parallel_loop3A_713 = vector.broadcast %parallel_loop3A_712 : i32 to vector<16xi32>
        %parallel_loop3A_714 = arith.addi %parallel_loop3A_702, %parallel_loop3A_713 : vector<16xi32>
        %parallel_loop3A_715 = tpu.vector_load_idx %arg5[%parallel_loop3A_714] : memref<50200xi32, #tpu.memory_space<vmem>>[vector<16xi32>], vector<16xi32>,
        %parallel_loop3A_716 = vector.bitcast %parallel_loop3A_715 : vector<16xi32> to vector<32xbf16>
        %parallel_loop3A_717 = tpu.unpack_subelements %parallel_loop3A_716, 0 {pack_format = #tpu.pack_format<interleaved>} : vector<32xbf16> -> vector<16xf32>
        %parallel_loop3A_718 = tpu.unpack_subelements %parallel_loop3A_716, 1 {pack_format = #tpu.pack_format<interleaved>} : vector<32xbf16> -> vector<16xf32>
        %parallel_loop3A_719 = arith.addf %parallel_loop3A_690, %parallel_loop3A_717 : vector<16xf32>
        %parallel_loop3A_720 = arith.addf %parallel_loop3A_691, %parallel_loop3A_718 : vector<16xf32>
        %parallel_loop3A_721 = arith.constant 25100 : i32
        %parallel_loop3A_722 = vector.broadcast %parallel_loop3A_721 : i32 to vector<16xi32>
        %parallel_loop3A_723 = arith.addi %parallel_loop3A_702, %parallel_loop3A_722 : vector<16xi32>
        %parallel_loop3A_724 = tpu.vector_load_idx %arg5[%parallel_loop3A_723] : memref<50200xi32, #tpu.memory_space<vmem>>[vector<16xi32>], vector<16xi32>,
        %parallel_loop3A_725 = vector.bitcast %parallel_loop3A_724 : vector<16xi32> to vector<32xbf16>
        %parallel_loop3A_726 = tpu.unpack_subelements %parallel_loop3A_725, 0 {pack_format = #tpu.pack_format<interleaved>} : vector<32xbf16> -> vector<16xf32>
        %parallel_loop3A_727 = tpu.unpack_subelements %parallel_loop3A_725, 1 {pack_format = #tpu.pack_format<interleaved>} : vector<32xbf16> -> vector<16xf32>
        %parallel_loop3A_728 = arith.addf %parallel_loop3A_692, %parallel_loop3A_726 : vector<16xf32>
        %parallel_loop3A_729 = arith.addf %parallel_loop3A_693, %parallel_loop3A_727 : vector<16xf32>
        %parallel_loop3A_730 = arith.constant 37650 : i32
        %parallel_loop3A_731 = vector.broadcast %parallel_loop3A_730 : i32 to vector<16xi32>
        %parallel_loop3A_732 = arith.addi %parallel_loop3A_702, %parallel_loop3A_731 : vector<16xi32>
        %parallel_loop3A_733 = tpu.vector_load_idx %arg5[%parallel_loop3A_732] : memref<50200xi32, #tpu.memory_space<vmem>>[vector<16xi32>], vector<16xi32>,
        %parallel_loop3A_734 = vector.bitcast %parallel_loop3A_733 : vector<16xi32> to vector<32xbf16>
        %parallel_loop3A_735 = tpu.unpack_subelements %parallel_loop3A_734, 0 {pack_format = #tpu.pack_format<interleaved>} : vector<32xbf16> -> vector<16xf32>
        %parallel_loop3A_736 = tpu.unpack_subelements %parallel_loop3A_734, 1 {pack_format = #tpu.pack_format<interleaved>} : vector<32xbf16> -> vector<16xf32>
        %parallel_loop3A_737 = arith.addf %parallel_loop3A_694, %parallel_loop3A_735 : vector<16xf32>
        %parallel_loop3A_738 = arith.addf %parallel_loop3A_695, %parallel_loop3A_736 : vector<16xf32>
        %parallel_loop3A_739 = arith.constant 1 : i32
        %parallel_loop3A_740 = arith.addi %parallel_loop3A_697, %parallel_loop3A_739 : i32
        %parallel_loop3A_741 = arith.index_cast %parallel_loop3A_740 : i32 to index
        %parallel_loop3A_742 = arith.constant 48 : index
        %parallel_loop3A_743 = tpu.vector_load %arg6[%parallel_loop3A_741, %parallel_loop3A_742] {strides = array<i32>} : memref<150x128xi32, #tpu.memory_space<vmem>>, vector<16xi32>,
        %parallel_loop3A_744 = arith.constant 0 : i32
        %parallel_loop3A_745 = vector.broadcast %parallel_loop3A_744 : i32 to vector<16xi32>
        %parallel_loop3A_746 = arith.addi %parallel_loop3A_743, %parallel_loop3A_745 : vector<16xi32>
        %parallel_loop3A_747 = tpu.vector_load_idx %arg5[%parallel_loop3A_746] : memref<50200xi32, #tpu.memory_space<vmem>>[vector<16xi32>], vector<16xi32>,
        %parallel_loop3A_748 = vector.bitcast %parallel_loop3A_747 : vector<16xi32> to vector<32xbf16>
        %parallel_loop3A_749 = tpu.unpack_subelements %parallel_loop3A_748, 0 {pack_format = #tpu.pack_format<interleaved>} : vector<32xbf16> -> vector<16xf32>
        %parallel_loop3A_750 = tpu.unpack_subelements %parallel_loop3A_748, 1 {pack_format = #tpu.pack_format<interleaved>} : vector<32xbf16> -> vector<16xf32>
        %parallel_loop3A_751 = arith.addf %parallel_loop3A_710, %parallel_loop3A_749 : vector<16xf32>
        %parallel_loop3A_752 = arith.addf %parallel_loop3A_711, %parallel_loop3A_750 : vector<16xf32>
        %parallel_loop3A_753 = arith.constant 12550 : i32
        %parallel_loop3A_754 = vector.broadcast %parallel_loop3A_753 : i32 to vector<16xi32>
        %parallel_loop3A_755 = arith.addi %parallel_loop3A_743, %parallel_loop3A_754 : vector<16xi32>
        %parallel_loop3A_756 = tpu.vector_load_idx %arg5[%parallel_loop3A_755] : memref<50200xi32, #tpu.memory_space<vmem>>[vector<16xi32>], vector<16xi32>,
        %parallel_loop3A_757 = vector.bitcast %parallel_loop3A_756 : vector<16xi32> to vector<32xbf16>
        %parallel_loop3A_758 = tpu.unpack_subelements %parallel_loop3A_757, 0 {pack_format = #tpu.pack_format<interleaved>} : vector<32xbf16> -> vector<16xf32>
        %parallel_loop3A_759 = tpu.unpack_subelements %parallel_loop3A_757, 1 {pack_format = #tpu.pack_format<interleaved>} : vector<32xbf16> -> vector<16xf32>
        %parallel_loop3A_760 = arith.addf %parallel_loop3A_719, %parallel_loop3A_758 : vector<16xf32>
        %parallel_loop3A_761 = arith.addf %parallel_loop3A_720, %parallel_loop3A_759 : vector<16xf32>
        %parallel_loop3A_762 = arith.constant 25100 : i32
        %parallel_loop3A_763 = vector.broadcast %parallel_loop3A_762 : i32 to vector<16xi32>
        %parallel_loop3A_764 = arith.addi %parallel_loop3A_743, %parallel_loop3A_763 : vector<16xi32>
        %parallel_loop3A_765 = tpu.vector_load_idx %arg5[%parallel_loop3A_764] : memref<50200xi32, #tpu.memory_space<vmem>>[vector<16xi32>], vector<16xi32>,
        %parallel_loop3A_766 = vector.bitcast %parallel_loop3A_765 : vector<16xi32> to vector<32xbf16>
        %parallel_loop3A_767 = tpu.unpack_subelements %parallel_loop3A_766, 0 {pack_format = #tpu.pack_format<interleaved>} : vector<32xbf16> -> vector<16xf32>
        %parallel_loop3A_768 = tpu.unpack_subelements %parallel_loop3A_766, 1 {pack_format = #tpu.pack_format<interleaved>} : vector<32xbf16> -> vector<16xf32>
        %parallel_loop3A_769 = arith.addf %parallel_loop3A_728, %parallel_loop3A_767 : vector<16xf32>
        %parallel_loop3A_770 = arith.addf %parallel_loop3A_729, %parallel_loop3A_768 : vector<16xf32>
        %parallel_loop3A_771 = arith.constant 37650 : i32
        %parallel_loop3A_772 = vector.broadcast %parallel_loop3A_771 : i32 to vector<16xi32>
        %parallel_loop3A_773 = arith.addi %parallel_loop3A_743, %parallel_loop3A_772 : vector<16xi32>
        %parallel_loop3A_774 = tpu.vector_load_idx %arg5[%parallel_loop3A_773] : memref<50200xi32, #tpu.memory_space<vmem>>[vector<16xi32>], vector<16xi32>,
        %parallel_loop3A_775 = vector.bitcast %parallel_loop3A_774 : vector<16xi32> to vector<32xbf16>
        %parallel_loop3A_776 = tpu.unpack_subelements %parallel_loop3A_775, 0 {pack_format = #tpu.pack_format<interleaved>} : vector<32xbf16> -> vector<16xf32>
        %parallel_loop3A_777 = tpu.unpack_subelements %parallel_loop3A_775, 1 {pack_format = #tpu.pack_format<interleaved>} : vector<32xbf16> -> vector<16xf32>
        %parallel_loop3A_778 = arith.addf %parallel_loop3A_737, %parallel_loop3A_776 : vector<16xf32>
        %parallel_loop3A_779 = arith.addf %parallel_loop3A_738, %parallel_loop3A_777 : vector<16xf32>
        %parallel_loop3A_780 = arith.constant 2 : i32
        %parallel_loop3A_781 = arith.addi %parallel_loop3A_697, %parallel_loop3A_780 : i32
        %parallel_loop3A_782 = arith.index_cast %parallel_loop3A_781 : i32 to index
        %parallel_loop3A_783 = arith.constant 48 : index
        %parallel_loop3A_784 = tpu.vector_load %arg6[%parallel_loop3A_782, %parallel_loop3A_783] {strides = array<i32>} : memref<150x128xi32, #tpu.memory_space<vmem>>, vector<16xi32>,
        %parallel_loop3A_785 = arith.constant 0 : i32
        %parallel_loop3A_786 = vector.broadcast %parallel_loop3A_785 : i32 to vector<16xi32>
        %parallel_loop3A_787 = arith.addi %parallel_loop3A_784, %parallel_loop3A_786 : vector<16xi32>
        %parallel_loop3A_788 = tpu.vector_load_idx %arg5[%parallel_loop3A_787] : memref<50200xi32, #tpu.memory_space<vmem>>[vector<16xi32>], vector<16xi32>,
        %parallel_loop3A_789 = vector.bitcast %parallel_loop3A_788 : vector<16xi32> to vector<32xbf16>
        %parallel_loop3A_790 = tpu.unpack_subelements %parallel_loop3A_789, 0 {pack_format = #tpu.pack_format<interleaved>} : vector<32xbf16> -> vector<16xf32>
        %parallel_loop3A_791 = tpu.unpack_subelements %parallel_loop3A_789, 1 {pack_format = #tpu.pack_format<interleaved>} : vector<32xbf16> -> vector<16xf32>
        %parallel_loop3A_792 = arith.addf %parallel_loop3A_751, %parallel_loop3A_790 : vector<16xf32>
        %parallel_loop3A_793 = arith.addf %parallel_loop3A_752, %parallel_loop3A_791 : vector<16xf32>
        %parallel_loop3A_794 = arith.constant 12550 : i32
        %parallel_loop3A_795 = vector.broadcast %parallel_loop3A_794 : i32 to vector<16xi32>
        %parallel_loop3A_796 = arith.addi %parallel_loop3A_784, %parallel_loop3A_795 : vector<16xi32>
        %parallel_loop3A_797 = tpu.vector_load_idx %arg5[%parallel_loop3A_796] : memref<50200xi32, #tpu.memory_space<vmem>>[vector<16xi32>], vector<16xi32>,
        %parallel_loop3A_798 = vector.bitcast %parallel_loop3A_797 : vector<16xi32> to vector<32xbf16>
        %parallel_loop3A_799 = tpu.unpack_subelements %parallel_loop3A_798, 0 {pack_format = #tpu.pack_format<interleaved>} : vector<32xbf16> -> vector<16xf32>
        %parallel_loop3A_800 = tpu.unpack_subelements %parallel_loop3A_798, 1 {pack_format = #tpu.pack_format<interleaved>} : vector<32xbf16> -> vector<16xf32>
        %parallel_loop3A_801 = arith.addf %parallel_loop3A_760, %parallel_loop3A_799 : vector<16xf32>
        %parallel_loop3A_802 = arith.addf %parallel_loop3A_761, %parallel_loop3A_800 : vector<16xf32>
        %parallel_loop3A_803 = arith.constant 25100 : i32
        %parallel_loop3A_804 = vector.broadcast %parallel_loop3A_803 : i32 to vector<16xi32>
        %parallel_loop3A_805 = arith.addi %parallel_loop3A_784, %parallel_loop3A_804 : vector<16xi32>
        %parallel_loop3A_806 = tpu.vector_load_idx %arg5[%parallel_loop3A_805] : memref<50200xi32, #tpu.memory_space<vmem>>[vector<16xi32>], vector<16xi32>,
        %parallel_loop3A_807 = vector.bitcast %parallel_loop3A_806 : vector<16xi32> to vector<32xbf16>
        %parallel_loop3A_808 = tpu.unpack_subelements %parallel_loop3A_807, 0 {pack_format = #tpu.pack_format<interleaved>} : vector<32xbf16> -> vector<16xf32>
        %parallel_loop3A_809 = tpu.unpack_subelements %parallel_loop3A_807, 1 {pack_format = #tpu.pack_format<interleaved>} : vector<32xbf16> -> vector<16xf32>
        %parallel_loop3A_810 = arith.addf %parallel_loop3A_769, %parallel_loop3A_808 : vector<16xf32>
        %parallel_loop3A_811 = arith.addf %parallel_loop3A_770, %parallel_loop3A_809 : vector<16xf32>
        %parallel_loop3A_812 = arith.constant 37650 : i32
        %parallel_loop3A_813 = vector.broadcast %parallel_loop3A_812 : i32 to vector<16xi32>
        %parallel_loop3A_814 = arith.addi %parallel_loop3A_784, %parallel_loop3A_813 : vector<16xi32>
        %parallel_loop3A_815 = tpu.vector_load_idx %arg5[%parallel_loop3A_814] : memref<50200xi32, #tpu.memory_space<vmem>>[vector<16xi32>], vector<16xi32>,
        %parallel_loop3A_816 = vector.bitcast %parallel_loop3A_815 : vector<16xi32> to vector<32xbf16>
        %parallel_loop3A_817 = tpu.unpack_subelements %parallel_loop3A_816, 0 {pack_format = #tpu.pack_format<interleaved>} : vector<32xbf16> -> vector<16xf32>
        %parallel_loop3A_818 = tpu.unpack_subelements %parallel_loop3A_816, 1 {pack_format = #tpu.pack_format<interleaved>} : vector<32xbf16> -> vector<16xf32>
        %parallel_loop3A_819 = arith.addf %parallel_loop3A_778, %parallel_loop3A_817 : vector<16xf32>
        %parallel_loop3A_820 = arith.addf %parallel_loop3A_779, %parallel_loop3A_818 : vector<16xf32>
        scf.yield %parallel_loop3A_792, %parallel_loop3A_793, %parallel_loop3A_801, %parallel_loop3A_802, %parallel_loop3A_810, %parallel_loop3A_811, %parallel_loop3A_819, %parallel_loop3A_820 : vector<16xf32>, vector<16xf32>, vector<16xf32>, vector<16xf32>, vector<16xf32>, vector<16xf32>, vector<16xf32>, vector<16xf32>
      } {sc.loop_unroll_factor = 1 : i64, sc.parallel_access}
      %swap3A_166 = arith.constant 0 : i32
      %swap3A_167 = arith.index_cast %swap3A_166 : i32 to index
      %swap3A_168 = arith.constant 48 : index
      %swap3A_169 = tpu.vector_load %arg8[%swap3A_167, %swap3A_168] {strides = array<i32>} : memref<8x128xf32, #tpu.memory_space<vmem>>, vector<16xf32>,
      tpu.vector_store %arg8[%swap3A_167, %swap3A_168], %parallel_loop3A_165#0 {strides = array<i32>} : memref<8x128xf32, #tpu.memory_space<vmem>>, vector<16xf32>,
      %swap3A_170 = arith.constant 1 : i32
      %swap3A_171 = arith.index_cast %swap3A_170 : i32 to index
      %swap3A_172 = arith.constant 48 : index
      %swap3A_173 = tpu.vector_load %arg8[%swap3A_171, %swap3A_172] {strides = array<i32>} : memref<8x128xf32, #tpu.memory_space<vmem>>, vector<16xf32>,
      tpu.vector_store %arg8[%swap3A_171, %swap3A_172], %parallel_loop3A_165#1 {strides = array<i32>} : memref<8x128xf32, #tpu.memory_space<vmem>>, vector<16xf32>,
      %swap3A_174 = arith.constant 2 : i32
      %swap3A_175 = arith.index_cast %swap3A_174 : i32 to index
      %swap3A_176 = arith.constant 48 : index
      %swap3A_177 = tpu.vector_load %arg8[%swap3A_175, %swap3A_176] {strides = array<i32>} : memref<8x128xf32, #tpu.memory_space<vmem>>, vector<16xf32>,
      tpu.vector_store %arg8[%swap3A_175, %swap3A_176], %parallel_loop3A_165#2 {strides = array<i32>} : memref<8x128xf32, #tpu.memory_space<vmem>>, vector<16xf32>,
      %swap3A_178 = arith.constant 3 : i32
      %swap3A_179 = arith.index_cast %swap3A_178 : i32 to index
      %swap3A_180 = arith.constant 48 : index
      %swap3A_181 = tpu.vector_load %arg8[%swap3A_179, %swap3A_180] {strides = array<i32>} : memref<8x128xf32, #tpu.memory_space<vmem>>, vector<16xf32>,
      tpu.vector_store %arg8[%swap3A_179, %swap3A_180], %parallel_loop3A_165#3 {strides = array<i32>} : memref<8x128xf32, #tpu.memory_space<vmem>>, vector<16xf32>,
      %swap3A_182 = arith.constant 4 : i32
      %swap3A_183 = arith.index_cast %swap3A_182 : i32 to index
      %swap3A_184 = arith.constant 48 : index
      %swap3A_185 = tpu.vector_load %arg8[%swap3A_183, %swap3A_184] {strides = array<i32>} : memref<8x128xf32, #tpu.memory_space<vmem>>, vector<16xf32>,
      tpu.vector_store %arg8[%swap3A_183, %swap3A_184], %parallel_loop3A_165#4 {strides = array<i32>} : memref<8x128xf32, #tpu.memory_space<vmem>>, vector<16xf32>,
      %swap3A_186 = arith.constant 5 : i32
      %swap3A_187 = arith.index_cast %swap3A_186 : i32 to index
      %swap3A_188 = arith.constant 48 : index
      %swap3A_189 = tpu.vector_load %arg8[%swap3A_187, %swap3A_188] {strides = array<i32>} : memref<8x128xf32, #tpu.memory_space<vmem>>, vector<16xf32>,
      tpu.vector_store %arg8[%swap3A_187, %swap3A_188], %parallel_loop3A_165#5 {strides = array<i32>} : memref<8x128xf32, #tpu.memory_space<vmem>>, vector<16xf32>,
      %swap3A_190 = arith.constant 6 : i32
      %swap3A_191 = arith.index_cast %swap3A_190 : i32 to index
      %swap3A_192 = arith.constant 48 : index
      %swap3A_193 = tpu.vector_load %arg8[%swap3A_191, %swap3A_192] {strides = array<i32>} : memref<8x128xf32, #tpu.memory_space<vmem>>, vector<16xf32>,
      tpu.vector_store %arg8[%swap3A_191, %swap3A_192], %parallel_loop3A_165#6 {strides = array<i32>} : memref<8x128xf32, #tpu.memory_space<vmem>>, vector<16xf32>,
      %swap3A_194 = arith.constant 7 : i32
      %swap3A_195 = arith.index_cast %swap3A_194 : i32 to index
      %swap3A_196 = arith.constant 48 : index
      %swap3A_197 = tpu.vector_load %arg8[%swap3A_195, %swap3A_196] {strides = array<i32>} : memref<8x128xf32, #tpu.memory_space<vmem>>, vector<16xf32>,
      tpu.vector_store %arg8[%swap3A_195, %swap3A_196], %parallel_loop3A_165#7 {strides = array<i32>} : memref<8x128xf32, #tpu.memory_space<vmem>>, vector<16xf32>,
      %broadcast_in_dim3A_198 = arith.constant 0.000000e+00 : f32
      %broadcast_in_dim3A_199 = vector.broadcast %broadcast_in_dim3A_198 : f32 to vector<16xf32>
      %parallel_loop3A_200 = arith.constant 0 : i32
      %parallel_loop3A_201 = arith.constant 50 : i32
      %parallel_loop3A_202 = arith.constant 1 : i32
      %parallel_loop3A_203:8 = scf.for %parallel_loop3A_687 = %parallel_loop3A_200 to %parallel_loop3A_201 step %parallel_loop3A_202 iter_args(%parallel_loop3A_688 = %broadcast_in_dim3A_199, %parallel_loop3A_689 = %broadcast_in_dim3A_199, %parallel_loop3A_690 = %broadcast_in_dim3A_199, %parallel_loop3A_691 = %broadcast_in_dim3A_199, %parallel_loop3A_692 = %broadcast_in_dim3A_199, %parallel_loop3A_693 = %broadcast_in_dim3A_199, %parallel_loop3A_694 = %broadcast_in_dim3A_199, %parallel_loop3A_695 = %broadcast_in_dim3A_199) -> (vector<16xf32>, vector<16xf32>, vector<16xf32>, vector<16xf32>, vector<16xf32>, vector<16xf32>, vector<16xf32>, vector<16xf32>)  : i32 {
        %parallel_loop3A_696 = arith.constant 3 : i32
        %parallel_loop3A_697 = arith.muli %parallel_loop3A_687, %parallel_loop3A_696 : i32
        %parallel_loop3A_698 = arith.constant 0 : i32
        %parallel_loop3A_699 = arith.addi %parallel_loop3A_697, %parallel_loop3A_698 : i32
        %parallel_loop3A_700 = arith.index_cast %parallel_loop3A_699 : i32 to index
        %parallel_loop3A_701 = arith.constant 64 : index
        %parallel_loop3A_702 = tpu.vector_load %arg6[%parallel_loop3A_700, %parallel_loop3A_701] {strides = array<i32>} : memref<150x128xi32, #tpu.memory_space<vmem>>, vector<16xi32>,
        %parallel_loop3A_703 = arith.constant 0 : i32
        %parallel_loop3A_704 = vector.broadcast %parallel_loop3A_703 : i32 to vector<16xi32>
        %parallel_loop3A_705 = arith.addi %parallel_loop3A_702, %parallel_loop3A_704 : vector<16xi32>
        %parallel_loop3A_706 = tpu.vector_load_idx %arg5[%parallel_loop3A_705] : memref<50200xi32, #tpu.memory_space<vmem>>[vector<16xi32>], vector<16xi32>,
        %parallel_loop3A_707 = vector.bitcast %parallel_loop3A_706 : vector<16xi32> to vector<32xbf16>
        %parallel_loop3A_708 = tpu.unpack_subelements %parallel_loop3A_707, 0 {pack_format = #tpu.pack_format<interleaved>} : vector<32xbf16> -> vector<16xf32>
        %parallel_loop3A_709 = tpu.unpack_subelements %parallel_loop3A_707, 1 {pack_format = #tpu.pack_format<interleaved>} : vector<32xbf16> -> vector<16xf32>
        %parallel_loop3A_710 = arith.addf %parallel_loop3A_688, %parallel_loop3A_708 : vector<16xf32>
        %parallel_loop3A_711 = arith.addf %parallel_loop3A_689, %parallel_loop3A_709 : vector<16xf32>
        %parallel_loop3A_712 = arith.constant 12550 : i32
        %parallel_loop3A_713 = vector.broadcast %parallel_loop3A_712 : i32 to vector<16xi32>
        %parallel_loop3A_714 = arith.addi %parallel_loop3A_702, %parallel_loop3A_713 : vector<16xi32>
        %parallel_loop3A_715 = tpu.vector_load_idx %arg5[%parallel_loop3A_714] : memref<50200xi32, #tpu.memory_space<vmem>>[vector<16xi32>], vector<16xi32>,
        %parallel_loop3A_716 = vector.bitcast %parallel_loop3A_715 : vector<16xi32> to vector<32xbf16>
        %parallel_loop3A_717 = tpu.unpack_subelements %parallel_loop3A_716, 0 {pack_format = #tpu.pack_format<interleaved>} : vector<32xbf16> -> vector<16xf32>
        %parallel_loop3A_718 = tpu.unpack_subelements %parallel_loop3A_716, 1 {pack_format = #tpu.pack_format<interleaved>} : vector<32xbf16> -> vector<16xf32>
        %parallel_loop3A_719 = arith.addf %parallel_loop3A_690, %parallel_loop3A_717 : vector<16xf32>
        %parallel_loop3A_720 = arith.addf %parallel_loop3A_691, %parallel_loop3A_718 : vector<16xf32>
        %parallel_loop3A_721 = arith.constant 25100 : i32
        %parallel_loop3A_722 = vector.broadcast %parallel_loop3A_721 : i32 to vector<16xi32>
        %parallel_loop3A_723 = arith.addi %parallel_loop3A_702, %parallel_loop3A_722 : vector<16xi32>
        %parallel_loop3A_724 = tpu.vector_load_idx %arg5[%parallel_loop3A_723] : memref<50200xi32, #tpu.memory_space<vmem>>[vector<16xi32>], vector<16xi32>,
        %parallel_loop3A_725 = vector.bitcast %parallel_loop3A_724 : vector<16xi32> to vector<32xbf16>
        %parallel_loop3A_726 = tpu.unpack_subelements %parallel_loop3A_725, 0 {pack_format = #tpu.pack_format<interleaved>} : vector<32xbf16> -> vector<16xf32>
        %parallel_loop3A_727 = tpu.unpack_subelements %parallel_loop3A_725, 1 {pack_format = #tpu.pack_format<interleaved>} : vector<32xbf16> -> vector<16xf32>
        %parallel_loop3A_728 = arith.addf %parallel_loop3A_692, %parallel_loop3A_726 : vector<16xf32>
        %parallel_loop3A_729 = arith.addf %parallel_loop3A_693, %parallel_loop3A_727 : vector<16xf32>
        %parallel_loop3A_730 = arith.constant 37650 : i32
        %parallel_loop3A_731 = vector.broadcast %parallel_loop3A_730 : i32 to vector<16xi32>
        %parallel_loop3A_732 = arith.addi %parallel_loop3A_702, %parallel_loop3A_731 : vector<16xi32>
        %parallel_loop3A_733 = tpu.vector_load_idx %arg5[%parallel_loop3A_732] : memref<50200xi32, #tpu.memory_space<vmem>>[vector<16xi32>], vector<16xi32>,
        %parallel_loop3A_734 = vector.bitcast %parallel_loop3A_733 : vector<16xi32> to vector<32xbf16>
        %parallel_loop3A_735 = tpu.unpack_subelements %parallel_loop3A_734, 0 {pack_format = #tpu.pack_format<interleaved>} : vector<32xbf16> -> vector<16xf32>
        %parallel_loop3A_736 = tpu.unpack_subelements %parallel_loop3A_734, 1 {pack_format = #tpu.pack_format<interleaved>} : vector<32xbf16> -> vector<16xf32>
        %parallel_loop3A_737 = arith.addf %parallel_loop3A_694, %parallel_loop3A_735 : vector<16xf32>
        %parallel_loop3A_738 = arith.addf %parallel_loop3A_695, %parallel_loop3A_736 : vector<16xf32>
        %parallel_loop3A_739 = arith.constant 1 : i32
        %parallel_loop3A_740 = arith.addi %parallel_loop3A_697, %parallel_loop3A_739 : i32
        %parallel_loop3A_741 = arith.index_cast %parallel_loop3A_740 : i32 to index
        %parallel_loop3A_742 = arith.constant 64 : index
        %parallel_loop3A_743 = tpu.vector_load %arg6[%parallel_loop3A_741, %parallel_loop3A_742] {strides = array<i32>} : memref<150x128xi32, #tpu.memory_space<vmem>>, vector<16xi32>,
        %parallel_loop3A_744 = arith.constant 0 : i32
        %parallel_loop3A_745 = vector.broadcast %parallel_loop3A_744 : i32 to vector<16xi32>
        %parallel_loop3A_746 = arith.addi %parallel_loop3A_743, %parallel_loop3A_745 : vector<16xi32>
        %parallel_loop3A_747 = tpu.vector_load_idx %arg5[%parallel_loop3A_746] : memref<50200xi32, #tpu.memory_space<vmem>>[vector<16xi32>], vector<16xi32>,
        %parallel_loop3A_748 = vector.bitcast %parallel_loop3A_747 : vector<16xi32> to vector<32xbf16>
        %parallel_loop3A_749 = tpu.unpack_subelements %parallel_loop3A_748, 0 {pack_format = #tpu.pack_format<interleaved>} : vector<32xbf16> -> vector<16xf32>
        %parallel_loop3A_750 = tpu.unpack_subelements %parallel_loop3A_748, 1 {pack_format = #tpu.pack_format<interleaved>} : vector<32xbf16> -> vector<16xf32>
        %parallel_loop3A_751 = arith.addf %parallel_loop3A_710, %parallel_loop3A_749 : vector<16xf32>
        %parallel_loop3A_752 = arith.addf %parallel_loop3A_711, %parallel_loop3A_750 : vector<16xf32>
        %parallel_loop3A_753 = arith.constant 12550 : i32
        %parallel_loop3A_754 = vector.broadcast %parallel_loop3A_753 : i32 to vector<16xi32>
        %parallel_loop3A_755 = arith.addi %parallel_loop3A_743, %parallel_loop3A_754 : vector<16xi32>
        %parallel_loop3A_756 = tpu.vector_load_idx %arg5[%parallel_loop3A_755] : memref<50200xi32, #tpu.memory_space<vmem>>[vector<16xi32>], vector<16xi32>,
        %parallel_loop3A_757 = vector.bitcast %parallel_loop3A_756 : vector<16xi32> to vector<32xbf16>
        %parallel_loop3A_758 = tpu.unpack_subelements %parallel_loop3A_757, 0 {pack_format = #tpu.pack_format<interleaved>} : vector<32xbf16> -> vector<16xf32>
        %parallel_loop3A_759 = tpu.unpack_subelements %parallel_loop3A_757, 1 {pack_format = #tpu.pack_format<interleaved>} : vector<32xbf16> -> vector<16xf32>
        %parallel_loop3A_760 = arith.addf %parallel_loop3A_719, %parallel_loop3A_758 : vector<16xf32>
        %parallel_loop3A_761 = arith.addf %parallel_loop3A_720, %parallel_loop3A_759 : vector<16xf32>
        %parallel_loop3A_762 = arith.constant 25100 : i32
        %parallel_loop3A_763 = vector.broadcast %parallel_loop3A_762 : i32 to vector<16xi32>
        %parallel_loop3A_764 = arith.addi %parallel_loop3A_743, %parallel_loop3A_763 : vector<16xi32>
        %parallel_loop3A_765 = tpu.vector_load_idx %arg5[%parallel_loop3A_764] : memref<50200xi32, #tpu.memory_space<vmem>>[vector<16xi32>], vector<16xi32>,
        %parallel_loop3A_766 = vector.bitcast %parallel_loop3A_765 : vector<16xi32> to vector<32xbf16>
        %parallel_loop3A_767 = tpu.unpack_subelements %parallel_loop3A_766, 0 {pack_format = #tpu.pack_format<interleaved>} : vector<32xbf16> -> vector<16xf32>
        %parallel_loop3A_768 = tpu.unpack_subelements %parallel_loop3A_766, 1 {pack_format = #tpu.pack_format<interleaved>} : vector<32xbf16> -> vector<16xf32>
        %parallel_loop3A_769 = arith.addf %parallel_loop3A_728, %parallel_loop3A_767 : vector<16xf32>
        %parallel_loop3A_770 = arith.addf %parallel_loop3A_729, %parallel_loop3A_768 : vector<16xf32>
        %parallel_loop3A_771 = arith.constant 37650 : i32
        %parallel_loop3A_772 = vector.broadcast %parallel_loop3A_771 : i32 to vector<16xi32>
        %parallel_loop3A_773 = arith.addi %parallel_loop3A_743, %parallel_loop3A_772 : vector<16xi32>
        %parallel_loop3A_774 = tpu.vector_load_idx %arg5[%parallel_loop3A_773] : memref<50200xi32, #tpu.memory_space<vmem>>[vector<16xi32>], vector<16xi32>,
        %parallel_loop3A_775 = vector.bitcast %parallel_loop3A_774 : vector<16xi32> to vector<32xbf16>
        %parallel_loop3A_776 = tpu.unpack_subelements %parallel_loop3A_775, 0 {pack_format = #tpu.pack_format<interleaved>} : vector<32xbf16> -> vector<16xf32>
        %parallel_loop3A_777 = tpu.unpack_subelements %parallel_loop3A_775, 1 {pack_format = #tpu.pack_format<interleaved>} : vector<32xbf16> -> vector<16xf32>
        %parallel_loop3A_778 = arith.addf %parallel_loop3A_737, %parallel_loop3A_776 : vector<16xf32>
        %parallel_loop3A_779 = arith.addf %parallel_loop3A_738, %parallel_loop3A_777 : vector<16xf32>
        %parallel_loop3A_780 = arith.constant 2 : i32
        %parallel_loop3A_781 = arith.addi %parallel_loop3A_697, %parallel_loop3A_780 : i32
        %parallel_loop3A_782 = arith.index_cast %parallel_loop3A_781 : i32 to index
        %parallel_loop3A_783 = arith.constant 64 : index
        %parallel_loop3A_784 = tpu.vector_load %arg6[%parallel_loop3A_782, %parallel_loop3A_783] {strides = array<i32>} : memref<150x128xi32, #tpu.memory_space<vmem>>, vector<16xi32>,
        %parallel_loop3A_785 = arith.constant 0 : i32
        %parallel_loop3A_786 = vector.broadcast %parallel_loop3A_785 : i32 to vector<16xi32>
        %parallel_loop3A_787 = arith.addi %parallel_loop3A_784, %parallel_loop3A_786 : vector<16xi32>
        %parallel_loop3A_788 = tpu.vector_load_idx %arg5[%parallel_loop3A_787] : memref<50200xi32, #tpu.memory_space<vmem>>[vector<16xi32>], vector<16xi32>,
        %parallel_loop3A_789 = vector.bitcast %parallel_loop3A_788 : vector<16xi32> to vector<32xbf16>
        %parallel_loop3A_790 = tpu.unpack_subelements %parallel_loop3A_789, 0 {pack_format = #tpu.pack_format<interleaved>} : vector<32xbf16> -> vector<16xf32>
        %parallel_loop3A_791 = tpu.unpack_subelements %parallel_loop3A_789, 1 {pack_format = #tpu.pack_format<interleaved>} : vector<32xbf16> -> vector<16xf32>
        %parallel_loop3A_792 = arith.addf %parallel_loop3A_751, %parallel_loop3A_790 : vector<16xf32>
        %parallel_loop3A_793 = arith.addf %parallel_loop3A_752, %parallel_loop3A_791 : vector<16xf32>
        %parallel_loop3A_794 = arith.constant 12550 : i32
        %parallel_loop3A_795 = vector.broadcast %parallel_loop3A_794 : i32 to vector<16xi32>
        %parallel_loop3A_796 = arith.addi %parallel_loop3A_784, %parallel_loop3A_795 : vector<16xi32>
        %parallel_loop3A_797 = tpu.vector_load_idx %arg5[%parallel_loop3A_796] : memref<50200xi32, #tpu.memory_space<vmem>>[vector<16xi32>], vector<16xi32>,
        %parallel_loop3A_798 = vector.bitcast %parallel_loop3A_797 : vector<16xi32> to vector<32xbf16>
        %parallel_loop3A_799 = tpu.unpack_subelements %parallel_loop3A_798, 0 {pack_format = #tpu.pack_format<interleaved>} : vector<32xbf16> -> vector<16xf32>
        %parallel_loop3A_800 = tpu.unpack_subelements %parallel_loop3A_798, 1 {pack_format = #tpu.pack_format<interleaved>} : vector<32xbf16> -> vector<16xf32>
        %parallel_loop3A_801 = arith.addf %parallel_loop3A_760, %parallel_loop3A_799 : vector<16xf32>
        %parallel_loop3A_802 = arith.addf %parallel_loop3A_761, %parallel_loop3A_800 : vector<16xf32>
        %parallel_loop3A_803 = arith.constant 25100 : i32
        %parallel_loop3A_804 = vector.broadcast %parallel_loop3A_803 : i32 to vector<16xi32>
        %parallel_loop3A_805 = arith.addi %parallel_loop3A_784, %parallel_loop3A_804 : vector<16xi32>
        %parallel_loop3A_806 = tpu.vector_load_idx %arg5[%parallel_loop3A_805] : memref<50200xi32, #tpu.memory_space<vmem>>[vector<16xi32>], vector<16xi32>,
        %parallel_loop3A_807 = vector.bitcast %parallel_loop3A_806 : vector<16xi32> to vector<32xbf16>
        %parallel_loop3A_808 = tpu.unpack_subelements %parallel_loop3A_807, 0 {pack_format = #tpu.pack_format<interleaved>} : vector<32xbf16> -> vector<16xf32>
        %parallel_loop3A_809 = tpu.unpack_subelements %parallel_loop3A_807, 1 {pack_format = #tpu.pack_format<interleaved>} : vector<32xbf16> -> vector<16xf32>
        %parallel_loop3A_810 = arith.addf %parallel_loop3A_769, %parallel_loop3A_808 : vector<16xf32>
        %parallel_loop3A_811 = arith.addf %parallel_loop3A_770, %parallel_loop3A_809 : vector<16xf32>
        %parallel_loop3A_812 = arith.constant 37650 : i32
        %parallel_loop3A_813 = vector.broadcast %parallel_loop3A_812 : i32 to vector<16xi32>
        %parallel_loop3A_814 = arith.addi %parallel_loop3A_784, %parallel_loop3A_813 : vector<16xi32>
        %parallel_loop3A_815 = tpu.vector_load_idx %arg5[%parallel_loop3A_814] : memref<50200xi32, #tpu.memory_space<vmem>>[vector<16xi32>], vector<16xi32>,
        %parallel_loop3A_816 = vector.bitcast %parallel_loop3A_815 : vector<16xi32> to vector<32xbf16>
        %parallel_loop3A_817 = tpu.unpack_subelements %parallel_loop3A_816, 0 {pack_format = #tpu.pack_format<interleaved>} : vector<32xbf16> -> vector<16xf32>
        %parallel_loop3A_818 = tpu.unpack_subelements %parallel_loop3A_816, 1 {pack_format = #tpu.pack_format<interleaved>} : vector<32xbf16> -> vector<16xf32>
        %parallel_loop3A_819 = arith.addf %parallel_loop3A_778, %parallel_loop3A_817 : vector<16xf32>
        %parallel_loop3A_820 = arith.addf %parallel_loop3A_779, %parallel_loop3A_818 : vector<16xf32>
        scf.yield %parallel_loop3A_792, %parallel_loop3A_793, %parallel_loop3A_801, %parallel_loop3A_802, %parallel_loop3A_810, %parallel_loop3A_811, %parallel_loop3A_819, %parallel_loop3A_820 : vector<16xf32>, vector<16xf32>, vector<16xf32>, vector<16xf32>, vector<16xf32>, vector<16xf32>, vector<16xf32>, vector<16xf32>
      } {sc.loop_unroll_factor = 1 : i64, sc.parallel_access}
      %swap3A_204 = arith.constant 0 : i32
      %swap3A_205 = arith.index_cast %swap3A_204 : i32 to index
      %swap3A_206 = arith.constant 64 : index
      %swap3A_207 = tpu.vector_load %arg8[%swap3A_205, %swap3A_206] {strides = array<i32>} : memref<8x128xf32, #tpu.memory_space<vmem>>, vector<16xf32>,
      tpu.vector_store %arg8[%swap3A_205, %swap3A_206], %parallel_loop3A_203#0 {strides = array<i32>} : memref<8x128xf32, #tpu.memory_space<vmem>>, vector<16xf32>,
      %swap3A_208 = arith.constant 1 : i32
      %swap3A_209 = arith.index_cast %swap3A_208 : i32 to index
      %swap3A_210 = arith.constant 64 : index
      %swap3A_211 = tpu.vector_load %arg8[%swap3A_209, %swap3A_210] {strides = array<i32>} : memref<8x128xf32, #tpu.memory_space<vmem>>, vector<16xf32>,
      tpu.vector_store %arg8[%swap3A_209, %swap3A_210], %parallel_loop3A_203#1 {strides = array<i32>} : memref<8x128xf32, #tpu.memory_space<vmem>>, vector<16xf32>,
      %swap3A_212 = arith.constant 2 : i32
      %swap3A_213 = arith.index_cast %swap3A_212 : i32 to index
      %swap3A_214 = arith.constant 64 : index
      %swap3A_215 = tpu.vector_load %arg8[%swap3A_213, %swap3A_214] {strides = array<i32>} : memref<8x128xf32, #tpu.memory_space<vmem>>, vector<16xf32>,
      tpu.vector_store %arg8[%swap3A_213, %swap3A_214], %parallel_loop3A_203#2 {strides = array<i32>} : memref<8x128xf32, #tpu.memory_space<vmem>>, vector<16xf32>,
      %swap3A_216 = arith.constant 3 : i32
      %swap3A_217 = arith.index_cast %swap3A_216 : i32 to index
      %swap3A_218 = arith.constant 64 : index
      %swap3A_219 = tpu.vector_load %arg8[%swap3A_217, %swap3A_218] {strides = array<i32>} : memref<8x128xf32, #tpu.memory_space<vmem>>, vector<16xf32>,
      tpu.vector_store %arg8[%swap3A_217, %swap3A_218], %parallel_loop3A_203#3 {strides = array<i32>} : memref<8x128xf32, #tpu.memory_space<vmem>>, vector<16xf32>,
      %swap3A_220 = arith.constant 4 : i32
      %swap3A_221 = arith.index_cast %swap3A_220 : i32 to index
      %swap3A_222 = arith.constant 64 : index
      %swap3A_223 = tpu.vector_load %arg8[%swap3A_221, %swap3A_222] {strides = array<i32>} : memref<8x128xf32, #tpu.memory_space<vmem>>, vector<16xf32>,
      tpu.vector_store %arg8[%swap3A_221, %swap3A_222], %parallel_loop3A_203#4 {strides = array<i32>} : memref<8x128xf32, #tpu.memory_space<vmem>>, vector<16xf32>,
      %swap3A_224 = arith.constant 5 : i32
      %swap3A_225 = arith.index_cast %swap3A_224 : i32 to index
      %swap3A_226 = arith.constant 64 : index
      %swap3A_227 = tpu.vector_load %arg8[%swap3A_225, %swap3A_226] {strides = array<i32>} : memref<8x128xf32, #tpu.memory_space<vmem>>, vector<16xf32>,
      tpu.vector_store %arg8[%swap3A_225, %swap3A_226], %parallel_loop3A_203#5 {strides = array<i32>} : memref<8x128xf32, #tpu.memory_space<vmem>>, vector<16xf32>,
      %swap3A_228 = arith.constant 6 : i32
      %swap3A_229 = arith.index_cast %swap3A_228 : i32 to index
      %swap3A_230 = arith.constant 64 : index
      %swap3A_231 = tpu.vector_load %arg8[%swap3A_229, %swap3A_230] {strides = array<i32>} : memref<8x128xf32, #tpu.memory_space<vmem>>, vector<16xf32>,
      tpu.vector_store %arg8[%swap3A_229, %swap3A_230], %parallel_loop3A_203#6 {strides = array<i32>} : memref<8x128xf32, #tpu.memory_space<vmem>>, vector<16xf32>,
      %swap3A_232 = arith.constant 7 : i32
      %swap3A_233 = arith.index_cast %swap3A_232 : i32 to index
      %swap3A_234 = arith.constant 64 : index
      %swap3A_235 = tpu.vector_load %arg8[%swap3A_233, %swap3A_234] {strides = array<i32>} : memref<8x128xf32, #tpu.memory_space<vmem>>, vector<16xf32>,
      tpu.vector_store %arg8[%swap3A_233, %swap3A_234], %parallel_loop3A_203#7 {strides = array<i32>} : memref<8x128xf32, #tpu.memory_space<vmem>>, vector<16xf32>,
      %broadcast_in_dim3A_236 = arith.constant 0.000000e+00 : f32
      %broadcast_in_dim3A_237 = vector.broadcast %broadcast_in_dim3A_236 : f32 to vector<16xf32>
      %parallel_loop3A_238 = arith.constant 0 : i32
      %parallel_loop3A_239 = arith.constant 50 : i32
      %parallel_loop3A_240 = arith.constant 1 : i32
      %parallel_loop3A_241:8 = scf.for %parallel_loop3A_687 = %parallel_loop3A_238 to %parallel_loop3A_239 step %parallel_loop3A_240 iter_args(%parallel_loop3A_688 = %broadcast_in_dim3A_237, %parallel_loop3A_689 = %broadcast_in_dim3A_237, %parallel_loop3A_690 = %broadcast_in_dim3A_237, %parallel_loop3A_691 = %broadcast_in_dim3A_237, %parallel_loop3A_692 = %broadcast_in_dim3A_237, %parallel_loop3A_693 = %broadcast_in_dim3A_237, %parallel_loop3A_694 = %broadcast_in_dim3A_237, %parallel_loop3A_695 = %broadcast_in_dim3A_237) -> (vector<16xf32>, vector<16xf32>, vector<16xf32>, vector<16xf32>, vector<16xf32>, vector<16xf32>, vector<16xf32>, vector<16xf32>)  : i32 {
        %parallel_loop3A_696 = arith.constant 3 : i32
        %parallel_loop3A_697 = arith.muli %parallel_loop3A_687, %parallel_loop3A_696 : i32
        %parallel_loop3A_698 = arith.constant 0 : i32
        %parallel_loop3A_699 = arith.addi %parallel_loop3A_697, %parallel_loop3A_698 : i32
        %parallel_loop3A_700 = arith.index_cast %parallel_loop3A_699 : i32 to index
        %parallel_loop3A_701 = arith.constant 80 : index
        %parallel_loop3A_702 = tpu.vector_load %arg6[%parallel_loop3A_700, %parallel_loop3A_701] {strides = array<i32>} : memref<150x128xi32, #tpu.memory_space<vmem>>, vector<16xi32>,
        %parallel_loop3A_703 = arith.constant 0 : i32
        %parallel_loop3A_704 = vector.broadcast %parallel_loop3A_703 : i32 to vector<16xi32>
        %parallel_loop3A_705 = arith.addi %parallel_loop3A_702, %parallel_loop3A_704 : vector<16xi32>
        %parallel_loop3A_706 = tpu.vector_load_idx %arg5[%parallel_loop3A_705] : memref<50200xi32, #tpu.memory_space<vmem>>[vector<16xi32>], vector<16xi32>,
        %parallel_loop3A_707 = vector.bitcast %parallel_loop3A_706 : vector<16xi32> to vector<32xbf16>
        %parallel_loop3A_708 = tpu.unpack_subelements %parallel_loop3A_707, 0 {pack_format = #tpu.pack_format<interleaved>} : vector<32xbf16> -> vector<16xf32>
        %parallel_loop3A_709 = tpu.unpack_subelements %parallel_loop3A_707, 1 {pack_format = #tpu.pack_format<interleaved>} : vector<32xbf16> -> vector<16xf32>
        %parallel_loop3A_710 = arith.addf %parallel_loop3A_688, %parallel_loop3A_708 : vector<16xf32>
        %parallel_loop3A_711 = arith.addf %parallel_loop3A_689, %parallel_loop3A_709 : vector<16xf32>
        %parallel_loop3A_712 = arith.constant 12550 : i32
        %parallel_loop3A_713 = vector.broadcast %parallel_loop3A_712 : i32 to vector<16xi32>
        %parallel_loop3A_714 = arith.addi %parallel_loop3A_702, %parallel_loop3A_713 : vector<16xi32>
        %parallel_loop3A_715 = tpu.vector_load_idx %arg5[%parallel_loop3A_714] : memref<50200xi32, #tpu.memory_space<vmem>>[vector<16xi32>], vector<16xi32>,
        %parallel_loop3A_716 = vector.bitcast %parallel_loop3A_715 : vector<16xi32> to vector<32xbf16>
        %parallel_loop3A_717 = tpu.unpack_subelements %parallel_loop3A_716, 0 {pack_format = #tpu.pack_format<interleaved>} : vector<32xbf16> -> vector<16xf32>
        %parallel_loop3A_718 = tpu.unpack_subelements %parallel_loop3A_716, 1 {pack_format = #tpu.pack_format<interleaved>} : vector<32xbf16> -> vector<16xf32>
        %parallel_loop3A_719 = arith.addf %parallel_loop3A_690, %parallel_loop3A_717 : vector<16xf32>
        %parallel_loop3A_720 = arith.addf %parallel_loop3A_691, %parallel_loop3A_718 : vector<16xf32>
        %parallel_loop3A_721 = arith.constant 25100 : i32
        %parallel_loop3A_722 = vector.broadcast %parallel_loop3A_721 : i32 to vector<16xi32>
        %parallel_loop3A_723 = arith.addi %parallel_loop3A_702, %parallel_loop3A_722 : vector<16xi32>
        %parallel_loop3A_724 = tpu.vector_load_idx %arg5[%parallel_loop3A_723] : memref<50200xi32, #tpu.memory_space<vmem>>[vector<16xi32>], vector<16xi32>,
        %parallel_loop3A_725 = vector.bitcast %parallel_loop3A_724 : vector<16xi32> to vector<32xbf16>
        %parallel_loop3A_726 = tpu.unpack_subelements %parallel_loop3A_725, 0 {pack_format = #tpu.pack_format<interleaved>} : vector<32xbf16> -> vector<16xf32>
        %parallel_loop3A_727 = tpu.unpack_subelements %parallel_loop3A_725, 1 {pack_format = #tpu.pack_format<interleaved>} : vector<32xbf16> -> vector<16xf32>
        %parallel_loop3A_728 = arith.addf %parallel_loop3A_692, %parallel_loop3A_726 : vector<16xf32>
        %parallel_loop3A_729 = arith.addf %parallel_loop3A_693, %parallel_loop3A_727 : vector<16xf32>
        %parallel_loop3A_730 = arith.constant 37650 : i32
        %parallel_loop3A_731 = vector.broadcast %parallel_loop3A_730 : i32 to vector<16xi32>
        %parallel_loop3A_732 = arith.addi %parallel_loop3A_702, %parallel_loop3A_731 : vector<16xi32>
        %parallel_loop3A_733 = tpu.vector_load_idx %arg5[%parallel_loop3A_732] : memref<50200xi32, #tpu.memory_space<vmem>>[vector<16xi32>], vector<16xi32>,
        %parallel_loop3A_734 = vector.bitcast %parallel_loop3A_733 : vector<16xi32> to vector<32xbf16>
        %parallel_loop3A_735 = tpu.unpack_subelements %parallel_loop3A_734, 0 {pack_format = #tpu.pack_format<interleaved>} : vector<32xbf16> -> vector<16xf32>
        %parallel_loop3A_736 = tpu.unpack_subelements %parallel_loop3A_734, 1 {pack_format = #tpu.pack_format<interleaved>} : vector<32xbf16> -> vector<16xf32>
        %parallel_loop3A_737 = arith.addf %parallel_loop3A_694, %parallel_loop3A_735 : vector<16xf32>
        %parallel_loop3A_738 = arith.addf %parallel_loop3A_695, %parallel_loop3A_736 : vector<16xf32>
        %parallel_loop3A_739 = arith.constant 1 : i32
        %parallel_loop3A_740 = arith.addi %parallel_loop3A_697, %parallel_loop3A_739 : i32
        %parallel_loop3A_741 = arith.index_cast %parallel_loop3A_740 : i32 to index
        %parallel_loop3A_742 = arith.constant 80 : index
        %parallel_loop3A_743 = tpu.vector_load %arg6[%parallel_loop3A_741, %parallel_loop3A_742] {strides = array<i32>} : memref<150x128xi32, #tpu.memory_space<vmem>>, vector<16xi32>,
        %parallel_loop3A_744 = arith.constant 0 : i32
        %parallel_loop3A_745 = vector.broadcast %parallel_loop3A_744 : i32 to vector<16xi32>
        %parallel_loop3A_746 = arith.addi %parallel_loop3A_743, %parallel_loop3A_745 : vector<16xi32>
        %parallel_loop3A_747 = tpu.vector_load_idx %arg5[%parallel_loop3A_746] : memref<50200xi32, #tpu.memory_space<vmem>>[vector<16xi32>], vector<16xi32>,
        %parallel_loop3A_748 = vector.bitcast %parallel_loop3A_747 : vector<16xi32> to vector<32xbf16>
        %parallel_loop3A_749 = tpu.unpack_subelements %parallel_loop3A_748, 0 {pack_format = #tpu.pack_format<interleaved>} : vector<32xbf16> -> vector<16xf32>
        %parallel_loop3A_750 = tpu.unpack_subelements %parallel_loop3A_748, 1 {pack_format = #tpu.pack_format<interleaved>} : vector<32xbf16> -> vector<16xf32>
        %parallel_loop3A_751 = arith.addf %parallel_loop3A_710, %parallel_loop3A_749 : vector<16xf32>
        %parallel_loop3A_752 = arith.addf %parallel_loop3A_711, %parallel_loop3A_750 : vector<16xf32>
        %parallel_loop3A_753 = arith.constant 12550 : i32
        %parallel_loop3A_754 = vector.broadcast %parallel_loop3A_753 : i32 to vector<16xi32>
        %parallel_loop3A_755 = arith.addi %parallel_loop3A_743, %parallel_loop3A_754 : vector<16xi32>
        %parallel_loop3A_756 = tpu.vector_load_idx %arg5[%parallel_loop3A_755] : memref<50200xi32, #tpu.memory_space<vmem>>[vector<16xi32>], vector<16xi32>,
        %parallel_loop3A_757 = vector.bitcast %parallel_loop3A_756 : vector<16xi32> to vector<32xbf16>
        %parallel_loop3A_758 = tpu.unpack_subelements %parallel_loop3A_757, 0 {pack_format = #tpu.pack_format<interleaved>} : vector<32xbf16> -> vector<16xf32>
        %parallel_loop3A_759 = tpu.unpack_subelements %parallel_loop3A_757, 1 {pack_format = #tpu.pack_format<interleaved>} : vector<32xbf16> -> vector<16xf32>
        %parallel_loop3A_760 = arith.addf %parallel_loop3A_719, %parallel_loop3A_758 : vector<16xf32>
        %parallel_loop3A_761 = arith.addf %parallel_loop3A_720, %parallel_loop3A_759 : vector<16xf32>
        %parallel_loop3A_762 = arith.constant 25100 : i32
        %parallel_loop3A_763 = vector.broadcast %parallel_loop3A_762 : i32 to vector<16xi32>
        %parallel_loop3A_764 = arith.addi %parallel_loop3A_743, %parallel_loop3A_763 : vector<16xi32>
        %parallel_loop3A_765 = tpu.vector_load_idx %arg5[%parallel_loop3A_764] : memref<50200xi32, #tpu.memory_space<vmem>>[vector<16xi32>], vector<16xi32>,
        %parallel_loop3A_766 = vector.bitcast %parallel_loop3A_765 : vector<16xi32> to vector<32xbf16>
        %parallel_loop3A_767 = tpu.unpack_subelements %parallel_loop3A_766, 0 {pack_format = #tpu.pack_format<interleaved>} : vector<32xbf16> -> vector<16xf32>
        %parallel_loop3A_768 = tpu.unpack_subelements %parallel_loop3A_766, 1 {pack_format = #tpu.pack_format<interleaved>} : vector<32xbf16> -> vector<16xf32>
        %parallel_loop3A_769 = arith.addf %parallel_loop3A_728, %parallel_loop3A_767 : vector<16xf32>
        %parallel_loop3A_770 = arith.addf %parallel_loop3A_729, %parallel_loop3A_768 : vector<16xf32>
        %parallel_loop3A_771 = arith.constant 37650 : i32
        %parallel_loop3A_772 = vector.broadcast %parallel_loop3A_771 : i32 to vector<16xi32>
        %parallel_loop3A_773 = arith.addi %parallel_loop3A_743, %parallel_loop3A_772 : vector<16xi32>
        %parallel_loop3A_774 = tpu.vector_load_idx %arg5[%parallel_loop3A_773] : memref<50200xi32, #tpu.memory_space<vmem>>[vector<16xi32>], vector<16xi32>,
        %parallel_loop3A_775 = vector.bitcast %parallel_loop3A_774 : vector<16xi32> to vector<32xbf16>
        %parallel_loop3A_776 = tpu.unpack_subelements %parallel_loop3A_775, 0 {pack_format = #tpu.pack_format<interleaved>} : vector<32xbf16> -> vector<16xf32>
        %parallel_loop3A_777 = tpu.unpack_subelements %parallel_loop3A_775, 1 {pack_format = #tpu.pack_format<interleaved>} : vector<32xbf16> -> vector<16xf32>
        %parallel_loop3A_778 = arith.addf %parallel_loop3A_737, %parallel_loop3A_776 : vector<16xf32>
        %parallel_loop3A_779 = arith.addf %parallel_loop3A_738, %parallel_loop3A_777 : vector<16xf32>
        %parallel_loop3A_780 = arith.constant 2 : i32
        %parallel_loop3A_781 = arith.addi %parallel_loop3A_697, %parallel_loop3A_780 : i32
        %parallel_loop3A_782 = arith.index_cast %parallel_loop3A_781 : i32 to index
        %parallel_loop3A_783 = arith.constant 80 : index
        %parallel_loop3A_784 = tpu.vector_load %arg6[%parallel_loop3A_782, %parallel_loop3A_783] {strides = array<i32>} : memref<150x128xi32, #tpu.memory_space<vmem>>, vector<16xi32>,
        %parallel_loop3A_785 = arith.constant 0 : i32
        %parallel_loop3A_786 = vector.broadcast %parallel_loop3A_785 : i32 to vector<16xi32>
        %parallel_loop3A_787 = arith.addi %parallel_loop3A_784, %parallel_loop3A_786 : vector<16xi32>
        %parallel_loop3A_788 = tpu.vector_load_idx %arg5[%parallel_loop3A_787] : memref<50200xi32, #tpu.memory_space<vmem>>[vector<16xi32>], vector<16xi32>,
        %parallel_loop3A_789 = vector.bitcast %parallel_loop3A_788 : vector<16xi32> to vector<32xbf16>
        %parallel_loop3A_790 = tpu.unpack_subelements %parallel_loop3A_789, 0 {pack_format = #tpu.pack_format<interleaved>} : vector<32xbf16> -> vector<16xf32>
        %parallel_loop3A_791 = tpu.unpack_subelements %parallel_loop3A_789, 1 {pack_format = #tpu.pack_format<interleaved>} : vector<32xbf16> -> vector<16xf32>
        %parallel_loop3A_792 = arith.addf %parallel_loop3A_751, %parallel_loop3A_790 : vector<16xf32>
        %parallel_loop3A_793 = arith.addf %parallel_loop3A_752, %parallel_loop3A_791 : vector<16xf32>
        %parallel_loop3A_794 = arith.constant 12550 : i32
        %parallel_loop3A_795 = vector.broadcast %parallel_loop3A_794 : i32 to vector<16xi32>
        %parallel_loop3A_796 = arith.addi %parallel_loop3A_784, %parallel_loop3A_795 : vector<16xi32>
        %parallel_loop3A_797 = tpu.vector_load_idx %arg5[%parallel_loop3A_796] : memref<50200xi32, #tpu.memory_space<vmem>>[vector<16xi32>], vector<16xi32>,
        %parallel_loop3A_798 = vector.bitcast %parallel_loop3A_797 : vector<16xi32> to vector<32xbf16>
        %parallel_loop3A_799 = tpu.unpack_subelements %parallel_loop3A_798, 0 {pack_format = #tpu.pack_format<interleaved>} : vector<32xbf16> -> vector<16xf32>
        %parallel_loop3A_800 = tpu.unpack_subelements %parallel_loop3A_798, 1 {pack_format = #tpu.pack_format<interleaved>} : vector<32xbf16> -> vector<16xf32>
        %parallel_loop3A_801 = arith.addf %parallel_loop3A_760, %parallel_loop3A_799 : vector<16xf32>
        %parallel_loop3A_802 = arith.addf %parallel_loop3A_761, %parallel_loop3A_800 : vector<16xf32>
        %parallel_loop3A_803 = arith.constant 25100 : i32
        %parallel_loop3A_804 = vector.broadcast %parallel_loop3A_803 : i32 to vector<16xi32>
        %parallel_loop3A_805 = arith.addi %parallel_loop3A_784, %parallel_loop3A_804 : vector<16xi32>
        %parallel_loop3A_806 = tpu.vector_load_idx %arg5[%parallel_loop3A_805] : memref<50200xi32, #tpu.memory_space<vmem>>[vector<16xi32>], vector<16xi32>,
        %parallel_loop3A_807 = vector.bitcast %parallel_loop3A_806 : vector<16xi32> to vector<32xbf16>
        %parallel_loop3A_808 = tpu.unpack_subelements %parallel_loop3A_807, 0 {pack_format = #tpu.pack_format<interleaved>} : vector<32xbf16> -> vector<16xf32>
        %parallel_loop3A_809 = tpu.unpack_subelements %parallel_loop3A_807, 1 {pack_format = #tpu.pack_format<interleaved>} : vector<32xbf16> -> vector<16xf32>
        %parallel_loop3A_810 = arith.addf %parallel_loop3A_769, %parallel_loop3A_808 : vector<16xf32>
        %parallel_loop3A_811 = arith.addf %parallel_loop3A_770, %parallel_loop3A_809 : vector<16xf32>
        %parallel_loop3A_812 = arith.constant 37650 : i32
        %parallel_loop3A_813 = vector.broadcast %parallel_loop3A_812 : i32 to vector<16xi32>
        %parallel_loop3A_814 = arith.addi %parallel_loop3A_784, %parallel_loop3A_813 : vector<16xi32>
        %parallel_loop3A_815 = tpu.vector_load_idx %arg5[%parallel_loop3A_814] : memref<50200xi32, #tpu.memory_space<vmem>>[vector<16xi32>], vector<16xi32>,
        %parallel_loop3A_816 = vector.bitcast %parallel_loop3A_815 : vector<16xi32> to vector<32xbf16>
        %parallel_loop3A_817 = tpu.unpack_subelements %parallel_loop3A_816, 0 {pack_format = #tpu.pack_format<interleaved>} : vector<32xbf16> -> vector<16xf32>
        %parallel_loop3A_818 = tpu.unpack_subelements %parallel_loop3A_816, 1 {pack_format = #tpu.pack_format<interleaved>} : vector<32xbf16> -> vector<16xf32>
        %parallel_loop3A_819 = arith.addf %parallel_loop3A_778, %parallel_loop3A_817 : vector<16xf32>
        %parallel_loop3A_820 = arith.addf %parallel_loop3A_779, %parallel_loop3A_818 : vector<16xf32>
        scf.yield %parallel_loop3A_792, %parallel_loop3A_793, %parallel_loop3A_801, %parallel_loop3A_802, %parallel_loop3A_810, %parallel_loop3A_811, %parallel_loop3A_819, %parallel_loop3A_820 : vector<16xf32>, vector<16xf32>, vector<16xf32>, vector<16xf32>, vector<16xf32>, vector<16xf32>, vector<16xf32>, vector<16xf32>
      } {sc.loop_unroll_factor = 1 : i64, sc.parallel_access}
      %swap3A_242 = arith.constant 0 : i32
      %swap3A_243 = arith.index_cast %swap3A_242 : i32 to index
      %swap3A_244 = arith.constant 80 : index
      %swap3A_245 = tpu.vector_load %arg8[%swap3A_243, %swap3A_244] {strides = array<i32>} : memref<8x128xf32, #tpu.memory_space<vmem>>, vector<16xf32>,
      tpu.vector_store %arg8[%swap3A_243, %swap3A_244], %parallel_loop3A_241#0 {strides = array<i32>} : memref<8x128xf32, #tpu.memory_space<vmem>>, vector<16xf32>,
      %swap3A_246 = arith.constant 1 : i32
      %swap3A_247 = arith.index_cast %swap3A_246 : i32 to index
      %swap3A_248 = arith.constant 80 : index
      %swap3A_249 = tpu.vector_load %arg8[%swap3A_247, %swap3A_248] {strides = array<i32>} : memref<8x128xf32, #tpu.memory_space<vmem>>, vector<16xf32>,
      tpu.vector_store %arg8[%swap3A_247, %swap3A_248], %parallel_loop3A_241#1 {strides = array<i32>} : memref<8x128xf32, #tpu.memory_space<vmem>>, vector<16xf32>,
      %swap3A_250 = arith.constant 2 : i32
      %swap3A_251 = arith.index_cast %swap3A_250 : i32 to index
      %swap3A_252 = arith.constant 80 : index
      %swap3A_253 = tpu.vector_load %arg8[%swap3A_251, %swap3A_252] {strides = array<i32>} : memref<8x128xf32, #tpu.memory_space<vmem>>, vector<16xf32>,
      tpu.vector_store %arg8[%swap3A_251, %swap3A_252], %parallel_loop3A_241#2 {strides = array<i32>} : memref<8x128xf32, #tpu.memory_space<vmem>>, vector<16xf32>,
      %swap3A_254 = arith.constant 3 : i32
      %swap3A_255 = arith.index_cast %swap3A_254 : i32 to index
      %swap3A_256 = arith.constant 80 : index
      %swap3A_257 = tpu.vector_load %arg8[%swap3A_255, %swap3A_256] {strides = array<i32>} : memref<8x128xf32, #tpu.memory_space<vmem>>, vector<16xf32>,
      tpu.vector_store %arg8[%swap3A_255, %swap3A_256], %parallel_loop3A_241#3 {strides = array<i32>} : memref<8x128xf32, #tpu.memory_space<vmem>>, vector<16xf32>,
      %swap3A_258 = arith.constant 4 : i32
      %swap3A_259 = arith.index_cast %swap3A_258 : i32 to index
      %swap3A_260 = arith.constant 80 : index
      %swap3A_261 = tpu.vector_load %arg8[%swap3A_259, %swap3A_260] {strides = array<i32>} : memref<8x128xf32, #tpu.memory_space<vmem>>, vector<16xf32>,
      tpu.vector_store %arg8[%swap3A_259, %swap3A_260], %parallel_loop3A_241#4 {strides = array<i32>} : memref<8x128xf32, #tpu.memory_space<vmem>>, vector<16xf32>,
      %swap3A_262 = arith.constant 5 : i32
      %swap3A_263 = arith.index_cast %swap3A_262 : i32 to index
      %swap3A_264 = arith.constant 80 : index
      %swap3A_265 = tpu.vector_load %arg8[%swap3A_263, %swap3A_264] {strides = array<i32>} : memref<8x128xf32, #tpu.memory_space<vmem>>, vector<16xf32>,
      tpu.vector_store %arg8[%swap3A_263, %swap3A_264], %parallel_loop3A_241#5 {strides = array<i32>} : memref<8x128xf32, #tpu.memory_space<vmem>>, vector<16xf32>,
      %swap3A_266 = arith.constant 6 : i32
      %swap3A_267 = arith.index_cast %swap3A_266 : i32 to index
      %swap3A_268 = arith.constant 80 : index
      %swap3A_269 = tpu.vector_load %arg8[%swap3A_267, %swap3A_268] {strides = array<i32>} : memref<8x128xf32, #tpu.memory_space<vmem>>, vector<16xf32>,
      tpu.vector_store %arg8[%swap3A_267, %swap3A_268], %parallel_loop3A_241#6 {strides = array<i32>} : memref<8x128xf32, #tpu.memory_space<vmem>>, vector<16xf32>,
      %swap3A_270 = arith.constant 7 : i32
      %swap3A_271 = arith.index_cast %swap3A_270 : i32 to index
      %swap3A_272 = arith.constant 80 : index
      %swap3A_273 = tpu.vector_load %arg8[%swap3A_271, %swap3A_272] {strides = array<i32>} : memref<8x128xf32, #tpu.memory_space<vmem>>, vector<16xf32>,
      tpu.vector_store %arg8[%swap3A_271, %swap3A_272], %parallel_loop3A_241#7 {strides = array<i32>} : memref<8x128xf32, #tpu.memory_space<vmem>>, vector<16xf32>,
      %broadcast_in_dim3A_274 = arith.constant 0.000000e+00 : f32
      %broadcast_in_dim3A_275 = vector.broadcast %broadcast_in_dim3A_274 : f32 to vector<16xf32>
      %parallel_loop3A_276 = arith.constant 0 : i32
      %parallel_loop3A_277 = arith.constant 50 : i32
      %parallel_loop3A_278 = arith.constant 1 : i32
      %parallel_loop3A_279:8 = scf.for %parallel_loop3A_687 = %parallel_loop3A_276 to %parallel_loop3A_277 step %parallel_loop3A_278 iter_args(%parallel_loop3A_688 = %broadcast_in_dim3A_275, %parallel_loop3A_689 = %broadcast_in_dim3A_275, %parallel_loop3A_690 = %broadcast_in_dim3A_275, %parallel_loop3A_691 = %broadcast_in_dim3A_275, %parallel_loop3A_692 = %broadcast_in_dim3A_275, %parallel_loop3A_693 = %broadcast_in_dim3A_275, %parallel_loop3A_694 = %broadcast_in_dim3A_275, %parallel_loop3A_695 = %broadcast_in_dim3A_275) -> (vector<16xf32>, vector<16xf32>, vector<16xf32>, vector<16xf32>, vector<16xf32>, vector<16xf32>, vector<16xf32>, vector<16xf32>)  : i32 {
        %parallel_loop3A_696 = arith.constant 3 : i32
        %parallel_loop3A_697 = arith.muli %parallel_loop3A_687, %parallel_loop3A_696 : i32
        %parallel_loop3A_698 = arith.constant 0 : i32
        %parallel_loop3A_699 = arith.addi %parallel_loop3A_697, %parallel_loop3A_698 : i32
        %parallel_loop3A_700 = arith.index_cast %parallel_loop3A_699 : i32 to index
        %parallel_loop3A_701 = arith.constant 96 : index
        %parallel_loop3A_702 = tpu.vector_load %arg6[%parallel_loop3A_700, %parallel_loop3A_701] {strides = array<i32>} : memref<150x128xi32, #tpu.memory_space<vmem>>, vector<16xi32>,
        %parallel_loop3A_703 = arith.constant 0 : i32
        %parallel_loop3A_704 = vector.broadcast %parallel_loop3A_703 : i32 to vector<16xi32>
        %parallel_loop3A_705 = arith.addi %parallel_loop3A_702, %parallel_loop3A_704 : vector<16xi32>
        %parallel_loop3A_706 = tpu.vector_load_idx %arg5[%parallel_loop3A_705] : memref<50200xi32, #tpu.memory_space<vmem>>[vector<16xi32>], vector<16xi32>,
        %parallel_loop3A_707 = vector.bitcast %parallel_loop3A_706 : vector<16xi32> to vector<32xbf16>
        %parallel_loop3A_708 = tpu.unpack_subelements %parallel_loop3A_707, 0 {pack_format = #tpu.pack_format<interleaved>} : vector<32xbf16> -> vector<16xf32>
        %parallel_loop3A_709 = tpu.unpack_subelements %parallel_loop3A_707, 1 {pack_format = #tpu.pack_format<interleaved>} : vector<32xbf16> -> vector<16xf32>
        %parallel_loop3A_710 = arith.addf %parallel_loop3A_688, %parallel_loop3A_708 : vector<16xf32>
        %parallel_loop3A_711 = arith.addf %parallel_loop3A_689, %parallel_loop3A_709 : vector<16xf32>
        %parallel_loop3A_712 = arith.constant 12550 : i32
        %parallel_loop3A_713 = vector.broadcast %parallel_loop3A_712 : i32 to vector<16xi32>
        %parallel_loop3A_714 = arith.addi %parallel_loop3A_702, %parallel_loop3A_713 : vector<16xi32>
        %parallel_loop3A_715 = tpu.vector_load_idx %arg5[%parallel_loop3A_714] : memref<50200xi32, #tpu.memory_space<vmem>>[vector<16xi32>], vector<16xi32>,
        %parallel_loop3A_716 = vector.bitcast %parallel_loop3A_715 : vector<16xi32> to vector<32xbf16>
        %parallel_loop3A_717 = tpu.unpack_subelements %parallel_loop3A_716, 0 {pack_format = #tpu.pack_format<interleaved>} : vector<32xbf16> -> vector<16xf32>
        %parallel_loop3A_718 = tpu.unpack_subelements %parallel_loop3A_716, 1 {pack_format = #tpu.pack_format<interleaved>} : vector<32xbf16> -> vector<16xf32>
        %parallel_loop3A_719 = arith.addf %parallel_loop3A_690, %parallel_loop3A_717 : vector<16xf32>
        %parallel_loop3A_720 = arith.addf %parallel_loop3A_691, %parallel_loop3A_718 : vector<16xf32>
        %parallel_loop3A_721 = arith.constant 25100 : i32
        %parallel_loop3A_722 = vector.broadcast %parallel_loop3A_721 : i32 to vector<16xi32>
        %parallel_loop3A_723 = arith.addi %parallel_loop3A_702, %parallel_loop3A_722 : vector<16xi32>
        %parallel_loop3A_724 = tpu.vector_load_idx %arg5[%parallel_loop3A_723] : memref<50200xi32, #tpu.memory_space<vmem>>[vector<16xi32>], vector<16xi32>,
        %parallel_loop3A_725 = vector.bitcast %parallel_loop3A_724 : vector<16xi32> to vector<32xbf16>
        %parallel_loop3A_726 = tpu.unpack_subelements %parallel_loop3A_725, 0 {pack_format = #tpu.pack_format<interleaved>} : vector<32xbf16> -> vector<16xf32>
        %parallel_loop3A_727 = tpu.unpack_subelements %parallel_loop3A_725, 1 {pack_format = #tpu.pack_format<interleaved>} : vector<32xbf16> -> vector<16xf32>
        %parallel_loop3A_728 = arith.addf %parallel_loop3A_692, %parallel_loop3A_726 : vector<16xf32>
        %parallel_loop3A_729 = arith.addf %parallel_loop3A_693, %parallel_loop3A_727 : vector<16xf32>
        %parallel_loop3A_730 = arith.constant 37650 : i32
        %parallel_loop3A_731 = vector.broadcast %parallel_loop3A_730 : i32 to vector<16xi32>
        %parallel_loop3A_732 = arith.addi %parallel_loop3A_702, %parallel_loop3A_731 : vector<16xi32>
        %parallel_loop3A_733 = tpu.vector_load_idx %arg5[%parallel_loop3A_732] : memref<50200xi32, #tpu.memory_space<vmem>>[vector<16xi32>], vector<16xi32>,
        %parallel_loop3A_734 = vector.bitcast %parallel_loop3A_733 : vector<16xi32> to vector<32xbf16>
        %parallel_loop3A_735 = tpu.unpack_subelements %parallel_loop3A_734, 0 {pack_format = #tpu.pack_format<interleaved>} : vector<32xbf16> -> vector<16xf32>
        %parallel_loop3A_736 = tpu.unpack_subelements %parallel_loop3A_734, 1 {pack_format = #tpu.pack_format<interleaved>} : vector<32xbf16> -> vector<16xf32>
        %parallel_loop3A_737 = arith.addf %parallel_loop3A_694, %parallel_loop3A_735 : vector<16xf32>
        %parallel_loop3A_738 = arith.addf %parallel_loop3A_695, %parallel_loop3A_736 : vector<16xf32>
        %parallel_loop3A_739 = arith.constant 1 : i32
        %parallel_loop3A_740 = arith.addi %parallel_loop3A_697, %parallel_loop3A_739 : i32
        %parallel_loop3A_741 = arith.index_cast %parallel_loop3A_740 : i32 to index
        %parallel_loop3A_742 = arith.constant 96 : index
        %parallel_loop3A_743 = tpu.vector_load %arg6[%parallel_loop3A_741, %parallel_loop3A_742] {strides = array<i32>} : memref<150x128xi32, #tpu.memory_space<vmem>>, vector<16xi32>,
        %parallel_loop3A_744 = arith.constant 0 : i32
        %parallel_loop3A_745 = vector.broadcast %parallel_loop3A_744 : i32 to vector<16xi32>
        %parallel_loop3A_746 = arith.addi %parallel_loop3A_743, %parallel_loop3A_745 : vector<16xi32>
        %parallel_loop3A_747 = tpu.vector_load_idx %arg5[%parallel_loop3A_746] : memref<50200xi32, #tpu.memory_space<vmem>>[vector<16xi32>], vector<16xi32>,
        %parallel_loop3A_748 = vector.bitcast %parallel_loop3A_747 : vector<16xi32> to vector<32xbf16>
        %parallel_loop3A_749 = tpu.unpack_subelements %parallel_loop3A_748, 0 {pack_format = #tpu.pack_format<interleaved>} : vector<32xbf16> -> vector<16xf32>
        %parallel_loop3A_750 = tpu.unpack_subelements %parallel_loop3A_748, 1 {pack_format = #tpu.pack_format<interleaved>} : vector<32xbf16> -> vector<16xf32>
        %parallel_loop3A_751 = arith.addf %parallel_loop3A_710, %parallel_loop3A_749 : vector<16xf32>
        %parallel_loop3A_752 = arith.addf %parallel_loop3A_711, %parallel_loop3A_750 : vector<16xf32>
        %parallel_loop3A_753 = arith.constant 12550 : i32
        %parallel_loop3A_754 = vector.broadcast %parallel_loop3A_753 : i32 to vector<16xi32>
        %parallel_loop3A_755 = arith.addi %parallel_loop3A_743, %parallel_loop3A_754 : vector<16xi32>
        %parallel_loop3A_756 = tpu.vector_load_idx %arg5[%parallel_loop3A_755] : memref<50200xi32, #tpu.memory_space<vmem>>[vector<16xi32>], vector<16xi32>,
        %parallel_loop3A_757 = vector.bitcast %parallel_loop3A_756 : vector<16xi32> to vector<32xbf16>
        %parallel_loop3A_758 = tpu.unpack_subelements %parallel_loop3A_757, 0 {pack_format = #tpu.pack_format<interleaved>} : vector<32xbf16> -> vector<16xf32>
        %parallel_loop3A_759 = tpu.unpack_subelements %parallel_loop3A_757, 1 {pack_format = #tpu.pack_format<interleaved>} : vector<32xbf16> -> vector<16xf32>
        %parallel_loop3A_760 = arith.addf %parallel_loop3A_719, %parallel_loop3A_758 : vector<16xf32>
        %parallel_loop3A_761 = arith.addf %parallel_loop3A_720, %parallel_loop3A_759 : vector<16xf32>
        %parallel_loop3A_762 = arith.constant 25100 : i32
        %parallel_loop3A_763 = vector.broadcast %parallel_loop3A_762 : i32 to vector<16xi32>
        %parallel_loop3A_764 = arith.addi %parallel_loop3A_743, %parallel_loop3A_763 : vector<16xi32>
        %parallel_loop3A_765 = tpu.vector_load_idx %arg5[%parallel_loop3A_764] : memref<50200xi32, #tpu.memory_space<vmem>>[vector<16xi32>], vector<16xi32>,
        %parallel_loop3A_766 = vector.bitcast %parallel_loop3A_765 : vector<16xi32> to vector<32xbf16>
        %parallel_loop3A_767 = tpu.unpack_subelements %parallel_loop3A_766, 0 {pack_format = #tpu.pack_format<interleaved>} : vector<32xbf16> -> vector<16xf32>
        %parallel_loop3A_768 = tpu.unpack_subelements %parallel_loop3A_766, 1 {pack_format = #tpu.pack_format<interleaved>} : vector<32xbf16> -> vector<16xf32>
        %parallel_loop3A_769 = arith.addf %parallel_loop3A_728, %parallel_loop3A_767 : vector<16xf32>
        %parallel_loop3A_770 = arith.addf %parallel_loop3A_729, %parallel_loop3A_768 : vector<16xf32>
        %parallel_loop3A_771 = arith.constant 37650 : i32
        %parallel_loop3A_772 = vector.broadcast %parallel_loop3A_771 : i32 to vector<16xi32>
        %parallel_loop3A_773 = arith.addi %parallel_loop3A_743, %parallel_loop3A_772 : vector<16xi32>
        %parallel_loop3A_774 = tpu.vector_load_idx %arg5[%parallel_loop3A_773] : memref<50200xi32, #tpu.memory_space<vmem>>[vector<16xi32>], vector<16xi32>,
        %parallel_loop3A_775 = vector.bitcast %parallel_loop3A_774 : vector<16xi32> to vector<32xbf16>
        %parallel_loop3A_776 = tpu.unpack_subelements %parallel_loop3A_775, 0 {pack_format = #tpu.pack_format<interleaved>} : vector<32xbf16> -> vector<16xf32>
        %parallel_loop3A_777 = tpu.unpack_subelements %parallel_loop3A_775, 1 {pack_format = #tpu.pack_format<interleaved>} : vector<32xbf16> -> vector<16xf32>
        %parallel_loop3A_778 = arith.addf %parallel_loop3A_737, %parallel_loop3A_776 : vector<16xf32>
        %parallel_loop3A_779 = arith.addf %parallel_loop3A_738, %parallel_loop3A_777 : vector<16xf32>
        %parallel_loop3A_780 = arith.constant 2 : i32
        %parallel_loop3A_781 = arith.addi %parallel_loop3A_697, %parallel_loop3A_780 : i32
        %parallel_loop3A_782 = arith.index_cast %parallel_loop3A_781 : i32 to index
        %parallel_loop3A_783 = arith.constant 96 : index
        %parallel_loop3A_784 = tpu.vector_load %arg6[%parallel_loop3A_782, %parallel_loop3A_783] {strides = array<i32>} : memref<150x128xi32, #tpu.memory_space<vmem>>, vector<16xi32>,
        %parallel_loop3A_785 = arith.constant 0 : i32
        %parallel_loop3A_786 = vector.broadcast %parallel_loop3A_785 : i32 to vector<16xi32>
        %parallel_loop3A_787 = arith.addi %parallel_loop3A_784, %parallel_loop3A_786 : vector<16xi32>
        %parallel_loop3A_788 = tpu.vector_load_idx %arg5[%parallel_loop3A_787] : memref<50200xi32, #tpu.memory_space<vmem>>[vector<16xi32>], vector<16xi32>,
        %parallel_loop3A_789 = vector.bitcast %parallel_loop3A_788 : vector<16xi32> to vector<32xbf16>
        %parallel_loop3A_790 = tpu.unpack_subelements %parallel_loop3A_789, 0 {pack_format = #tpu.pack_format<interleaved>} : vector<32xbf16> -> vector<16xf32>
        %parallel_loop3A_791 = tpu.unpack_subelements %parallel_loop3A_789, 1 {pack_format = #tpu.pack_format<interleaved>} : vector<32xbf16> -> vector<16xf32>
        %parallel_loop3A_792 = arith.addf %parallel_loop3A_751, %parallel_loop3A_790 : vector<16xf32>
        %parallel_loop3A_793 = arith.addf %parallel_loop3A_752, %parallel_loop3A_791 : vector<16xf32>
        %parallel_loop3A_794 = arith.constant 12550 : i32
        %parallel_loop3A_795 = vector.broadcast %parallel_loop3A_794 : i32 to vector<16xi32>
        %parallel_loop3A_796 = arith.addi %parallel_loop3A_784, %parallel_loop3A_795 : vector<16xi32>
        %parallel_loop3A_797 = tpu.vector_load_idx %arg5[%parallel_loop3A_796] : memref<50200xi32, #tpu.memory_space<vmem>>[vector<16xi32>], vector<16xi32>,
        %parallel_loop3A_798 = vector.bitcast %parallel_loop3A_797 : vector<16xi32> to vector<32xbf16>
        %parallel_loop3A_799 = tpu.unpack_subelements %parallel_loop3A_798, 0 {pack_format = #tpu.pack_format<interleaved>} : vector<32xbf16> -> vector<16xf32>
        %parallel_loop3A_800 = tpu.unpack_subelements %parallel_loop3A_798, 1 {pack_format = #tpu.pack_format<interleaved>} : vector<32xbf16> -> vector<16xf32>
        %parallel_loop3A_801 = arith.addf %parallel_loop3A_760, %parallel_loop3A_799 : vector<16xf32>
        %parallel_loop3A_802 = arith.addf %parallel_loop3A_761, %parallel_loop3A_800 : vector<16xf32>
        %parallel_loop3A_803 = arith.constant 25100 : i32
        %parallel_loop3A_804 = vector.broadcast %parallel_loop3A_803 : i32 to vector<16xi32>
        %parallel_loop3A_805 = arith.addi %parallel_loop3A_784, %parallel_loop3A_804 : vector<16xi32>
        %parallel_loop3A_806 = tpu.vector_load_idx %arg5[%parallel_loop3A_805] : memref<50200xi32, #tpu.memory_space<vmem>>[vector<16xi32>], vector<16xi32>,
        %parallel_loop3A_807 = vector.bitcast %parallel_loop3A_806 : vector<16xi32> to vector<32xbf16>
        %parallel_loop3A_808 = tpu.unpack_subelements %parallel_loop3A_807, 0 {pack_format = #tpu.pack_format<interleaved>} : vector<32xbf16> -> vector<16xf32>
        %parallel_loop3A_809 = tpu.unpack_subelements %parallel_loop3A_807, 1 {pack_format = #tpu.pack_format<interleaved>} : vector<32xbf16> -> vector<16xf32>
        %parallel_loop3A_810 = arith.addf %parallel_loop3A_769, %parallel_loop3A_808 : vector<16xf32>
        %parallel_loop3A_811 = arith.addf %parallel_loop3A_770, %parallel_loop3A_809 : vector<16xf32>
        %parallel_loop3A_812 = arith.constant 37650 : i32
        %parallel_loop3A_813 = vector.broadcast %parallel_loop3A_812 : i32 to vector<16xi32>
        %parallel_loop3A_814 = arith.addi %parallel_loop3A_784, %parallel_loop3A_813 : vector<16xi32>
        %parallel_loop3A_815 = tpu.vector_load_idx %arg5[%parallel_loop3A_814] : memref<50200xi32, #tpu.memory_space<vmem>>[vector<16xi32>], vector<16xi32>,
        %parallel_loop3A_816 = vector.bitcast %parallel_loop3A_815 : vector<16xi32> to vector<32xbf16>
        %parallel_loop3A_817 = tpu.unpack_subelements %parallel_loop3A_816, 0 {pack_format = #tpu.pack_format<interleaved>} : vector<32xbf16> -> vector<16xf32>
        %parallel_loop3A_818 = tpu.unpack_subelements %parallel_loop3A_816, 1 {pack_format = #tpu.pack_format<interleaved>} : vector<32xbf16> -> vector<16xf32>
        %parallel_loop3A_819 = arith.addf %parallel_loop3A_778, %parallel_loop3A_817 : vector<16xf32>
        %parallel_loop3A_820 = arith.addf %parallel_loop3A_779, %parallel_loop3A_818 : vector<16xf32>
        scf.yield %parallel_loop3A_792, %parallel_loop3A_793, %parallel_loop3A_801, %parallel_loop3A_802, %parallel_loop3A_810, %parallel_loop3A_811, %parallel_loop3A_819, %parallel_loop3A_820 : vector<16xf32>, vector<16xf32>, vector<16xf32>, vector<16xf32>, vector<16xf32>, vector<16xf32>, vector<16xf32>, vector<16xf32>
      } {sc.loop_unroll_factor = 1 : i64, sc.parallel_access}
      %swap3A_280 = arith.constant 0 : i32
      %swap3A_281 = arith.index_cast %swap3A_280 : i32 to index
      %swap3A_282 = arith.constant 96 : index
      %swap3A_283 = tpu.vector_load %arg8[%swap3A_281, %swap3A_282] {strides = array<i32>} : memref<8x128xf32, #tpu.memory_space<vmem>>, vector<16xf32>,
      tpu.vector_store %arg8[%swap3A_281, %swap3A_282], %parallel_loop3A_279#0 {strides = array<i32>} : memref<8x128xf32, #tpu.memory_space<vmem>>, vector<16xf32>,
      %swap3A_284 = arith.constant 1 : i32
      %swap3A_285 = arith.index_cast %swap3A_284 : i32 to index
      %swap3A_286 = arith.constant 96 : index
      %swap3A_287 = tpu.vector_load %arg8[%swap3A_285, %swap3A_286] {strides = array<i32>} : memref<8x128xf32, #tpu.memory_space<vmem>>, vector<16xf32>,
      tpu.vector_store %arg8[%swap3A_285, %swap3A_286], %parallel_loop3A_279#1 {strides = array<i32>} : memref<8x128xf32, #tpu.memory_space<vmem>>, vector<16xf32>,
      %swap3A_288 = arith.constant 2 : i32
      %swap3A_289 = arith.index_cast %swap3A_288 : i32 to index
      %swap3A_290 = arith.constant 96 : index
      %swap3A_291 = tpu.vector_load %arg8[%swap3A_289, %swap3A_290] {strides = array<i32>} : memref<8x128xf32, #tpu.memory_space<vmem>>, vector<16xf32>,
      tpu.vector_store %arg8[%swap3A_289, %swap3A_290], %parallel_loop3A_279#2 {strides = array<i32>} : memref<8x128xf32, #tpu.memory_space<vmem>>, vector<16xf32>,
      %swap3A_292 = arith.constant 3 : i32
      %swap3A_293 = arith.index_cast %swap3A_292 : i32 to index
      %swap3A_294 = arith.constant 96 : index
      %swap3A_295 = tpu.vector_load %arg8[%swap3A_293, %swap3A_294] {strides = array<i32>} : memref<8x128xf32, #tpu.memory_space<vmem>>, vector<16xf32>,
      tpu.vector_store %arg8[%swap3A_293, %swap3A_294], %parallel_loop3A_279#3 {strides = array<i32>} : memref<8x128xf32, #tpu.memory_space<vmem>>, vector<16xf32>,
      %swap3A_296 = arith.constant 4 : i32
      %swap3A_297 = arith.index_cast %swap3A_296 : i32 to index
      %swap3A_298 = arith.constant 96 : index
      %swap3A_299 = tpu.vector_load %arg8[%swap3A_297, %swap3A_298] {strides = array<i32>} : memref<8x128xf32, #tpu.memory_space<vmem>>, vector<16xf32>,
      tpu.vector_store %arg8[%swap3A_297, %swap3A_298], %parallel_loop3A_279#4 {strides = array<i32>} : memref<8x128xf32, #tpu.memory_space<vmem>>, vector<16xf32>,
      %swap3A_300 = arith.constant 5 : i32
      %swap3A_301 = arith.index_cast %swap3A_300 : i32 to index
      %swap3A_302 = arith.constant 96 : index
      %swap3A_303 = tpu.vector_load %arg8[%swap3A_301, %swap3A_302] {strides = array<i32>} : memref<8x128xf32, #tpu.memory_space<vmem>>, vector<16xf32>,
      tpu.vector_store %arg8[%swap3A_301, %swap3A_302], %parallel_loop3A_279#5 {strides = array<i32>} : memref<8x128xf32, #tpu.memory_space<vmem>>, vector<16xf32>,
      %swap3A_304 = arith.constant 6 : i32
      %swap3A_305 = arith.index_cast %swap3A_304 : i32 to index
      %swap3A_306 = arith.constant 96 : index
      %swap3A_307 = tpu.vector_load %arg8[%swap3A_305, %swap3A_306] {strides = array<i32>} : memref<8x128xf32, #tpu.memory_space<vmem>>, vector<16xf32>,
      tpu.vector_store %arg8[%swap3A_305, %swap3A_306], %parallel_loop3A_279#6 {strides = array<i32>} : memref<8x128xf32, #tpu.memory_space<vmem>>, vector<16xf32>,
      %swap3A_308 = arith.constant 7 : i32
      %swap3A_309 = arith.index_cast %swap3A_308 : i32 to index
      %swap3A_310 = arith.constant 96 : index
      %swap3A_311 = tpu.vector_load %arg8[%swap3A_309, %swap3A_310] {strides = array<i32>} : memref<8x128xf32, #tpu.memory_space<vmem>>, vector<16xf32>,
      tpu.vector_store %arg8[%swap3A_309, %swap3A_310], %parallel_loop3A_279#7 {strides = array<i32>} : memref<8x128xf32, #tpu.memory_space<vmem>>, vector<16xf32>,
      %broadcast_in_dim3A_312 = arith.constant 0.000000e+00 : f32
      %broadcast_in_dim3A_313 = vector.broadcast %broadcast_in_dim3A_312 : f32 to vector<16xf32>
      %parallel_loop3A_314 = arith.constant 0 : i32
      %parallel_loop3A_315 = arith.constant 50 : i32
      %parallel_loop3A_316 = arith.constant 1 : i32
      %parallel_loop3A_317:8 = scf.for %parallel_loop3A_687 = %parallel_loop3A_314 to %parallel_loop3A_315 step %parallel_loop3A_316 iter_args(%parallel_loop3A_688 = %broadcast_in_dim3A_313, %parallel_loop3A_689 = %broadcast_in_dim3A_313, %parallel_loop3A_690 = %broadcast_in_dim3A_313, %parallel_loop3A_691 = %broadcast_in_dim3A_313, %parallel_loop3A_692 = %broadcast_in_dim3A_313, %parallel_loop3A_693 = %broadcast_in_dim3A_313, %parallel_loop3A_694 = %broadcast_in_dim3A_313, %parallel_loop3A_695 = %broadcast_in_dim3A_313) -> (vector<16xf32>, vector<16xf32>, vector<16xf32>, vector<16xf32>, vector<16xf32>, vector<16xf32>, vector<16xf32>, vector<16xf32>)  : i32 {
        %parallel_loop3A_696 = arith.constant 3 : i32
        %parallel_loop3A_697 = arith.muli %parallel_loop3A_687, %parallel_loop3A_696 : i32
        %parallel_loop3A_698 = arith.constant 0 : i32
        %parallel_loop3A_699 = arith.addi %parallel_loop3A_697, %parallel_loop3A_698 : i32
        %parallel_loop3A_700 = arith.index_cast %parallel_loop3A_699 : i32 to index
        %parallel_loop3A_701 = arith.constant 112 : index
        %parallel_loop3A_702 = tpu.vector_load %arg6[%parallel_loop3A_700, %parallel_loop3A_701] {strides = array<i32>} : memref<150x128xi32, #tpu.memory_space<vmem>>, vector<16xi32>,
        %parallel_loop3A_703 = arith.constant 0 : i32
        %parallel_loop3A_704 = vector.broadcast %parallel_loop3A_703 : i32 to vector<16xi32>
        %parallel_loop3A_705 = arith.addi %parallel_loop3A_702, %parallel_loop3A_704 : vector<16xi32>
        %parallel_loop3A_706 = tpu.vector_load_idx %arg5[%parallel_loop3A_705] : memref<50200xi32, #tpu.memory_space<vmem>>[vector<16xi32>], vector<16xi32>,
        %parallel_loop3A_707 = vector.bitcast %parallel_loop3A_706 : vector<16xi32> to vector<32xbf16>
        %parallel_loop3A_708 = tpu.unpack_subelements %parallel_loop3A_707, 0 {pack_format = #tpu.pack_format<interleaved>} : vector<32xbf16> -> vector<16xf32>
        %parallel_loop3A_709 = tpu.unpack_subelements %parallel_loop3A_707, 1 {pack_format = #tpu.pack_format<interleaved>} : vector<32xbf16> -> vector<16xf32>
        %parallel_loop3A_710 = arith.addf %parallel_loop3A_688, %parallel_loop3A_708 : vector<16xf32>
        %parallel_loop3A_711 = arith.addf %parallel_loop3A_689, %parallel_loop3A_709 : vector<16xf32>
        %parallel_loop3A_712 = arith.constant 12550 : i32
        %parallel_loop3A_713 = vector.broadcast %parallel_loop3A_712 : i32 to vector<16xi32>
        %parallel_loop3A_714 = arith.addi %parallel_loop3A_702, %parallel_loop3A_713 : vector<16xi32>
        %parallel_loop3A_715 = tpu.vector_load_idx %arg5[%parallel_loop3A_714] : memref<50200xi32, #tpu.memory_space<vmem>>[vector<16xi32>], vector<16xi32>,
        %parallel_loop3A_716 = vector.bitcast %parallel_loop3A_715 : vector<16xi32> to vector<32xbf16>
        %parallel_loop3A_717 = tpu.unpack_subelements %parallel_loop3A_716, 0 {pack_format = #tpu.pack_format<interleaved>} : vector<32xbf16> -> vector<16xf32>
        %parallel_loop3A_718 = tpu.unpack_subelements %parallel_loop3A_716, 1 {pack_format = #tpu.pack_format<interleaved>} : vector<32xbf16> -> vector<16xf32>
        %parallel_loop3A_719 = arith.addf %parallel_loop3A_690, %parallel_loop3A_717 : vector<16xf32>
        %parallel_loop3A_720 = arith.addf %parallel_loop3A_691, %parallel_loop3A_718 : vector<16xf32>
        %parallel_loop3A_721 = arith.constant 25100 : i32
        %parallel_loop3A_722 = vector.broadcast %parallel_loop3A_721 : i32 to vector<16xi32>
        %parallel_loop3A_723 = arith.addi %parallel_loop3A_702, %parallel_loop3A_722 : vector<16xi32>
        %parallel_loop3A_724 = tpu.vector_load_idx %arg5[%parallel_loop3A_723] : memref<50200xi32, #tpu.memory_space<vmem>>[vector<16xi32>], vector<16xi32>,
        %parallel_loop3A_725 = vector.bitcast %parallel_loop3A_724 : vector<16xi32> to vector<32xbf16>
        %parallel_loop3A_726 = tpu.unpack_subelements %parallel_loop3A_725, 0 {pack_format = #tpu.pack_format<interleaved>} : vector<32xbf16> -> vector<16xf32>
        %parallel_loop3A_727 = tpu.unpack_subelements %parallel_loop3A_725, 1 {pack_format = #tpu.pack_format<interleaved>} : vector<32xbf16> -> vector<16xf32>
        %parallel_loop3A_728 = arith.addf %parallel_loop3A_692, %parallel_loop3A_726 : vector<16xf32>
        %parallel_loop3A_729 = arith.addf %parallel_loop3A_693, %parallel_loop3A_727 : vector<16xf32>
        %parallel_loop3A_730 = arith.constant 37650 : i32
        %parallel_loop3A_731 = vector.broadcast %parallel_loop3A_730 : i32 to vector<16xi32>
        %parallel_loop3A_732 = arith.addi %parallel_loop3A_702, %parallel_loop3A_731 : vector<16xi32>
        %parallel_loop3A_733 = tpu.vector_load_idx %arg5[%parallel_loop3A_732] : memref<50200xi32, #tpu.memory_space<vmem>>[vector<16xi32>], vector<16xi32>,
        %parallel_loop3A_734 = vector.bitcast %parallel_loop3A_733 : vector<16xi32> to vector<32xbf16>
        %parallel_loop3A_735 = tpu.unpack_subelements %parallel_loop3A_734, 0 {pack_format = #tpu.pack_format<interleaved>} : vector<32xbf16> -> vector<16xf32>
        %parallel_loop3A_736 = tpu.unpack_subelements %parallel_loop3A_734, 1 {pack_format = #tpu.pack_format<interleaved>} : vector<32xbf16> -> vector<16xf32>
        %parallel_loop3A_737 = arith.addf %parallel_loop3A_694, %parallel_loop3A_735 : vector<16xf32>
        %parallel_loop3A_738 = arith.addf %parallel_loop3A_695, %parallel_loop3A_736 : vector<16xf32>
        %parallel_loop3A_739 = arith.constant 1 : i32
        %parallel_loop3A_740 = arith.addi %parallel_loop3A_697, %parallel_loop3A_739 : i32
        %parallel_loop3A_741 = arith.index_cast %parallel_loop3A_740 : i32 to index
        %parallel_loop3A_742 = arith.constant 112 : index
        %parallel_loop3A_743 = tpu.vector_load %arg6[%parallel_loop3A_741, %parallel_loop3A_742] {strides = array<i32>} : memref<150x128xi32, #tpu.memory_space<vmem>>, vector<16xi32>,
        %parallel_loop3A_744 = arith.constant 0 : i32
        %parallel_loop3A_745 = vector.broadcast %parallel_loop3A_744 : i32 to vector<16xi32>
        %parallel_loop3A_746 = arith.addi %parallel_loop3A_743, %parallel_loop3A_745 : vector<16xi32>
        %parallel_loop3A_747 = tpu.vector_load_idx %arg5[%parallel_loop3A_746] : memref<50200xi32, #tpu.memory_space<vmem>>[vector<16xi32>], vector<16xi32>,
        %parallel_loop3A_748 = vector.bitcast %parallel_loop3A_747 : vector<16xi32> to vector<32xbf16>
        %parallel_loop3A_749 = tpu.unpack_subelements %parallel_loop3A_748, 0 {pack_format = #tpu.pack_format<interleaved>} : vector<32xbf16> -> vector<16xf32>
        %parallel_loop3A_750 = tpu.unpack_subelements %parallel_loop3A_748, 1 {pack_format = #tpu.pack_format<interleaved>} : vector<32xbf16> -> vector<16xf32>
        %parallel_loop3A_751 = arith.addf %parallel_loop3A_710, %parallel_loop3A_749 : vector<16xf32>
        %parallel_loop3A_752 = arith.addf %parallel_loop3A_711, %parallel_loop3A_750 : vector<16xf32>
        %parallel_loop3A_753 = arith.constant 12550 : i32
        %parallel_loop3A_754 = vector.broadcast %parallel_loop3A_753 : i32 to vector<16xi32>
        %parallel_loop3A_755 = arith.addi %parallel_loop3A_743, %parallel_loop3A_754 : vector<16xi32>
        %parallel_loop3A_756 = tpu.vector_load_idx %arg5[%parallel_loop3A_755] : memref<50200xi32, #tpu.memory_space<vmem>>[vector<16xi32>], vector<16xi32>,
        %parallel_loop3A_757 = vector.bitcast %parallel_loop3A_756 : vector<16xi32> to vector<32xbf16>
        %parallel_loop3A_758 = tpu.unpack_subelements %parallel_loop3A_757, 0 {pack_format = #tpu.pack_format<interleaved>} : vector<32xbf16> -> vector<16xf32>
        %parallel_loop3A_759 = tpu.unpack_subelements %parallel_loop3A_757, 1 {pack_format = #tpu.pack_format<interleaved>} : vector<32xbf16> -> vector<16xf32>
        %parallel_loop3A_760 = arith.addf %parallel_loop3A_719, %parallel_loop3A_758 : vector<16xf32>
        %parallel_loop3A_761 = arith.addf %parallel_loop3A_720, %parallel_loop3A_759 : vector<16xf32>
        %parallel_loop3A_762 = arith.constant 25100 : i32
        %parallel_loop3A_763 = vector.broadcast %parallel_loop3A_762 : i32 to vector<16xi32>
        %parallel_loop3A_764 = arith.addi %parallel_loop3A_743, %parallel_loop3A_763 : vector<16xi32>
        %parallel_loop3A_765 = tpu.vector_load_idx %arg5[%parallel_loop3A_764] : memref<50200xi32, #tpu.memory_space<vmem>>[vector<16xi32>], vector<16xi32>,
        %parallel_loop3A_766 = vector.bitcast %parallel_loop3A_765 : vector<16xi32> to vector<32xbf16>
        %parallel_loop3A_767 = tpu.unpack_subelements %parallel_loop3A_766, 0 {pack_format = #tpu.pack_format<interleaved>} : vector<32xbf16> -> vector<16xf32>
        %parallel_loop3A_768 = tpu.unpack_subelements %parallel_loop3A_766, 1 {pack_format = #tpu.pack_format<interleaved>} : vector<32xbf16> -> vector<16xf32>
        %parallel_loop3A_769 = arith.addf %parallel_loop3A_728, %parallel_loop3A_767 : vector<16xf32>
        %parallel_loop3A_770 = arith.addf %parallel_loop3A_729, %parallel_loop3A_768 : vector<16xf32>
        %parallel_loop3A_771 = arith.constant 37650 : i32
        %parallel_loop3A_772 = vector.broadcast %parallel_loop3A_771 : i32 to vector<16xi32>
        %parallel_loop3A_773 = arith.addi %parallel_loop3A_743, %parallel_loop3A_772 : vector<16xi32>
        %parallel_loop3A_774 = tpu.vector_load_idx %arg5[%parallel_loop3A_773] : memref<50200xi32, #tpu.memory_space<vmem>>[vector<16xi32>], vector<16xi32>,
        %parallel_loop3A_775 = vector.bitcast %parallel_loop3A_774 : vector<16xi32> to vector<32xbf16>
        %parallel_loop3A_776 = tpu.unpack_subelements %parallel_loop3A_775, 0 {pack_format = #tpu.pack_format<interleaved>} : vector<32xbf16> -> vector<16xf32>
        %parallel_loop3A_777 = tpu.unpack_subelements %parallel_loop3A_775, 1 {pack_format = #tpu.pack_format<interleaved>} : vector<32xbf16> -> vector<16xf32>
        %parallel_loop3A_778 = arith.addf %parallel_loop3A_737, %parallel_loop3A_776 : vector<16xf32>
        %parallel_loop3A_779 = arith.addf %parallel_loop3A_738, %parallel_loop3A_777 : vector<16xf32>
        %parallel_loop3A_780 = arith.constant 2 : i32
        %parallel_loop3A_781 = arith.addi %parallel_loop3A_697, %parallel_loop3A_780 : i32
        %parallel_loop3A_782 = arith.index_cast %parallel_loop3A_781 : i32 to index
        %parallel_loop3A_783 = arith.constant 112 : index
        %parallel_loop3A_784 = tpu.vector_load %arg6[%parallel_loop3A_782, %parallel_loop3A_783] {strides = array<i32>} : memref<150x128xi32, #tpu.memory_space<vmem>>, vector<16xi32>,
        %parallel_loop3A_785 = arith.constant 0 : i32
        %parallel_loop3A_786 = vector.broadcast %parallel_loop3A_785 : i32 to vector<16xi32>
        %parallel_loop3A_787 = arith.addi %parallel_loop3A_784, %parallel_loop3A_786 : vector<16xi32>
        %parallel_loop3A_788 = tpu.vector_load_idx %arg5[%parallel_loop3A_787] : memref<50200xi32, #tpu.memory_space<vmem>>[vector<16xi32>], vector<16xi32>,
        %parallel_loop3A_789 = vector.bitcast %parallel_loop3A_788 : vector<16xi32> to vector<32xbf16>
        %parallel_loop3A_790 = tpu.unpack_subelements %parallel_loop3A_789, 0 {pack_format = #tpu.pack_format<interleaved>} : vector<32xbf16> -> vector<16xf32>
        %parallel_loop3A_791 = tpu.unpack_subelements %parallel_loop3A_789, 1 {pack_format = #tpu.pack_format<interleaved>} : vector<32xbf16> -> vector<16xf32>
        %parallel_loop3A_792 = arith.addf %parallel_loop3A_751, %parallel_loop3A_790 : vector<16xf32>
        %parallel_loop3A_793 = arith.addf %parallel_loop3A_752, %parallel_loop3A_791 : vector<16xf32>
        %parallel_loop3A_794 = arith.constant 12550 : i32
        %parallel_loop3A_795 = vector.broadcast %parallel_loop3A_794 : i32 to vector<16xi32>
        %parallel_loop3A_796 = arith.addi %parallel_loop3A_784, %parallel_loop3A_795 : vector<16xi32>
        %parallel_loop3A_797 = tpu.vector_load_idx %arg5[%parallel_loop3A_796] : memref<50200xi32, #tpu.memory_space<vmem>>[vector<16xi32>], vector<16xi32>,
        %parallel_loop3A_798 = vector.bitcast %parallel_loop3A_797 : vector<16xi32> to vector<32xbf16>
        %parallel_loop3A_799 = tpu.unpack_subelements %parallel_loop3A_798, 0 {pack_format = #tpu.pack_format<interleaved>} : vector<32xbf16> -> vector<16xf32>
        %parallel_loop3A_800 = tpu.unpack_subelements %parallel_loop3A_798, 1 {pack_format = #tpu.pack_format<interleaved>} : vector<32xbf16> -> vector<16xf32>
        %parallel_loop3A_801 = arith.addf %parallel_loop3A_760, %parallel_loop3A_799 : vector<16xf32>
        %parallel_loop3A_802 = arith.addf %parallel_loop3A_761, %parallel_loop3A_800 : vector<16xf32>
        %parallel_loop3A_803 = arith.constant 25100 : i32
        %parallel_loop3A_804 = vector.broadcast %parallel_loop3A_803 : i32 to vector<16xi32>
        %parallel_loop3A_805 = arith.addi %parallel_loop3A_784, %parallel_loop3A_804 : vector<16xi32>
        %parallel_loop3A_806 = tpu.vector_load_idx %arg5[%parallel_loop3A_805] : memref<50200xi32, #tpu.memory_space<vmem>>[vector<16xi32>], vector<16xi32>,
        %parallel_loop3A_807 = vector.bitcast %parallel_loop3A_806 : vector<16xi32> to vector<32xbf16>
        %parallel_loop3A_808 = tpu.unpack_subelements %parallel_loop3A_807, 0 {pack_format = #tpu.pack_format<interleaved>} : vector<32xbf16> -> vector<16xf32>
        %parallel_loop3A_809 = tpu.unpack_subelements %parallel_loop3A_807, 1 {pack_format = #tpu.pack_format<interleaved>} : vector<32xbf16> -> vector<16xf32>
        %parallel_loop3A_810 = arith.addf %parallel_loop3A_769, %parallel_loop3A_808 : vector<16xf32>
        %parallel_loop3A_811 = arith.addf %parallel_loop3A_770, %parallel_loop3A_809 : vector<16xf32>
        %parallel_loop3A_812 = arith.constant 37650 : i32
        %parallel_loop3A_813 = vector.broadcast %parallel_loop3A_812 : i32 to vector<16xi32>
        %parallel_loop3A_814 = arith.addi %parallel_loop3A_784, %parallel_loop3A_813 : vector<16xi32>
        %parallel_loop3A_815 = tpu.vector_load_idx %arg5[%parallel_loop3A_814] : memref<50200xi32, #tpu.memory_space<vmem>>[vector<16xi32>], vector<16xi32>,
        %parallel_loop3A_816 = vector.bitcast %parallel_loop3A_815 : vector<16xi32> to vector<32xbf16>
        %parallel_loop3A_817 = tpu.unpack_subelements %parallel_loop3A_816, 0 {pack_format = #tpu.pack_format<interleaved>} : vector<32xbf16> -> vector<16xf32>
        %parallel_loop3A_818 = tpu.unpack_subelements %parallel_loop3A_816, 1 {pack_format = #tpu.pack_format<interleaved>} : vector<32xbf16> -> vector<16xf32>
        %parallel_loop3A_819 = arith.addf %parallel_loop3A_778, %parallel_loop3A_817 : vector<16xf32>
        %parallel_loop3A_820 = arith.addf %parallel_loop3A_779, %parallel_loop3A_818 : vector<16xf32>
        scf.yield %parallel_loop3A_792, %parallel_loop3A_793, %parallel_loop3A_801, %parallel_loop3A_802, %parallel_loop3A_810, %parallel_loop3A_811, %parallel_loop3A_819, %parallel_loop3A_820 : vector<16xf32>, vector<16xf32>, vector<16xf32>, vector<16xf32>, vector<16xf32>, vector<16xf32>, vector<16xf32>, vector<16xf32>
      } {sc.loop_unroll_factor = 1 : i64, sc.parallel_access}
      %swap3A_318 = arith.constant 0 : i32
      %swap3A_319 = arith.index_cast %swap3A_318 : i32 to index
      %swap3A_320 = arith.constant 112 : index
      %swap3A_321 = tpu.vector_load %arg8[%swap3A_319, %swap3A_320] {strides = array<i32>} : memref<8x128xf32, #tpu.memory_space<vmem>>, vector<16xf32>,
      tpu.vector_store %arg8[%swap3A_319, %swap3A_320], %parallel_loop3A_317#0 {strides = array<i32>} : memref<8x128xf32, #tpu.memory_space<vmem>>, vector<16xf32>,
      %swap3A_322 = arith.constant 1 : i32
      %swap3A_323 = arith.index_cast %swap3A_322 : i32 to index
      %swap3A_324 = arith.constant 112 : index
      %swap3A_325 = tpu.vector_load %arg8[%swap3A_323, %swap3A_324] {strides = array<i32>} : memref<8x128xf32, #tpu.memory_space<vmem>>, vector<16xf32>,
      tpu.vector_store %arg8[%swap3A_323, %swap3A_324], %parallel_loop3A_317#1 {strides = array<i32>} : memref<8x128xf32, #tpu.memory_space<vmem>>, vector<16xf32>,
      %swap3A_326 = arith.constant 2 : i32
      %swap3A_327 = arith.index_cast %swap3A_326 : i32 to index
      %swap3A_328 = arith.constant 112 : index
      %swap3A_329 = tpu.vector_load %arg8[%swap3A_327, %swap3A_328] {strides = array<i32>} : memref<8x128xf32, #tpu.memory_space<vmem>>, vector<16xf32>,
      tpu.vector_store %arg8[%swap3A_327, %swap3A_328], %parallel_loop3A_317#2 {strides = array<i32>} : memref<8x128xf32, #tpu.memory_space<vmem>>, vector<16xf32>,
      %swap3A_330 = arith.constant 3 : i32
      %swap3A_331 = arith.index_cast %swap3A_330 : i32 to index
      %swap3A_332 = arith.constant 112 : index
      %swap3A_333 = tpu.vector_load %arg8[%swap3A_331, %swap3A_332] {strides = array<i32>} : memref<8x128xf32, #tpu.memory_space<vmem>>, vector<16xf32>,
      tpu.vector_store %arg8[%swap3A_331, %swap3A_332], %parallel_loop3A_317#3 {strides = array<i32>} : memref<8x128xf32, #tpu.memory_space<vmem>>, vector<16xf32>,
      %swap3A_334 = arith.constant 4 : i32
      %swap3A_335 = arith.index_cast %swap3A_334 : i32 to index
      %swap3A_336 = arith.constant 112 : index
      %swap3A_337 = tpu.vector_load %arg8[%swap3A_335, %swap3A_336] {strides = array<i32>} : memref<8x128xf32, #tpu.memory_space<vmem>>, vector<16xf32>,
      tpu.vector_store %arg8[%swap3A_335, %swap3A_336], %parallel_loop3A_317#4 {strides = array<i32>} : memref<8x128xf32, #tpu.memory_space<vmem>>, vector<16xf32>,
      %swap3A_338 = arith.constant 5 : i32
      %swap3A_339 = arith.index_cast %swap3A_338 : i32 to index
      %swap3A_340 = arith.constant 112 : index
      %swap3A_341 = tpu.vector_load %arg8[%swap3A_339, %swap3A_340] {strides = array<i32>} : memref<8x128xf32, #tpu.memory_space<vmem>>, vector<16xf32>,
      tpu.vector_store %arg8[%swap3A_339, %swap3A_340], %parallel_loop3A_317#5 {strides = array<i32>} : memref<8x128xf32, #tpu.memory_space<vmem>>, vector<16xf32>,
      %swap3A_342 = arith.constant 6 : i32
      %swap3A_343 = arith.index_cast %swap3A_342 : i32 to index
      %swap3A_344 = arith.constant 112 : index
      %swap3A_345 = tpu.vector_load %arg8[%swap3A_343, %swap3A_344] {strides = array<i32>} : memref<8x128xf32, #tpu.memory_space<vmem>>, vector<16xf32>,
      tpu.vector_store %arg8[%swap3A_343, %swap3A_344], %parallel_loop3A_317#6 {strides = array<i32>} : memref<8x128xf32, #tpu.memory_space<vmem>>, vector<16xf32>,
      %swap3A_346 = arith.constant 7 : i32
      %swap3A_347 = arith.index_cast %swap3A_346 : i32 to index
      %swap3A_348 = arith.constant 112 : index
      %swap3A_349 = tpu.vector_load %arg8[%swap3A_347, %swap3A_348] {strides = array<i32>} : memref<8x128xf32, #tpu.memory_space<vmem>>, vector<16xf32>,
      tpu.vector_store %arg8[%swap3A_347, %swap3A_348], %parallel_loop3A_317#7 {strides = array<i32>} : memref<8x128xf32, #tpu.memory_space<vmem>>, vector<16xf32>,
      %mul3A_350 = arith.constant 128 : i32
      %mul3A_351 = arith.muli %mul3A_32, %mul3A_350 : i32
      %dma_start3A_352 = arith.constant 0 : i32
      %dma_start3A_353 = tpu.memref_slice %arg4[%add3A, %dma_start3A_352, %mul3A_351] : memref<32x8x16384xf32, #tpu.memory_space<hbm>> -> memref<1x8x128xf32, #tpu.memory_space<hbm>>
      %dma_start3A_354 = tpu.memref_squeeze %dma_start3A_353 : memref<1x8x128xf32, #tpu.memory_space<hbm>> -> memref<8x128xf32, #tpu.memory_space<hbm>>
      %dma_start3A_355 = arith.constant 0 : i32
      %dma_start3A_356 = tpu.memref_slice %arg4[%add3A, %dma_start3A_355, %mul3A_351] : memref<32x8x16384xf32, #tpu.memory_space<hbm>> -> memref<1x8x128xf32, #tpu.memory_space<hbm>>
      %dma_start3A_357 = tpu.memref_squeeze %dma_start3A_356 : memref<1x8x128xf32, #tpu.memory_space<hbm>> -> memref<8x128xf32, #tpu.memory_space<hbm>>
      tpu.enqueue_dma source(%arg8 : memref<8x128xf32, #tpu.memory_space<vmem>>) target(%dma_start3A_357 : memref<8x128xf32, #tpu.memory_space<hbm>>) target_semaphore(%arg12 : memref<!tpu.dma_semaphore, #tpu.memory_space<semaphore_mem>>)
      %lt3A = arith.constant 63 : i32
      %lt3A_358 = arith.cmpi slt, %scan3A_30, %lt3A : i32
      %convert_element_type3A_359 = arith.extui %lt3A_358 : i1 to i32
      %cond3A_360 = arith.constant 0 : i32
      %cond3A_361 = arith.cmpi ne, %convert_element_type3A_359, %cond3A_360 : i32
      scf.if %cond3A_361 {
        %add3A_687 = arith.constant 2 : i32
        %add3A_688 = arith.addi %mul3A_32, %add3A_687 : i32
        %mul3A_689 = arith.constant 128 : i32
        %mul3A_690 = arith.muli %add3A_688, %mul3A_689 : i32
        %dma_start3A_691 = arith.constant 0 : i32
        %dma_start3A_692 = tpu.memref_slice %arg3[%dma_start3A_691, %mul3A_690] : memref<150x16384xi32, #tpu.memory_space<hbm>> -> memref<150x128xi32, #tpu.memory_space<hbm>>
        %dma_start3A_693 = arith.constant 0 : i32
        %dma_start3A_694 = tpu.memref_slice %arg3[%dma_start3A_693, %mul3A_690] : memref<150x16384xi32, #tpu.memory_space<hbm>> -> memref<150x128xi32, #tpu.memory_space<hbm>>
        tpu.enqueue_dma source(%dma_start3A_694 : memref<150x128xi32, #tpu.memory_space<hbm>>) target(%arg6 : memref<150x128xi32, #tpu.memory_space<vmem>>) target_semaphore(%arg10 : memref<!tpu.dma_semaphore, #tpu.memory_space<semaphore_mem>>)
      } else {
      }
      %dma_wait3A_362 = arith.constant 0 : i32
      %dma_wait3A_363 = arith.constant 0 : i32
      %dma_wait3A_364 = tpu.memref_slice %arg3[%dma_wait3A_362, %dma_wait3A_363] : memref<150x16384xi32, #tpu.memory_space<hbm>> -> memref<150x128xi32, #tpu.memory_space<hbm>>
      %dma_wait3A_365 = arith.constant 0 : i32
      %dma_wait3A_366 = arith.constant 0 : i32
      %dma_wait3A_367 = tpu.memref_slice %arg3[%dma_wait3A_365, %dma_wait3A_366] : memref<150x16384xi32, #tpu.memory_space<hbm>> -> memref<150x128xi32, #tpu.memory_space<hbm>>
      tpu.wait_dma2 semaphore(%arg11 : memref<!tpu.dma_semaphore, #tpu.memory_space<semaphore_mem>>) src(%dma_wait3A_367 : memref<150x128xi32, #tpu.memory_space<hbm>>) dst(%arg7 : memref<150x128xi32, #tpu.memory_space<vmem>>)
      %gt3A_368 = arith.constant 0 : i32
      %gt3A_369 = arith.cmpi sgt, %scan3A_30, %gt3A_368 : i32
      %convert_element_type3A_370 = arith.extui %gt3A_369 : i1 to i32
      %cond3A_371 = arith.constant 0 : i32
      %cond3A_372 = arith.cmpi ne, %convert_element_type3A_370, %cond3A_371 : i32
      scf.if %cond3A_372 {
        %dma_wait3A_687 = arith.constant 0 : i32
        %dma_wait3A_688 = arith.constant 0 : i32
        %dma_wait3A_689 = arith.constant 0 : i32
        %dma_wait3A_690 = tpu.memref_slice %arg4[%dma_wait3A_687, %dma_wait3A_688, %dma_wait3A_689] : memref<32x8x16384xf32, #tpu.memory_space<hbm>> -> memref<1x8x128xf32, #tpu.memory_space<hbm>>
        %dma_wait3A_691 = tpu.memref_squeeze %dma_wait3A_690 : memref<1x8x128xf32, #tpu.memory_space<hbm>> -> memref<8x128xf32, #tpu.memory_space<hbm>>
        %dma_wait3A_692 = arith.constant 0 : i32
        %dma_wait3A_693 = arith.constant 0 : i32
        %dma_wait3A_694 = tpu.memref_slice %arg4[%dma_wait3A_687, %dma_wait3A_692, %dma_wait3A_693] : memref<32x8x16384xf32, #tpu.memory_space<hbm>> -> memref<1x8x128xf32, #tpu.memory_space<hbm>>
        %dma_wait3A_695 = tpu.memref_squeeze %dma_wait3A_694 : memref<1x8x128xf32, #tpu.memory_space<hbm>> -> memref<8x128xf32, #tpu.memory_space<hbm>>
        tpu.wait_dma2 semaphore(%arg13 : memref<!tpu.dma_semaphore, #tpu.memory_space<semaphore_mem>>) src(%arg9 : memref<8x128xf32, #tpu.memory_space<vmem>>) dst(%dma_wait3A_695 : memref<8x128xf32, #tpu.memory_space<hbm>>)
      } else {
      }
      %add3A_373 = arith.constant 1 : i32
      %add3A_374 = arith.addi %mul3A_32, %add3A_373 : i32
      %broadcast_in_dim3A_375 = arith.constant 0.000000e+00 : f32
      %broadcast_in_dim3A_376 = vector.broadcast %broadcast_in_dim3A_375 : f32 to vector<16xf32>
      %parallel_loop3A_377 = arith.constant 0 : i32
      %parallel_loop3A_378 = arith.constant 50 : i32
      %parallel_loop3A_379 = arith.constant 1 : i32
      %parallel_loop3A_380:8 = scf.for %parallel_loop3A_687 = %parallel_loop3A_377 to %parallel_loop3A_378 step %parallel_loop3A_379 iter_args(%parallel_loop3A_688 = %broadcast_in_dim3A_376, %parallel_loop3A_689 = %broadcast_in_dim3A_376, %parallel_loop3A_690 = %broadcast_in_dim3A_376, %parallel_loop3A_691 = %broadcast_in_dim3A_376, %parallel_loop3A_692 = %broadcast_in_dim3A_376, %parallel_loop3A_693 = %broadcast_in_dim3A_376, %parallel_loop3A_694 = %broadcast_in_dim3A_376, %parallel_loop3A_695 = %broadcast_in_dim3A_376) -> (vector<16xf32>, vector<16xf32>, vector<16xf32>, vector<16xf32>, vector<16xf32>, vector<16xf32>, vector<16xf32>, vector<16xf32>)  : i32 {
        %parallel_loop3A_696 = arith.constant 3 : i32
        %parallel_loop3A_697 = arith.muli %parallel_loop3A_687, %parallel_loop3A_696 : i32
        %parallel_loop3A_698 = arith.constant 0 : i32
        %parallel_loop3A_699 = arith.addi %parallel_loop3A_697, %parallel_loop3A_698 : i32
        %parallel_loop3A_700 = arith.index_cast %parallel_loop3A_699 : i32 to index
        %parallel_loop3A_701 = arith.constant 0 : index
        %parallel_loop3A_702 = tpu.vector_load %arg7[%parallel_loop3A_700, %parallel_loop3A_701] {strides = array<i32>} : memref<150x128xi32, #tpu.memory_space<vmem>>, vector<16xi32>,
        %parallel_loop3A_703 = arith.constant 0 : i32
        %parallel_loop3A_704 = vector.broadcast %parallel_loop3A_703 : i32 to vector<16xi32>
        %parallel_loop3A_705 = arith.addi %parallel_loop3A_702, %parallel_loop3A_704 : vector<16xi32>
        %parallel_loop3A_706 = tpu.vector_load_idx %arg5[%parallel_loop3A_705] : memref<50200xi32, #tpu.memory_space<vmem>>[vector<16xi32>], vector<16xi32>,
        %parallel_loop3A_707 = vector.bitcast %parallel_loop3A_706 : vector<16xi32> to vector<32xbf16>
        %parallel_loop3A_708 = tpu.unpack_subelements %parallel_loop3A_707, 0 {pack_format = #tpu.pack_format<interleaved>} : vector<32xbf16> -> vector<16xf32>
        %parallel_loop3A_709 = tpu.unpack_subelements %parallel_loop3A_707, 1 {pack_format = #tpu.pack_format<interleaved>} : vector<32xbf16> -> vector<16xf32>
        %parallel_loop3A_710 = arith.addf %parallel_loop3A_688, %parallel_loop3A_708 : vector<16xf32>
        %parallel_loop3A_711 = arith.addf %parallel_loop3A_689, %parallel_loop3A_709 : vector<16xf32>
        %parallel_loop3A_712 = arith.constant 12550 : i32
        %parallel_loop3A_713 = vector.broadcast %parallel_loop3A_712 : i32 to vector<16xi32>
        %parallel_loop3A_714 = arith.addi %parallel_loop3A_702, %parallel_loop3A_713 : vector<16xi32>
        %parallel_loop3A_715 = tpu.vector_load_idx %arg5[%parallel_loop3A_714] : memref<50200xi32, #tpu.memory_space<vmem>>[vector<16xi32>], vector<16xi32>,
        %parallel_loop3A_716 = vector.bitcast %parallel_loop3A_715 : vector<16xi32> to vector<32xbf16>
        %parallel_loop3A_717 = tpu.unpack_subelements %parallel_loop3A_716, 0 {pack_format = #tpu.pack_format<interleaved>} : vector<32xbf16> -> vector<16xf32>
        %parallel_loop3A_718 = tpu.unpack_subelements %parallel_loop3A_716, 1 {pack_format = #tpu.pack_format<interleaved>} : vector<32xbf16> -> vector<16xf32>
        %parallel_loop3A_719 = arith.addf %parallel_loop3A_690, %parallel_loop3A_717 : vector<16xf32>
        %parallel_loop3A_720 = arith.addf %parallel_loop3A_691, %parallel_loop3A_718 : vector<16xf32>
        %parallel_loop3A_721 = arith.constant 25100 : i32
        %parallel_loop3A_722 = vector.broadcast %parallel_loop3A_721 : i32 to vector<16xi32>
        %parallel_loop3A_723 = arith.addi %parallel_loop3A_702, %parallel_loop3A_722 : vector<16xi32>
        %parallel_loop3A_724 = tpu.vector_load_idx %arg5[%parallel_loop3A_723] : memref<50200xi32, #tpu.memory_space<vmem>>[vector<16xi32>], vector<16xi32>,
        %parallel_loop3A_725 = vector.bitcast %parallel_loop3A_724 : vector<16xi32> to vector<32xbf16>
        %parallel_loop3A_726 = tpu.unpack_subelements %parallel_loop3A_725, 0 {pack_format = #tpu.pack_format<interleaved>} : vector<32xbf16> -> vector<16xf32>
        %parallel_loop3A_727 = tpu.unpack_subelements %parallel_loop3A_725, 1 {pack_format = #tpu.pack_format<interleaved>} : vector<32xbf16> -> vector<16xf32>
        %parallel_loop3A_728 = arith.addf %parallel_loop3A_692, %parallel_loop3A_726 : vector<16xf32>
        %parallel_loop3A_729 = arith.addf %parallel_loop3A_693, %parallel_loop3A_727 : vector<16xf32>
        %parallel_loop3A_730 = arith.constant 37650 : i32
        %parallel_loop3A_731 = vector.broadcast %parallel_loop3A_730 : i32 to vector<16xi32>
        %parallel_loop3A_732 = arith.addi %parallel_loop3A_702, %parallel_loop3A_731 : vector<16xi32>
        %parallel_loop3A_733 = tpu.vector_load_idx %arg5[%parallel_loop3A_732] : memref<50200xi32, #tpu.memory_space<vmem>>[vector<16xi32>], vector<16xi32>,
        %parallel_loop3A_734 = vector.bitcast %parallel_loop3A_733 : vector<16xi32> to vector<32xbf16>
        %parallel_loop3A_735 = tpu.unpack_subelements %parallel_loop3A_734, 0 {pack_format = #tpu.pack_format<interleaved>} : vector<32xbf16> -> vector<16xf32>
        %parallel_loop3A_736 = tpu.unpack_subelements %parallel_loop3A_734, 1 {pack_format = #tpu.pack_format<interleaved>} : vector<32xbf16> -> vector<16xf32>
        %parallel_loop3A_737 = arith.addf %parallel_loop3A_694, %parallel_loop3A_735 : vector<16xf32>
        %parallel_loop3A_738 = arith.addf %parallel_loop3A_695, %parallel_loop3A_736 : vector<16xf32>
        %parallel_loop3A_739 = arith.constant 1 : i32
        %parallel_loop3A_740 = arith.addi %parallel_loop3A_697, %parallel_loop3A_739 : i32
        %parallel_loop3A_741 = arith.index_cast %parallel_loop3A_740 : i32 to index
        %parallel_loop3A_742 = arith.constant 0 : index
        %parallel_loop3A_743 = tpu.vector_load %arg7[%parallel_loop3A_741, %parallel_loop3A_742] {strides = array<i32>} : memref<150x128xi32, #tpu.memory_space<vmem>>, vector<16xi32>,
        %parallel_loop3A_744 = arith.constant 0 : i32
        %parallel_loop3A_745 = vector.broadcast %parallel_loop3A_744 : i32 to vector<16xi32>
        %parallel_loop3A_746 = arith.addi %parallel_loop3A_743, %parallel_loop3A_745 : vector<16xi32>
        %parallel_loop3A_747 = tpu.vector_load_idx %arg5[%parallel_loop3A_746] : memref<50200xi32, #tpu.memory_space<vmem>>[vector<16xi32>], vector<16xi32>,
        %parallel_loop3A_748 = vector.bitcast %parallel_loop3A_747 : vector<16xi32> to vector<32xbf16>
        %parallel_loop3A_749 = tpu.unpack_subelements %parallel_loop3A_748, 0 {pack_format = #tpu.pack_format<interleaved>} : vector<32xbf16> -> vector<16xf32>
        %parallel_loop3A_750 = tpu.unpack_subelements %parallel_loop3A_748, 1 {pack_format = #tpu.pack_format<interleaved>} : vector<32xbf16> -> vector<16xf32>
        %parallel_loop3A_751 = arith.addf %parallel_loop3A_710, %parallel_loop3A_749 : vector<16xf32>
        %parallel_loop3A_752 = arith.addf %parallel_loop3A_711, %parallel_loop3A_750 : vector<16xf32>
        %parallel_loop3A_753 = arith.constant 12550 : i32
        %parallel_loop3A_754 = vector.broadcast %parallel_loop3A_753 : i32 to vector<16xi32>
        %parallel_loop3A_755 = arith.addi %parallel_loop3A_743, %parallel_loop3A_754 : vector<16xi32>
        %parallel_loop3A_756 = tpu.vector_load_idx %arg5[%parallel_loop3A_755] : memref<50200xi32, #tpu.memory_space<vmem>>[vector<16xi32>], vector<16xi32>,
        %parallel_loop3A_757 = vector.bitcast %parallel_loop3A_756 : vector<16xi32> to vector<32xbf16>
        %parallel_loop3A_758 = tpu.unpack_subelements %parallel_loop3A_757, 0 {pack_format = #tpu.pack_format<interleaved>} : vector<32xbf16> -> vector<16xf32>
        %parallel_loop3A_759 = tpu.unpack_subelements %parallel_loop3A_757, 1 {pack_format = #tpu.pack_format<interleaved>} : vector<32xbf16> -> vector<16xf32>
        %parallel_loop3A_760 = arith.addf %parallel_loop3A_719, %parallel_loop3A_758 : vector<16xf32>
        %parallel_loop3A_761 = arith.addf %parallel_loop3A_720, %parallel_loop3A_759 : vector<16xf32>
        %parallel_loop3A_762 = arith.constant 25100 : i32
        %parallel_loop3A_763 = vector.broadcast %parallel_loop3A_762 : i32 to vector<16xi32>
        %parallel_loop3A_764 = arith.addi %parallel_loop3A_743, %parallel_loop3A_763 : vector<16xi32>
        %parallel_loop3A_765 = tpu.vector_load_idx %arg5[%parallel_loop3A_764] : memref<50200xi32, #tpu.memory_space<vmem>>[vector<16xi32>], vector<16xi32>,
        %parallel_loop3A_766 = vector.bitcast %parallel_loop3A_765 : vector<16xi32> to vector<32xbf16>
        %parallel_loop3A_767 = tpu.unpack_subelements %parallel_loop3A_766, 0 {pack_format = #tpu.pack_format<interleaved>} : vector<32xbf16> -> vector<16xf32>
        %parallel_loop3A_768 = tpu.unpack_subelements %parallel_loop3A_766, 1 {pack_format = #tpu.pack_format<interleaved>} : vector<32xbf16> -> vector<16xf32>
        %parallel_loop3A_769 = arith.addf %parallel_loop3A_728, %parallel_loop3A_767 : vector<16xf32>
        %parallel_loop3A_770 = arith.addf %parallel_loop3A_729, %parallel_loop3A_768 : vector<16xf32>
        %parallel_loop3A_771 = arith.constant 37650 : i32
        %parallel_loop3A_772 = vector.broadcast %parallel_loop3A_771 : i32 to vector<16xi32>
        %parallel_loop3A_773 = arith.addi %parallel_loop3A_743, %parallel_loop3A_772 : vector<16xi32>
        %parallel_loop3A_774 = tpu.vector_load_idx %arg5[%parallel_loop3A_773] : memref<50200xi32, #tpu.memory_space<vmem>>[vector<16xi32>], vector<16xi32>,
        %parallel_loop3A_775 = vector.bitcast %parallel_loop3A_774 : vector<16xi32> to vector<32xbf16>
        %parallel_loop3A_776 = tpu.unpack_subelements %parallel_loop3A_775, 0 {pack_format = #tpu.pack_format<interleaved>} : vector<32xbf16> -> vector<16xf32>
        %parallel_loop3A_777 = tpu.unpack_subelements %parallel_loop3A_775, 1 {pack_format = #tpu.pack_format<interleaved>} : vector<32xbf16> -> vector<16xf32>
        %parallel_loop3A_778 = arith.addf %parallel_loop3A_737, %parallel_loop3A_776 : vector<16xf32>
        %parallel_loop3A_779 = arith.addf %parallel_loop3A_738, %parallel_loop3A_777 : vector<16xf32>
        %parallel_loop3A_780 = arith.constant 2 : i32
        %parallel_loop3A_781 = arith.addi %parallel_loop3A_697, %parallel_loop3A_780 : i32
        %parallel_loop3A_782 = arith.index_cast %parallel_loop3A_781 : i32 to index
        %parallel_loop3A_783 = arith.constant 0 : index
        %parallel_loop3A_784 = tpu.vector_load %arg7[%parallel_loop3A_782, %parallel_loop3A_783] {strides = array<i32>} : memref<150x128xi32, #tpu.memory_space<vmem>>, vector<16xi32>,
        %parallel_loop3A_785 = arith.constant 0 : i32
        %parallel_loop3A_786 = vector.broadcast %parallel_loop3A_785 : i32 to vector<16xi32>
        %parallel_loop3A_787 = arith.addi %parallel_loop3A_784, %parallel_loop3A_786 : vector<16xi32>
        %parallel_loop3A_788 = tpu.vector_load_idx %arg5[%parallel_loop3A_787] : memref<50200xi32, #tpu.memory_space<vmem>>[vector<16xi32>], vector<16xi32>,
        %parallel_loop3A_789 = vector.bitcast %parallel_loop3A_788 : vector<16xi32> to vector<32xbf16>
        %parallel_loop3A_790 = tpu.unpack_subelements %parallel_loop3A_789, 0 {pack_format = #tpu.pack_format<interleaved>} : vector<32xbf16> -> vector<16xf32>
        %parallel_loop3A_791 = tpu.unpack_subelements %parallel_loop3A_789, 1 {pack_format = #tpu.pack_format<interleaved>} : vector<32xbf16> -> vector<16xf32>
        %parallel_loop3A_792 = arith.addf %parallel_loop3A_751, %parallel_loop3A_790 : vector<16xf32>
        %parallel_loop3A_793 = arith.addf %parallel_loop3A_752, %parallel_loop3A_791 : vector<16xf32>
        %parallel_loop3A_794 = arith.constant 12550 : i32
        %parallel_loop3A_795 = vector.broadcast %parallel_loop3A_794 : i32 to vector<16xi32>
        %parallel_loop3A_796 = arith.addi %parallel_loop3A_784, %parallel_loop3A_795 : vector<16xi32>
        %parallel_loop3A_797 = tpu.vector_load_idx %arg5[%parallel_loop3A_796] : memref<50200xi32, #tpu.memory_space<vmem>>[vector<16xi32>], vector<16xi32>,
        %parallel_loop3A_798 = vector.bitcast %parallel_loop3A_797 : vector<16xi32> to vector<32xbf16>
        %parallel_loop3A_799 = tpu.unpack_subelements %parallel_loop3A_798, 0 {pack_format = #tpu.pack_format<interleaved>} : vector<32xbf16> -> vector<16xf32>
        %parallel_loop3A_800 = tpu.unpack_subelements %parallel_loop3A_798, 1 {pack_format = #tpu.pack_format<interleaved>} : vector<32xbf16> -> vector<16xf32>
        %parallel_loop3A_801 = arith.addf %parallel_loop3A_760, %parallel_loop3A_799 : vector<16xf32>
        %parallel_loop3A_802 = arith.addf %parallel_loop3A_761, %parallel_loop3A_800 : vector<16xf32>
        %parallel_loop3A_803 = arith.constant 25100 : i32
        %parallel_loop3A_804 = vector.broadcast %parallel_loop3A_803 : i32 to vector<16xi32>
        %parallel_loop3A_805 = arith.addi %parallel_loop3A_784, %parallel_loop3A_804 : vector<16xi32>
        %parallel_loop3A_806 = tpu.vector_load_idx %arg5[%parallel_loop3A_805] : memref<50200xi32, #tpu.memory_space<vmem>>[vector<16xi32>], vector<16xi32>,
        %parallel_loop3A_807 = vector.bitcast %parallel_loop3A_806 : vector<16xi32> to vector<32xbf16>
        %parallel_loop3A_808 = tpu.unpack_subelements %parallel_loop3A_807, 0 {pack_format = #tpu.pack_format<interleaved>} : vector<32xbf16> -> vector<16xf32>
        %parallel_loop3A_809 = tpu.unpack_subelements %parallel_loop3A_807, 1 {pack_format = #tpu.pack_format<interleaved>} : vector<32xbf16> -> vector<16xf32>
        %parallel_loop3A_810 = arith.addf %parallel_loop3A_769, %parallel_loop3A_808 : vector<16xf32>
        %parallel_loop3A_811 = arith.addf %parallel_loop3A_770, %parallel_loop3A_809 : vector<16xf32>
        %parallel_loop3A_812 = arith.constant 37650 : i32
        %parallel_loop3A_813 = vector.broadcast %parallel_loop3A_812 : i32 to vector<16xi32>
        %parallel_loop3A_814 = arith.addi %parallel_loop3A_784, %parallel_loop3A_813 : vector<16xi32>
        %parallel_loop3A_815 = tpu.vector_load_idx %arg5[%parallel_loop3A_814] : memref<50200xi32, #tpu.memory_space<vmem>>[vector<16xi32>], vector<16xi32>,
        %parallel_loop3A_816 = vector.bitcast %parallel_loop3A_815 : vector<16xi32> to vector<32xbf16>
        %parallel_loop3A_817 = tpu.unpack_subelements %parallel_loop3A_816, 0 {pack_format = #tpu.pack_format<interleaved>} : vector<32xbf16> -> vector<16xf32>
        %parallel_loop3A_818 = tpu.unpack_subelements %parallel_loop3A_816, 1 {pack_format = #tpu.pack_format<interleaved>} : vector<32xbf16> -> vector<16xf32>
        %parallel_loop3A_819 = arith.addf %parallel_loop3A_778, %parallel_loop3A_817 : vector<16xf32>
        %parallel_loop3A_820 = arith.addf %parallel_loop3A_779, %parallel_loop3A_818 : vector<16xf32>
        scf.yield %parallel_loop3A_792, %parallel_loop3A_793, %parallel_loop3A_801, %parallel_loop3A_802, %parallel_loop3A_810, %parallel_loop3A_811, %parallel_loop3A_819, %parallel_loop3A_820 : vector<16xf32>, vector<16xf32>, vector<16xf32>, vector<16xf32>, vector<16xf32>, vector<16xf32>, vector<16xf32>, vector<16xf32>
      } {sc.loop_unroll_factor = 1 : i64, sc.parallel_access}
      %swap3A_381 = arith.constant 0 : i32
      %swap3A_382 = arith.index_cast %swap3A_381 : i32 to index
      %swap3A_383 = arith.constant 0 : index
      %swap3A_384 = tpu.vector_load %arg9[%swap3A_382, %swap3A_383] {strides = array<i32>} : memref<8x128xf32, #tpu.memory_space<vmem>>, vector<16xf32>,
      tpu.vector_store %arg9[%swap3A_382, %swap3A_383], %parallel_loop3A_380#0 {strides = array<i32>} : memref<8x128xf32, #tpu.memory_space<vmem>>, vector<16xf32>,
      %swap3A_385 = arith.constant 1 : i32
      %swap3A_386 = arith.index_cast %swap3A_385 : i32 to index
      %swap3A_387 = arith.constant 0 : index
      %swap3A_388 = tpu.vector_load %arg9[%swap3A_386, %swap3A_387] {strides = array<i32>} : memref<8x128xf32, #tpu.memory_space<vmem>>, vector<16xf32>,
      tpu.vector_store %arg9[%swap3A_386, %swap3A_387], %parallel_loop3A_380#1 {strides = array<i32>} : memref<8x128xf32, #tpu.memory_space<vmem>>, vector<16xf32>,
      %swap3A_389 = arith.constant 2 : i32
      %swap3A_390 = arith.index_cast %swap3A_389 : i32 to index
      %swap3A_391 = arith.constant 0 : index
      %swap3A_392 = tpu.vector_load %arg9[%swap3A_390, %swap3A_391] {strides = array<i32>} : memref<8x128xf32, #tpu.memory_space<vmem>>, vector<16xf32>,
      tpu.vector_store %arg9[%swap3A_390, %swap3A_391], %parallel_loop3A_380#2 {strides = array<i32>} : memref<8x128xf32, #tpu.memory_space<vmem>>, vector<16xf32>,
      %swap3A_393 = arith.constant 3 : i32
      %swap3A_394 = arith.index_cast %swap3A_393 : i32 to index
      %swap3A_395 = arith.constant 0 : index
      %swap3A_396 = tpu.vector_load %arg9[%swap3A_394, %swap3A_395] {strides = array<i32>} : memref<8x128xf32, #tpu.memory_space<vmem>>, vector<16xf32>,
      tpu.vector_store %arg9[%swap3A_394, %swap3A_395], %parallel_loop3A_380#3 {strides = array<i32>} : memref<8x128xf32, #tpu.memory_space<vmem>>, vector<16xf32>,
      %swap3A_397 = arith.constant 4 : i32
      %swap3A_398 = arith.index_cast %swap3A_397 : i32 to index
      %swap3A_399 = arith.constant 0 : index
      %swap3A_400 = tpu.vector_load %arg9[%swap3A_398, %swap3A_399] {strides = array<i32>} : memref<8x128xf32, #tpu.memory_space<vmem>>, vector<16xf32>,
      tpu.vector_store %arg9[%swap3A_398, %swap3A_399], %parallel_loop3A_380#4 {strides = array<i32>} : memref<8x128xf32, #tpu.memory_space<vmem>>, vector<16xf32>,
      %swap3A_401 = arith.constant 5 : i32
      %swap3A_402 = arith.index_cast %swap3A_401 : i32 to index
      %swap3A_403 = arith.constant 0 : index
      %swap3A_404 = tpu.vector_load %arg9[%swap3A_402, %swap3A_403] {strides = array<i32>} : memref<8x128xf32, #tpu.memory_space<vmem>>, vector<16xf32>,
      tpu.vector_store %arg9[%swap3A_402, %swap3A_403], %parallel_loop3A_380#5 {strides = array<i32>} : memref<8x128xf32, #tpu.memory_space<vmem>>, vector<16xf32>,
      %swap3A_405 = arith.constant 6 : i32
      %swap3A_406 = arith.index_cast %swap3A_405 : i32 to index
      %swap3A_407 = arith.constant 0 : index
      %swap3A_408 = tpu.vector_load %arg9[%swap3A_406, %swap3A_407] {strides = array<i32>} : memref<8x128xf32, #tpu.memory_space<vmem>>, vector<16xf32>,
      tpu.vector_store %arg9[%swap3A_406, %swap3A_407], %parallel_loop3A_380#6 {strides = array<i32>} : memref<8x128xf32, #tpu.memory_space<vmem>>, vector<16xf32>,
      %swap3A_409 = arith.constant 7 : i32
      %swap3A_410 = arith.index_cast %swap3A_409 : i32 to index
      %swap3A_411 = arith.constant 0 : index
      %swap3A_412 = tpu.vector_load %arg9[%swap3A_410, %swap3A_411] {strides = array<i32>} : memref<8x128xf32, #tpu.memory_space<vmem>>, vector<16xf32>,
      tpu.vector_store %arg9[%swap3A_410, %swap3A_411], %parallel_loop3A_380#7 {strides = array<i32>} : memref<8x128xf32, #tpu.memory_space<vmem>>, vector<16xf32>,
      %broadcast_in_dim3A_413 = arith.constant 0.000000e+00 : f32
      %broadcast_in_dim3A_414 = vector.broadcast %broadcast_in_dim3A_413 : f32 to vector<16xf32>
      %parallel_loop3A_415 = arith.constant 0 : i32
      %parallel_loop3A_416 = arith.constant 50 : i32
      %parallel_loop3A_417 = arith.constant 1 : i32
      %parallel_loop3A_418:8 = scf.for %parallel_loop3A_687 = %parallel_loop3A_415 to %parallel_loop3A_416 step %parallel_loop3A_417 iter_args(%parallel_loop3A_688 = %broadcast_in_dim3A_414, %parallel_loop3A_689 = %broadcast_in_dim3A_414, %parallel_loop3A_690 = %broadcast_in_dim3A_414, %parallel_loop3A_691 = %broadcast_in_dim3A_414, %parallel_loop3A_692 = %broadcast_in_dim3A_414, %parallel_loop3A_693 = %broadcast_in_dim3A_414, %parallel_loop3A_694 = %broadcast_in_dim3A_414, %parallel_loop3A_695 = %broadcast_in_dim3A_414) -> (vector<16xf32>, vector<16xf32>, vector<16xf32>, vector<16xf32>, vector<16xf32>, vector<16xf32>, vector<16xf32>, vector<16xf32>)  : i32 {
        %parallel_loop3A_696 = arith.constant 3 : i32
        %parallel_loop3A_697 = arith.muli %parallel_loop3A_687, %parallel_loop3A_696 : i32
        %parallel_loop3A_698 = arith.constant 0 : i32
        %parallel_loop3A_699 = arith.addi %parallel_loop3A_697, %parallel_loop3A_698 : i32
        %parallel_loop3A_700 = arith.index_cast %parallel_loop3A_699 : i32 to index
        %parallel_loop3A_701 = arith.constant 16 : index
        %parallel_loop3A_702 = tpu.vector_load %arg7[%parallel_loop3A_700, %parallel_loop3A_701] {strides = array<i32>} : memref<150x128xi32, #tpu.memory_space<vmem>>, vector<16xi32>,
        %parallel_loop3A_703 = arith.constant 0 : i32
        %parallel_loop3A_704 = vector.broadcast %parallel_loop3A_703 : i32 to vector<16xi32>
        %parallel_loop3A_705 = arith.addi %parallel_loop3A_702, %parallel_loop3A_704 : vector<16xi32>
        %parallel_loop3A_706 = tpu.vector_load_idx %arg5[%parallel_loop3A_705] : memref<50200xi32, #tpu.memory_space<vmem>>[vector<16xi32>], vector<16xi32>,
        %parallel_loop3A_707 = vector.bitcast %parallel_loop3A_706 : vector<16xi32> to vector<32xbf16>
        %parallel_loop3A_708 = tpu.unpack_subelements %parallel_loop3A_707, 0 {pack_format = #tpu.pack_format<interleaved>} : vector<32xbf16> -> vector<16xf32>
        %parallel_loop3A_709 = tpu.unpack_subelements %parallel_loop3A_707, 1 {pack_format = #tpu.pack_format<interleaved>} : vector<32xbf16> -> vector<16xf32>
        %parallel_loop3A_710 = arith.addf %parallel_loop3A_688, %parallel_loop3A_708 : vector<16xf32>
        %parallel_loop3A_711 = arith.addf %parallel_loop3A_689, %parallel_loop3A_709 : vector<16xf32>
        %parallel_loop3A_712 = arith.constant 12550 : i32
        %parallel_loop3A_713 = vector.broadcast %parallel_loop3A_712 : i32 to vector<16xi32>
        %parallel_loop3A_714 = arith.addi %parallel_loop3A_702, %parallel_loop3A_713 : vector<16xi32>
        %parallel_loop3A_715 = tpu.vector_load_idx %arg5[%parallel_loop3A_714] : memref<50200xi32, #tpu.memory_space<vmem>>[vector<16xi32>], vector<16xi32>,
        %parallel_loop3A_716 = vector.bitcast %parallel_loop3A_715 : vector<16xi32> to vector<32xbf16>
        %parallel_loop3A_717 = tpu.unpack_subelements %parallel_loop3A_716, 0 {pack_format = #tpu.pack_format<interleaved>} : vector<32xbf16> -> vector<16xf32>
        %parallel_loop3A_718 = tpu.unpack_subelements %parallel_loop3A_716, 1 {pack_format = #tpu.pack_format<interleaved>} : vector<32xbf16> -> vector<16xf32>
        %parallel_loop3A_719 = arith.addf %parallel_loop3A_690, %parallel_loop3A_717 : vector<16xf32>
        %parallel_loop3A_720 = arith.addf %parallel_loop3A_691, %parallel_loop3A_718 : vector<16xf32>
        %parallel_loop3A_721 = arith.constant 25100 : i32
        %parallel_loop3A_722 = vector.broadcast %parallel_loop3A_721 : i32 to vector<16xi32>
        %parallel_loop3A_723 = arith.addi %parallel_loop3A_702, %parallel_loop3A_722 : vector<16xi32>
        %parallel_loop3A_724 = tpu.vector_load_idx %arg5[%parallel_loop3A_723] : memref<50200xi32, #tpu.memory_space<vmem>>[vector<16xi32>], vector<16xi32>,
        %parallel_loop3A_725 = vector.bitcast %parallel_loop3A_724 : vector<16xi32> to vector<32xbf16>
        %parallel_loop3A_726 = tpu.unpack_subelements %parallel_loop3A_725, 0 {pack_format = #tpu.pack_format<interleaved>} : vector<32xbf16> -> vector<16xf32>
        %parallel_loop3A_727 = tpu.unpack_subelements %parallel_loop3A_725, 1 {pack_format = #tpu.pack_format<interleaved>} : vector<32xbf16> -> vector<16xf32>
        %parallel_loop3A_728 = arith.addf %parallel_loop3A_692, %parallel_loop3A_726 : vector<16xf32>
        %parallel_loop3A_729 = arith.addf %parallel_loop3A_693, %parallel_loop3A_727 : vector<16xf32>
        %parallel_loop3A_730 = arith.constant 37650 : i32
        %parallel_loop3A_731 = vector.broadcast %parallel_loop3A_730 : i32 to vector<16xi32>
        %parallel_loop3A_732 = arith.addi %parallel_loop3A_702, %parallel_loop3A_731 : vector<16xi32>
        %parallel_loop3A_733 = tpu.vector_load_idx %arg5[%parallel_loop3A_732] : memref<50200xi32, #tpu.memory_space<vmem>>[vector<16xi32>], vector<16xi32>,
        %parallel_loop3A_734 = vector.bitcast %parallel_loop3A_733 : vector<16xi32> to vector<32xbf16>
        %parallel_loop3A_735 = tpu.unpack_subelements %parallel_loop3A_734, 0 {pack_format = #tpu.pack_format<interleaved>} : vector<32xbf16> -> vector<16xf32>
        %parallel_loop3A_736 = tpu.unpack_subelements %parallel_loop3A_734, 1 {pack_format = #tpu.pack_format<interleaved>} : vector<32xbf16> -> vector<16xf32>
        %parallel_loop3A_737 = arith.addf %parallel_loop3A_694, %parallel_loop3A_735 : vector<16xf32>
        %parallel_loop3A_738 = arith.addf %parallel_loop3A_695, %parallel_loop3A_736 : vector<16xf32>
        %parallel_loop3A_739 = arith.constant 1 : i32
        %parallel_loop3A_740 = arith.addi %parallel_loop3A_697, %parallel_loop3A_739 : i32
        %parallel_loop3A_741 = arith.index_cast %parallel_loop3A_740 : i32 to index
        %parallel_loop3A_742 = arith.constant 16 : index
        %parallel_loop3A_743 = tpu.vector_load %arg7[%parallel_loop3A_741, %parallel_loop3A_742] {strides = array<i32>} : memref<150x128xi32, #tpu.memory_space<vmem>>, vector<16xi32>,
        %parallel_loop3A_744 = arith.constant 0 : i32
        %parallel_loop3A_745 = vector.broadcast %parallel_loop3A_744 : i32 to vector<16xi32>
        %parallel_loop3A_746 = arith.addi %parallel_loop3A_743, %parallel_loop3A_745 : vector<16xi32>
        %parallel_loop3A_747 = tpu.vector_load_idx %arg5[%parallel_loop3A_746] : memref<50200xi32, #tpu.memory_space<vmem>>[vector<16xi32>], vector<16xi32>,
        %parallel_loop3A_748 = vector.bitcast %parallel_loop3A_747 : vector<16xi32> to vector<32xbf16>
        %parallel_loop3A_749 = tpu.unpack_subelements %parallel_loop3A_748, 0 {pack_format = #tpu.pack_format<interleaved>} : vector<32xbf16> -> vector<16xf32>
        %parallel_loop3A_750 = tpu.unpack_subelements %parallel_loop3A_748, 1 {pack_format = #tpu.pack_format<interleaved>} : vector<32xbf16> -> vector<16xf32>
        %parallel_loop3A_751 = arith.addf %parallel_loop3A_710, %parallel_loop3A_749 : vector<16xf32>
        %parallel_loop3A_752 = arith.addf %parallel_loop3A_711, %parallel_loop3A_750 : vector<16xf32>
        %parallel_loop3A_753 = arith.constant 12550 : i32
        %parallel_loop3A_754 = vector.broadcast %parallel_loop3A_753 : i32 to vector<16xi32>
        %parallel_loop3A_755 = arith.addi %parallel_loop3A_743, %parallel_loop3A_754 : vector<16xi32>
        %parallel_loop3A_756 = tpu.vector_load_idx %arg5[%parallel_loop3A_755] : memref<50200xi32, #tpu.memory_space<vmem>>[vector<16xi32>], vector<16xi32>,
        %parallel_loop3A_757 = vector.bitcast %parallel_loop3A_756 : vector<16xi32> to vector<32xbf16>
        %parallel_loop3A_758 = tpu.unpack_subelements %parallel_loop3A_757, 0 {pack_format = #tpu.pack_format<interleaved>} : vector<32xbf16> -> vector<16xf32>
        %parallel_loop3A_759 = tpu.unpack_subelements %parallel_loop3A_757, 1 {pack_format = #tpu.pack_format<interleaved>} : vector<32xbf16> -> vector<16xf32>
        %parallel_loop3A_760 = arith.addf %parallel_loop3A_719, %parallel_loop3A_758 : vector<16xf32>
        %parallel_loop3A_761 = arith.addf %parallel_loop3A_720, %parallel_loop3A_759 : vector<16xf32>
        %parallel_loop3A_762 = arith.constant 25100 : i32
        %parallel_loop3A_763 = vector.broadcast %parallel_loop3A_762 : i32 to vector<16xi32>
        %parallel_loop3A_764 = arith.addi %parallel_loop3A_743, %parallel_loop3A_763 : vector<16xi32>
        %parallel_loop3A_765 = tpu.vector_load_idx %arg5[%parallel_loop3A_764] : memref<50200xi32, #tpu.memory_space<vmem>>[vector<16xi32>], vector<16xi32>,
        %parallel_loop3A_766 = vector.bitcast %parallel_loop3A_765 : vector<16xi32> to vector<32xbf16>
        %parallel_loop3A_767 = tpu.unpack_subelements %parallel_loop3A_766, 0 {pack_format = #tpu.pack_format<interleaved>} : vector<32xbf16> -> vector<16xf32>
        %parallel_loop3A_768 = tpu.unpack_subelements %parallel_loop3A_766, 1 {pack_format = #tpu.pack_format<interleaved>} : vector<32xbf16> -> vector<16xf32>
        %parallel_loop3A_769 = arith.addf %parallel_loop3A_728, %parallel_loop3A_767 : vector<16xf32>
        %parallel_loop3A_770 = arith.addf %parallel_loop3A_729, %parallel_loop3A_768 : vector<16xf32>
        %parallel_loop3A_771 = arith.constant 37650 : i32
        %parallel_loop3A_772 = vector.broadcast %parallel_loop3A_771 : i32 to vector<16xi32>
        %parallel_loop3A_773 = arith.addi %parallel_loop3A_743, %parallel_loop3A_772 : vector<16xi32>
        %parallel_loop3A_774 = tpu.vector_load_idx %arg5[%parallel_loop3A_773] : memref<50200xi32, #tpu.memory_space<vmem>>[vector<16xi32>], vector<16xi32>,
        %parallel_loop3A_775 = vector.bitcast %parallel_loop3A_774 : vector<16xi32> to vector<32xbf16>
        %parallel_loop3A_776 = tpu.unpack_subelements %parallel_loop3A_775, 0 {pack_format = #tpu.pack_format<interleaved>} : vector<32xbf16> -> vector<16xf32>
        %parallel_loop3A_777 = tpu.unpack_subelements %parallel_loop3A_775, 1 {pack_format = #tpu.pack_format<interleaved>} : vector<32xbf16> -> vector<16xf32>
        %parallel_loop3A_778 = arith.addf %parallel_loop3A_737, %parallel_loop3A_776 : vector<16xf32>
        %parallel_loop3A_779 = arith.addf %parallel_loop3A_738, %parallel_loop3A_777 : vector<16xf32>
        %parallel_loop3A_780 = arith.constant 2 : i32
        %parallel_loop3A_781 = arith.addi %parallel_loop3A_697, %parallel_loop3A_780 : i32
        %parallel_loop3A_782 = arith.index_cast %parallel_loop3A_781 : i32 to index
        %parallel_loop3A_783 = arith.constant 16 : index
        %parallel_loop3A_784 = tpu.vector_load %arg7[%parallel_loop3A_782, %parallel_loop3A_783] {strides = array<i32>} : memref<150x128xi32, #tpu.memory_space<vmem>>, vector<16xi32>,
        %parallel_loop3A_785 = arith.constant 0 : i32
        %parallel_loop3A_786 = vector.broadcast %parallel_loop3A_785 : i32 to vector<16xi32>
        %parallel_loop3A_787 = arith.addi %parallel_loop3A_784, %parallel_loop3A_786 : vector<16xi32>
        %parallel_loop3A_788 = tpu.vector_load_idx %arg5[%parallel_loop3A_787] : memref<50200xi32, #tpu.memory_space<vmem>>[vector<16xi32>], vector<16xi32>,
        %parallel_loop3A_789 = vector.bitcast %parallel_loop3A_788 : vector<16xi32> to vector<32xbf16>
        %parallel_loop3A_790 = tpu.unpack_subelements %parallel_loop3A_789, 0 {pack_format = #tpu.pack_format<interleaved>} : vector<32xbf16> -> vector<16xf32>
        %parallel_loop3A_791 = tpu.unpack_subelements %parallel_loop3A_789, 1 {pack_format = #tpu.pack_format<interleaved>} : vector<32xbf16> -> vector<16xf32>
        %parallel_loop3A_792 = arith.addf %parallel_loop3A_751, %parallel_loop3A_790 : vector<16xf32>
        %parallel_loop3A_793 = arith.addf %parallel_loop3A_752, %parallel_loop3A_791 : vector<16xf32>
        %parallel_loop3A_794 = arith.constant 12550 : i32
        %parallel_loop3A_795 = vector.broadcast %parallel_loop3A_794 : i32 to vector<16xi32>
        %parallel_loop3A_796 = arith.addi %parallel_loop3A_784, %parallel_loop3A_795 : vector<16xi32>
        %parallel_loop3A_797 = tpu.vector_load_idx %arg5[%parallel_loop3A_796] : memref<50200xi32, #tpu.memory_space<vmem>>[vector<16xi32>], vector<16xi32>,
        %parallel_loop3A_798 = vector.bitcast %parallel_loop3A_797 : vector<16xi32> to vector<32xbf16>
        %parallel_loop3A_799 = tpu.unpack_subelements %parallel_loop3A_798, 0 {pack_format = #tpu.pack_format<interleaved>} : vector<32xbf16> -> vector<16xf32>
        %parallel_loop3A_800 = tpu.unpack_subelements %parallel_loop3A_798, 1 {pack_format = #tpu.pack_format<interleaved>} : vector<32xbf16> -> vector<16xf32>
        %parallel_loop3A_801 = arith.addf %parallel_loop3A_760, %parallel_loop3A_799 : vector<16xf32>
        %parallel_loop3A_802 = arith.addf %parallel_loop3A_761, %parallel_loop3A_800 : vector<16xf32>
        %parallel_loop3A_803 = arith.constant 25100 : i32
        %parallel_loop3A_804 = vector.broadcast %parallel_loop3A_803 : i32 to vector<16xi32>
        %parallel_loop3A_805 = arith.addi %parallel_loop3A_784, %parallel_loop3A_804 : vector<16xi32>
        %parallel_loop3A_806 = tpu.vector_load_idx %arg5[%parallel_loop3A_805] : memref<50200xi32, #tpu.memory_space<vmem>>[vector<16xi32>], vector<16xi32>,
        %parallel_loop3A_807 = vector.bitcast %parallel_loop3A_806 : vector<16xi32> to vector<32xbf16>
        %parallel_loop3A_808 = tpu.unpack_subelements %parallel_loop3A_807, 0 {pack_format = #tpu.pack_format<interleaved>} : vector<32xbf16> -> vector<16xf32>
        %parallel_loop3A_809 = tpu.unpack_subelements %parallel_loop3A_807, 1 {pack_format = #tpu.pack_format<interleaved>} : vector<32xbf16> -> vector<16xf32>
        %parallel_loop3A_810 = arith.addf %parallel_loop3A_769, %parallel_loop3A_808 : vector<16xf32>
        %parallel_loop3A_811 = arith.addf %parallel_loop3A_770, %parallel_loop3A_809 : vector<16xf32>
        %parallel_loop3A_812 = arith.constant 37650 : i32
        %parallel_loop3A_813 = vector.broadcast %parallel_loop3A_812 : i32 to vector<16xi32>
        %parallel_loop3A_814 = arith.addi %parallel_loop3A_784, %parallel_loop3A_813 : vector<16xi32>
        %parallel_loop3A_815 = tpu.vector_load_idx %arg5[%parallel_loop3A_814] : memref<50200xi32, #tpu.memory_space<vmem>>[vector<16xi32>], vector<16xi32>,
        %parallel_loop3A_816 = vector.bitcast %parallel_loop3A_815 : vector<16xi32> to vector<32xbf16>
        %parallel_loop3A_817 = tpu.unpack_subelements %parallel_loop3A_816, 0 {pack_format = #tpu.pack_format<interleaved>} : vector<32xbf16> -> vector<16xf32>
        %parallel_loop3A_818 = tpu.unpack_subelements %parallel_loop3A_816, 1 {pack_format = #tpu.pack_format<interleaved>} : vector<32xbf16> -> vector<16xf32>
        %parallel_loop3A_819 = arith.addf %parallel_loop3A_778, %parallel_loop3A_817 : vector<16xf32>
        %parallel_loop3A_820 = arith.addf %parallel_loop3A_779, %parallel_loop3A_818 : vector<16xf32>
        scf.yield %parallel_loop3A_792, %parallel_loop3A_793, %parallel_loop3A_801, %parallel_loop3A_802, %parallel_loop3A_810, %parallel_loop3A_811, %parallel_loop3A_819, %parallel_loop3A_820 : vector<16xf32>, vector<16xf32>, vector<16xf32>, vector<16xf32>, vector<16xf32>, vector<16xf32>, vector<16xf32>, vector<16xf32>
      } {sc.loop_unroll_factor = 1 : i64, sc.parallel_access}
      %swap3A_419 = arith.constant 0 : i32
      %swap3A_420 = arith.index_cast %swap3A_419 : i32 to index
      %swap3A_421 = arith.constant 16 : index
      %swap3A_422 = tpu.vector_load %arg9[%swap3A_420, %swap3A_421] {strides = array<i32>} : memref<8x128xf32, #tpu.memory_space<vmem>>, vector<16xf32>,
      tpu.vector_store %arg9[%swap3A_420, %swap3A_421], %parallel_loop3A_418#0 {strides = array<i32>} : memref<8x128xf32, #tpu.memory_space<vmem>>, vector<16xf32>,
      %swap3A_423 = arith.constant 1 : i32
      %swap3A_424 = arith.index_cast %swap3A_423 : i32 to index
      %swap3A_425 = arith.constant 16 : index
      %swap3A_426 = tpu.vector_load %arg9[%swap3A_424, %swap3A_425] {strides = array<i32>} : memref<8x128xf32, #tpu.memory_space<vmem>>, vector<16xf32>,
      tpu.vector_store %arg9[%swap3A_424, %swap3A_425], %parallel_loop3A_418#1 {strides = array<i32>} : memref<8x128xf32, #tpu.memory_space<vmem>>, vector<16xf32>,
      %swap3A_427 = arith.constant 2 : i32
      %swap3A_428 = arith.index_cast %swap3A_427 : i32 to index
      %swap3A_429 = arith.constant 16 : index
      %swap3A_430 = tpu.vector_load %arg9[%swap3A_428, %swap3A_429] {strides = array<i32>} : memref<8x128xf32, #tpu.memory_space<vmem>>, vector<16xf32>,
      tpu.vector_store %arg9[%swap3A_428, %swap3A_429], %parallel_loop3A_418#2 {strides = array<i32>} : memref<8x128xf32, #tpu.memory_space<vmem>>, vector<16xf32>,
      %swap3A_431 = arith.constant 3 : i32
      %swap3A_432 = arith.index_cast %swap3A_431 : i32 to index
      %swap3A_433 = arith.constant 16 : index
      %swap3A_434 = tpu.vector_load %arg9[%swap3A_432, %swap3A_433] {strides = array<i32>} : memref<8x128xf32, #tpu.memory_space<vmem>>, vector<16xf32>,
      tpu.vector_store %arg9[%swap3A_432, %swap3A_433], %parallel_loop3A_418#3 {strides = array<i32>} : memref<8x128xf32, #tpu.memory_space<vmem>>, vector<16xf32>,
      %swap3A_435 = arith.constant 4 : i32
      %swap3A_436 = arith.index_cast %swap3A_435 : i32 to index
      %swap3A_437 = arith.constant 16 : index
      %swap3A_438 = tpu.vector_load %arg9[%swap3A_436, %swap3A_437] {strides = array<i32>} : memref<8x128xf32, #tpu.memory_space<vmem>>, vector<16xf32>,
      tpu.vector_store %arg9[%swap3A_436, %swap3A_437], %parallel_loop3A_418#4 {strides = array<i32>} : memref<8x128xf32, #tpu.memory_space<vmem>>, vector<16xf32>,
      %swap3A_439 = arith.constant 5 : i32
      %swap3A_440 = arith.index_cast %swap3A_439 : i32 to index
      %swap3A_441 = arith.constant 16 : index
      %swap3A_442 = tpu.vector_load %arg9[%swap3A_440, %swap3A_441] {strides = array<i32>} : memref<8x128xf32, #tpu.memory_space<vmem>>, vector<16xf32>,
      tpu.vector_store %arg9[%swap3A_440, %swap3A_441], %parallel_loop3A_418#5 {strides = array<i32>} : memref<8x128xf32, #tpu.memory_space<vmem>>, vector<16xf32>,
      %swap3A_443 = arith.constant 6 : i32
      %swap3A_444 = arith.index_cast %swap3A_443 : i32 to index
      %swap3A_445 = arith.constant 16 : index
      %swap3A_446 = tpu.vector_load %arg9[%swap3A_444, %swap3A_445] {strides = array<i32>} : memref<8x128xf32, #tpu.memory_space<vmem>>, vector<16xf32>,
      tpu.vector_store %arg9[%swap3A_444, %swap3A_445], %parallel_loop3A_418#6 {strides = array<i32>} : memref<8x128xf32, #tpu.memory_space<vmem>>, vector<16xf32>,
      %swap3A_447 = arith.constant 7 : i32
      %swap3A_448 = arith.index_cast %swap3A_447 : i32 to index
      %swap3A_449 = arith.constant 16 : index
      %swap3A_450 = tpu.vector_load %arg9[%swap3A_448, %swap3A_449] {strides = array<i32>} : memref<8x128xf32, #tpu.memory_space<vmem>>, vector<16xf32>,
      tpu.vector_store %arg9[%swap3A_448, %swap3A_449], %parallel_loop3A_418#7 {strides = array<i32>} : memref<8x128xf32, #tpu.memory_space<vmem>>, vector<16xf32>,
      %broadcast_in_dim3A_451 = arith.constant 0.000000e+00 : f32
      %broadcast_in_dim3A_452 = vector.broadcast %broadcast_in_dim3A_451 : f32 to vector<16xf32>
      %parallel_loop3A_453 = arith.constant 0 : i32
      %parallel_loop3A_454 = arith.constant 50 : i32
      %parallel_loop3A_455 = arith.constant 1 : i32
      %parallel_loop3A_456:8 = scf.for %parallel_loop3A_687 = %parallel_loop3A_453 to %parallel_loop3A_454 step %parallel_loop3A_455 iter_args(%parallel_loop3A_688 = %broadcast_in_dim3A_452, %parallel_loop3A_689 = %broadcast_in_dim3A_452, %parallel_loop3A_690 = %broadcast_in_dim3A_452, %parallel_loop3A_691 = %broadcast_in_dim3A_452, %parallel_loop3A_692 = %broadcast_in_dim3A_452, %parallel_loop3A_693 = %broadcast_in_dim3A_452, %parallel_loop3A_694 = %broadcast_in_dim3A_452, %parallel_loop3A_695 = %broadcast_in_dim3A_452) -> (vector<16xf32>, vector<16xf32>, vector<16xf32>, vector<16xf32>, vector<16xf32>, vector<16xf32>, vector<16xf32>, vector<16xf32>)  : i32 {
        %parallel_loop3A_696 = arith.constant 3 : i32
        %parallel_loop3A_697 = arith.muli %parallel_loop3A_687, %parallel_loop3A_696 : i32
        %parallel_loop3A_698 = arith.constant 0 : i32
        %parallel_loop3A_699 = arith.addi %parallel_loop3A_697, %parallel_loop3A_698 : i32
        %parallel_loop3A_700 = arith.index_cast %parallel_loop3A_699 : i32 to index
        %parallel_loop3A_701 = arith.constant 32 : index
        %parallel_loop3A_702 = tpu.vector_load %arg7[%parallel_loop3A_700, %parallel_loop3A_701] {strides = array<i32>} : memref<150x128xi32, #tpu.memory_space<vmem>>, vector<16xi32>,
        %parallel_loop3A_703 = arith.constant 0 : i32
        %parallel_loop3A_704 = vector.broadcast %parallel_loop3A_703 : i32 to vector<16xi32>
        %parallel_loop3A_705 = arith.addi %parallel_loop3A_702, %parallel_loop3A_704 : vector<16xi32>
        %parallel_loop3A_706 = tpu.vector_load_idx %arg5[%parallel_loop3A_705] : memref<50200xi32, #tpu.memory_space<vmem>>[vector<16xi32>], vector<16xi32>,
        %parallel_loop3A_707 = vector.bitcast %parallel_loop3A_706 : vector<16xi32> to vector<32xbf16>
        %parallel_loop3A_708 = tpu.unpack_subelements %parallel_loop3A_707, 0 {pack_format = #tpu.pack_format<interleaved>} : vector<32xbf16> -> vector<16xf32>
        %parallel_loop3A_709 = tpu.unpack_subelements %parallel_loop3A_707, 1 {pack_format = #tpu.pack_format<interleaved>} : vector<32xbf16> -> vector<16xf32>
        %parallel_loop3A_710 = arith.addf %parallel_loop3A_688, %parallel_loop3A_708 : vector<16xf32>
        %parallel_loop3A_711 = arith.addf %parallel_loop3A_689, %parallel_loop3A_709 : vector<16xf32>
        %parallel_loop3A_712 = arith.constant 12550 : i32
        %parallel_loop3A_713 = vector.broadcast %parallel_loop3A_712 : i32 to vector<16xi32>
        %parallel_loop3A_714 = arith.addi %parallel_loop3A_702, %parallel_loop3A_713 : vector<16xi32>
        %parallel_loop3A_715 = tpu.vector_load_idx %arg5[%parallel_loop3A_714] : memref<50200xi32, #tpu.memory_space<vmem>>[vector<16xi32>], vector<16xi32>,
        %parallel_loop3A_716 = vector.bitcast %parallel_loop3A_715 : vector<16xi32> to vector<32xbf16>
        %parallel_loop3A_717 = tpu.unpack_subelements %parallel_loop3A_716, 0 {pack_format = #tpu.pack_format<interleaved>} : vector<32xbf16> -> vector<16xf32>
        %parallel_loop3A_718 = tpu.unpack_subelements %parallel_loop3A_716, 1 {pack_format = #tpu.pack_format<interleaved>} : vector<32xbf16> -> vector<16xf32>
        %parallel_loop3A_719 = arith.addf %parallel_loop3A_690, %parallel_loop3A_717 : vector<16xf32>
        %parallel_loop3A_720 = arith.addf %parallel_loop3A_691, %parallel_loop3A_718 : vector<16xf32>
        %parallel_loop3A_721 = arith.constant 25100 : i32
        %parallel_loop3A_722 = vector.broadcast %parallel_loop3A_721 : i32 to vector<16xi32>
        %parallel_loop3A_723 = arith.addi %parallel_loop3A_702, %parallel_loop3A_722 : vector<16xi32>
        %parallel_loop3A_724 = tpu.vector_load_idx %arg5[%parallel_loop3A_723] : memref<50200xi32, #tpu.memory_space<vmem>>[vector<16xi32>], vector<16xi32>,
        %parallel_loop3A_725 = vector.bitcast %parallel_loop3A_724 : vector<16xi32> to vector<32xbf16>
        %parallel_loop3A_726 = tpu.unpack_subelements %parallel_loop3A_725, 0 {pack_format = #tpu.pack_format<interleaved>} : vector<32xbf16> -> vector<16xf32>
        %parallel_loop3A_727 = tpu.unpack_subelements %parallel_loop3A_725, 1 {pack_format = #tpu.pack_format<interleaved>} : vector<32xbf16> -> vector<16xf32>
        %parallel_loop3A_728 = arith.addf %parallel_loop3A_692, %parallel_loop3A_726 : vector<16xf32>
        %parallel_loop3A_729 = arith.addf %parallel_loop3A_693, %parallel_loop3A_727 : vector<16xf32>
        %parallel_loop3A_730 = arith.constant 37650 : i32
        %parallel_loop3A_731 = vector.broadcast %parallel_loop3A_730 : i32 to vector<16xi32>
        %parallel_loop3A_732 = arith.addi %parallel_loop3A_702, %parallel_loop3A_731 : vector<16xi32>
        %parallel_loop3A_733 = tpu.vector_load_idx %arg5[%parallel_loop3A_732] : memref<50200xi32, #tpu.memory_space<vmem>>[vector<16xi32>], vector<16xi32>,
        %parallel_loop3A_734 = vector.bitcast %parallel_loop3A_733 : vector<16xi32> to vector<32xbf16>
        %parallel_loop3A_735 = tpu.unpack_subelements %parallel_loop3A_734, 0 {pack_format = #tpu.pack_format<interleaved>} : vector<32xbf16> -> vector<16xf32>
        %parallel_loop3A_736 = tpu.unpack_subelements %parallel_loop3A_734, 1 {pack_format = #tpu.pack_format<interleaved>} : vector<32xbf16> -> vector<16xf32>
        %parallel_loop3A_737 = arith.addf %parallel_loop3A_694, %parallel_loop3A_735 : vector<16xf32>
        %parallel_loop3A_738 = arith.addf %parallel_loop3A_695, %parallel_loop3A_736 : vector<16xf32>
        %parallel_loop3A_739 = arith.constant 1 : i32
        %parallel_loop3A_740 = arith.addi %parallel_loop3A_697, %parallel_loop3A_739 : i32
        %parallel_loop3A_741 = arith.index_cast %parallel_loop3A_740 : i32 to index
        %parallel_loop3A_742 = arith.constant 32 : index
        %parallel_loop3A_743 = tpu.vector_load %arg7[%parallel_loop3A_741, %parallel_loop3A_742] {strides = array<i32>} : memref<150x128xi32, #tpu.memory_space<vmem>>, vector<16xi32>,
        %parallel_loop3A_744 = arith.constant 0 : i32
        %parallel_loop3A_745 = vector.broadcast %parallel_loop3A_744 : i32 to vector<16xi32>
        %parallel_loop3A_746 = arith.addi %parallel_loop3A_743, %parallel_loop3A_745 : vector<16xi32>
        %parallel_loop3A_747 = tpu.vector_load_idx %arg5[%parallel_loop3A_746] : memref<50200xi32, #tpu.memory_space<vmem>>[vector<16xi32>], vector<16xi32>,
        %parallel_loop3A_748 = vector.bitcast %parallel_loop3A_747 : vector<16xi32> to vector<32xbf16>
        %parallel_loop3A_749 = tpu.unpack_subelements %parallel_loop3A_748, 0 {pack_format = #tpu.pack_format<interleaved>} : vector<32xbf16> -> vector<16xf32>
        %parallel_loop3A_750 = tpu.unpack_subelements %parallel_loop3A_748, 1 {pack_format = #tpu.pack_format<interleaved>} : vector<32xbf16> -> vector<16xf32>
        %parallel_loop3A_751 = arith.addf %parallel_loop3A_710, %parallel_loop3A_749 : vector<16xf32>
        %parallel_loop3A_752 = arith.addf %parallel_loop3A_711, %parallel_loop3A_750 : vector<16xf32>
        %parallel_loop3A_753 = arith.constant 12550 : i32
        %parallel_loop3A_754 = vector.broadcast %parallel_loop3A_753 : i32 to vector<16xi32>
        %parallel_loop3A_755 = arith.addi %parallel_loop3A_743, %parallel_loop3A_754 : vector<16xi32>
        %parallel_loop3A_756 = tpu.vector_load_idx %arg5[%parallel_loop3A_755] : memref<50200xi32, #tpu.memory_space<vmem>>[vector<16xi32>], vector<16xi32>,
        %parallel_loop3A_757 = vector.bitcast %parallel_loop3A_756 : vector<16xi32> to vector<32xbf16>
        %parallel_loop3A_758 = tpu.unpack_subelements %parallel_loop3A_757, 0 {pack_format = #tpu.pack_format<interleaved>} : vector<32xbf16> -> vector<16xf32>
        %parallel_loop3A_759 = tpu.unpack_subelements %parallel_loop3A_757, 1 {pack_format = #tpu.pack_format<interleaved>} : vector<32xbf16> -> vector<16xf32>
        %parallel_loop3A_760 = arith.addf %parallel_loop3A_719, %parallel_loop3A_758 : vector<16xf32>
        %parallel_loop3A_761 = arith.addf %parallel_loop3A_720, %parallel_loop3A_759 : vector<16xf32>
        %parallel_loop3A_762 = arith.constant 25100 : i32
        %parallel_loop3A_763 = vector.broadcast %parallel_loop3A_762 : i32 to vector<16xi32>
        %parallel_loop3A_764 = arith.addi %parallel_loop3A_743, %parallel_loop3A_763 : vector<16xi32>
        %parallel_loop3A_765 = tpu.vector_load_idx %arg5[%parallel_loop3A_764] : memref<50200xi32, #tpu.memory_space<vmem>>[vector<16xi32>], vector<16xi32>,
        %parallel_loop3A_766 = vector.bitcast %parallel_loop3A_765 : vector<16xi32> to vector<32xbf16>
        %parallel_loop3A_767 = tpu.unpack_subelements %parallel_loop3A_766, 0 {pack_format = #tpu.pack_format<interleaved>} : vector<32xbf16> -> vector<16xf32>
        %parallel_loop3A_768 = tpu.unpack_subelements %parallel_loop3A_766, 1 {pack_format = #tpu.pack_format<interleaved>} : vector<32xbf16> -> vector<16xf32>
        %parallel_loop3A_769 = arith.addf %parallel_loop3A_728, %parallel_loop3A_767 : vector<16xf32>
        %parallel_loop3A_770 = arith.addf %parallel_loop3A_729, %parallel_loop3A_768 : vector<16xf32>
        %parallel_loop3A_771 = arith.constant 37650 : i32
        %parallel_loop3A_772 = vector.broadcast %parallel_loop3A_771 : i32 to vector<16xi32>
        %parallel_loop3A_773 = arith.addi %parallel_loop3A_743, %parallel_loop3A_772 : vector<16xi32>
        %parallel_loop3A_774 = tpu.vector_load_idx %arg5[%parallel_loop3A_773] : memref<50200xi32, #tpu.memory_space<vmem>>[vector<16xi32>], vector<16xi32>,
        %parallel_loop3A_775 = vector.bitcast %parallel_loop3A_774 : vector<16xi32> to vector<32xbf16>
        %parallel_loop3A_776 = tpu.unpack_subelements %parallel_loop3A_775, 0 {pack_format = #tpu.pack_format<interleaved>} : vector<32xbf16> -> vector<16xf32>
        %parallel_loop3A_777 = tpu.unpack_subelements %parallel_loop3A_775, 1 {pack_format = #tpu.pack_format<interleaved>} : vector<32xbf16> -> vector<16xf32>
        %parallel_loop3A_778 = arith.addf %parallel_loop3A_737, %parallel_loop3A_776 : vector<16xf32>
        %parallel_loop3A_779 = arith.addf %parallel_loop3A_738, %parallel_loop3A_777 : vector<16xf32>
        %parallel_loop3A_780 = arith.constant 2 : i32
        %parallel_loop3A_781 = arith.addi %parallel_loop3A_697, %parallel_loop3A_780 : i32
        %parallel_loop3A_782 = arith.index_cast %parallel_loop3A_781 : i32 to index
        %parallel_loop3A_783 = arith.constant 32 : index
        %parallel_loop3A_784 = tpu.vector_load %arg7[%parallel_loop3A_782, %parallel_loop3A_783] {strides = array<i32>} : memref<150x128xi32, #tpu.memory_space<vmem>>, vector<16xi32>,
        %parallel_loop3A_785 = arith.constant 0 : i32
        %parallel_loop3A_786 = vector.broadcast %parallel_loop3A_785 : i32 to vector<16xi32>
        %parallel_loop3A_787 = arith.addi %parallel_loop3A_784, %parallel_loop3A_786 : vector<16xi32>
        %parallel_loop3A_788 = tpu.vector_load_idx %arg5[%parallel_loop3A_787] : memref<50200xi32, #tpu.memory_space<vmem>>[vector<16xi32>], vector<16xi32>,
        %parallel_loop3A_789 = vector.bitcast %parallel_loop3A_788 : vector<16xi32> to vector<32xbf16>
        %parallel_loop3A_790 = tpu.unpack_subelements %parallel_loop3A_789, 0 {pack_format = #tpu.pack_format<interleaved>} : vector<32xbf16> -> vector<16xf32>
        %parallel_loop3A_791 = tpu.unpack_subelements %parallel_loop3A_789, 1 {pack_format = #tpu.pack_format<interleaved>} : vector<32xbf16> -> vector<16xf32>
        %parallel_loop3A_792 = arith.addf %parallel_loop3A_751, %parallel_loop3A_790 : vector<16xf32>
        %parallel_loop3A_793 = arith.addf %parallel_loop3A_752, %parallel_loop3A_791 : vector<16xf32>
        %parallel_loop3A_794 = arith.constant 12550 : i32
        %parallel_loop3A_795 = vector.broadcast %parallel_loop3A_794 : i32 to vector<16xi32>
        %parallel_loop3A_796 = arith.addi %parallel_loop3A_784, %parallel_loop3A_795 : vector<16xi32>
        %parallel_loop3A_797 = tpu.vector_load_idx %arg5[%parallel_loop3A_796] : memref<50200xi32, #tpu.memory_space<vmem>>[vector<16xi32>], vector<16xi32>,
        %parallel_loop3A_798 = vector.bitcast %parallel_loop3A_797 : vector<16xi32> to vector<32xbf16>
        %parallel_loop3A_799 = tpu.unpack_subelements %parallel_loop3A_798, 0 {pack_format = #tpu.pack_format<interleaved>} : vector<32xbf16> -> vector<16xf32>
        %parallel_loop3A_800 = tpu.unpack_subelements %parallel_loop3A_798, 1 {pack_format = #tpu.pack_format<interleaved>} : vector<32xbf16> -> vector<16xf32>
        %parallel_loop3A_801 = arith.addf %parallel_loop3A_760, %parallel_loop3A_799 : vector<16xf32>
        %parallel_loop3A_802 = arith.addf %parallel_loop3A_761, %parallel_loop3A_800 : vector<16xf32>
        %parallel_loop3A_803 = arith.constant 25100 : i32
        %parallel_loop3A_804 = vector.broadcast %parallel_loop3A_803 : i32 to vector<16xi32>
        %parallel_loop3A_805 = arith.addi %parallel_loop3A_784, %parallel_loop3A_804 : vector<16xi32>
        %parallel_loop3A_806 = tpu.vector_load_idx %arg5[%parallel_loop3A_805] : memref<50200xi32, #tpu.memory_space<vmem>>[vector<16xi32>], vector<16xi32>,
        %parallel_loop3A_807 = vector.bitcast %parallel_loop3A_806 : vector<16xi32> to vector<32xbf16>
        %parallel_loop3A_808 = tpu.unpack_subelements %parallel_loop3A_807, 0 {pack_format = #tpu.pack_format<interleaved>} : vector<32xbf16> -> vector<16xf32>
        %parallel_loop3A_809 = tpu.unpack_subelements %parallel_loop3A_807, 1 {pack_format = #tpu.pack_format<interleaved>} : vector<32xbf16> -> vector<16xf32>
        %parallel_loop3A_810 = arith.addf %parallel_loop3A_769, %parallel_loop3A_808 : vector<16xf32>
        %parallel_loop3A_811 = arith.addf %parallel_loop3A_770, %parallel_loop3A_809 : vector<16xf32>
        %parallel_loop3A_812 = arith.constant 37650 : i32
        %parallel_loop3A_813 = vector.broadcast %parallel_loop3A_812 : i32 to vector<16xi32>
        %parallel_loop3A_814 = arith.addi %parallel_loop3A_784, %parallel_loop3A_813 : vector<16xi32>
        %parallel_loop3A_815 = tpu.vector_load_idx %arg5[%parallel_loop3A_814] : memref<50200xi32, #tpu.memory_space<vmem>>[vector<16xi32>], vector<16xi32>,
        %parallel_loop3A_816 = vector.bitcast %parallel_loop3A_815 : vector<16xi32> to vector<32xbf16>
        %parallel_loop3A_817 = tpu.unpack_subelements %parallel_loop3A_816, 0 {pack_format = #tpu.pack_format<interleaved>} : vector<32xbf16> -> vector<16xf32>
        %parallel_loop3A_818 = tpu.unpack_subelements %parallel_loop3A_816, 1 {pack_format = #tpu.pack_format<interleaved>} : vector<32xbf16> -> vector<16xf32>
        %parallel_loop3A_819 = arith.addf %parallel_loop3A_778, %parallel_loop3A_817 : vector<16xf32>
        %parallel_loop3A_820 = arith.addf %parallel_loop3A_779, %parallel_loop3A_818 : vector<16xf32>
        scf.yield %parallel_loop3A_792, %parallel_loop3A_793, %parallel_loop3A_801, %parallel_loop3A_802, %parallel_loop3A_810, %parallel_loop3A_811, %parallel_loop3A_819, %parallel_loop3A_820 : vector<16xf32>, vector<16xf32>, vector<16xf32>, vector<16xf32>, vector<16xf32>, vector<16xf32>, vector<16xf32>, vector<16xf32>
      } {sc.loop_unroll_factor = 1 : i64, sc.parallel_access}
      %swap3A_457 = arith.constant 0 : i32
      %swap3A_458 = arith.index_cast %swap3A_457 : i32 to index
      %swap3A_459 = arith.constant 32 : index
      %swap3A_460 = tpu.vector_load %arg9[%swap3A_458, %swap3A_459] {strides = array<i32>} : memref<8x128xf32, #tpu.memory_space<vmem>>, vector<16xf32>,
      tpu.vector_store %arg9[%swap3A_458, %swap3A_459], %parallel_loop3A_456#0 {strides = array<i32>} : memref<8x128xf32, #tpu.memory_space<vmem>>, vector<16xf32>,
      %swap3A_461 = arith.constant 1 : i32
      %swap3A_462 = arith.index_cast %swap3A_461 : i32 to index
      %swap3A_463 = arith.constant 32 : index
      %swap3A_464 = tpu.vector_load %arg9[%swap3A_462, %swap3A_463] {strides = array<i32>} : memref<8x128xf32, #tpu.memory_space<vmem>>, vector<16xf32>,
      tpu.vector_store %arg9[%swap3A_462, %swap3A_463], %parallel_loop3A_456#1 {strides = array<i32>} : memref<8x128xf32, #tpu.memory_space<vmem>>, vector<16xf32>,
      %swap3A_465 = arith.constant 2 : i32
      %swap3A_466 = arith.index_cast %swap3A_465 : i32 to index
      %swap3A_467 = arith.constant 32 : index
      %swap3A_468 = tpu.vector_load %arg9[%swap3A_466, %swap3A_467] {strides = array<i32>} : memref<8x128xf32, #tpu.memory_space<vmem>>, vector<16xf32>,
      tpu.vector_store %arg9[%swap3A_466, %swap3A_467], %parallel_loop3A_456#2 {strides = array<i32>} : memref<8x128xf32, #tpu.memory_space<vmem>>, vector<16xf32>,
      %swap3A_469 = arith.constant 3 : i32
      %swap3A_470 = arith.index_cast %swap3A_469 : i32 to index
      %swap3A_471 = arith.constant 32 : index
      %swap3A_472 = tpu.vector_load %arg9[%swap3A_470, %swap3A_471] {strides = array<i32>} : memref<8x128xf32, #tpu.memory_space<vmem>>, vector<16xf32>,
      tpu.vector_store %arg9[%swap3A_470, %swap3A_471], %parallel_loop3A_456#3 {strides = array<i32>} : memref<8x128xf32, #tpu.memory_space<vmem>>, vector<16xf32>,
      %swap3A_473 = arith.constant 4 : i32
      %swap3A_474 = arith.index_cast %swap3A_473 : i32 to index
      %swap3A_475 = arith.constant 32 : index
      %swap3A_476 = tpu.vector_load %arg9[%swap3A_474, %swap3A_475] {strides = array<i32>} : memref<8x128xf32, #tpu.memory_space<vmem>>, vector<16xf32>,
      tpu.vector_store %arg9[%swap3A_474, %swap3A_475], %parallel_loop3A_456#4 {strides = array<i32>} : memref<8x128xf32, #tpu.memory_space<vmem>>, vector<16xf32>,
      %swap3A_477 = arith.constant 5 : i32
      %swap3A_478 = arith.index_cast %swap3A_477 : i32 to index
      %swap3A_479 = arith.constant 32 : index
      %swap3A_480 = tpu.vector_load %arg9[%swap3A_478, %swap3A_479] {strides = array<i32>} : memref<8x128xf32, #tpu.memory_space<vmem>>, vector<16xf32>,
      tpu.vector_store %arg9[%swap3A_478, %swap3A_479], %parallel_loop3A_456#5 {strides = array<i32>} : memref<8x128xf32, #tpu.memory_space<vmem>>, vector<16xf32>,
      %swap3A_481 = arith.constant 6 : i32
      %swap3A_482 = arith.index_cast %swap3A_481 : i32 to index
      %swap3A_483 = arith.constant 32 : index
      %swap3A_484 = tpu.vector_load %arg9[%swap3A_482, %swap3A_483] {strides = array<i32>} : memref<8x128xf32, #tpu.memory_space<vmem>>, vector<16xf32>,
      tpu.vector_store %arg9[%swap3A_482, %swap3A_483], %parallel_loop3A_456#6 {strides = array<i32>} : memref<8x128xf32, #tpu.memory_space<vmem>>, vector<16xf32>,
      %swap3A_485 = arith.constant 7 : i32
      %swap3A_486 = arith.index_cast %swap3A_485 : i32 to index
      %swap3A_487 = arith.constant 32 : index
      %swap3A_488 = tpu.vector_load %arg9[%swap3A_486, %swap3A_487] {strides = array<i32>} : memref<8x128xf32, #tpu.memory_space<vmem>>, vector<16xf32>,
      tpu.vector_store %arg9[%swap3A_486, %swap3A_487], %parallel_loop3A_456#7 {strides = array<i32>} : memref<8x128xf32, #tpu.memory_space<vmem>>, vector<16xf32>,
      %broadcast_in_dim3A_489 = arith.constant 0.000000e+00 : f32
      %broadcast_in_dim3A_490 = vector.broadcast %broadcast_in_dim3A_489 : f32 to vector<16xf32>
      %parallel_loop3A_491 = arith.constant 0 : i32
      %parallel_loop3A_492 = arith.constant 50 : i32
      %parallel_loop3A_493 = arith.constant 1 : i32
      %parallel_loop3A_494:8 = scf.for %parallel_loop3A_687 = %parallel_loop3A_491 to %parallel_loop3A_492 step %parallel_loop3A_493 iter_args(%parallel_loop3A_688 = %broadcast_in_dim3A_490, %parallel_loop3A_689 = %broadcast_in_dim3A_490, %parallel_loop3A_690 = %broadcast_in_dim3A_490, %parallel_loop3A_691 = %broadcast_in_dim3A_490, %parallel_loop3A_692 = %broadcast_in_dim3A_490, %parallel_loop3A_693 = %broadcast_in_dim3A_490, %parallel_loop3A_694 = %broadcast_in_dim3A_490, %parallel_loop3A_695 = %broadcast_in_dim3A_490) -> (vector<16xf32>, vector<16xf32>, vector<16xf32>, vector<16xf32>, vector<16xf32>, vector<16xf32>, vector<16xf32>, vector<16xf32>)  : i32 {
        %parallel_loop3A_696 = arith.constant 3 : i32
        %parallel_loop3A_697 = arith.muli %parallel_loop3A_687, %parallel_loop3A_696 : i32
        %parallel_loop3A_698 = arith.constant 0 : i32
        %parallel_loop3A_699 = arith.addi %parallel_loop3A_697, %parallel_loop3A_698 : i32
        %parallel_loop3A_700 = arith.index_cast %parallel_loop3A_699 : i32 to index
        %parallel_loop3A_701 = arith.constant 48 : index
        %parallel_loop3A_702 = tpu.vector_load %arg7[%parallel_loop3A_700, %parallel_loop3A_701] {strides = array<i32>} : memref<150x128xi32, #tpu.memory_space<vmem>>, vector<16xi32>,
        %parallel_loop3A_703 = arith.constant 0 : i32
        %parallel_loop3A_704 = vector.broadcast %parallel_loop3A_703 : i32 to vector<16xi32>
        %parallel_loop3A_705 = arith.addi %parallel_loop3A_702, %parallel_loop3A_704 : vector<16xi32>
        %parallel_loop3A_706 = tpu.vector_load_idx %arg5[%parallel_loop3A_705] : memref<50200xi32, #tpu.memory_space<vmem>>[vector<16xi32>], vector<16xi32>,
        %parallel_loop3A_707 = vector.bitcast %parallel_loop3A_706 : vector<16xi32> to vector<32xbf16>
        %parallel_loop3A_708 = tpu.unpack_subelements %parallel_loop3A_707, 0 {pack_format = #tpu.pack_format<interleaved>} : vector<32xbf16> -> vector<16xf32>
        %parallel_loop3A_709 = tpu.unpack_subelements %parallel_loop3A_707, 1 {pack_format = #tpu.pack_format<interleaved>} : vector<32xbf16> -> vector<16xf32>
        %parallel_loop3A_710 = arith.addf %parallel_loop3A_688, %parallel_loop3A_708 : vector<16xf32>
        %parallel_loop3A_711 = arith.addf %parallel_loop3A_689, %parallel_loop3A_709 : vector<16xf32>
        %parallel_loop3A_712 = arith.constant 12550 : i32
        %parallel_loop3A_713 = vector.broadcast %parallel_loop3A_712 : i32 to vector<16xi32>
        %parallel_loop3A_714 = arith.addi %parallel_loop3A_702, %parallel_loop3A_713 : vector<16xi32>
        %parallel_loop3A_715 = tpu.vector_load_idx %arg5[%parallel_loop3A_714] : memref<50200xi32, #tpu.memory_space<vmem>>[vector<16xi32>], vector<16xi32>,
        %parallel_loop3A_716 = vector.bitcast %parallel_loop3A_715 : vector<16xi32> to vector<32xbf16>
        %parallel_loop3A_717 = tpu.unpack_subelements %parallel_loop3A_716, 0 {pack_format = #tpu.pack_format<interleaved>} : vector<32xbf16> -> vector<16xf32>
        %parallel_loop3A_718 = tpu.unpack_subelements %parallel_loop3A_716, 1 {pack_format = #tpu.pack_format<interleaved>} : vector<32xbf16> -> vector<16xf32>
        %parallel_loop3A_719 = arith.addf %parallel_loop3A_690, %parallel_loop3A_717 : vector<16xf32>
        %parallel_loop3A_720 = arith.addf %parallel_loop3A_691, %parallel_loop3A_718 : vector<16xf32>
        %parallel_loop3A_721 = arith.constant 25100 : i32
        %parallel_loop3A_722 = vector.broadcast %parallel_loop3A_721 : i32 to vector<16xi32>
        %parallel_loop3A_723 = arith.addi %parallel_loop3A_702, %parallel_loop3A_722 : vector<16xi32>
        %parallel_loop3A_724 = tpu.vector_load_idx %arg5[%parallel_loop3A_723] : memref<50200xi32, #tpu.memory_space<vmem>>[vector<16xi32>], vector<16xi32>,
        %parallel_loop3A_725 = vector.bitcast %parallel_loop3A_724 : vector<16xi32> to vector<32xbf16>
        %parallel_loop3A_726 = tpu.unpack_subelements %parallel_loop3A_725, 0 {pack_format = #tpu.pack_format<interleaved>} : vector<32xbf16> -> vector<16xf32>
        %parallel_loop3A_727 = tpu.unpack_subelements %parallel_loop3A_725, 1 {pack_format = #tpu.pack_format<interleaved>} : vector<32xbf16> -> vector<16xf32>
        %parallel_loop3A_728 = arith.addf %parallel_loop3A_692, %parallel_loop3A_726 : vector<16xf32>
        %parallel_loop3A_729 = arith.addf %parallel_loop3A_693, %parallel_loop3A_727 : vector<16xf32>
        %parallel_loop3A_730 = arith.constant 37650 : i32
        %parallel_loop3A_731 = vector.broadcast %parallel_loop3A_730 : i32 to vector<16xi32>
        %parallel_loop3A_732 = arith.addi %parallel_loop3A_702, %parallel_loop3A_731 : vector<16xi32>
        %parallel_loop3A_733 = tpu.vector_load_idx %arg5[%parallel_loop3A_732] : memref<50200xi32, #tpu.memory_space<vmem>>[vector<16xi32>], vector<16xi32>,
        %parallel_loop3A_734 = vector.bitcast %parallel_loop3A_733 : vector<16xi32> to vector<32xbf16>
        %parallel_loop3A_735 = tpu.unpack_subelements %parallel_loop3A_734, 0 {pack_format = #tpu.pack_format<interleaved>} : vector<32xbf16> -> vector<16xf32>
        %parallel_loop3A_736 = tpu.unpack_subelements %parallel_loop3A_734, 1 {pack_format = #tpu.pack_format<interleaved>} : vector<32xbf16> -> vector<16xf32>
        %parallel_loop3A_737 = arith.addf %parallel_loop3A_694, %parallel_loop3A_735 : vector<16xf32>
        %parallel_loop3A_738 = arith.addf %parallel_loop3A_695, %parallel_loop3A_736 : vector<16xf32>
        %parallel_loop3A_739 = arith.constant 1 : i32
        %parallel_loop3A_740 = arith.addi %parallel_loop3A_697, %parallel_loop3A_739 : i32
        %parallel_loop3A_741 = arith.index_cast %parallel_loop3A_740 : i32 to index
        %parallel_loop3A_742 = arith.constant 48 : index
        %parallel_loop3A_743 = tpu.vector_load %arg7[%parallel_loop3A_741, %parallel_loop3A_742] {strides = array<i32>} : memref<150x128xi32, #tpu.memory_space<vmem>>, vector<16xi32>,
        %parallel_loop3A_744 = arith.constant 0 : i32
        %parallel_loop3A_745 = vector.broadcast %parallel_loop3A_744 : i32 to vector<16xi32>
        %parallel_loop3A_746 = arith.addi %parallel_loop3A_743, %parallel_loop3A_745 : vector<16xi32>
        %parallel_loop3A_747 = tpu.vector_load_idx %arg5[%parallel_loop3A_746] : memref<50200xi32, #tpu.memory_space<vmem>>[vector<16xi32>], vector<16xi32>,
        %parallel_loop3A_748 = vector.bitcast %parallel_loop3A_747 : vector<16xi32> to vector<32xbf16>
        %parallel_loop3A_749 = tpu.unpack_subelements %parallel_loop3A_748, 0 {pack_format = #tpu.pack_format<interleaved>} : vector<32xbf16> -> vector<16xf32>
        %parallel_loop3A_750 = tpu.unpack_subelements %parallel_loop3A_748, 1 {pack_format = #tpu.pack_format<interleaved>} : vector<32xbf16> -> vector<16xf32>
        %parallel_loop3A_751 = arith.addf %parallel_loop3A_710, %parallel_loop3A_749 : vector<16xf32>
        %parallel_loop3A_752 = arith.addf %parallel_loop3A_711, %parallel_loop3A_750 : vector<16xf32>
        %parallel_loop3A_753 = arith.constant 12550 : i32
        %parallel_loop3A_754 = vector.broadcast %parallel_loop3A_753 : i32 to vector<16xi32>
        %parallel_loop3A_755 = arith.addi %parallel_loop3A_743, %parallel_loop3A_754 : vector<16xi32>
        %parallel_loop3A_756 = tpu.vector_load_idx %arg5[%parallel_loop3A_755] : memref<50200xi32, #tpu.memory_space<vmem>>[vector<16xi32>], vector<16xi32>,
        %parallel_loop3A_757 = vector.bitcast %parallel_loop3A_756 : vector<16xi32> to vector<32xbf16>
        %parallel_loop3A_758 = tpu.unpack_subelements %parallel_loop3A_757, 0 {pack_format = #tpu.pack_format<interleaved>} : vector<32xbf16> -> vector<16xf32>
        %parallel_loop3A_759 = tpu.unpack_subelements %parallel_loop3A_757, 1 {pack_format = #tpu.pack_format<interleaved>} : vector<32xbf16> -> vector<16xf32>
        %parallel_loop3A_760 = arith.addf %parallel_loop3A_719, %parallel_loop3A_758 : vector<16xf32>
        %parallel_loop3A_761 = arith.addf %parallel_loop3A_720, %parallel_loop3A_759 : vector<16xf32>
        %parallel_loop3A_762 = arith.constant 25100 : i32
        %parallel_loop3A_763 = vector.broadcast %parallel_loop3A_762 : i32 to vector<16xi32>
        %parallel_loop3A_764 = arith.addi %parallel_loop3A_743, %parallel_loop3A_763 : vector<16xi32>
        %parallel_loop3A_765 = tpu.vector_load_idx %arg5[%parallel_loop3A_764] : memref<50200xi32, #tpu.memory_space<vmem>>[vector<16xi32>], vector<16xi32>,
        %parallel_loop3A_766 = vector.bitcast %parallel_loop3A_765 : vector<16xi32> to vector<32xbf16>
        %parallel_loop3A_767 = tpu.unpack_subelements %parallel_loop3A_766, 0 {pack_format = #tpu.pack_format<interleaved>} : vector<32xbf16> -> vector<16xf32>
        %parallel_loop3A_768 = tpu.unpack_subelements %parallel_loop3A_766, 1 {pack_format = #tpu.pack_format<interleaved>} : vector<32xbf16> -> vector<16xf32>
        %parallel_loop3A_769 = arith.addf %parallel_loop3A_728, %parallel_loop3A_767 : vector<16xf32>
        %parallel_loop3A_770 = arith.addf %parallel_loop3A_729, %parallel_loop3A_768 : vector<16xf32>
        %parallel_loop3A_771 = arith.constant 37650 : i32
        %parallel_loop3A_772 = vector.broadcast %parallel_loop3A_771 : i32 to vector<16xi32>
        %parallel_loop3A_773 = arith.addi %parallel_loop3A_743, %parallel_loop3A_772 : vector<16xi32>
        %parallel_loop3A_774 = tpu.vector_load_idx %arg5[%parallel_loop3A_773] : memref<50200xi32, #tpu.memory_space<vmem>>[vector<16xi32>], vector<16xi32>,
        %parallel_loop3A_775 = vector.bitcast %parallel_loop3A_774 : vector<16xi32> to vector<32xbf16>
        %parallel_loop3A_776 = tpu.unpack_subelements %parallel_loop3A_775, 0 {pack_format = #tpu.pack_format<interleaved>} : vector<32xbf16> -> vector<16xf32>
        %parallel_loop3A_777 = tpu.unpack_subelements %parallel_loop3A_775, 1 {pack_format = #tpu.pack_format<interleaved>} : vector<32xbf16> -> vector<16xf32>
        %parallel_loop3A_778 = arith.addf %parallel_loop3A_737, %parallel_loop3A_776 : vector<16xf32>
        %parallel_loop3A_779 = arith.addf %parallel_loop3A_738, %parallel_loop3A_777 : vector<16xf32>
        %parallel_loop3A_780 = arith.constant 2 : i32
        %parallel_loop3A_781 = arith.addi %parallel_loop3A_697, %parallel_loop3A_780 : i32
        %parallel_loop3A_782 = arith.index_cast %parallel_loop3A_781 : i32 to index
        %parallel_loop3A_783 = arith.constant 48 : index
        %parallel_loop3A_784 = tpu.vector_load %arg7[%parallel_loop3A_782, %parallel_loop3A_783] {strides = array<i32>} : memref<150x128xi32, #tpu.memory_space<vmem>>, vector<16xi32>,
        %parallel_loop3A_785 = arith.constant 0 : i32
        %parallel_loop3A_786 = vector.broadcast %parallel_loop3A_785 : i32 to vector<16xi32>
        %parallel_loop3A_787 = arith.addi %parallel_loop3A_784, %parallel_loop3A_786 : vector<16xi32>
        %parallel_loop3A_788 = tpu.vector_load_idx %arg5[%parallel_loop3A_787] : memref<50200xi32, #tpu.memory_space<vmem>>[vector<16xi32>], vector<16xi32>,
        %parallel_loop3A_789 = vector.bitcast %parallel_loop3A_788 : vector<16xi32> to vector<32xbf16>
        %parallel_loop3A_790 = tpu.unpack_subelements %parallel_loop3A_789, 0 {pack_format = #tpu.pack_format<interleaved>} : vector<32xbf16> -> vector<16xf32>
        %parallel_loop3A_791 = tpu.unpack_subelements %parallel_loop3A_789, 1 {pack_format = #tpu.pack_format<interleaved>} : vector<32xbf16> -> vector<16xf32>
        %parallel_loop3A_792 = arith.addf %parallel_loop3A_751, %parallel_loop3A_790 : vector<16xf32>
        %parallel_loop3A_793 = arith.addf %parallel_loop3A_752, %parallel_loop3A_791 : vector<16xf32>
        %parallel_loop3A_794 = arith.constant 12550 : i32
        %parallel_loop3A_795 = vector.broadcast %parallel_loop3A_794 : i32 to vector<16xi32>
        %parallel_loop3A_796 = arith.addi %parallel_loop3A_784, %parallel_loop3A_795 : vector<16xi32>
        %parallel_loop3A_797 = tpu.vector_load_idx %arg5[%parallel_loop3A_796] : memref<50200xi32, #tpu.memory_space<vmem>>[vector<16xi32>], vector<16xi32>,
        %parallel_loop3A_798 = vector.bitcast %parallel_loop3A_797 : vector<16xi32> to vector<32xbf16>
        %parallel_loop3A_799 = tpu.unpack_subelements %parallel_loop3A_798, 0 {pack_format = #tpu.pack_format<interleaved>} : vector<32xbf16> -> vector<16xf32>
        %parallel_loop3A_800 = tpu.unpack_subelements %parallel_loop3A_798, 1 {pack_format = #tpu.pack_format<interleaved>} : vector<32xbf16> -> vector<16xf32>
        %parallel_loop3A_801 = arith.addf %parallel_loop3A_760, %parallel_loop3A_799 : vector<16xf32>
        %parallel_loop3A_802 = arith.addf %parallel_loop3A_761, %parallel_loop3A_800 : vector<16xf32>
        %parallel_loop3A_803 = arith.constant 25100 : i32
        %parallel_loop3A_804 = vector.broadcast %parallel_loop3A_803 : i32 to vector<16xi32>
        %parallel_loop3A_805 = arith.addi %parallel_loop3A_784, %parallel_loop3A_804 : vector<16xi32>
        %parallel_loop3A_806 = tpu.vector_load_idx %arg5[%parallel_loop3A_805] : memref<50200xi32, #tpu.memory_space<vmem>>[vector<16xi32>], vector<16xi32>,
        %parallel_loop3A_807 = vector.bitcast %parallel_loop3A_806 : vector<16xi32> to vector<32xbf16>
        %parallel_loop3A_808 = tpu.unpack_subelements %parallel_loop3A_807, 0 {pack_format = #tpu.pack_format<interleaved>} : vector<32xbf16> -> vector<16xf32>
        %parallel_loop3A_809 = tpu.unpack_subelements %parallel_loop3A_807, 1 {pack_format = #tpu.pack_format<interleaved>} : vector<32xbf16> -> vector<16xf32>
        %parallel_loop3A_810 = arith.addf %parallel_loop3A_769, %parallel_loop3A_808 : vector<16xf32>
        %parallel_loop3A_811 = arith.addf %parallel_loop3A_770, %parallel_loop3A_809 : vector<16xf32>
        %parallel_loop3A_812 = arith.constant 37650 : i32
        %parallel_loop3A_813 = vector.broadcast %parallel_loop3A_812 : i32 to vector<16xi32>
        %parallel_loop3A_814 = arith.addi %parallel_loop3A_784, %parallel_loop3A_813 : vector<16xi32>
        %parallel_loop3A_815 = tpu.vector_load_idx %arg5[%parallel_loop3A_814] : memref<50200xi32, #tpu.memory_space<vmem>>[vector<16xi32>], vector<16xi32>,
        %parallel_loop3A_816 = vector.bitcast %parallel_loop3A_815 : vector<16xi32> to vector<32xbf16>
        %parallel_loop3A_817 = tpu.unpack_subelements %parallel_loop3A_816, 0 {pack_format = #tpu.pack_format<interleaved>} : vector<32xbf16> -> vector<16xf32>
        %parallel_loop3A_818 = tpu.unpack_subelements %parallel_loop3A_816, 1 {pack_format = #tpu.pack_format<interleaved>} : vector<32xbf16> -> vector<16xf32>
        %parallel_loop3A_819 = arith.addf %parallel_loop3A_778, %parallel_loop3A_817 : vector<16xf32>
        %parallel_loop3A_820 = arith.addf %parallel_loop3A_779, %parallel_loop3A_818 : vector<16xf32>
        scf.yield %parallel_loop3A_792, %parallel_loop3A_793, %parallel_loop3A_801, %parallel_loop3A_802, %parallel_loop3A_810, %parallel_loop3A_811, %parallel_loop3A_819, %parallel_loop3A_820 : vector<16xf32>, vector<16xf32>, vector<16xf32>, vector<16xf32>, vector<16xf32>, vector<16xf32>, vector<16xf32>, vector<16xf32>
      } {sc.loop_unroll_factor = 1 : i64, sc.parallel_access}
      %swap3A_495 = arith.constant 0 : i32
      %swap3A_496 = arith.index_cast %swap3A_495 : i32 to index
      %swap3A_497 = arith.constant 48 : index
      %swap3A_498 = tpu.vector_load %arg9[%swap3A_496, %swap3A_497] {strides = array<i32>} : memref<8x128xf32, #tpu.memory_space<vmem>>, vector<16xf32>,
      tpu.vector_store %arg9[%swap3A_496, %swap3A_497], %parallel_loop3A_494#0 {strides = array<i32>} : memref<8x128xf32, #tpu.memory_space<vmem>>, vector<16xf32>,
      %swap3A_499 = arith.constant 1 : i32
      %swap3A_500 = arith.index_cast %swap3A_499 : i32 to index
      %swap3A_501 = arith.constant 48 : index
      %swap3A_502 = tpu.vector_load %arg9[%swap3A_500, %swap3A_501] {strides = array<i32>} : memref<8x128xf32, #tpu.memory_space<vmem>>, vector<16xf32>,
      tpu.vector_store %arg9[%swap3A_500, %swap3A_501], %parallel_loop3A_494#1 {strides = array<i32>} : memref<8x128xf32, #tpu.memory_space<vmem>>, vector<16xf32>,
      %swap3A_503 = arith.constant 2 : i32
      %swap3A_504 = arith.index_cast %swap3A_503 : i32 to index
      %swap3A_505 = arith.constant 48 : index
      %swap3A_506 = tpu.vector_load %arg9[%swap3A_504, %swap3A_505] {strides = array<i32>} : memref<8x128xf32, #tpu.memory_space<vmem>>, vector<16xf32>,
      tpu.vector_store %arg9[%swap3A_504, %swap3A_505], %parallel_loop3A_494#2 {strides = array<i32>} : memref<8x128xf32, #tpu.memory_space<vmem>>, vector<16xf32>,
      %swap3A_507 = arith.constant 3 : i32
      %swap3A_508 = arith.index_cast %swap3A_507 : i32 to index
      %swap3A_509 = arith.constant 48 : index
      %swap3A_510 = tpu.vector_load %arg9[%swap3A_508, %swap3A_509] {strides = array<i32>} : memref<8x128xf32, #tpu.memory_space<vmem>>, vector<16xf32>,
      tpu.vector_store %arg9[%swap3A_508, %swap3A_509], %parallel_loop3A_494#3 {strides = array<i32>} : memref<8x128xf32, #tpu.memory_space<vmem>>, vector<16xf32>,
      %swap3A_511 = arith.constant 4 : i32
      %swap3A_512 = arith.index_cast %swap3A_511 : i32 to index
      %swap3A_513 = arith.constant 48 : index
      %swap3A_514 = tpu.vector_load %arg9[%swap3A_512, %swap3A_513] {strides = array<i32>} : memref<8x128xf32, #tpu.memory_space<vmem>>, vector<16xf32>,
      tpu.vector_store %arg9[%swap3A_512, %swap3A_513], %parallel_loop3A_494#4 {strides = array<i32>} : memref<8x128xf32, #tpu.memory_space<vmem>>, vector<16xf32>,
      %swap3A_515 = arith.constant 5 : i32
      %swap3A_516 = arith.index_cast %swap3A_515 : i32 to index
      %swap3A_517 = arith.constant 48 : index
      %swap3A_518 = tpu.vector_load %arg9[%swap3A_516, %swap3A_517] {strides = array<i32>} : memref<8x128xf32, #tpu.memory_space<vmem>>, vector<16xf32>,
      tpu.vector_store %arg9[%swap3A_516, %swap3A_517], %parallel_loop3A_494#5 {strides = array<i32>} : memref<8x128xf32, #tpu.memory_space<vmem>>, vector<16xf32>,
      %swap3A_519 = arith.constant 6 : i32
      %swap3A_520 = arith.index_cast %swap3A_519 : i32 to index
      %swap3A_521 = arith.constant 48 : index
      %swap3A_522 = tpu.vector_load %arg9[%swap3A_520, %swap3A_521] {strides = array<i32>} : memref<8x128xf32, #tpu.memory_space<vmem>>, vector<16xf32>,
      tpu.vector_store %arg9[%swap3A_520, %swap3A_521], %parallel_loop3A_494#6 {strides = array<i32>} : memref<8x128xf32, #tpu.memory_space<vmem>>, vector<16xf32>,
      %swap3A_523 = arith.constant 7 : i32
      %swap3A_524 = arith.index_cast %swap3A_523 : i32 to index
      %swap3A_525 = arith.constant 48 : index
      %swap3A_526 = tpu.vector_load %arg9[%swap3A_524, %swap3A_525] {strides = array<i32>} : memref<8x128xf32, #tpu.memory_space<vmem>>, vector<16xf32>,
      tpu.vector_store %arg9[%swap3A_524, %swap3A_525], %parallel_loop3A_494#7 {strides = array<i32>} : memref<8x128xf32, #tpu.memory_space<vmem>>, vector<16xf32>,
      %broadcast_in_dim3A_527 = arith.constant 0.000000e+00 : f32
      %broadcast_in_dim3A_528 = vector.broadcast %broadcast_in_dim3A_527 : f32 to vector<16xf32>
      %parallel_loop3A_529 = arith.constant 0 : i32
      %parallel_loop3A_530 = arith.constant 50 : i32
      %parallel_loop3A_531 = arith.constant 1 : i32
      %parallel_loop3A_532:8 = scf.for %parallel_loop3A_687 = %parallel_loop3A_529 to %parallel_loop3A_530 step %parallel_loop3A_531 iter_args(%parallel_loop3A_688 = %broadcast_in_dim3A_528, %parallel_loop3A_689 = %broadcast_in_dim3A_528, %parallel_loop3A_690 = %broadcast_in_dim3A_528, %parallel_loop3A_691 = %broadcast_in_dim3A_528, %parallel_loop3A_692 = %broadcast_in_dim3A_528, %parallel_loop3A_693 = %broadcast_in_dim3A_528, %parallel_loop3A_694 = %broadcast_in_dim3A_528, %parallel_loop3A_695 = %broadcast_in_dim3A_528) -> (vector<16xf32>, vector<16xf32>, vector<16xf32>, vector<16xf32>, vector<16xf32>, vector<16xf32>, vector<16xf32>, vector<16xf32>)  : i32 {
        %parallel_loop3A_696 = arith.constant 3 : i32
        %parallel_loop3A_697 = arith.muli %parallel_loop3A_687, %parallel_loop3A_696 : i32
        %parallel_loop3A_698 = arith.constant 0 : i32
        %parallel_loop3A_699 = arith.addi %parallel_loop3A_697, %parallel_loop3A_698 : i32
        %parallel_loop3A_700 = arith.index_cast %parallel_loop3A_699 : i32 to index
        %parallel_loop3A_701 = arith.constant 64 : index
        %parallel_loop3A_702 = tpu.vector_load %arg7[%parallel_loop3A_700, %parallel_loop3A_701] {strides = array<i32>} : memref<150x128xi32, #tpu.memory_space<vmem>>, vector<16xi32>,
        %parallel_loop3A_703 = arith.constant 0 : i32
        %parallel_loop3A_704 = vector.broadcast %parallel_loop3A_703 : i32 to vector<16xi32>
        %parallel_loop3A_705 = arith.addi %parallel_loop3A_702, %parallel_loop3A_704 : vector<16xi32>
        %parallel_loop3A_706 = tpu.vector_load_idx %arg5[%parallel_loop3A_705] : memref<50200xi32, #tpu.memory_space<vmem>>[vector<16xi32>], vector<16xi32>,
        %parallel_loop3A_707 = vector.bitcast %parallel_loop3A_706 : vector<16xi32> to vector<32xbf16>
        %parallel_loop3A_708 = tpu.unpack_subelements %parallel_loop3A_707, 0 {pack_format = #tpu.pack_format<interleaved>} : vector<32xbf16> -> vector<16xf32>
        %parallel_loop3A_709 = tpu.unpack_subelements %parallel_loop3A_707, 1 {pack_format = #tpu.pack_format<interleaved>} : vector<32xbf16> -> vector<16xf32>
        %parallel_loop3A_710 = arith.addf %parallel_loop3A_688, %parallel_loop3A_708 : vector<16xf32>
        %parallel_loop3A_711 = arith.addf %parallel_loop3A_689, %parallel_loop3A_709 : vector<16xf32>
        %parallel_loop3A_712 = arith.constant 12550 : i32
        %parallel_loop3A_713 = vector.broadcast %parallel_loop3A_712 : i32 to vector<16xi32>
        %parallel_loop3A_714 = arith.addi %parallel_loop3A_702, %parallel_loop3A_713 : vector<16xi32>
        %parallel_loop3A_715 = tpu.vector_load_idx %arg5[%parallel_loop3A_714] : memref<50200xi32, #tpu.memory_space<vmem>>[vector<16xi32>], vector<16xi32>,
        %parallel_loop3A_716 = vector.bitcast %parallel_loop3A_715 : vector<16xi32> to vector<32xbf16>
        %parallel_loop3A_717 = tpu.unpack_subelements %parallel_loop3A_716, 0 {pack_format = #tpu.pack_format<interleaved>} : vector<32xbf16> -> vector<16xf32>
        %parallel_loop3A_718 = tpu.unpack_subelements %parallel_loop3A_716, 1 {pack_format = #tpu.pack_format<interleaved>} : vector<32xbf16> -> vector<16xf32>
        %parallel_loop3A_719 = arith.addf %parallel_loop3A_690, %parallel_loop3A_717 : vector<16xf32>
        %parallel_loop3A_720 = arith.addf %parallel_loop3A_691, %parallel_loop3A_718 : vector<16xf32>
        %parallel_loop3A_721 = arith.constant 25100 : i32
        %parallel_loop3A_722 = vector.broadcast %parallel_loop3A_721 : i32 to vector<16xi32>
        %parallel_loop3A_723 = arith.addi %parallel_loop3A_702, %parallel_loop3A_722 : vector<16xi32>
        %parallel_loop3A_724 = tpu.vector_load_idx %arg5[%parallel_loop3A_723] : memref<50200xi32, #tpu.memory_space<vmem>>[vector<16xi32>], vector<16xi32>,
        %parallel_loop3A_725 = vector.bitcast %parallel_loop3A_724 : vector<16xi32> to vector<32xbf16>
        %parallel_loop3A_726 = tpu.unpack_subelements %parallel_loop3A_725, 0 {pack_format = #tpu.pack_format<interleaved>} : vector<32xbf16> -> vector<16xf32>
        %parallel_loop3A_727 = tpu.unpack_subelements %parallel_loop3A_725, 1 {pack_format = #tpu.pack_format<interleaved>} : vector<32xbf16> -> vector<16xf32>
        %parallel_loop3A_728 = arith.addf %parallel_loop3A_692, %parallel_loop3A_726 : vector<16xf32>
        %parallel_loop3A_729 = arith.addf %parallel_loop3A_693, %parallel_loop3A_727 : vector<16xf32>
        %parallel_loop3A_730 = arith.constant 37650 : i32
        %parallel_loop3A_731 = vector.broadcast %parallel_loop3A_730 : i32 to vector<16xi32>
        %parallel_loop3A_732 = arith.addi %parallel_loop3A_702, %parallel_loop3A_731 : vector<16xi32>
        %parallel_loop3A_733 = tpu.vector_load_idx %arg5[%parallel_loop3A_732] : memref<50200xi32, #tpu.memory_space<vmem>>[vector<16xi32>], vector<16xi32>,
        %parallel_loop3A_734 = vector.bitcast %parallel_loop3A_733 : vector<16xi32> to vector<32xbf16>
        %parallel_loop3A_735 = tpu.unpack_subelements %parallel_loop3A_734, 0 {pack_format = #tpu.pack_format<interleaved>} : vector<32xbf16> -> vector<16xf32>
        %parallel_loop3A_736 = tpu.unpack_subelements %parallel_loop3A_734, 1 {pack_format = #tpu.pack_format<interleaved>} : vector<32xbf16> -> vector<16xf32>
        %parallel_loop3A_737 = arith.addf %parallel_loop3A_694, %parallel_loop3A_735 : vector<16xf32>
        %parallel_loop3A_738 = arith.addf %parallel_loop3A_695, %parallel_loop3A_736 : vector<16xf32>
        %parallel_loop3A_739 = arith.constant 1 : i32
        %parallel_loop3A_740 = arith.addi %parallel_loop3A_697, %parallel_loop3A_739 : i32
        %parallel_loop3A_741 = arith.index_cast %parallel_loop3A_740 : i32 to index
        %parallel_loop3A_742 = arith.constant 64 : index
        %parallel_loop3A_743 = tpu.vector_load %arg7[%parallel_loop3A_741, %parallel_loop3A_742] {strides = array<i32>} : memref<150x128xi32, #tpu.memory_space<vmem>>, vector<16xi32>,
        %parallel_loop3A_744 = arith.constant 0 : i32
        %parallel_loop3A_745 = vector.broadcast %parallel_loop3A_744 : i32 to vector<16xi32>
        %parallel_loop3A_746 = arith.addi %parallel_loop3A_743, %parallel_loop3A_745 : vector<16xi32>
        %parallel_loop3A_747 = tpu.vector_load_idx %arg5[%parallel_loop3A_746] : memref<50200xi32, #tpu.memory_space<vmem>>[vector<16xi32>], vector<16xi32>,
        %parallel_loop3A_748 = vector.bitcast %parallel_loop3A_747 : vector<16xi32> to vector<32xbf16>
        %parallel_loop3A_749 = tpu.unpack_subelements %parallel_loop3A_748, 0 {pack_format = #tpu.pack_format<interleaved>} : vector<32xbf16> -> vector<16xf32>
        %parallel_loop3A_750 = tpu.unpack_subelements %parallel_loop3A_748, 1 {pack_format = #tpu.pack_format<interleaved>} : vector<32xbf16> -> vector<16xf32>
        %parallel_loop3A_751 = arith.addf %parallel_loop3A_710, %parallel_loop3A_749 : vector<16xf32>
        %parallel_loop3A_752 = arith.addf %parallel_loop3A_711, %parallel_loop3A_750 : vector<16xf32>
        %parallel_loop3A_753 = arith.constant 12550 : i32
        %parallel_loop3A_754 = vector.broadcast %parallel_loop3A_753 : i32 to vector<16xi32>
        %parallel_loop3A_755 = arith.addi %parallel_loop3A_743, %parallel_loop3A_754 : vector<16xi32>
        %parallel_loop3A_756 = tpu.vector_load_idx %arg5[%parallel_loop3A_755] : memref<50200xi32, #tpu.memory_space<vmem>>[vector<16xi32>], vector<16xi32>,
        %parallel_loop3A_757 = vector.bitcast %parallel_loop3A_756 : vector<16xi32> to vector<32xbf16>
        %parallel_loop3A_758 = tpu.unpack_subelements %parallel_loop3A_757, 0 {pack_format = #tpu.pack_format<interleaved>} : vector<32xbf16> -> vector<16xf32>
        %parallel_loop3A_759 = tpu.unpack_subelements %parallel_loop3A_757, 1 {pack_format = #tpu.pack_format<interleaved>} : vector<32xbf16> -> vector<16xf32>
        %parallel_loop3A_760 = arith.addf %parallel_loop3A_719, %parallel_loop3A_758 : vector<16xf32>
        %parallel_loop3A_761 = arith.addf %parallel_loop3A_720, %parallel_loop3A_759 : vector<16xf32>
        %parallel_loop3A_762 = arith.constant 25100 : i32
        %parallel_loop3A_763 = vector.broadcast %parallel_loop3A_762 : i32 to vector<16xi32>
        %parallel_loop3A_764 = arith.addi %parallel_loop3A_743, %parallel_loop3A_763 : vector<16xi32>
        %parallel_loop3A_765 = tpu.vector_load_idx %arg5[%parallel_loop3A_764] : memref<50200xi32, #tpu.memory_space<vmem>>[vector<16xi32>], vector<16xi32>,
        %parallel_loop3A_766 = vector.bitcast %parallel_loop3A_765 : vector<16xi32> to vector<32xbf16>
        %parallel_loop3A_767 = tpu.unpack_subelements %parallel_loop3A_766, 0 {pack_format = #tpu.pack_format<interleaved>} : vector<32xbf16> -> vector<16xf32>
        %parallel_loop3A_768 = tpu.unpack_subelements %parallel_loop3A_766, 1 {pack_format = #tpu.pack_format<interleaved>} : vector<32xbf16> -> vector<16xf32>
        %parallel_loop3A_769 = arith.addf %parallel_loop3A_728, %parallel_loop3A_767 : vector<16xf32>
        %parallel_loop3A_770 = arith.addf %parallel_loop3A_729, %parallel_loop3A_768 : vector<16xf32>
        %parallel_loop3A_771 = arith.constant 37650 : i32
        %parallel_loop3A_772 = vector.broadcast %parallel_loop3A_771 : i32 to vector<16xi32>
        %parallel_loop3A_773 = arith.addi %parallel_loop3A_743, %parallel_loop3A_772 : vector<16xi32>
        %parallel_loop3A_774 = tpu.vector_load_idx %arg5[%parallel_loop3A_773] : memref<50200xi32, #tpu.memory_space<vmem>>[vector<16xi32>], vector<16xi32>,
        %parallel_loop3A_775 = vector.bitcast %parallel_loop3A_774 : vector<16xi32> to vector<32xbf16>
        %parallel_loop3A_776 = tpu.unpack_subelements %parallel_loop3A_775, 0 {pack_format = #tpu.pack_format<interleaved>} : vector<32xbf16> -> vector<16xf32>
        %parallel_loop3A_777 = tpu.unpack_subelements %parallel_loop3A_775, 1 {pack_format = #tpu.pack_format<interleaved>} : vector<32xbf16> -> vector<16xf32>
        %parallel_loop3A_778 = arith.addf %parallel_loop3A_737, %parallel_loop3A_776 : vector<16xf32>
        %parallel_loop3A_779 = arith.addf %parallel_loop3A_738, %parallel_loop3A_777 : vector<16xf32>
        %parallel_loop3A_780 = arith.constant 2 : i32
        %parallel_loop3A_781 = arith.addi %parallel_loop3A_697, %parallel_loop3A_780 : i32
        %parallel_loop3A_782 = arith.index_cast %parallel_loop3A_781 : i32 to index
        %parallel_loop3A_783 = arith.constant 64 : index
        %parallel_loop3A_784 = tpu.vector_load %arg7[%parallel_loop3A_782, %parallel_loop3A_783] {strides = array<i32>} : memref<150x128xi32, #tpu.memory_space<vmem>>, vector<16xi32>,
        %parallel_loop3A_785 = arith.constant 0 : i32
        %parallel_loop3A_786 = vector.broadcast %parallel_loop3A_785 : i32 to vector<16xi32>
        %parallel_loop3A_787 = arith.addi %parallel_loop3A_784, %parallel_loop3A_786 : vector<16xi32>
        %parallel_loop3A_788 = tpu.vector_load_idx %arg5[%parallel_loop3A_787] : memref<50200xi32, #tpu.memory_space<vmem>>[vector<16xi32>], vector<16xi32>,
        %parallel_loop3A_789 = vector.bitcast %parallel_loop3A_788 : vector<16xi32> to vector<32xbf16>
        %parallel_loop3A_790 = tpu.unpack_subelements %parallel_loop3A_789, 0 {pack_format = #tpu.pack_format<interleaved>} : vector<32xbf16> -> vector<16xf32>
        %parallel_loop3A_791 = tpu.unpack_subelements %parallel_loop3A_789, 1 {pack_format = #tpu.pack_format<interleaved>} : vector<32xbf16> -> vector<16xf32>
        %parallel_loop3A_792 = arith.addf %parallel_loop3A_751, %parallel_loop3A_790 : vector<16xf32>
        %parallel_loop3A_793 = arith.addf %parallel_loop3A_752, %parallel_loop3A_791 : vector<16xf32>
        %parallel_loop3A_794 = arith.constant 12550 : i32
        %parallel_loop3A_795 = vector.broadcast %parallel_loop3A_794 : i32 to vector<16xi32>
        %parallel_loop3A_796 = arith.addi %parallel_loop3A_784, %parallel_loop3A_795 : vector<16xi32>
        %parallel_loop3A_797 = tpu.vector_load_idx %arg5[%parallel_loop3A_796] : memref<50200xi32, #tpu.memory_space<vmem>>[vector<16xi32>], vector<16xi32>,
        %parallel_loop3A_798 = vector.bitcast %parallel_loop3A_797 : vector<16xi32> to vector<32xbf16>
        %parallel_loop3A_799 = tpu.unpack_subelements %parallel_loop3A_798, 0 {pack_format = #tpu.pack_format<interleaved>} : vector<32xbf16> -> vector<16xf32>
        %parallel_loop3A_800 = tpu.unpack_subelements %parallel_loop3A_798, 1 {pack_format = #tpu.pack_format<interleaved>} : vector<32xbf16> -> vector<16xf32>
        %parallel_loop3A_801 = arith.addf %parallel_loop3A_760, %parallel_loop3A_799 : vector<16xf32>
        %parallel_loop3A_802 = arith.addf %parallel_loop3A_761, %parallel_loop3A_800 : vector<16xf32>
        %parallel_loop3A_803 = arith.constant 25100 : i32
        %parallel_loop3A_804 = vector.broadcast %parallel_loop3A_803 : i32 to vector<16xi32>
        %parallel_loop3A_805 = arith.addi %parallel_loop3A_784, %parallel_loop3A_804 : vector<16xi32>
        %parallel_loop3A_806 = tpu.vector_load_idx %arg5[%parallel_loop3A_805] : memref<50200xi32, #tpu.memory_space<vmem>>[vector<16xi32>], vector<16xi32>,
        %parallel_loop3A_807 = vector.bitcast %parallel_loop3A_806 : vector<16xi32> to vector<32xbf16>
        %parallel_loop3A_808 = tpu.unpack_subelements %parallel_loop3A_807, 0 {pack_format = #tpu.pack_format<interleaved>} : vector<32xbf16> -> vector<16xf32>
        %parallel_loop3A_809 = tpu.unpack_subelements %parallel_loop3A_807, 1 {pack_format = #tpu.pack_format<interleaved>} : vector<32xbf16> -> vector<16xf32>
        %parallel_loop3A_810 = arith.addf %parallel_loop3A_769, %parallel_loop3A_808 : vector<16xf32>
        %parallel_loop3A_811 = arith.addf %parallel_loop3A_770, %parallel_loop3A_809 : vector<16xf32>
        %parallel_loop3A_812 = arith.constant 37650 : i32
        %parallel_loop3A_813 = vector.broadcast %parallel_loop3A_812 : i32 to vector<16xi32>
        %parallel_loop3A_814 = arith.addi %parallel_loop3A_784, %parallel_loop3A_813 : vector<16xi32>
        %parallel_loop3A_815 = tpu.vector_load_idx %arg5[%parallel_loop3A_814] : memref<50200xi32, #tpu.memory_space<vmem>>[vector<16xi32>], vector<16xi32>,
        %parallel_loop3A_816 = vector.bitcast %parallel_loop3A_815 : vector<16xi32> to vector<32xbf16>
        %parallel_loop3A_817 = tpu.unpack_subelements %parallel_loop3A_816, 0 {pack_format = #tpu.pack_format<interleaved>} : vector<32xbf16> -> vector<16xf32>
        %parallel_loop3A_818 = tpu.unpack_subelements %parallel_loop3A_816, 1 {pack_format = #tpu.pack_format<interleaved>} : vector<32xbf16> -> vector<16xf32>
        %parallel_loop3A_819 = arith.addf %parallel_loop3A_778, %parallel_loop3A_817 : vector<16xf32>
        %parallel_loop3A_820 = arith.addf %parallel_loop3A_779, %parallel_loop3A_818 : vector<16xf32>
        scf.yield %parallel_loop3A_792, %parallel_loop3A_793, %parallel_loop3A_801, %parallel_loop3A_802, %parallel_loop3A_810, %parallel_loop3A_811, %parallel_loop3A_819, %parallel_loop3A_820 : vector<16xf32>, vector<16xf32>, vector<16xf32>, vector<16xf32>, vector<16xf32>, vector<16xf32>, vector<16xf32>, vector<16xf32>
      } {sc.loop_unroll_factor = 1 : i64, sc.parallel_access}
      %swap3A_533 = arith.constant 0 : i32
      %swap3A_534 = arith.index_cast %swap3A_533 : i32 to index
      %swap3A_535 = arith.constant 64 : index
      %swap3A_536 = tpu.vector_load %arg9[%swap3A_534, %swap3A_535] {strides = array<i32>} : memref<8x128xf32, #tpu.memory_space<vmem>>, vector<16xf32>,
      tpu.vector_store %arg9[%swap3A_534, %swap3A_535], %parallel_loop3A_532#0 {strides = array<i32>} : memref<8x128xf32, #tpu.memory_space<vmem>>, vector<16xf32>,
      %swap3A_537 = arith.constant 1 : i32
      %swap3A_538 = arith.index_cast %swap3A_537 : i32 to index
      %swap3A_539 = arith.constant 64 : index
      %swap3A_540 = tpu.vector_load %arg9[%swap3A_538, %swap3A_539] {strides = array<i32>} : memref<8x128xf32, #tpu.memory_space<vmem>>, vector<16xf32>,
      tpu.vector_store %arg9[%swap3A_538, %swap3A_539], %parallel_loop3A_532#1 {strides = array<i32>} : memref<8x128xf32, #tpu.memory_space<vmem>>, vector<16xf32>,
      %swap3A_541 = arith.constant 2 : i32
      %swap3A_542 = arith.index_cast %swap3A_541 : i32 to index
      %swap3A_543 = arith.constant 64 : index
      %swap3A_544 = tpu.vector_load %arg9[%swap3A_542, %swap3A_543] {strides = array<i32>} : memref<8x128xf32, #tpu.memory_space<vmem>>, vector<16xf32>,
      tpu.vector_store %arg9[%swap3A_542, %swap3A_543], %parallel_loop3A_532#2 {strides = array<i32>} : memref<8x128xf32, #tpu.memory_space<vmem>>, vector<16xf32>,
      %swap3A_545 = arith.constant 3 : i32
      %swap3A_546 = arith.index_cast %swap3A_545 : i32 to index
      %swap3A_547 = arith.constant 64 : index
      %swap3A_548 = tpu.vector_load %arg9[%swap3A_546, %swap3A_547] {strides = array<i32>} : memref<8x128xf32, #tpu.memory_space<vmem>>, vector<16xf32>,
      tpu.vector_store %arg9[%swap3A_546, %swap3A_547], %parallel_loop3A_532#3 {strides = array<i32>} : memref<8x128xf32, #tpu.memory_space<vmem>>, vector<16xf32>,
      %swap3A_549 = arith.constant 4 : i32
      %swap3A_550 = arith.index_cast %swap3A_549 : i32 to index
      %swap3A_551 = arith.constant 64 : index
      %swap3A_552 = tpu.vector_load %arg9[%swap3A_550, %swap3A_551] {strides = array<i32>} : memref<8x128xf32, #tpu.memory_space<vmem>>, vector<16xf32>,
      tpu.vector_store %arg9[%swap3A_550, %swap3A_551], %parallel_loop3A_532#4 {strides = array<i32>} : memref<8x128xf32, #tpu.memory_space<vmem>>, vector<16xf32>,
      %swap3A_553 = arith.constant 5 : i32
      %swap3A_554 = arith.index_cast %swap3A_553 : i32 to index
      %swap3A_555 = arith.constant 64 : index
      %swap3A_556 = tpu.vector_load %arg9[%swap3A_554, %swap3A_555] {strides = array<i32>} : memref<8x128xf32, #tpu.memory_space<vmem>>, vector<16xf32>,
      tpu.vector_store %arg9[%swap3A_554, %swap3A_555], %parallel_loop3A_532#5 {strides = array<i32>} : memref<8x128xf32, #tpu.memory_space<vmem>>, vector<16xf32>,
      %swap3A_557 = arith.constant 6 : i32
      %swap3A_558 = arith.index_cast %swap3A_557 : i32 to index
      %swap3A_559 = arith.constant 64 : index
      %swap3A_560 = tpu.vector_load %arg9[%swap3A_558, %swap3A_559] {strides = array<i32>} : memref<8x128xf32, #tpu.memory_space<vmem>>, vector<16xf32>,
      tpu.vector_store %arg9[%swap3A_558, %swap3A_559], %parallel_loop3A_532#6 {strides = array<i32>} : memref<8x128xf32, #tpu.memory_space<vmem>>, vector<16xf32>,
      %swap3A_561 = arith.constant 7 : i32
      %swap3A_562 = arith.index_cast %swap3A_561 : i32 to index
      %swap3A_563 = arith.constant 64 : index
      %swap3A_564 = tpu.vector_load %arg9[%swap3A_562, %swap3A_563] {strides = array<i32>} : memref<8x128xf32, #tpu.memory_space<vmem>>, vector<16xf32>,
      tpu.vector_store %arg9[%swap3A_562, %swap3A_563], %parallel_loop3A_532#7 {strides = array<i32>} : memref<8x128xf32, #tpu.memory_space<vmem>>, vector<16xf32>,
      %broadcast_in_dim3A_565 = arith.constant 0.000000e+00 : f32
      %broadcast_in_dim3A_566 = vector.broadcast %broadcast_in_dim3A_565 : f32 to vector<16xf32>
      %parallel_loop3A_567 = arith.constant 0 : i32
      %parallel_loop3A_568 = arith.constant 50 : i32
      %parallel_loop3A_569 = arith.constant 1 : i32
      %parallel_loop3A_570:8 = scf.for %parallel_loop3A_687 = %parallel_loop3A_567 to %parallel_loop3A_568 step %parallel_loop3A_569 iter_args(%parallel_loop3A_688 = %broadcast_in_dim3A_566, %parallel_loop3A_689 = %broadcast_in_dim3A_566, %parallel_loop3A_690 = %broadcast_in_dim3A_566, %parallel_loop3A_691 = %broadcast_in_dim3A_566, %parallel_loop3A_692 = %broadcast_in_dim3A_566, %parallel_loop3A_693 = %broadcast_in_dim3A_566, %parallel_loop3A_694 = %broadcast_in_dim3A_566, %parallel_loop3A_695 = %broadcast_in_dim3A_566) -> (vector<16xf32>, vector<16xf32>, vector<16xf32>, vector<16xf32>, vector<16xf32>, vector<16xf32>, vector<16xf32>, vector<16xf32>)  : i32 {
        %parallel_loop3A_696 = arith.constant 3 : i32
        %parallel_loop3A_697 = arith.muli %parallel_loop3A_687, %parallel_loop3A_696 : i32
        %parallel_loop3A_698 = arith.constant 0 : i32
        %parallel_loop3A_699 = arith.addi %parallel_loop3A_697, %parallel_loop3A_698 : i32
        %parallel_loop3A_700 = arith.index_cast %parallel_loop3A_699 : i32 to index
        %parallel_loop3A_701 = arith.constant 80 : index
        %parallel_loop3A_702 = tpu.vector_load %arg7[%parallel_loop3A_700, %parallel_loop3A_701] {strides = array<i32>} : memref<150x128xi32, #tpu.memory_space<vmem>>, vector<16xi32>,
        %parallel_loop3A_703 = arith.constant 0 : i32
        %parallel_loop3A_704 = vector.broadcast %parallel_loop3A_703 : i32 to vector<16xi32>
        %parallel_loop3A_705 = arith.addi %parallel_loop3A_702, %parallel_loop3A_704 : vector<16xi32>
        %parallel_loop3A_706 = tpu.vector_load_idx %arg5[%parallel_loop3A_705] : memref<50200xi32, #tpu.memory_space<vmem>>[vector<16xi32>], vector<16xi32>,
        %parallel_loop3A_707 = vector.bitcast %parallel_loop3A_706 : vector<16xi32> to vector<32xbf16>
        %parallel_loop3A_708 = tpu.unpack_subelements %parallel_loop3A_707, 0 {pack_format = #tpu.pack_format<interleaved>} : vector<32xbf16> -> vector<16xf32>
        %parallel_loop3A_709 = tpu.unpack_subelements %parallel_loop3A_707, 1 {pack_format = #tpu.pack_format<interleaved>} : vector<32xbf16> -> vector<16xf32>
        %parallel_loop3A_710 = arith.addf %parallel_loop3A_688, %parallel_loop3A_708 : vector<16xf32>
        %parallel_loop3A_711 = arith.addf %parallel_loop3A_689, %parallel_loop3A_709 : vector<16xf32>
        %parallel_loop3A_712 = arith.constant 12550 : i32
        %parallel_loop3A_713 = vector.broadcast %parallel_loop3A_712 : i32 to vector<16xi32>
        %parallel_loop3A_714 = arith.addi %parallel_loop3A_702, %parallel_loop3A_713 : vector<16xi32>
        %parallel_loop3A_715 = tpu.vector_load_idx %arg5[%parallel_loop3A_714] : memref<50200xi32, #tpu.memory_space<vmem>>[vector<16xi32>], vector<16xi32>,
        %parallel_loop3A_716 = vector.bitcast %parallel_loop3A_715 : vector<16xi32> to vector<32xbf16>
        %parallel_loop3A_717 = tpu.unpack_subelements %parallel_loop3A_716, 0 {pack_format = #tpu.pack_format<interleaved>} : vector<32xbf16> -> vector<16xf32>
        %parallel_loop3A_718 = tpu.unpack_subelements %parallel_loop3A_716, 1 {pack_format = #tpu.pack_format<interleaved>} : vector<32xbf16> -> vector<16xf32>
        %parallel_loop3A_719 = arith.addf %parallel_loop3A_690, %parallel_loop3A_717 : vector<16xf32>
        %parallel_loop3A_720 = arith.addf %parallel_loop3A_691, %parallel_loop3A_718 : vector<16xf32>
        %parallel_loop3A_721 = arith.constant 25100 : i32
        %parallel_loop3A_722 = vector.broadcast %parallel_loop3A_721 : i32 to vector<16xi32>
        %parallel_loop3A_723 = arith.addi %parallel_loop3A_702, %parallel_loop3A_722 : vector<16xi32>
        %parallel_loop3A_724 = tpu.vector_load_idx %arg5[%parallel_loop3A_723] : memref<50200xi32, #tpu.memory_space<vmem>>[vector<16xi32>], vector<16xi32>,
        %parallel_loop3A_725 = vector.bitcast %parallel_loop3A_724 : vector<16xi32> to vector<32xbf16>
        %parallel_loop3A_726 = tpu.unpack_subelements %parallel_loop3A_725, 0 {pack_format = #tpu.pack_format<interleaved>} : vector<32xbf16> -> vector<16xf32>
        %parallel_loop3A_727 = tpu.unpack_subelements %parallel_loop3A_725, 1 {pack_format = #tpu.pack_format<interleaved>} : vector<32xbf16> -> vector<16xf32>
        %parallel_loop3A_728 = arith.addf %parallel_loop3A_692, %parallel_loop3A_726 : vector<16xf32>
        %parallel_loop3A_729 = arith.addf %parallel_loop3A_693, %parallel_loop3A_727 : vector<16xf32>
        %parallel_loop3A_730 = arith.constant 37650 : i32
        %parallel_loop3A_731 = vector.broadcast %parallel_loop3A_730 : i32 to vector<16xi32>
        %parallel_loop3A_732 = arith.addi %parallel_loop3A_702, %parallel_loop3A_731 : vector<16xi32>
        %parallel_loop3A_733 = tpu.vector_load_idx %arg5[%parallel_loop3A_732] : memref<50200xi32, #tpu.memory_space<vmem>>[vector<16xi32>], vector<16xi32>,
        %parallel_loop3A_734 = vector.bitcast %parallel_loop3A_733 : vector<16xi32> to vector<32xbf16>
        %parallel_loop3A_735 = tpu.unpack_subelements %parallel_loop3A_734, 0 {pack_format = #tpu.pack_format<interleaved>} : vector<32xbf16> -> vector<16xf32>
        %parallel_loop3A_736 = tpu.unpack_subelements %parallel_loop3A_734, 1 {pack_format = #tpu.pack_format<interleaved>} : vector<32xbf16> -> vector<16xf32>
        %parallel_loop3A_737 = arith.addf %parallel_loop3A_694, %parallel_loop3A_735 : vector<16xf32>
        %parallel_loop3A_738 = arith.addf %parallel_loop3A_695, %parallel_loop3A_736 : vector<16xf32>
        %parallel_loop3A_739 = arith.constant 1 : i32
        %parallel_loop3A_740 = arith.addi %parallel_loop3A_697, %parallel_loop3A_739 : i32
        %parallel_loop3A_741 = arith.index_cast %parallel_loop3A_740 : i32 to index
        %parallel_loop3A_742 = arith.constant 80 : index
        %parallel_loop3A_743 = tpu.vector_load %arg7[%parallel_loop3A_741, %parallel_loop3A_742] {strides = array<i32>} : memref<150x128xi32, #tpu.memory_space<vmem>>, vector<16xi32>,
        %parallel_loop3A_744 = arith.constant 0 : i32
        %parallel_loop3A_745 = vector.broadcast %parallel_loop3A_744 : i32 to vector<16xi32>
        %parallel_loop3A_746 = arith.addi %parallel_loop3A_743, %parallel_loop3A_745 : vector<16xi32>
        %parallel_loop3A_747 = tpu.vector_load_idx %arg5[%parallel_loop3A_746] : memref<50200xi32, #tpu.memory_space<vmem>>[vector<16xi32>], vector<16xi32>,
        %parallel_loop3A_748 = vector.bitcast %parallel_loop3A_747 : vector<16xi32> to vector<32xbf16>
        %parallel_loop3A_749 = tpu.unpack_subelements %parallel_loop3A_748, 0 {pack_format = #tpu.pack_format<interleaved>} : vector<32xbf16> -> vector<16xf32>
        %parallel_loop3A_750 = tpu.unpack_subelements %parallel_loop3A_748, 1 {pack_format = #tpu.pack_format<interleaved>} : vector<32xbf16> -> vector<16xf32>
        %parallel_loop3A_751 = arith.addf %parallel_loop3A_710, %parallel_loop3A_749 : vector<16xf32>
        %parallel_loop3A_752 = arith.addf %parallel_loop3A_711, %parallel_loop3A_750 : vector<16xf32>
        %parallel_loop3A_753 = arith.constant 12550 : i32
        %parallel_loop3A_754 = vector.broadcast %parallel_loop3A_753 : i32 to vector<16xi32>
        %parallel_loop3A_755 = arith.addi %parallel_loop3A_743, %parallel_loop3A_754 : vector<16xi32>
        %parallel_loop3A_756 = tpu.vector_load_idx %arg5[%parallel_loop3A_755] : memref<50200xi32, #tpu.memory_space<vmem>>[vector<16xi32>], vector<16xi32>,
        %parallel_loop3A_757 = vector.bitcast %parallel_loop3A_756 : vector<16xi32> to vector<32xbf16>
        %parallel_loop3A_758 = tpu.unpack_subelements %parallel_loop3A_757, 0 {pack_format = #tpu.pack_format<interleaved>} : vector<32xbf16> -> vector<16xf32>
        %parallel_loop3A_759 = tpu.unpack_subelements %parallel_loop3A_757, 1 {pack_format = #tpu.pack_format<interleaved>} : vector<32xbf16> -> vector<16xf32>
        %parallel_loop3A_760 = arith.addf %parallel_loop3A_719, %parallel_loop3A_758 : vector<16xf32>
        %parallel_loop3A_761 = arith.addf %parallel_loop3A_720, %parallel_loop3A_759 : vector<16xf32>
        %parallel_loop3A_762 = arith.constant 25100 : i32
        %parallel_loop3A_763 = vector.broadcast %parallel_loop3A_762 : i32 to vector<16xi32>
        %parallel_loop3A_764 = arith.addi %parallel_loop3A_743, %parallel_loop3A_763 : vector<16xi32>
        %parallel_loop3A_765 = tpu.vector_load_idx %arg5[%parallel_loop3A_764] : memref<50200xi32, #tpu.memory_space<vmem>>[vector<16xi32>], vector<16xi32>,
        %parallel_loop3A_766 = vector.bitcast %parallel_loop3A_765 : vector<16xi32> to vector<32xbf16>
        %parallel_loop3A_767 = tpu.unpack_subelements %parallel_loop3A_766, 0 {pack_format = #tpu.pack_format<interleaved>} : vector<32xbf16> -> vector<16xf32>
        %parallel_loop3A_768 = tpu.unpack_subelements %parallel_loop3A_766, 1 {pack_format = #tpu.pack_format<interleaved>} : vector<32xbf16> -> vector<16xf32>
        %parallel_loop3A_769 = arith.addf %parallel_loop3A_728, %parallel_loop3A_767 : vector<16xf32>
        %parallel_loop3A_770 = arith.addf %parallel_loop3A_729, %parallel_loop3A_768 : vector<16xf32>
        %parallel_loop3A_771 = arith.constant 37650 : i32
        %parallel_loop3A_772 = vector.broadcast %parallel_loop3A_771 : i32 to vector<16xi32>
        %parallel_loop3A_773 = arith.addi %parallel_loop3A_743, %parallel_loop3A_772 : vector<16xi32>
        %parallel_loop3A_774 = tpu.vector_load_idx %arg5[%parallel_loop3A_773] : memref<50200xi32, #tpu.memory_space<vmem>>[vector<16xi32>], vector<16xi32>,
        %parallel_loop3A_775 = vector.bitcast %parallel_loop3A_774 : vector<16xi32> to vector<32xbf16>
        %parallel_loop3A_776 = tpu.unpack_subelements %parallel_loop3A_775, 0 {pack_format = #tpu.pack_format<interleaved>} : vector<32xbf16> -> vector<16xf32>
        %parallel_loop3A_777 = tpu.unpack_subelements %parallel_loop3A_775, 1 {pack_format = #tpu.pack_format<interleaved>} : vector<32xbf16> -> vector<16xf32>
        %parallel_loop3A_778 = arith.addf %parallel_loop3A_737, %parallel_loop3A_776 : vector<16xf32>
        %parallel_loop3A_779 = arith.addf %parallel_loop3A_738, %parallel_loop3A_777 : vector<16xf32>
        %parallel_loop3A_780 = arith.constant 2 : i32
        %parallel_loop3A_781 = arith.addi %parallel_loop3A_697, %parallel_loop3A_780 : i32
        %parallel_loop3A_782 = arith.index_cast %parallel_loop3A_781 : i32 to index
        %parallel_loop3A_783 = arith.constant 80 : index
        %parallel_loop3A_784 = tpu.vector_load %arg7[%parallel_loop3A_782, %parallel_loop3A_783] {strides = array<i32>} : memref<150x128xi32, #tpu.memory_space<vmem>>, vector<16xi32>,
        %parallel_loop3A_785 = arith.constant 0 : i32
        %parallel_loop3A_786 = vector.broadcast %parallel_loop3A_785 : i32 to vector<16xi32>
        %parallel_loop3A_787 = arith.addi %parallel_loop3A_784, %parallel_loop3A_786 : vector<16xi32>
        %parallel_loop3A_788 = tpu.vector_load_idx %arg5[%parallel_loop3A_787] : memref<50200xi32, #tpu.memory_space<vmem>>[vector<16xi32>], vector<16xi32>,
        %parallel_loop3A_789 = vector.bitcast %parallel_loop3A_788 : vector<16xi32> to vector<32xbf16>
        %parallel_loop3A_790 = tpu.unpack_subelements %parallel_loop3A_789, 0 {pack_format = #tpu.pack_format<interleaved>} : vector<32xbf16> -> vector<16xf32>
        %parallel_loop3A_791 = tpu.unpack_subelements %parallel_loop3A_789, 1 {pack_format = #tpu.pack_format<interleaved>} : vector<32xbf16> -> vector<16xf32>
        %parallel_loop3A_792 = arith.addf %parallel_loop3A_751, %parallel_loop3A_790 : vector<16xf32>
        %parallel_loop3A_793 = arith.addf %parallel_loop3A_752, %parallel_loop3A_791 : vector<16xf32>
        %parallel_loop3A_794 = arith.constant 12550 : i32
        %parallel_loop3A_795 = vector.broadcast %parallel_loop3A_794 : i32 to vector<16xi32>
        %parallel_loop3A_796 = arith.addi %parallel_loop3A_784, %parallel_loop3A_795 : vector<16xi32>
        %parallel_loop3A_797 = tpu.vector_load_idx %arg5[%parallel_loop3A_796] : memref<50200xi32, #tpu.memory_space<vmem>>[vector<16xi32>], vector<16xi32>,
        %parallel_loop3A_798 = vector.bitcast %parallel_loop3A_797 : vector<16xi32> to vector<32xbf16>
        %parallel_loop3A_799 = tpu.unpack_subelements %parallel_loop3A_798, 0 {pack_format = #tpu.pack_format<interleaved>} : vector<32xbf16> -> vector<16xf32>
        %parallel_loop3A_800 = tpu.unpack_subelements %parallel_loop3A_798, 1 {pack_format = #tpu.pack_format<interleaved>} : vector<32xbf16> -> vector<16xf32>
        %parallel_loop3A_801 = arith.addf %parallel_loop3A_760, %parallel_loop3A_799 : vector<16xf32>
        %parallel_loop3A_802 = arith.addf %parallel_loop3A_761, %parallel_loop3A_800 : vector<16xf32>
        %parallel_loop3A_803 = arith.constant 25100 : i32
        %parallel_loop3A_804 = vector.broadcast %parallel_loop3A_803 : i32 to vector<16xi32>
        %parallel_loop3A_805 = arith.addi %parallel_loop3A_784, %parallel_loop3A_804 : vector<16xi32>
        %parallel_loop3A_806 = tpu.vector_load_idx %arg5[%parallel_loop3A_805] : memref<50200xi32, #tpu.memory_space<vmem>>[vector<16xi32>], vector<16xi32>,
        %parallel_loop3A_807 = vector.bitcast %parallel_loop3A_806 : vector<16xi32> to vector<32xbf16>
        %parallel_loop3A_808 = tpu.unpack_subelements %parallel_loop3A_807, 0 {pack_format = #tpu.pack_format<interleaved>} : vector<32xbf16> -> vector<16xf32>
        %parallel_loop3A_809 = tpu.unpack_subelements %parallel_loop3A_807, 1 {pack_format = #tpu.pack_format<interleaved>} : vector<32xbf16> -> vector<16xf32>
        %parallel_loop3A_810 = arith.addf %parallel_loop3A_769, %parallel_loop3A_808 : vector<16xf32>
        %parallel_loop3A_811 = arith.addf %parallel_loop3A_770, %parallel_loop3A_809 : vector<16xf32>
        %parallel_loop3A_812 = arith.constant 37650 : i32
        %parallel_loop3A_813 = vector.broadcast %parallel_loop3A_812 : i32 to vector<16xi32>
        %parallel_loop3A_814 = arith.addi %parallel_loop3A_784, %parallel_loop3A_813 : vector<16xi32>
        %parallel_loop3A_815 = tpu.vector_load_idx %arg5[%parallel_loop3A_814] : memref<50200xi32, #tpu.memory_space<vmem>>[vector<16xi32>], vector<16xi32>,
        %parallel_loop3A_816 = vector.bitcast %parallel_loop3A_815 : vector<16xi32> to vector<32xbf16>
        %parallel_loop3A_817 = tpu.unpack_subelements %parallel_loop3A_816, 0 {pack_format = #tpu.pack_format<interleaved>} : vector<32xbf16> -> vector<16xf32>
        %parallel_loop3A_818 = tpu.unpack_subelements %parallel_loop3A_816, 1 {pack_format = #tpu.pack_format<interleaved>} : vector<32xbf16> -> vector<16xf32>
        %parallel_loop3A_819 = arith.addf %parallel_loop3A_778, %parallel_loop3A_817 : vector<16xf32>
        %parallel_loop3A_820 = arith.addf %parallel_loop3A_779, %parallel_loop3A_818 : vector<16xf32>
        scf.yield %parallel_loop3A_792, %parallel_loop3A_793, %parallel_loop3A_801, %parallel_loop3A_802, %parallel_loop3A_810, %parallel_loop3A_811, %parallel_loop3A_819, %parallel_loop3A_820 : vector<16xf32>, vector<16xf32>, vector<16xf32>, vector<16xf32>, vector<16xf32>, vector<16xf32>, vector<16xf32>, vector<16xf32>
      } {sc.loop_unroll_factor = 1 : i64, sc.parallel_access}
      %swap3A_571 = arith.constant 0 : i32
      %swap3A_572 = arith.index_cast %swap3A_571 : i32 to index
      %swap3A_573 = arith.constant 80 : index
      %swap3A_574 = tpu.vector_load %arg9[%swap3A_572, %swap3A_573] {strides = array<i32>} : memref<8x128xf32, #tpu.memory_space<vmem>>, vector<16xf32>,
      tpu.vector_store %arg9[%swap3A_572, %swap3A_573], %parallel_loop3A_570#0 {strides = array<i32>} : memref<8x128xf32, #tpu.memory_space<vmem>>, vector<16xf32>,
      %swap3A_575 = arith.constant 1 : i32
      %swap3A_576 = arith.index_cast %swap3A_575 : i32 to index
      %swap3A_577 = arith.constant 80 : index
      %swap3A_578 = tpu.vector_load %arg9[%swap3A_576, %swap3A_577] {strides = array<i32>} : memref<8x128xf32, #tpu.memory_space<vmem>>, vector<16xf32>,
      tpu.vector_store %arg9[%swap3A_576, %swap3A_577], %parallel_loop3A_570#1 {strides = array<i32>} : memref<8x128xf32, #tpu.memory_space<vmem>>, vector<16xf32>,
      %swap3A_579 = arith.constant 2 : i32
      %swap3A_580 = arith.index_cast %swap3A_579 : i32 to index
      %swap3A_581 = arith.constant 80 : index
      %swap3A_582 = tpu.vector_load %arg9[%swap3A_580, %swap3A_581] {strides = array<i32>} : memref<8x128xf32, #tpu.memory_space<vmem>>, vector<16xf32>,
      tpu.vector_store %arg9[%swap3A_580, %swap3A_581], %parallel_loop3A_570#2 {strides = array<i32>} : memref<8x128xf32, #tpu.memory_space<vmem>>, vector<16xf32>,
      %swap3A_583 = arith.constant 3 : i32
      %swap3A_584 = arith.index_cast %swap3A_583 : i32 to index
      %swap3A_585 = arith.constant 80 : index
      %swap3A_586 = tpu.vector_load %arg9[%swap3A_584, %swap3A_585] {strides = array<i32>} : memref<8x128xf32, #tpu.memory_space<vmem>>, vector<16xf32>,
      tpu.vector_store %arg9[%swap3A_584, %swap3A_585], %parallel_loop3A_570#3 {strides = array<i32>} : memref<8x128xf32, #tpu.memory_space<vmem>>, vector<16xf32>,
      %swap3A_587 = arith.constant 4 : i32
      %swap3A_588 = arith.index_cast %swap3A_587 : i32 to index
      %swap3A_589 = arith.constant 80 : index
      %swap3A_590 = tpu.vector_load %arg9[%swap3A_588, %swap3A_589] {strides = array<i32>} : memref<8x128xf32, #tpu.memory_space<vmem>>, vector<16xf32>,
      tpu.vector_store %arg9[%swap3A_588, %swap3A_589], %parallel_loop3A_570#4 {strides = array<i32>} : memref<8x128xf32, #tpu.memory_space<vmem>>, vector<16xf32>,
      %swap3A_591 = arith.constant 5 : i32
      %swap3A_592 = arith.index_cast %swap3A_591 : i32 to index
      %swap3A_593 = arith.constant 80 : index
      %swap3A_594 = tpu.vector_load %arg9[%swap3A_592, %swap3A_593] {strides = array<i32>} : memref<8x128xf32, #tpu.memory_space<vmem>>, vector<16xf32>,
      tpu.vector_store %arg9[%swap3A_592, %swap3A_593], %parallel_loop3A_570#5 {strides = array<i32>} : memref<8x128xf32, #tpu.memory_space<vmem>>, vector<16xf32>,
      %swap3A_595 = arith.constant 6 : i32
      %swap3A_596 = arith.index_cast %swap3A_595 : i32 to index
      %swap3A_597 = arith.constant 80 : index
      %swap3A_598 = tpu.vector_load %arg9[%swap3A_596, %swap3A_597] {strides = array<i32>} : memref<8x128xf32, #tpu.memory_space<vmem>>, vector<16xf32>,
      tpu.vector_store %arg9[%swap3A_596, %swap3A_597], %parallel_loop3A_570#6 {strides = array<i32>} : memref<8x128xf32, #tpu.memory_space<vmem>>, vector<16xf32>,
      %swap3A_599 = arith.constant 7 : i32
      %swap3A_600 = arith.index_cast %swap3A_599 : i32 to index
      %swap3A_601 = arith.constant 80 : index
      %swap3A_602 = tpu.vector_load %arg9[%swap3A_600, %swap3A_601] {strides = array<i32>} : memref<8x128xf32, #tpu.memory_space<vmem>>, vector<16xf32>,
      tpu.vector_store %arg9[%swap3A_600, %swap3A_601], %parallel_loop3A_570#7 {strides = array<i32>} : memref<8x128xf32, #tpu.memory_space<vmem>>, vector<16xf32>,
      %broadcast_in_dim3A_603 = arith.constant 0.000000e+00 : f32
      %broadcast_in_dim3A_604 = vector.broadcast %broadcast_in_dim3A_603 : f32 to vector<16xf32>
      %parallel_loop3A_605 = arith.constant 0 : i32
      %parallel_loop3A_606 = arith.constant 50 : i32
      %parallel_loop3A_607 = arith.constant 1 : i32
      %parallel_loop3A_608:8 = scf.for %parallel_loop3A_687 = %parallel_loop3A_605 to %parallel_loop3A_606 step %parallel_loop3A_607 iter_args(%parallel_loop3A_688 = %broadcast_in_dim3A_604, %parallel_loop3A_689 = %broadcast_in_dim3A_604, %parallel_loop3A_690 = %broadcast_in_dim3A_604, %parallel_loop3A_691 = %broadcast_in_dim3A_604, %parallel_loop3A_692 = %broadcast_in_dim3A_604, %parallel_loop3A_693 = %broadcast_in_dim3A_604, %parallel_loop3A_694 = %broadcast_in_dim3A_604, %parallel_loop3A_695 = %broadcast_in_dim3A_604) -> (vector<16xf32>, vector<16xf32>, vector<16xf32>, vector<16xf32>, vector<16xf32>, vector<16xf32>, vector<16xf32>, vector<16xf32>)  : i32 {
        %parallel_loop3A_696 = arith.constant 3 : i32
        %parallel_loop3A_697 = arith.muli %parallel_loop3A_687, %parallel_loop3A_696 : i32
        %parallel_loop3A_698 = arith.constant 0 : i32
        %parallel_loop3A_699 = arith.addi %parallel_loop3A_697, %parallel_loop3A_698 : i32
        %parallel_loop3A_700 = arith.index_cast %parallel_loop3A_699 : i32 to index
        %parallel_loop3A_701 = arith.constant 96 : index
        %parallel_loop3A_702 = tpu.vector_load %arg7[%parallel_loop3A_700, %parallel_loop3A_701] {strides = array<i32>} : memref<150x128xi32, #tpu.memory_space<vmem>>, vector<16xi32>,
        %parallel_loop3A_703 = arith.constant 0 : i32
        %parallel_loop3A_704 = vector.broadcast %parallel_loop3A_703 : i32 to vector<16xi32>
        %parallel_loop3A_705 = arith.addi %parallel_loop3A_702, %parallel_loop3A_704 : vector<16xi32>
        %parallel_loop3A_706 = tpu.vector_load_idx %arg5[%parallel_loop3A_705] : memref<50200xi32, #tpu.memory_space<vmem>>[vector<16xi32>], vector<16xi32>,
        %parallel_loop3A_707 = vector.bitcast %parallel_loop3A_706 : vector<16xi32> to vector<32xbf16>
        %parallel_loop3A_708 = tpu.unpack_subelements %parallel_loop3A_707, 0 {pack_format = #tpu.pack_format<interleaved>} : vector<32xbf16> -> vector<16xf32>
        %parallel_loop3A_709 = tpu.unpack_subelements %parallel_loop3A_707, 1 {pack_format = #tpu.pack_format<interleaved>} : vector<32xbf16> -> vector<16xf32>
        %parallel_loop3A_710 = arith.addf %parallel_loop3A_688, %parallel_loop3A_708 : vector<16xf32>
        %parallel_loop3A_711 = arith.addf %parallel_loop3A_689, %parallel_loop3A_709 : vector<16xf32>
        %parallel_loop3A_712 = arith.constant 12550 : i32
        %parallel_loop3A_713 = vector.broadcast %parallel_loop3A_712 : i32 to vector<16xi32>
        %parallel_loop3A_714 = arith.addi %parallel_loop3A_702, %parallel_loop3A_713 : vector<16xi32>
        %parallel_loop3A_715 = tpu.vector_load_idx %arg5[%parallel_loop3A_714] : memref<50200xi32, #tpu.memory_space<vmem>>[vector<16xi32>], vector<16xi32>,
        %parallel_loop3A_716 = vector.bitcast %parallel_loop3A_715 : vector<16xi32> to vector<32xbf16>
        %parallel_loop3A_717 = tpu.unpack_subelements %parallel_loop3A_716, 0 {pack_format = #tpu.pack_format<interleaved>} : vector<32xbf16> -> vector<16xf32>
        %parallel_loop3A_718 = tpu.unpack_subelements %parallel_loop3A_716, 1 {pack_format = #tpu.pack_format<interleaved>} : vector<32xbf16> -> vector<16xf32>
        %parallel_loop3A_719 = arith.addf %parallel_loop3A_690, %parallel_loop3A_717 : vector<16xf32>
        %parallel_loop3A_720 = arith.addf %parallel_loop3A_691, %parallel_loop3A_718 : vector<16xf32>
        %parallel_loop3A_721 = arith.constant 25100 : i32
        %parallel_loop3A_722 = vector.broadcast %parallel_loop3A_721 : i32 to vector<16xi32>
        %parallel_loop3A_723 = arith.addi %parallel_loop3A_702, %parallel_loop3A_722 : vector<16xi32>
        %parallel_loop3A_724 = tpu.vector_load_idx %arg5[%parallel_loop3A_723] : memref<50200xi32, #tpu.memory_space<vmem>>[vector<16xi32>], vector<16xi32>,
        %parallel_loop3A_725 = vector.bitcast %parallel_loop3A_724 : vector<16xi32> to vector<32xbf16>
        %parallel_loop3A_726 = tpu.unpack_subelements %parallel_loop3A_725, 0 {pack_format = #tpu.pack_format<interleaved>} : vector<32xbf16> -> vector<16xf32>
        %parallel_loop3A_727 = tpu.unpack_subelements %parallel_loop3A_725, 1 {pack_format = #tpu.pack_format<interleaved>} : vector<32xbf16> -> vector<16xf32>
        %parallel_loop3A_728 = arith.addf %parallel_loop3A_692, %parallel_loop3A_726 : vector<16xf32>
        %parallel_loop3A_729 = arith.addf %parallel_loop3A_693, %parallel_loop3A_727 : vector<16xf32>
        %parallel_loop3A_730 = arith.constant 37650 : i32
        %parallel_loop3A_731 = vector.broadcast %parallel_loop3A_730 : i32 to vector<16xi32>
        %parallel_loop3A_732 = arith.addi %parallel_loop3A_702, %parallel_loop3A_731 : vector<16xi32>
        %parallel_loop3A_733 = tpu.vector_load_idx %arg5[%parallel_loop3A_732] : memref<50200xi32, #tpu.memory_space<vmem>>[vector<16xi32>], vector<16xi32>,
        %parallel_loop3A_734 = vector.bitcast %parallel_loop3A_733 : vector<16xi32> to vector<32xbf16>
        %parallel_loop3A_735 = tpu.unpack_subelements %parallel_loop3A_734, 0 {pack_format = #tpu.pack_format<interleaved>} : vector<32xbf16> -> vector<16xf32>
        %parallel_loop3A_736 = tpu.unpack_subelements %parallel_loop3A_734, 1 {pack_format = #tpu.pack_format<interleaved>} : vector<32xbf16> -> vector<16xf32>
        %parallel_loop3A_737 = arith.addf %parallel_loop3A_694, %parallel_loop3A_735 : vector<16xf32>
        %parallel_loop3A_738 = arith.addf %parallel_loop3A_695, %parallel_loop3A_736 : vector<16xf32>
        %parallel_loop3A_739 = arith.constant 1 : i32
        %parallel_loop3A_740 = arith.addi %parallel_loop3A_697, %parallel_loop3A_739 : i32
        %parallel_loop3A_741 = arith.index_cast %parallel_loop3A_740 : i32 to index
        %parallel_loop3A_742 = arith.constant 96 : index
        %parallel_loop3A_743 = tpu.vector_load %arg7[%parallel_loop3A_741, %parallel_loop3A_742] {strides = array<i32>} : memref<150x128xi32, #tpu.memory_space<vmem>>, vector<16xi32>,
        %parallel_loop3A_744 = arith.constant 0 : i32
        %parallel_loop3A_745 = vector.broadcast %parallel_loop3A_744 : i32 to vector<16xi32>
        %parallel_loop3A_746 = arith.addi %parallel_loop3A_743, %parallel_loop3A_745 : vector<16xi32>
        %parallel_loop3A_747 = tpu.vector_load_idx %arg5[%parallel_loop3A_746] : memref<50200xi32, #tpu.memory_space<vmem>>[vector<16xi32>], vector<16xi32>,
        %parallel_loop3A_748 = vector.bitcast %parallel_loop3A_747 : vector<16xi32> to vector<32xbf16>
        %parallel_loop3A_749 = tpu.unpack_subelements %parallel_loop3A_748, 0 {pack_format = #tpu.pack_format<interleaved>} : vector<32xbf16> -> vector<16xf32>
        %parallel_loop3A_750 = tpu.unpack_subelements %parallel_loop3A_748, 1 {pack_format = #tpu.pack_format<interleaved>} : vector<32xbf16> -> vector<16xf32>
        %parallel_loop3A_751 = arith.addf %parallel_loop3A_710, %parallel_loop3A_749 : vector<16xf32>
        %parallel_loop3A_752 = arith.addf %parallel_loop3A_711, %parallel_loop3A_750 : vector<16xf32>
        %parallel_loop3A_753 = arith.constant 12550 : i32
        %parallel_loop3A_754 = vector.broadcast %parallel_loop3A_753 : i32 to vector<16xi32>
        %parallel_loop3A_755 = arith.addi %parallel_loop3A_743, %parallel_loop3A_754 : vector<16xi32>
        %parallel_loop3A_756 = tpu.vector_load_idx %arg5[%parallel_loop3A_755] : memref<50200xi32, #tpu.memory_space<vmem>>[vector<16xi32>], vector<16xi32>,
        %parallel_loop3A_757 = vector.bitcast %parallel_loop3A_756 : vector<16xi32> to vector<32xbf16>
        %parallel_loop3A_758 = tpu.unpack_subelements %parallel_loop3A_757, 0 {pack_format = #tpu.pack_format<interleaved>} : vector<32xbf16> -> vector<16xf32>
        %parallel_loop3A_759 = tpu.unpack_subelements %parallel_loop3A_757, 1 {pack_format = #tpu.pack_format<interleaved>} : vector<32xbf16> -> vector<16xf32>
        %parallel_loop3A_760 = arith.addf %parallel_loop3A_719, %parallel_loop3A_758 : vector<16xf32>
        %parallel_loop3A_761 = arith.addf %parallel_loop3A_720, %parallel_loop3A_759 : vector<16xf32>
        %parallel_loop3A_762 = arith.constant 25100 : i32
        %parallel_loop3A_763 = vector.broadcast %parallel_loop3A_762 : i32 to vector<16xi32>
        %parallel_loop3A_764 = arith.addi %parallel_loop3A_743, %parallel_loop3A_763 : vector<16xi32>
        %parallel_loop3A_765 = tpu.vector_load_idx %arg5[%parallel_loop3A_764] : memref<50200xi32, #tpu.memory_space<vmem>>[vector<16xi32>], vector<16xi32>,
        %parallel_loop3A_766 = vector.bitcast %parallel_loop3A_765 : vector<16xi32> to vector<32xbf16>
        %parallel_loop3A_767 = tpu.unpack_subelements %parallel_loop3A_766, 0 {pack_format = #tpu.pack_format<interleaved>} : vector<32xbf16> -> vector<16xf32>
        %parallel_loop3A_768 = tpu.unpack_subelements %parallel_loop3A_766, 1 {pack_format = #tpu.pack_format<interleaved>} : vector<32xbf16> -> vector<16xf32>
        %parallel_loop3A_769 = arith.addf %parallel_loop3A_728, %parallel_loop3A_767 : vector<16xf32>
        %parallel_loop3A_770 = arith.addf %parallel_loop3A_729, %parallel_loop3A_768 : vector<16xf32>
        %parallel_loop3A_771 = arith.constant 37650 : i32
        %parallel_loop3A_772 = vector.broadcast %parallel_loop3A_771 : i32 to vector<16xi32>
        %parallel_loop3A_773 = arith.addi %parallel_loop3A_743, %parallel_loop3A_772 : vector<16xi32>
        %parallel_loop3A_774 = tpu.vector_load_idx %arg5[%parallel_loop3A_773] : memref<50200xi32, #tpu.memory_space<vmem>>[vector<16xi32>], vector<16xi32>,
        %parallel_loop3A_775 = vector.bitcast %parallel_loop3A_774 : vector<16xi32> to vector<32xbf16>
        %parallel_loop3A_776 = tpu.unpack_subelements %parallel_loop3A_775, 0 {pack_format = #tpu.pack_format<interleaved>} : vector<32xbf16> -> vector<16xf32>
        %parallel_loop3A_777 = tpu.unpack_subelements %parallel_loop3A_775, 1 {pack_format = #tpu.pack_format<interleaved>} : vector<32xbf16> -> vector<16xf32>
        %parallel_loop3A_778 = arith.addf %parallel_loop3A_737, %parallel_loop3A_776 : vector<16xf32>
        %parallel_loop3A_779 = arith.addf %parallel_loop3A_738, %parallel_loop3A_777 : vector<16xf32>
        %parallel_loop3A_780 = arith.constant 2 : i32
        %parallel_loop3A_781 = arith.addi %parallel_loop3A_697, %parallel_loop3A_780 : i32
        %parallel_loop3A_782 = arith.index_cast %parallel_loop3A_781 : i32 to index
        %parallel_loop3A_783 = arith.constant 96 : index
        %parallel_loop3A_784 = tpu.vector_load %arg7[%parallel_loop3A_782, %parallel_loop3A_783] {strides = array<i32>} : memref<150x128xi32, #tpu.memory_space<vmem>>, vector<16xi32>,
        %parallel_loop3A_785 = arith.constant 0 : i32
        %parallel_loop3A_786 = vector.broadcast %parallel_loop3A_785 : i32 to vector<16xi32>
        %parallel_loop3A_787 = arith.addi %parallel_loop3A_784, %parallel_loop3A_786 : vector<16xi32>
        %parallel_loop3A_788 = tpu.vector_load_idx %arg5[%parallel_loop3A_787] : memref<50200xi32, #tpu.memory_space<vmem>>[vector<16xi32>], vector<16xi32>,
        %parallel_loop3A_789 = vector.bitcast %parallel_loop3A_788 : vector<16xi32> to vector<32xbf16>
        %parallel_loop3A_790 = tpu.unpack_subelements %parallel_loop3A_789, 0 {pack_format = #tpu.pack_format<interleaved>} : vector<32xbf16> -> vector<16xf32>
        %parallel_loop3A_791 = tpu.unpack_subelements %parallel_loop3A_789, 1 {pack_format = #tpu.pack_format<interleaved>} : vector<32xbf16> -> vector<16xf32>
        %parallel_loop3A_792 = arith.addf %parallel_loop3A_751, %parallel_loop3A_790 : vector<16xf32>
        %parallel_loop3A_793 = arith.addf %parallel_loop3A_752, %parallel_loop3A_791 : vector<16xf32>
        %parallel_loop3A_794 = arith.constant 12550 : i32
        %parallel_loop3A_795 = vector.broadcast %parallel_loop3A_794 : i32 to vector<16xi32>
        %parallel_loop3A_796 = arith.addi %parallel_loop3A_784, %parallel_loop3A_795 : vector<16xi32>
        %parallel_loop3A_797 = tpu.vector_load_idx %arg5[%parallel_loop3A_796] : memref<50200xi32, #tpu.memory_space<vmem>>[vector<16xi32>], vector<16xi32>,
        %parallel_loop3A_798 = vector.bitcast %parallel_loop3A_797 : vector<16xi32> to vector<32xbf16>
        %parallel_loop3A_799 = tpu.unpack_subelements %parallel_loop3A_798, 0 {pack_format = #tpu.pack_format<interleaved>} : vector<32xbf16> -> vector<16xf32>
        %parallel_loop3A_800 = tpu.unpack_subelements %parallel_loop3A_798, 1 {pack_format = #tpu.pack_format<interleaved>} : vector<32xbf16> -> vector<16xf32>
        %parallel_loop3A_801 = arith.addf %parallel_loop3A_760, %parallel_loop3A_799 : vector<16xf32>
        %parallel_loop3A_802 = arith.addf %parallel_loop3A_761, %parallel_loop3A_800 : vector<16xf32>
        %parallel_loop3A_803 = arith.constant 25100 : i32
        %parallel_loop3A_804 = vector.broadcast %parallel_loop3A_803 : i32 to vector<16xi32>
        %parallel_loop3A_805 = arith.addi %parallel_loop3A_784, %parallel_loop3A_804 : vector<16xi32>
        %parallel_loop3A_806 = tpu.vector_load_idx %arg5[%parallel_loop3A_805] : memref<50200xi32, #tpu.memory_space<vmem>>[vector<16xi32>], vector<16xi32>,
        %parallel_loop3A_807 = vector.bitcast %parallel_loop3A_806 : vector<16xi32> to vector<32xbf16>
        %parallel_loop3A_808 = tpu.unpack_subelements %parallel_loop3A_807, 0 {pack_format = #tpu.pack_format<interleaved>} : vector<32xbf16> -> vector<16xf32>
        %parallel_loop3A_809 = tpu.unpack_subelements %parallel_loop3A_807, 1 {pack_format = #tpu.pack_format<interleaved>} : vector<32xbf16> -> vector<16xf32>
        %parallel_loop3A_810 = arith.addf %parallel_loop3A_769, %parallel_loop3A_808 : vector<16xf32>
        %parallel_loop3A_811 = arith.addf %parallel_loop3A_770, %parallel_loop3A_809 : vector<16xf32>
        %parallel_loop3A_812 = arith.constant 37650 : i32
        %parallel_loop3A_813 = vector.broadcast %parallel_loop3A_812 : i32 to vector<16xi32>
        %parallel_loop3A_814 = arith.addi %parallel_loop3A_784, %parallel_loop3A_813 : vector<16xi32>
        %parallel_loop3A_815 = tpu.vector_load_idx %arg5[%parallel_loop3A_814] : memref<50200xi32, #tpu.memory_space<vmem>>[vector<16xi32>], vector<16xi32>,
        %parallel_loop3A_816 = vector.bitcast %parallel_loop3A_815 : vector<16xi32> to vector<32xbf16>
        %parallel_loop3A_817 = tpu.unpack_subelements %parallel_loop3A_816, 0 {pack_format = #tpu.pack_format<interleaved>} : vector<32xbf16> -> vector<16xf32>
        %parallel_loop3A_818 = tpu.unpack_subelements %parallel_loop3A_816, 1 {pack_format = #tpu.pack_format<interleaved>} : vector<32xbf16> -> vector<16xf32>
        %parallel_loop3A_819 = arith.addf %parallel_loop3A_778, %parallel_loop3A_817 : vector<16xf32>
        %parallel_loop3A_820 = arith.addf %parallel_loop3A_779, %parallel_loop3A_818 : vector<16xf32>
        scf.yield %parallel_loop3A_792, %parallel_loop3A_793, %parallel_loop3A_801, %parallel_loop3A_802, %parallel_loop3A_810, %parallel_loop3A_811, %parallel_loop3A_819, %parallel_loop3A_820 : vector<16xf32>, vector<16xf32>, vector<16xf32>, vector<16xf32>, vector<16xf32>, vector<16xf32>, vector<16xf32>, vector<16xf32>
      } {sc.loop_unroll_factor = 1 : i64, sc.parallel_access}
      %swap3A_609 = arith.constant 0 : i32
      %swap3A_610 = arith.index_cast %swap3A_609 : i32 to index
      %swap3A_611 = arith.constant 96 : index
      %swap3A_612 = tpu.vector_load %arg9[%swap3A_610, %swap3A_611] {strides = array<i32>} : memref<8x128xf32, #tpu.memory_space<vmem>>, vector<16xf32>,
      tpu.vector_store %arg9[%swap3A_610, %swap3A_611], %parallel_loop3A_608#0 {strides = array<i32>} : memref<8x128xf32, #tpu.memory_space<vmem>>, vector<16xf32>,
      %swap3A_613 = arith.constant 1 : i32
      %swap3A_614 = arith.index_cast %swap3A_613 : i32 to index
      %swap3A_615 = arith.constant 96 : index
      %swap3A_616 = tpu.vector_load %arg9[%swap3A_614, %swap3A_615] {strides = array<i32>} : memref<8x128xf32, #tpu.memory_space<vmem>>, vector<16xf32>,
      tpu.vector_store %arg9[%swap3A_614, %swap3A_615], %parallel_loop3A_608#1 {strides = array<i32>} : memref<8x128xf32, #tpu.memory_space<vmem>>, vector<16xf32>,
      %swap3A_617 = arith.constant 2 : i32
      %swap3A_618 = arith.index_cast %swap3A_617 : i32 to index
      %swap3A_619 = arith.constant 96 : index
      %swap3A_620 = tpu.vector_load %arg9[%swap3A_618, %swap3A_619] {strides = array<i32>} : memref<8x128xf32, #tpu.memory_space<vmem>>, vector<16xf32>,
      tpu.vector_store %arg9[%swap3A_618, %swap3A_619], %parallel_loop3A_608#2 {strides = array<i32>} : memref<8x128xf32, #tpu.memory_space<vmem>>, vector<16xf32>,
      %swap3A_621 = arith.constant 3 : i32
      %swap3A_622 = arith.index_cast %swap3A_621 : i32 to index
      %swap3A_623 = arith.constant 96 : index
      %swap3A_624 = tpu.vector_load %arg9[%swap3A_622, %swap3A_623] {strides = array<i32>} : memref<8x128xf32, #tpu.memory_space<vmem>>, vector<16xf32>,
      tpu.vector_store %arg9[%swap3A_622, %swap3A_623], %parallel_loop3A_608#3 {strides = array<i32>} : memref<8x128xf32, #tpu.memory_space<vmem>>, vector<16xf32>,
      %swap3A_625 = arith.constant 4 : i32
      %swap3A_626 = arith.index_cast %swap3A_625 : i32 to index
      %swap3A_627 = arith.constant 96 : index
      %swap3A_628 = tpu.vector_load %arg9[%swap3A_626, %swap3A_627] {strides = array<i32>} : memref<8x128xf32, #tpu.memory_space<vmem>>, vector<16xf32>,
      tpu.vector_store %arg9[%swap3A_626, %swap3A_627], %parallel_loop3A_608#4 {strides = array<i32>} : memref<8x128xf32, #tpu.memory_space<vmem>>, vector<16xf32>,
      %swap3A_629 = arith.constant 5 : i32
      %swap3A_630 = arith.index_cast %swap3A_629 : i32 to index
      %swap3A_631 = arith.constant 96 : index
      %swap3A_632 = tpu.vector_load %arg9[%swap3A_630, %swap3A_631] {strides = array<i32>} : memref<8x128xf32, #tpu.memory_space<vmem>>, vector<16xf32>,
      tpu.vector_store %arg9[%swap3A_630, %swap3A_631], %parallel_loop3A_608#5 {strides = array<i32>} : memref<8x128xf32, #tpu.memory_space<vmem>>, vector<16xf32>,
      %swap3A_633 = arith.constant 6 : i32
      %swap3A_634 = arith.index_cast %swap3A_633 : i32 to index
      %swap3A_635 = arith.constant 96 : index
      %swap3A_636 = tpu.vector_load %arg9[%swap3A_634, %swap3A_635] {strides = array<i32>} : memref<8x128xf32, #tpu.memory_space<vmem>>, vector<16xf32>,
      tpu.vector_store %arg9[%swap3A_634, %swap3A_635], %parallel_loop3A_608#6 {strides = array<i32>} : memref<8x128xf32, #tpu.memory_space<vmem>>, vector<16xf32>,
      %swap3A_637 = arith.constant 7 : i32
      %swap3A_638 = arith.index_cast %swap3A_637 : i32 to index
      %swap3A_639 = arith.constant 96 : index
      %swap3A_640 = tpu.vector_load %arg9[%swap3A_638, %swap3A_639] {strides = array<i32>} : memref<8x128xf32, #tpu.memory_space<vmem>>, vector<16xf32>,
      tpu.vector_store %arg9[%swap3A_638, %swap3A_639], %parallel_loop3A_608#7 {strides = array<i32>} : memref<8x128xf32, #tpu.memory_space<vmem>>, vector<16xf32>,
      %broadcast_in_dim3A_641 = arith.constant 0.000000e+00 : f32
      %broadcast_in_dim3A_642 = vector.broadcast %broadcast_in_dim3A_641 : f32 to vector<16xf32>
      %parallel_loop3A_643 = arith.constant 0 : i32
      %parallel_loop3A_644 = arith.constant 50 : i32
      %parallel_loop3A_645 = arith.constant 1 : i32
      %parallel_loop3A_646:8 = scf.for %parallel_loop3A_687 = %parallel_loop3A_643 to %parallel_loop3A_644 step %parallel_loop3A_645 iter_args(%parallel_loop3A_688 = %broadcast_in_dim3A_642, %parallel_loop3A_689 = %broadcast_in_dim3A_642, %parallel_loop3A_690 = %broadcast_in_dim3A_642, %parallel_loop3A_691 = %broadcast_in_dim3A_642, %parallel_loop3A_692 = %broadcast_in_dim3A_642, %parallel_loop3A_693 = %broadcast_in_dim3A_642, %parallel_loop3A_694 = %broadcast_in_dim3A_642, %parallel_loop3A_695 = %broadcast_in_dim3A_642) -> (vector<16xf32>, vector<16xf32>, vector<16xf32>, vector<16xf32>, vector<16xf32>, vector<16xf32>, vector<16xf32>, vector<16xf32>)  : i32 {
        %parallel_loop3A_696 = arith.constant 3 : i32
        %parallel_loop3A_697 = arith.muli %parallel_loop3A_687, %parallel_loop3A_696 : i32
        %parallel_loop3A_698 = arith.constant 0 : i32
        %parallel_loop3A_699 = arith.addi %parallel_loop3A_697, %parallel_loop3A_698 : i32
        %parallel_loop3A_700 = arith.index_cast %parallel_loop3A_699 : i32 to index
        %parallel_loop3A_701 = arith.constant 112 : index
        %parallel_loop3A_702 = tpu.vector_load %arg7[%parallel_loop3A_700, %parallel_loop3A_701] {strides = array<i32>} : memref<150x128xi32, #tpu.memory_space<vmem>>, vector<16xi32>,
        %parallel_loop3A_703 = arith.constant 0 : i32
        %parallel_loop3A_704 = vector.broadcast %parallel_loop3A_703 : i32 to vector<16xi32>
        %parallel_loop3A_705 = arith.addi %parallel_loop3A_702, %parallel_loop3A_704 : vector<16xi32>
        %parallel_loop3A_706 = tpu.vector_load_idx %arg5[%parallel_loop3A_705] : memref<50200xi32, #tpu.memory_space<vmem>>[vector<16xi32>], vector<16xi32>,
        %parallel_loop3A_707 = vector.bitcast %parallel_loop3A_706 : vector<16xi32> to vector<32xbf16>
        %parallel_loop3A_708 = tpu.unpack_subelements %parallel_loop3A_707, 0 {pack_format = #tpu.pack_format<interleaved>} : vector<32xbf16> -> vector<16xf32>
        %parallel_loop3A_709 = tpu.unpack_subelements %parallel_loop3A_707, 1 {pack_format = #tpu.pack_format<interleaved>} : vector<32xbf16> -> vector<16xf32>
        %parallel_loop3A_710 = arith.addf %parallel_loop3A_688, %parallel_loop3A_708 : vector<16xf32>
        %parallel_loop3A_711 = arith.addf %parallel_loop3A_689, %parallel_loop3A_709 : vector<16xf32>
        %parallel_loop3A_712 = arith.constant 12550 : i32
        %parallel_loop3A_713 = vector.broadcast %parallel_loop3A_712 : i32 to vector<16xi32>
        %parallel_loop3A_714 = arith.addi %parallel_loop3A_702, %parallel_loop3A_713 : vector<16xi32>
        %parallel_loop3A_715 = tpu.vector_load_idx %arg5[%parallel_loop3A_714] : memref<50200xi32, #tpu.memory_space<vmem>>[vector<16xi32>], vector<16xi32>,
        %parallel_loop3A_716 = vector.bitcast %parallel_loop3A_715 : vector<16xi32> to vector<32xbf16>
        %parallel_loop3A_717 = tpu.unpack_subelements %parallel_loop3A_716, 0 {pack_format = #tpu.pack_format<interleaved>} : vector<32xbf16> -> vector<16xf32>
        %parallel_loop3A_718 = tpu.unpack_subelements %parallel_loop3A_716, 1 {pack_format = #tpu.pack_format<interleaved>} : vector<32xbf16> -> vector<16xf32>
        %parallel_loop3A_719 = arith.addf %parallel_loop3A_690, %parallel_loop3A_717 : vector<16xf32>
        %parallel_loop3A_720 = arith.addf %parallel_loop3A_691, %parallel_loop3A_718 : vector<16xf32>
        %parallel_loop3A_721 = arith.constant 25100 : i32
        %parallel_loop3A_722 = vector.broadcast %parallel_loop3A_721 : i32 to vector<16xi32>
        %parallel_loop3A_723 = arith.addi %parallel_loop3A_702, %parallel_loop3A_722 : vector<16xi32>
        %parallel_loop3A_724 = tpu.vector_load_idx %arg5[%parallel_loop3A_723] : memref<50200xi32, #tpu.memory_space<vmem>>[vector<16xi32>], vector<16xi32>,
        %parallel_loop3A_725 = vector.bitcast %parallel_loop3A_724 : vector<16xi32> to vector<32xbf16>
        %parallel_loop3A_726 = tpu.unpack_subelements %parallel_loop3A_725, 0 {pack_format = #tpu.pack_format<interleaved>} : vector<32xbf16> -> vector<16xf32>
        %parallel_loop3A_727 = tpu.unpack_subelements %parallel_loop3A_725, 1 {pack_format = #tpu.pack_format<interleaved>} : vector<32xbf16> -> vector<16xf32>
        %parallel_loop3A_728 = arith.addf %parallel_loop3A_692, %parallel_loop3A_726 : vector<16xf32>
        %parallel_loop3A_729 = arith.addf %parallel_loop3A_693, %parallel_loop3A_727 : vector<16xf32>
        %parallel_loop3A_730 = arith.constant 37650 : i32
        %parallel_loop3A_731 = vector.broadcast %parallel_loop3A_730 : i32 to vector<16xi32>
        %parallel_loop3A_732 = arith.addi %parallel_loop3A_702, %parallel_loop3A_731 : vector<16xi32>
        %parallel_loop3A_733 = tpu.vector_load_idx %arg5[%parallel_loop3A_732] : memref<50200xi32, #tpu.memory_space<vmem>>[vector<16xi32>], vector<16xi32>,
        %parallel_loop3A_734 = vector.bitcast %parallel_loop3A_733 : vector<16xi32> to vector<32xbf16>
        %parallel_loop3A_735 = tpu.unpack_subelements %parallel_loop3A_734, 0 {pack_format = #tpu.pack_format<interleaved>} : vector<32xbf16> -> vector<16xf32>
        %parallel_loop3A_736 = tpu.unpack_subelements %parallel_loop3A_734, 1 {pack_format = #tpu.pack_format<interleaved>} : vector<32xbf16> -> vector<16xf32>
        %parallel_loop3A_737 = arith.addf %parallel_loop3A_694, %parallel_loop3A_735 : vector<16xf32>
        %parallel_loop3A_738 = arith.addf %parallel_loop3A_695, %parallel_loop3A_736 : vector<16xf32>
        %parallel_loop3A_739 = arith.constant 1 : i32
        %parallel_loop3A_740 = arith.addi %parallel_loop3A_697, %parallel_loop3A_739 : i32
        %parallel_loop3A_741 = arith.index_cast %parallel_loop3A_740 : i32 to index
        %parallel_loop3A_742 = arith.constant 112 : index
        %parallel_loop3A_743 = tpu.vector_load %arg7[%parallel_loop3A_741, %parallel_loop3A_742] {strides = array<i32>} : memref<150x128xi32, #tpu.memory_space<vmem>>, vector<16xi32>,
        %parallel_loop3A_744 = arith.constant 0 : i32
        %parallel_loop3A_745 = vector.broadcast %parallel_loop3A_744 : i32 to vector<16xi32>
        %parallel_loop3A_746 = arith.addi %parallel_loop3A_743, %parallel_loop3A_745 : vector<16xi32>
        %parallel_loop3A_747 = tpu.vector_load_idx %arg5[%parallel_loop3A_746] : memref<50200xi32, #tpu.memory_space<vmem>>[vector<16xi32>], vector<16xi32>,
        %parallel_loop3A_748 = vector.bitcast %parallel_loop3A_747 : vector<16xi32> to vector<32xbf16>
        %parallel_loop3A_749 = tpu.unpack_subelements %parallel_loop3A_748, 0 {pack_format = #tpu.pack_format<interleaved>} : vector<32xbf16> -> vector<16xf32>
        %parallel_loop3A_750 = tpu.unpack_subelements %parallel_loop3A_748, 1 {pack_format = #tpu.pack_format<interleaved>} : vector<32xbf16> -> vector<16xf32>
        %parallel_loop3A_751 = arith.addf %parallel_loop3A_710, %parallel_loop3A_749 : vector<16xf32>
        %parallel_loop3A_752 = arith.addf %parallel_loop3A_711, %parallel_loop3A_750 : vector<16xf32>
        %parallel_loop3A_753 = arith.constant 12550 : i32
        %parallel_loop3A_754 = vector.broadcast %parallel_loop3A_753 : i32 to vector<16xi32>
        %parallel_loop3A_755 = arith.addi %parallel_loop3A_743, %parallel_loop3A_754 : vector<16xi32>
        %parallel_loop3A_756 = tpu.vector_load_idx %arg5[%parallel_loop3A_755] : memref<50200xi32, #tpu.memory_space<vmem>>[vector<16xi32>], vector<16xi32>,
        %parallel_loop3A_757 = vector.bitcast %parallel_loop3A_756 : vector<16xi32> to vector<32xbf16>
        %parallel_loop3A_758 = tpu.unpack_subelements %parallel_loop3A_757, 0 {pack_format = #tpu.pack_format<interleaved>} : vector<32xbf16> -> vector<16xf32>
        %parallel_loop3A_759 = tpu.unpack_subelements %parallel_loop3A_757, 1 {pack_format = #tpu.pack_format<interleaved>} : vector<32xbf16> -> vector<16xf32>
        %parallel_loop3A_760 = arith.addf %parallel_loop3A_719, %parallel_loop3A_758 : vector<16xf32>
        %parallel_loop3A_761 = arith.addf %parallel_loop3A_720, %parallel_loop3A_759 : vector<16xf32>
        %parallel_loop3A_762 = arith.constant 25100 : i32
        %parallel_loop3A_763 = vector.broadcast %parallel_loop3A_762 : i32 to vector<16xi32>
        %parallel_loop3A_764 = arith.addi %parallel_loop3A_743, %parallel_loop3A_763 : vector<16xi32>
        %parallel_loop3A_765 = tpu.vector_load_idx %arg5[%parallel_loop3A_764] : memref<50200xi32, #tpu.memory_space<vmem>>[vector<16xi32>], vector<16xi32>,
        %parallel_loop3A_766 = vector.bitcast %parallel_loop3A_765 : vector<16xi32> to vector<32xbf16>
        %parallel_loop3A_767 = tpu.unpack_subelements %parallel_loop3A_766, 0 {pack_format = #tpu.pack_format<interleaved>} : vector<32xbf16> -> vector<16xf32>
        %parallel_loop3A_768 = tpu.unpack_subelements %parallel_loop3A_766, 1 {pack_format = #tpu.pack_format<interleaved>} : vector<32xbf16> -> vector<16xf32>
        %parallel_loop3A_769 = arith.addf %parallel_loop3A_728, %parallel_loop3A_767 : vector<16xf32>
        %parallel_loop3A_770 = arith.addf %parallel_loop3A_729, %parallel_loop3A_768 : vector<16xf32>
        %parallel_loop3A_771 = arith.constant 37650 : i32
        %parallel_loop3A_772 = vector.broadcast %parallel_loop3A_771 : i32 to vector<16xi32>
        %parallel_loop3A_773 = arith.addi %parallel_loop3A_743, %parallel_loop3A_772 : vector<16xi32>
        %parallel_loop3A_774 = tpu.vector_load_idx %arg5[%parallel_loop3A_773] : memref<50200xi32, #tpu.memory_space<vmem>>[vector<16xi32>], vector<16xi32>,
        %parallel_loop3A_775 = vector.bitcast %parallel_loop3A_774 : vector<16xi32> to vector<32xbf16>
        %parallel_loop3A_776 = tpu.unpack_subelements %parallel_loop3A_775, 0 {pack_format = #tpu.pack_format<interleaved>} : vector<32xbf16> -> vector<16xf32>
        %parallel_loop3A_777 = tpu.unpack_subelements %parallel_loop3A_775, 1 {pack_format = #tpu.pack_format<interleaved>} : vector<32xbf16> -> vector<16xf32>
        %parallel_loop3A_778 = arith.addf %parallel_loop3A_737, %parallel_loop3A_776 : vector<16xf32>
        %parallel_loop3A_779 = arith.addf %parallel_loop3A_738, %parallel_loop3A_777 : vector<16xf32>
        %parallel_loop3A_780 = arith.constant 2 : i32
        %parallel_loop3A_781 = arith.addi %parallel_loop3A_697, %parallel_loop3A_780 : i32
        %parallel_loop3A_782 = arith.index_cast %parallel_loop3A_781 : i32 to index
        %parallel_loop3A_783 = arith.constant 112 : index
        %parallel_loop3A_784 = tpu.vector_load %arg7[%parallel_loop3A_782, %parallel_loop3A_783] {strides = array<i32>} : memref<150x128xi32, #tpu.memory_space<vmem>>, vector<16xi32>,
        %parallel_loop3A_785 = arith.constant 0 : i32
        %parallel_loop3A_786 = vector.broadcast %parallel_loop3A_785 : i32 to vector<16xi32>
        %parallel_loop3A_787 = arith.addi %parallel_loop3A_784, %parallel_loop3A_786 : vector<16xi32>
        %parallel_loop3A_788 = tpu.vector_load_idx %arg5[%parallel_loop3A_787] : memref<50200xi32, #tpu.memory_space<vmem>>[vector<16xi32>], vector<16xi32>,
        %parallel_loop3A_789 = vector.bitcast %parallel_loop3A_788 : vector<16xi32> to vector<32xbf16>
        %parallel_loop3A_790 = tpu.unpack_subelements %parallel_loop3A_789, 0 {pack_format = #tpu.pack_format<interleaved>} : vector<32xbf16> -> vector<16xf32>
        %parallel_loop3A_791 = tpu.unpack_subelements %parallel_loop3A_789, 1 {pack_format = #tpu.pack_format<interleaved>} : vector<32xbf16> -> vector<16xf32>
        %parallel_loop3A_792 = arith.addf %parallel_loop3A_751, %parallel_loop3A_790 : vector<16xf32>
        %parallel_loop3A_793 = arith.addf %parallel_loop3A_752, %parallel_loop3A_791 : vector<16xf32>
        %parallel_loop3A_794 = arith.constant 12550 : i32
        %parallel_loop3A_795 = vector.broadcast %parallel_loop3A_794 : i32 to vector<16xi32>
        %parallel_loop3A_796 = arith.addi %parallel_loop3A_784, %parallel_loop3A_795 : vector<16xi32>
        %parallel_loop3A_797 = tpu.vector_load_idx %arg5[%parallel_loop3A_796] : memref<50200xi32, #tpu.memory_space<vmem>>[vector<16xi32>], vector<16xi32>,
        %parallel_loop3A_798 = vector.bitcast %parallel_loop3A_797 : vector<16xi32> to vector<32xbf16>
        %parallel_loop3A_799 = tpu.unpack_subelements %parallel_loop3A_798, 0 {pack_format = #tpu.pack_format<interleaved>} : vector<32xbf16> -> vector<16xf32>
        %parallel_loop3A_800 = tpu.unpack_subelements %parallel_loop3A_798, 1 {pack_format = #tpu.pack_format<interleaved>} : vector<32xbf16> -> vector<16xf32>
        %parallel_loop3A_801 = arith.addf %parallel_loop3A_760, %parallel_loop3A_799 : vector<16xf32>
        %parallel_loop3A_802 = arith.addf %parallel_loop3A_761, %parallel_loop3A_800 : vector<16xf32>
        %parallel_loop3A_803 = arith.constant 25100 : i32
        %parallel_loop3A_804 = vector.broadcast %parallel_loop3A_803 : i32 to vector<16xi32>
        %parallel_loop3A_805 = arith.addi %parallel_loop3A_784, %parallel_loop3A_804 : vector<16xi32>
        %parallel_loop3A_806 = tpu.vector_load_idx %arg5[%parallel_loop3A_805] : memref<50200xi32, #tpu.memory_space<vmem>>[vector<16xi32>], vector<16xi32>,
        %parallel_loop3A_807 = vector.bitcast %parallel_loop3A_806 : vector<16xi32> to vector<32xbf16>
        %parallel_loop3A_808 = tpu.unpack_subelements %parallel_loop3A_807, 0 {pack_format = #tpu.pack_format<interleaved>} : vector<32xbf16> -> vector<16xf32>
        %parallel_loop3A_809 = tpu.unpack_subelements %parallel_loop3A_807, 1 {pack_format = #tpu.pack_format<interleaved>} : vector<32xbf16> -> vector<16xf32>
        %parallel_loop3A_810 = arith.addf %parallel_loop3A_769, %parallel_loop3A_808 : vector<16xf32>
        %parallel_loop3A_811 = arith.addf %parallel_loop3A_770, %parallel_loop3A_809 : vector<16xf32>
        %parallel_loop3A_812 = arith.constant 37650 : i32
        %parallel_loop3A_813 = vector.broadcast %parallel_loop3A_812 : i32 to vector<16xi32>
        %parallel_loop3A_814 = arith.addi %parallel_loop3A_784, %parallel_loop3A_813 : vector<16xi32>
        %parallel_loop3A_815 = tpu.vector_load_idx %arg5[%parallel_loop3A_814] : memref<50200xi32, #tpu.memory_space<vmem>>[vector<16xi32>], vector<16xi32>,
        %parallel_loop3A_816 = vector.bitcast %parallel_loop3A_815 : vector<16xi32> to vector<32xbf16>
        %parallel_loop3A_817 = tpu.unpack_subelements %parallel_loop3A_816, 0 {pack_format = #tpu.pack_format<interleaved>} : vector<32xbf16> -> vector<16xf32>
        %parallel_loop3A_818 = tpu.unpack_subelements %parallel_loop3A_816, 1 {pack_format = #tpu.pack_format<interleaved>} : vector<32xbf16> -> vector<16xf32>
        %parallel_loop3A_819 = arith.addf %parallel_loop3A_778, %parallel_loop3A_817 : vector<16xf32>
        %parallel_loop3A_820 = arith.addf %parallel_loop3A_779, %parallel_loop3A_818 : vector<16xf32>
        scf.yield %parallel_loop3A_792, %parallel_loop3A_793, %parallel_loop3A_801, %parallel_loop3A_802, %parallel_loop3A_810, %parallel_loop3A_811, %parallel_loop3A_819, %parallel_loop3A_820 : vector<16xf32>, vector<16xf32>, vector<16xf32>, vector<16xf32>, vector<16xf32>, vector<16xf32>, vector<16xf32>, vector<16xf32>
      } {sc.loop_unroll_factor = 1 : i64, sc.parallel_access}
      %swap3A_647 = arith.constant 0 : i32
      %swap3A_648 = arith.index_cast %swap3A_647 : i32 to index
      %swap3A_649 = arith.constant 112 : index
      %swap3A_650 = tpu.vector_load %arg9[%swap3A_648, %swap3A_649] {strides = array<i32>} : memref<8x128xf32, #tpu.memory_space<vmem>>, vector<16xf32>,
      tpu.vector_store %arg9[%swap3A_648, %swap3A_649], %parallel_loop3A_646#0 {strides = array<i32>} : memref<8x128xf32, #tpu.memory_space<vmem>>, vector<16xf32>,
      %swap3A_651 = arith.constant 1 : i32
      %swap3A_652 = arith.index_cast %swap3A_651 : i32 to index
      %swap3A_653 = arith.constant 112 : index
      %swap3A_654 = tpu.vector_load %arg9[%swap3A_652, %swap3A_653] {strides = array<i32>} : memref<8x128xf32, #tpu.memory_space<vmem>>, vector<16xf32>,
      tpu.vector_store %arg9[%swap3A_652, %swap3A_653], %parallel_loop3A_646#1 {strides = array<i32>} : memref<8x128xf32, #tpu.memory_space<vmem>>, vector<16xf32>,
      %swap3A_655 = arith.constant 2 : i32
      %swap3A_656 = arith.index_cast %swap3A_655 : i32 to index
      %swap3A_657 = arith.constant 112 : index
      %swap3A_658 = tpu.vector_load %arg9[%swap3A_656, %swap3A_657] {strides = array<i32>} : memref<8x128xf32, #tpu.memory_space<vmem>>, vector<16xf32>,
      tpu.vector_store %arg9[%swap3A_656, %swap3A_657], %parallel_loop3A_646#2 {strides = array<i32>} : memref<8x128xf32, #tpu.memory_space<vmem>>, vector<16xf32>,
      %swap3A_659 = arith.constant 3 : i32
      %swap3A_660 = arith.index_cast %swap3A_659 : i32 to index
      %swap3A_661 = arith.constant 112 : index
      %swap3A_662 = tpu.vector_load %arg9[%swap3A_660, %swap3A_661] {strides = array<i32>} : memref<8x128xf32, #tpu.memory_space<vmem>>, vector<16xf32>,
      tpu.vector_store %arg9[%swap3A_660, %swap3A_661], %parallel_loop3A_646#3 {strides = array<i32>} : memref<8x128xf32, #tpu.memory_space<vmem>>, vector<16xf32>,
      %swap3A_663 = arith.constant 4 : i32
      %swap3A_664 = arith.index_cast %swap3A_663 : i32 to index
      %swap3A_665 = arith.constant 112 : index
      %swap3A_666 = tpu.vector_load %arg9[%swap3A_664, %swap3A_665] {strides = array<i32>} : memref<8x128xf32, #tpu.memory_space<vmem>>, vector<16xf32>,
      tpu.vector_store %arg9[%swap3A_664, %swap3A_665], %parallel_loop3A_646#4 {strides = array<i32>} : memref<8x128xf32, #tpu.memory_space<vmem>>, vector<16xf32>,
      %swap3A_667 = arith.constant 5 : i32
      %swap3A_668 = arith.index_cast %swap3A_667 : i32 to index
      %swap3A_669 = arith.constant 112 : index
      %swap3A_670 = tpu.vector_load %arg9[%swap3A_668, %swap3A_669] {strides = array<i32>} : memref<8x128xf32, #tpu.memory_space<vmem>>, vector<16xf32>,
      tpu.vector_store %arg9[%swap3A_668, %swap3A_669], %parallel_loop3A_646#5 {strides = array<i32>} : memref<8x128xf32, #tpu.memory_space<vmem>>, vector<16xf32>,
      %swap3A_671 = arith.constant 6 : i32
      %swap3A_672 = arith.index_cast %swap3A_671 : i32 to index
      %swap3A_673 = arith.constant 112 : index
      %swap3A_674 = tpu.vector_load %arg9[%swap3A_672, %swap3A_673] {strides = array<i32>} : memref<8x128xf32, #tpu.memory_space<vmem>>, vector<16xf32>,
      tpu.vector_store %arg9[%swap3A_672, %swap3A_673], %parallel_loop3A_646#6 {strides = array<i32>} : memref<8x128xf32, #tpu.memory_space<vmem>>, vector<16xf32>,
      %swap3A_675 = arith.constant 7 : i32
      %swap3A_676 = arith.index_cast %swap3A_675 : i32 to index
      %swap3A_677 = arith.constant 112 : index
      %swap3A_678 = tpu.vector_load %arg9[%swap3A_676, %swap3A_677] {strides = array<i32>} : memref<8x128xf32, #tpu.memory_space<vmem>>, vector<16xf32>,
      tpu.vector_store %arg9[%swap3A_676, %swap3A_677], %parallel_loop3A_646#7 {strides = array<i32>} : memref<8x128xf32, #tpu.memory_space<vmem>>, vector<16xf32>,
      %mul3A_679 = arith.constant 128 : i32
      %mul3A_680 = arith.muli %add3A_374, %mul3A_679 : i32
      %dma_start3A_681 = arith.constant 0 : i32
      %dma_start3A_682 = tpu.memref_slice %arg4[%add3A, %dma_start3A_681, %mul3A_680] : memref<32x8x16384xf32, #tpu.memory_space<hbm>> -> memref<1x8x128xf32, #tpu.memory_space<hbm>>
      %dma_start3A_683 = tpu.memref_squeeze %dma_start3A_682 : memref<1x8x128xf32, #tpu.memory_space<hbm>> -> memref<8x128xf32, #tpu.memory_space<hbm>>
      %dma_start3A_684 = arith.constant 0 : i32
      %dma_start3A_685 = tpu.memref_slice %arg4[%add3A, %dma_start3A_684, %mul3A_680] : memref<32x8x16384xf32, #tpu.memory_space<hbm>> -> memref<1x8x128xf32, #tpu.memory_space<hbm>>
      %dma_start3A_686 = tpu.memref_squeeze %dma_start3A_685 : memref<1x8x128xf32, #tpu.memory_space<hbm>> -> memref<8x128xf32, #tpu.memory_space<hbm>>
      tpu.enqueue_dma source(%arg9 : memref<8x128xf32, #tpu.memory_space<vmem>>) target(%dma_start3A_686 : memref<8x128xf32, #tpu.memory_space<hbm>>) target_semaphore(%arg13 : memref<!tpu.dma_semaphore, #tpu.memory_space<semaphore_mem>>)
    }
    %scan3A_12 = arith.constant 64 : i32
    %dma_wait3A = arith.constant 0 : i32
    %dma_wait3A_13 = arith.constant 0 : i32
    %dma_wait3A_14 = arith.constant 0 : i32
    %dma_wait3A_15 = tpu.memref_slice %arg4[%dma_wait3A, %dma_wait3A_13, %dma_wait3A_14] : memref<32x8x16384xf32, #tpu.memory_space<hbm>> -> memref<1x8x128xf32, #tpu.memory_space<hbm>>
    %dma_wait3A_16 = tpu.memref_squeeze %dma_wait3A_15 : memref<1x8x128xf32, #tpu.memory_space<hbm>> -> memref<8x128xf32, #tpu.memory_space<hbm>>
    %dma_wait3A_17 = arith.constant 0 : i32
    %dma_wait3A_18 = arith.constant 0 : i32
    %dma_wait3A_19 = tpu.memref_slice %arg4[%dma_wait3A, %dma_wait3A_17, %dma_wait3A_18] : memref<32x8x16384xf32, #tpu.memory_space<hbm>> -> memref<1x8x128xf32, #tpu.memory_space<hbm>>
    %dma_wait3A_20 = tpu.memref_squeeze %dma_wait3A_19 : memref<1x8x128xf32, #tpu.memory_space<hbm>> -> memref<8x128xf32, #tpu.memory_space<hbm>>
    tpu.wait_dma2 semaphore(%arg12 : memref<!tpu.dma_semaphore, #tpu.memory_space<semaphore_mem>>) src(%arg8 : memref<8x128xf32, #tpu.memory_space<vmem>>) dst(%dma_wait3A_20 : memref<8x128xf32, #tpu.memory_space<hbm>>)
    %dma_wait3A_21 = arith.constant 0 : i32
    %dma_wait3A_22 = arith.constant 0 : i32
    %dma_wait3A_23 = arith.constant 0 : i32
    %dma_wait3A_24 = tpu.memref_slice %arg4[%dma_wait3A_21, %dma_wait3A_22, %dma_wait3A_23] : memref<32x8x16384xf32, #tpu.memory_space<hbm>> -> memref<1x8x128xf32, #tpu.memory_space<hbm>>
    %dma_wait3A_25 = tpu.memref_squeeze %dma_wait3A_24 : memref<1x8x128xf32, #tpu.memory_space<hbm>> -> memref<8x128xf32, #tpu.memory_space<hbm>>
    %dma_wait3A_26 = arith.constant 0 : i32
    %dma_wait3A_27 = arith.constant 0 : i32
    %dma_wait3A_28 = tpu.memref_slice %arg4[%dma_wait3A_21, %dma_wait3A_26, %dma_wait3A_27] : memref<32x8x16384xf32, #tpu.memory_space<hbm>> -> memref<1x8x128xf32, #tpu.memory_space<hbm>>
    %dma_wait3A_29 = tpu.memref_squeeze %dma_wait3A_28 : memref<1x8x128xf32, #tpu.memory_space<hbm>> -> memref<8x128xf32, #tpu.memory_space<hbm>>
    tpu.wait_dma2 semaphore(%arg13 : memref<!tpu.dma_semaphore, #tpu.memory_space<semaphore_mem>>) src(%arg9 : memref<8x128xf32, #tpu.memory_space<vmem>>) dst(%dma_wait3A_29 : memref<8x128xf32, #tpu.memory_space<hbm>>)
    return
  }
}

module attributes {stable_mosaic.version = 14 : i64} {
  func.func @_tables_body(%arg0: i32, %arg1: memref<1x256x256xf32, #tpu.memory_space<vmem>>, %arg2: memref<101x96xf32, #tpu.memory_space<vmem>>, %arg3: memref<101x96xf32, #tpu.memory_space<vmem>>, %arg4: memref<49x64xf32, #tpu.memory_space<vmem>>, %arg5: memref<1x251x256xbf16, #tpu.memory_space<vmem>>) attributes {dimension_semantics = [#tpu.dimension_semantics<arbitrary>], iteration_bounds = array<i64: 50>, scalar_prefetch = 0 : i64, scratch_operands = 0 : i64, tpu.core_type = #tpu.core_type<tc>, window_params = [{transform_indices = @transform_0, window_bounds = array<i64: 1, 256, 256>}, {pipeline_mode = #tpu.pipeline_mode<synchronous>, transform_indices = @transform_1, window_bounds = array<i64: 101, 96>}, {pipeline_mode = #tpu.pipeline_mode<synchronous>, transform_indices = @transform_2, window_bounds = array<i64: 101, 96>}, {pipeline_mode = #tpu.pipeline_mode<synchronous>, transform_indices = @transform_3, window_bounds = array<i64: 49, 64>}, {transform_indices = @transform_4, window_bounds = array<i64: 1, 251, 256>}]} {
    %get3A = arith.constant 0 : index
    %get3A_0 = arith.constant 0 : index
    %get3A_1 = arith.constant 0 : index
    %get3A_2 = vector.load %arg1[%get3A, %get3A_0, %get3A_1] : memref<1x256x256xf32, #tpu.memory_space<vmem>>, vector<1x256x256xf32>
    %get3A_3 = vector.shape_cast %get3A_2 : vector<1x256x256xf32> to vector<256x256xf32>
    %get3A_4 = arith.constant 0 : index
    %get3A_5 = arith.constant 0 : index
    %get3A_6 = vector.load %arg2[%get3A_4, %get3A_5] : memref<101x96xf32, #tpu.memory_space<vmem>>, vector<101x96xf32>
    %slice3A = vector.extract_strided_slice %get3A_3 {offsets = [0, 0], sizes = [256, 96], strides = [1, 1]} : vector<256x256xf32> to vector<256x96xf32>
    %dot_general3A = arith.constant dense<0.000000e+00> : vector<101x256xf32>
    %dot_general3A_7 = tpu.matmul %get3A_6, %slice3A, %dot_general3A {dimension_numbers = #tpu.dot_dimension_numbers<[1], [1], [0], [0], [0, 0, 1, 0], [], []>, transpose_lhs_hint = false} : vector<101x96xf32>, vector<256x96xf32>, vector<101x256xf32> -> vector<101x256xf32>
    %convert_element_type3A = arith.truncf %dot_general3A_7 : vector<101x256xf32> to vector<101x256xbf16>
    %swap3A = arith.constant 0 : index
    %swap3A_8 = arith.constant 0 : index
    %swap3A_9 = arith.constant 0 : index
    %swap3A_10 = vector.load %arg5[%swap3A, %swap3A_8, %swap3A_9] : memref<1x251x256xbf16, #tpu.memory_space<vmem>>, vector<1x101x256xbf16>
    %swap3A_11 = vector.shape_cast %swap3A_10 : vector<1x101x256xbf16> to vector<101x256xbf16>
    %swap3A_12 = vector.shape_cast %convert_element_type3A : vector<101x256xbf16> to vector<1x101x256xbf16>
    tpu.vector_store %arg5[%swap3A, %swap3A_8, %swap3A_9], %swap3A_12 {strides = array<i32>} : memref<1x251x256xbf16, #tpu.memory_space<vmem>>, vector<1x101x256xbf16>,
    %get3A_13 = arith.constant 0 : index
    %get3A_14 = arith.constant 0 : index
    %get3A_15 = vector.load %arg3[%get3A_13, %get3A_14] : memref<101x96xf32, #tpu.memory_space<vmem>>, vector<101x96xf32>
    %slice3A_16 = vector.extract_strided_slice %get3A_3 {offsets = [0, 96], sizes = [256, 96], strides = [1, 1]} : vector<256x256xf32> to vector<256x96xf32>
    %dot_general3A_17 = arith.constant dense<0.000000e+00> : vector<101x256xf32>
    %dot_general3A_18 = tpu.matmul %get3A_15, %slice3A_16, %dot_general3A_17 {dimension_numbers = #tpu.dot_dimension_numbers<[1], [1], [0], [0], [0, 0, 1, 0], [], []>, transpose_lhs_hint = false} : vector<101x96xf32>, vector<256x96xf32>, vector<101x256xf32> -> vector<101x256xf32>
    %convert_element_type3A_19 = arith.truncf %dot_general3A_18 : vector<101x256xf32> to vector<101x256xbf16>
    %swap3A_20 = arith.constant 0 : index
    %swap3A_21 = arith.constant 101 : index
    %swap3A_22 = arith.constant 0 : index
    %swap3A_23 = vector.load %arg5[%swap3A_20, %swap3A_21, %swap3A_22] : memref<1x251x256xbf16, #tpu.memory_space<vmem>>, vector<1x101x256xbf16>
    %swap3A_24 = vector.shape_cast %swap3A_23 : vector<1x101x256xbf16> to vector<101x256xbf16>
    %swap3A_25 = vector.shape_cast %convert_element_type3A_19 : vector<101x256xbf16> to vector<1x101x256xbf16>
    tpu.vector_store %arg5[%swap3A_20, %swap3A_21, %swap3A_22], %swap3A_25 {strides = array<i32>} : memref<1x251x256xbf16, #tpu.memory_space<vmem>>, vector<1x101x256xbf16>,
    %get3A_26 = arith.constant 0 : index
    %get3A_27 = arith.constant 0 : index
    %get3A_28 = vector.load %arg4[%get3A_26, %get3A_27] : memref<49x64xf32, #tpu.memory_space<vmem>>, vector<49x64xf32>
    %slice3A_29 = vector.extract_strided_slice %get3A_3 {offsets = [0, 192], sizes = [256, 64], strides = [1, 1]} : vector<256x256xf32> to vector<256x64xf32>
    %dot_general3A_30 = arith.constant dense<0.000000e+00> : vector<49x256xf32>
    %dot_general3A_31 = tpu.matmul %get3A_28, %slice3A_29, %dot_general3A_30 {dimension_numbers = #tpu.dot_dimension_numbers<[1], [1], [0], [0], [0, 0, 1, 0], [], []>, transpose_lhs_hint = false} : vector<49x64xf32>, vector<256x64xf32>, vector<49x256xf32> -> vector<49x256xf32>
    %convert_element_type3A_32 = arith.truncf %dot_general3A_31 : vector<49x256xf32> to vector<49x256xbf16>
    %swap3A_33 = arith.constant 0 : index
    %swap3A_34 = arith.constant 202 : index
    %swap3A_35 = arith.constant 0 : index
    %swap3A_36 = vector.load %arg5[%swap3A_33, %swap3A_34, %swap3A_35] : memref<1x251x256xbf16, #tpu.memory_space<vmem>>, vector<1x49x256xbf16>
    %swap3A_37 = vector.shape_cast %swap3A_36 : vector<1x49x256xbf16> to vector<49x256xbf16>
    %swap3A_38 = vector.shape_cast %convert_element_type3A_32 : vector<49x256xbf16> to vector<1x49x256xbf16>
    tpu.vector_store %arg5[%swap3A_33, %swap3A_34, %swap3A_35], %swap3A_38 {strides = array<i32>} : memref<1x251x256xbf16, #tpu.memory_space<vmem>>, vector<1x49x256xbf16>,
    return
  }
  func.func @transform_0(%arg0: i32) -> (i32, i32, i32) {
    %c0_i32 = arith.constant 0 : i32
    %c0_i32_0 = arith.constant 0 : i32
    %c0_i32_1 = arith.constant 0 : i32
    return %arg0, %c0_i32, %c0_i32_0 : i32, i32, i32
  }
  func.func @transform_1(%arg0: i32) -> (i32, i32) {
    %c0_i32 = arith.constant 0 : i32
    %c0_i32_0 = arith.constant 0 : i32
    %c0_i32_1 = arith.constant 0 : i32
    return %c0_i32, %c0_i32_0 : i32, i32
  }
  func.func @transform_2(%arg0: i32) -> (i32, i32) {
    %c0_i32 = arith.constant 0 : i32
    %c0_i32_0 = arith.constant 0 : i32
    %c0_i32_1 = arith.constant 0 : i32
    return %c0_i32, %c0_i32_0 : i32, i32
  }
  func.func @transform_3(%arg0: i32) -> (i32, i32) {
    %c0_i32 = arith.constant 0 : i32
    %c0_i32_0 = arith.constant 0 : i32
    %c0_i32_1 = arith.constant 0 : i32
    return %c0_i32, %c0_i32_0 : i32, i32
  }
  func.func @transform_4(%arg0: i32) -> (i32, i32, i32) {
    %c0_i32 = arith.constant 0 : i32
    %c0_i32_0 = arith.constant 0 : i32
    %c0_i32_1 = arith.constant 0 : i32
    return %arg0, %c0_i32, %c0_i32_0 : i32, i32, i32
  }
}

module attributes {stable_mosaic.version = 14 : i64} {
  func.func @_mlp_body(%arg0: i32, %arg1: memref<32x8x1024xf32, #tpu.memory_space<vmem>>, %arg2: memref<256x1024xf32, #tpu.memory_space<vmem>>, %arg3: memref<256x256xf32, #tpu.memory_space<vmem>>, %arg4: memref<256x1024xf32, #tpu.memory_space<vmem>>, %arg5: memref<8x256xf32, #tpu.memory_space<vmem>>, %arg6: memref<1x1xf32, #tpu.memory_space<vmem>>, %arg7: memref<1x1024xf32, #tpu.memory_space<vmem>>) attributes {dimension_semantics = [#tpu.dimension_semantics<arbitrary>], iteration_bounds = array<i64: 16>, scalar_prefetch = 0 : i64, scratch_operands = 0 : i64, tpu.core_type = #tpu.core_type<tc>, window_params = [{transform_indices = @transform_0, window_bounds = array<i64: 32, 8, 1024>}, {pipeline_mode = #tpu.pipeline_mode<synchronous>, transform_indices = @transform_1, window_bounds = array<i64: 256, 1024>}, {pipeline_mode = #tpu.pipeline_mode<synchronous>, transform_indices = @transform_2, window_bounds = array<i64: 256, 256>}, {pipeline_mode = #tpu.pipeline_mode<synchronous>, transform_indices = @transform_3, window_bounds = array<i64: 256, 1024>}, {pipeline_mode = #tpu.pipeline_mode<synchronous>, transform_indices = @transform_4, window_bounds = array<i64: 8, 256>}, {pipeline_mode = #tpu.pipeline_mode<synchronous>, transform_indices = @transform_5, window_bounds = array<i64: 1, 1>}, {transform_indices = @transform_6, window_bounds = array<i64: 1, 1024>}]} {
    %get3A = arith.constant 0 : index
    %get3A_0 = arith.constant 0 : index
    %get3A_1 = arith.constant 0 : index
    %get3A_2 = vector.load %arg1[%get3A, %get3A_0, %get3A_1] : memref<32x8x1024xf32, #tpu.memory_space<vmem>>, vector<32x8x1024xf32>
    %reshape3A = vector.shape_cast %get3A_2 : vector<32x8x1024xf32> to vector<256x1024xf32>
    %get3A_3 = arith.constant 0 : index
    %get3A_4 = arith.constant 0 : index
    %get3A_5 = vector.load %arg2[%get3A_3, %get3A_4] : memref<256x1024xf32, #tpu.memory_space<vmem>>, vector<256x1024xf32>
    %add3A = arith.addf %reshape3A, %get3A_5 : vector<256x1024xf32>
    %max3A = arith.constant 0.000000e+00 : f32
    %max3A_6 = vector.broadcast %max3A : f32 to vector<256x1024xf32>
    %max3A_7 = arith.maximumf %add3A, %max3A_6 : vector<256x1024xf32>
    %get3A_8 = arith.constant 0 : index
    %get3A_9 = arith.constant 0 : index
    %get3A_10 = vector.load %arg3[%get3A_8, %get3A_9] : memref<256x256xf32, #tpu.memory_space<vmem>>, vector<256x256xf32>
    %dot_general3A = arith.constant dense<0.000000e+00> : vector<256x1024xf32>
    %dot_general3A_11 = tpu.matmul %get3A_10, %max3A_7, %dot_general3A {dimension_numbers = #tpu.dot_dimension_numbers<[1], [0], [0], [1], [0, 0, 1, 1], [], []>, transpose_lhs_hint = false} : vector<256x256xf32>, vector<256x1024xf32>, vector<256x1024xf32> -> vector<256x1024xf32>
    %get3A_12 = arith.constant 0 : index
    %get3A_13 = arith.constant 0 : index
    %get3A_14 = vector.load %arg4[%get3A_12, %get3A_13] : memref<256x1024xf32, #tpu.memory_space<vmem>>, vector<256x1024xf32>
    %add3A_15 = arith.addf %dot_general3A_11, %get3A_14 : vector<256x1024xf32>
    %max3A_16 = arith.constant 0.000000e+00 : f32
    %max3A_17 = vector.broadcast %max3A_16 : f32 to vector<256x1024xf32>
    %max3A_18 = arith.maximumf %add3A_15, %max3A_17 : vector<256x1024xf32>
    %get3A_19 = arith.constant 0 : index
    %get3A_20 = arith.constant 0 : index
    %get3A_21 = vector.load %arg5[%get3A_19, %get3A_20] : memref<8x256xf32, #tpu.memory_space<vmem>>, vector<8x256xf32>
    %dot_general3A_22 = arith.constant dense<0.000000e+00> : vector<8x1024xf32>
    %dot_general3A_23 = tpu.matmul %get3A_21, %max3A_18, %dot_general3A_22 {dimension_numbers = #tpu.dot_dimension_numbers<[1], [0], [0], [1], [0, 0, 1, 1], [], []>, transpose_lhs_hint = false} : vector<8x256xf32>, vector<256x1024xf32>, vector<8x1024xf32> -> vector<8x1024xf32>
    %get3A_24 = arith.constant 0 : index
    %get3A_25 = arith.constant 0 : index
    %get3A_26 = vector.load %arg6[%get3A_24, %get3A_25] : memref<1x1xf32, #tpu.memory_space<vmem>>, vector<1x1xf32>
    %get3A_27 = vector.extract %get3A_26[0, 0] : f32 from vector<1x1xf32>
    %add3A_28 = vector.broadcast %get3A_27 : f32 to vector<8x1024xf32>
    %add3A_29 = arith.addf %dot_general3A_23, %add3A_28 : vector<8x1024xf32>
    %slice3A = vector.extract_strided_slice %add3A_29 {offsets = [0, 0], sizes = [1, 1024], strides = [1, 1]} : vector<8x1024xf32> to vector<1x1024xf32>
    %swap3A = arith.constant 0 : index
    %swap3A_30 = arith.constant 0 : index
    %swap3A_31 = vector.load %arg7[%swap3A, %swap3A_30] : memref<1x1024xf32, #tpu.memory_space<vmem>>, vector<1x1024xf32>
    tpu.vector_store %arg7[%swap3A, %swap3A_30], %slice3A {strides = array<i32>} : memref<1x1024xf32, #tpu.memory_space<vmem>>, vector<1x1024xf32>,
    return
  }
  func.func @transform_0(%arg0: i32) -> (i32, i32, i32) {
    %c0_i32 = arith.constant 0 : i32
    %c0_i32_0 = arith.constant 0 : i32
    %c0_i32_1 = arith.constant 0 : i32
    return %c0_i32, %c0_i32_0, %arg0 : i32, i32, i32
  }
  func.func @transform_1(%arg0: i32) -> (i32, i32) {
    %c0_i32 = arith.constant 0 : i32
    %c0_i32_0 = arith.constant 0 : i32
    %c0_i32_1 = arith.constant 0 : i32
    return %c0_i32, %c0_i32_0 : i32, i32
  }
  func.func @transform_2(%arg0: i32) -> (i32, i32) {
    %c0_i32 = arith.constant 0 : i32
    %c0_i32_0 = arith.constant 0 : i32
    %c0_i32_1 = arith.constant 0 : i32
    return %c0_i32, %c0_i32_0 : i32, i32
  }
  func.func @transform_3(%arg0: i32) -> (i32, i32) {
    %c0_i32 = arith.constant 0 : i32
    %c0_i32_0 = arith.constant 0 : i32
    %c0_i32_1 = arith.constant 0 : i32
    return %c0_i32, %c0_i32_0 : i32, i32
  }
  func.func @transform_4(%arg0: i32) -> (i32, i32) {
    %c0_i32 = arith.constant 0 : i32
    %c0_i32_0 = arith.constant 0 : i32
    %c0_i32_1 = arith.constant 0 : i32
    return %c0_i32, %c0_i32_0 : i32, i32
  }
  func.func @transform_5(%arg0: i32) -> (i32, i32) {
    %c0_i32 = arith.constant 0 : i32
    %c0_i32_0 = arith.constant 0 : i32
    %c0_i32_1 = arith.constant 0 : i32
    return %c0_i32, %c0_i32_0 : i32, i32
  }
  func.func @transform_6(%arg0: i32) -> (i32, i32) {
    %c0_i32 = arith.constant 0 : i32
    %c0_i32_0 = arith.constant 0 : i32
    return %c0_i32, %arg0 : i32, i32
  }
}

</mosaic_0001>

<sc_bundles>
// kernel: kernel.5.cloned.1.call-start
scs
__scs_entry_jumppad:
0x0: {  	(pc) =	sbr.rel $0x88, $3  }
0x1: {  	(tag) =	ssettag $0x0;
	lr =	simm.s32 $0x1  }
0x2: {  	[smem:$0x3F95] =	sst lr;
	_ =	strace $0xD0000000  }
0x3: {  	_ = 	snop  }
0x4: {  	_ = 	snop  }
0x5: {  	_ = 	snop  }
0x6: {  	_ = 	snop  }
0x7: {  	_ = 	snop  }
__scs_overlays_trampoline_lowered:
0x8: {  	[smem:$0x3FA4] =	sst s0  }
0x9: {  	[smem:$0x3FA5] =	sst s1  }
0xa: {  	[smem:$0x3FA6] =	sst s2  }
0xb: {  	[smem:$0x3FA7] =	sst s3  }
0xc: {  	[smem:$0x3FA8] =	sst s4  }
0xd: {  	[smem:$0x3FA9] =	sst s5  }
0xe: {  	[smem:$0x3FAA] =	sst s6  }
0xf: {  	[smem:$0x3FAB] =	sst s7  }
0x10: {  	[smem:$0x3FAC] =	sst s8  }
0x11: {  	[smem:$0x3FAD] =	sst s9;
	s0 =	simm.s32 @!p0 $0x0  }
0x12: {  	s1 =	sld [smem:$0x3F93];
	s0 =	simm.s32 @p0 $0x1  }
0x13: {  	[smem:$0x3FAE] =	sst s0;
	s0 =	simm.s32 @!p1 $0x0  }
0x14: {  	s2 =	sld [smem:$0x3F92];
	s0 =	simm.s32 @p1 $0x1  }
0x15: {  	[smem:$0x3FAF] =	sst s0;
	s0 =	simm.s32 @!p2 $0x0  }
0x16: {  	s3 =	sld [smem:$0x3FDB];
	s0 =	simm.s32 @p2 $0x1  }
0x17: {  	s4 =	simm.s32 $0x1BF5;
	[smem:$0x3FB1] =	sst s0  }
0x18: {  	s0 =	sld [smem:$0x3F94];
	_ =	swait.ge [sflag:s4], $0x0  }
0x19: {  	s7 =	sld [smem:$0x3F95]  }
0x1a: {  	s8 =	sadd.s32 $0xFFFFE003, lr  }
0x1b: {  	s9 =	sadd.s32 $0xFFFFFEF7, lr;
	s5 =	simm.s32 $0xFFFFFFFF;
	p2 =	slt.u32 s8, $0xFFFFF086  }
0x1c: {  	p1 =	slt.u32 s9, $0xF7A;
	s5 =	simm.s32 @!p2 $0x0  }
0x1d: {  	s5 =	simm.s32 @p1 $0x1;
	p0 =	seq.s32 s7, s2  }
0x1e: {  	s7 =	smul.u32 @!p0 $0xF7A, s2;
	p2 =	seq.s32 @!p0 s5, $0x0  }
0x1f: {  	s9 =	smul.u32 $0xF7A, s1;
	s8 =	simm.s32 @!p0 $0x1BF5;
	p2 =	por !p2, p0  }
0x20: {  	[sflag:s8] =	ssyncset.s32 @!p0 $0xFFFFF086;
	s6 =	sadd.s32 @!p0 s3, s7;
	s7 =	simm.s32 @!p0 $0x108  }
0x21: {  	s3 =	sadd.s32 s3, s9;
	s6 =	sadd.s32 @!p0 $0x88, s6;
	s7 =	simm.s32 @p2 $0x1082  }
0x22: {  	[simem:s7], [sflag:s8] =	dma.local @!p0 [hbm:s6], $0xF7A  }
0x23: {  	s9 =	sor.u32 $0xD0000000, s2;
	s6 =	simm.s32 $0x108;
	_ =	swait.ge @!p0 [sflag:s8], $0x0  }
0x24: {  	s3 =	sadd.s32 $0x88, s3;
	s6 =	simm.s32 @!p1 $0x1082;
	[sflag:s4] =	ssyncset.s32 $0xFFFFF086  }
0x25: {  	[simem:s6], [sflag:s4] =	dma.local [hbm:s3], $0xF7A  }
0x26: {  	[smem:$0x3F95] =	sst s1;
	(tag) =	ssettag s2;
	_ =	strace s9  }
0x27: {  	s1 =	sld [smem:$0x3FA5]  }
0x28: {  	s2 =	sld [smem:$0x3FA6]  }
0x29: {  	s4 =	sld [smem:$0x3FA8]  }
0x2a: {  	p0 =	seq.s32 s5, $0x0;
	s5 =	sld [smem:$0x3FA9]  }
0x2b: {  	s6 =	sld [smem:$0x3FAA]  }
0x2c: {  	s7 =	sld [smem:$0x3FAB]  }
0x2d: {  	s3 =	simm.s32 $0x108;
	s8 =	sld [smem:$0x3FAC]  }
0x2e: {  	s3 =	simm.s32 @!p0 $0x1082;
	s9 =	sld [smem:$0x3FAD]  }
0x2f: {  	lr =	sadd.s32 s0, s3;
	s0 =	sld [smem:$0x3FA4]  }
0x30: {  	s3 =	sld [smem:$0x3FA7]  }
0x31: {  	[smem:$0x3FB0] =	sst s10  }
0x32: {  	s10 =	sld [smem:$0x3FAE];
	_ =	sdelay $0x3  }
0x33: {  	p0 =	seq.s32 s10, $0x1;
	s10 =	sld [smem:$0x3FB0];
	_ =	sdelay $0x3  }
0x34: {  	[smem:$0x3FB0] =	sst s10  }
0x35: {  	s10 =	sld [smem:$0x3FAF];
	_ =	sdelay $0x3  }
0x36: {  	p1 =	seq.s32 s10, $0x1;
	s10 =	sld [smem:$0x3FB0];
	_ =	sdelay $0x3  }
0x37: {  	[smem:$0x3FB0] =	sst s10  }
0x38: {  	s10 =	sld [smem:$0x3FB1]  }
0x39: {  	_ = 	snop;
	(pc) =	sbr.ind lr, $3  }
0x3a: {  	_ = 	snop  }
0x3b: {  	_ = 	snop  }
0x3c: {  	p2 =	seq.s32 s10, $0x1;
	s10 =	sld [smem:$0x3FB0]  }
0x3d: {  	_ =	shalt  }
0x3e: {  	_ =	shalt  }
0x3f: {  	_ =	shalt  }
0x40: {  	_ =	shalt  }
0x41: {  	_ =	shalt  }
0x42: {  	_ =	shalt  }
0x43: {  	_ =	shalt  }
0x44: {  	_ =	shalt  }
0x45: {  	_ =	shalt  }
0x46: {  	_ =	shalt  }
0x47: {  	_ =	shalt  }
0x48: {  	_ =	shalt  }
0x49: {  	_ =	shalt  }
0x4a: {  	_ =	shalt  }
0x4b: {  	_ =	shalt  }
0x4c: {  	_ =	shalt  }
0x4d: {  	_ =	shalt  }
0x4e: {  	_ =	shalt  }
0x4f: {  	_ =	shalt  }
0x50: {  	_ =	shalt  }
0x51: {  	_ =	shalt  }
0x52: {  	_ =	shalt  }
0x53: {  	_ =	shalt  }
0x54: {  	_ =	shalt  }
0x55: {  	_ =	shalt  }
0x56: {  	_ =	shalt  }
0x57: {  	_ =	shalt  }
0x58: {  	_ =	shalt  }
0x59: {  	_ =	shalt  }
0x5a: {  	_ =	shalt  }
0x5b: {  	_ =	shalt  }
0x5c: {  	_ =	shalt  }
0x5d: {  	_ =	shalt  }
0x5e: {  	_ =	shalt  }
0x5f: {  	_ =	shalt  }
0x60: {  	_ =	shalt  }
0x61: {  	_ =	shalt  }
0x62: {  	_ =	shalt  }
0x63: {  	_ =	shalt  }
0x64: {  	_ =	shalt  }
0x65: {  	_ =	shalt  }
0x66: {  	_ =	shalt  }
0x67: {  	_ =	shalt  }
0x68: {  	_ =	shalt  }
0x69: {  	_ =	shalt  }
0x6a: {  	_ =	shalt  }
0x6b: {  	_ =	shalt  }
0x6c: {  	_ =	shalt  }
0x6d: {  	_ =	shalt  }
0x6e: {  	_ =	shalt  }
0x6f: {  	_ =	shalt  }
0x70: {  	_ =	shalt  }
0x71: {  	_ =	shalt  }
0x72: {  	_ =	shalt  }
0x73: {  	_ =	shalt  }
0x74: {  	_ =	shalt  }
0x75: {  	_ =	shalt  }
0x76: {  	_ =	shalt  }
0x77: {  	_ =	shalt  }
0x78: {  	_ =	shalt  }
0x79: {  	_ =	shalt  }
0x7a: {  	_ =	shalt  }
0x7b: {  	_ =	shalt  }
0x7c: {  	_ =	shalt  }
0x7d: {  	_ =	shalt  }
0x7e: {  	_ =	shalt  }
0x7f: {  	_ =	shalt  }
0x80: {  	_ =	shalt  }
0x81: {  	_ =	shalt  }
0x82: {  	_ =	shalt  }
0x83: {  	_ =	shalt  }
0x84: {  	_ =	shalt  }
0x85: {  	_ =	shalt  }
0x86: {  	_ =	shalt  }
0x87: {  	_ =	shalt  }
.Lfunc_end0:
.L_simem_size_0:
called_computation_lowered:
.L_overlay_start_0:
0x88: {  	s2 =	sld [smem:$0x3FD9]  }
0x89: {  	s3 =	sld [smem:$0x3FFE];
	_ =	sdelay $0x1  }
0x8a: {  	s1 =	srdreg.scid  }
0x8b: {  	s0 =	sand.u32 $0x1, s1  }
0x8c: {  	s16 =	sshll.u32 s0, $0xA;
	s2 =	sadd.s32 s3, s2  }
0x8d: {  	s2 =	sadd.s32 s2, s16  }
0x8e: {  	[smem:$0x3FBC] =	sst s2  }
0x8f: {  	_ = 	snop  }
0x90: {  	(tm) =	ssettm $0x1  }
0x91: {  	s17 =	sld [smem:$0x3FFB];
	_ =	sdelay $0x3  }
0x92: {  	_ =	strace s17  }
0x93: {  	s2 =	sld [smem:$0x3FFC];
	_ =	sdelay $0x3  }
0x94: {  	_ =	strace s2  }
0x95: {  	s2 =	sld [smem:$0x3FFD];
	_ =	sdelay $0x3  }
0x96: {  	_ =	strace s2  }
0x97: {  	_ =	strace $0x8FFFFFFF  }
0x98: {  	s18 =	sld [smem:$0x3FDB];
	_ =	sdelay $0x1  }
0x99: {  	s19 =	simm.s32 $_scs_section_size  }
0x9a: {  	s4 =	simm.s32 $_size__tile_overlayer_lowered;
	s5 =	simm.s32 $_tile_overlayer_lowered  }
0x9b: {  	s22 =	simm.s32 $0x1BFF;
	s21 =	sshll.u32 s5, $0x1;
	s2 =	sadd.s32 s19, s18  }
0x9c: {  	s6 =	simm.s32 $0x0;
	s20 =	sshll.u32 s4, $0x1;
	s4 =	sadd.s32 s21, s2  }
0x9d: {  	[timem:s6], [sflag:s22] =	dma.local [hbm:s4], s20  }
0x9e: {  	_ =	swait.ge [sflag:s22], s20  }
0x9f: {  	s3 =	ssub.s32 $0x0, s20;
	[sflag:s22] =	ssyncset.done $0x0  }
0xa0: {  	[sflag:s22] =	ssyncadd.s32 s3;
	_ =	sdelay $0x1  }
0xa1: {  	s23 =	simm.s32 $0x1B8B  }
0xa2: {  	_ =	swait.ge [sflag:s23], $0x1  }
0xa3: {  	[sflag:s23] =	ssyncset.done $0x0  }
0xa4: {  	s25 =	simm.s32 $0x1B8E;
	s24 =	sld [smem:$0x3FFE];
	[sflag:s23] =	ssyncadd.s32 $0xFFFFFFFF  }
0xa5: {  	s26 =	simm.s32 $execute0_lowered;
	[smem:$0x3FD2] =	sst s25  }
0xa6: {  	s4 =	sshll.u32 s26, $0x1;
	_ =	strace $0x80000046;
	[dreg:$0x1] =	wrdreg $0xFFFFFFFF  }
0xa7: {  	s28 =	simm.s32 $_size_execute0_lowered;
	s2 =	sadd.s32 s2, s4;
	[dreg:$0x0] =	wrdreg $0x0  }
0xa8: {  	s4 =	sshll.u32 s28, $0x1;
	[dreg:$0x2] =	wrdreg s2  }
0xa9: {  	[dreg:$0x3] =	wrdreg s4  }
0xaa: {  	[dreg:$0x4] =	wrdreg $0xC0  }
0xab: {  	_ =	task [dreg:s6], $0x5FFFF  }
0xac: {  	[dreg:$0x1] =	wrdreg $0xFFFFFFFF  }
0xad: {  	[dreg:$0x0] =	wrdreg $0x60  }
0xae: {  	[dreg:$0x2] =	wrdreg s24  }
0xaf: {  	[dreg:$0x3] =	wrdreg $0x9  }
0xb0: {  	_ =	task.clear_ibuf [dreg:s6], $0x4FFFF;
	_ =	strace $0x90000046  }
0xb1: {  	s29 =	simm.s32 $0x9;
	_ =	strace $0x80000048  }
0xb2: {  	_ =	swait.ge [sflag:s29], $0x1  }
0xb3: {  	[sflag:s29] =	ssyncadd.s32 $0xFFFFFFFF  }
0xb4: {  	_ =	strace $0x90000048  }
0xb5: {  	_ =	sfence  }
0xb6: {  	s30 =	sld [smem:$0x0];
	_ =	sdelay $0x2  }
0xb7: {  	s31 =	sshll.u32 s1, $0xD;
	s1 =	sshrl.u32 s1, $0x2  }
0xb8: {  	s3 =	sand.u32 $0x4000, s31;
	s1 =	sadd.s32 s1, s30  }
0xb9: {  	s0 =	sor.u32 s3, s0;
	s1 =	sshll.u32 s1, $0x11  }
0xba: {  	s0 =	sor.u32 s1, s0  }
0xbb: {  	s0 =	sadd.s32 $0x8F2B, s0  }
0xbc: {  	[sflag:s0] =	ssyncadd.remote.s32 $0x1  }
0xbd: {  	_ =	sfence.sel $0xFFFF  }
0xbe: {  	[dreg:$0x0] =	wrdreg $0xFFFFFFFF;
	(pc) =	sbr.abs _section_cstart, $3  }
0xbf: {  	[dreg:$0x1] =	wrdreg $0xFFFFFFFF  }
0xc0: {  	_ =	task.clear_ibuf [dreg:s6], $0x2FFFF;
	_ =	strace $0x9FFFFFFF  }
0xc1: {  	(tm) =	ssettm $0x7FFFFFFF  }
tec
execute0_lowered:
.L_overlay_start_1:
0x0: {  	(tag) =	ssettag $0x1  }
0x1: {  	s1 =	srdreg.scid  }
0x2: {  	s0 =	stileid.u32;
	s8 =	rddreg [dreg:$0x0]  }
0x3: {  	s2 =	simm.s32 $0x0;
	s10 =	simm.s32 $0x5;
	s11 =	simm.s32 $0x400  }
0x4: {  	s12 =	simm.s32 $0x20000;
	s13 =	simm.s32 $0xC480;
	s14 =	simm.s32 $0x10C80  }
0x5: {  	s15 =	simm.s32 $0x11080;
	s16 =	simm.s32 $0x15880;
	s17 =	simm.s32 $0x1  }
0x6: {  	s18 =	simm.s32 $0x15C80;
	s19 =	simm.s32 $0x2;
	s20 =	simm.s32 $0x4  }
0x7: {  	s21 =	simm.s32 $0x16080;
	s22 =	simm.s32 $0x3;
	s23 =	simm.s32 $0x0  }
0x8: {  	s3 =	sand.u32 $0x1, s1;
	s4 =	sshll.u32 s0, $0x1;
	s1 =	rddreg [dreg:$0x1]  }
0x9: {  	[smem:$0x7FF] =	sst s2;
	s7 =	sor.u32 s3, s4;
	s5 =	ssub.s32 $0x2, s3  }
0xa: {  	_ =	strace $0x80000047;
	s4 =	smul.u32 $0x1883, s7;
	s9 =	sshrl.u32 s5, $0x1  }
0xb: {  	s3 =	sadd.s32 $0x32A00, s8;
	s7 =	sshll.u32 s7, $0x11;
	s9 =	ssub.s32 s5, s9  }
0xc: {  	s6 =	sadd.s32 s4, s8;
	s4 =	sadd.s32 $0x7EA00, s8;
	s9 =	smax.u32 s9, $0x1  }
0xd: {  	s5 =	sadd.s32 $0x1800, s6;
	s6 =	sadd.s32 $0x7AA00, s8;
	s8 =	sadd.s32 $0x32B00, s8  }
.LBB2_1:
0xe: {  	[tilespmem:s2], [sflag:$0x5] =	stream.linear.gather [hbm4b:s5+s2], $0xC418, $0x38;
	[tilespmem:$0x16480] =	vst v63  }
0xf: {  	_ =	swait.ge [sflag:s10], $0xC418  }
0x10: {  	[sflag:s10] =	ssyncset.done $0x0  }
0x11: {  	[sflag:s10] =	ssyncadd.s32 $0xFFFF3BE8  }
0x12: {  	[tilespmem:s13], [sflag:$0x1] =	stream.strided.gather [hbm4b:s3+s11], $0x4800, s12, s11, $0x38;
	[tilespmem:$0x16480] =	vst v63  }
0x13: {  	s24 =	simm.s32 $0x0  }
0x14: {  	[tilespmem:s14], [sflag:$0x1] =	stream.linear.gather [hbm4b:s6+s2], $0x300, $0x38;
	[tilespmem:$0x16480] =	vst v63  }
.LBB2_2:
0x15: {  	s26 =	sshll.u32 s24, $0xB  }
0x16: {  	s25 =	sor.u32 $0x400, s26  }
0x17: {  	s28 =	sshrl.u32 s25, $0x3  }
0x18: {  	s28 =	sadd.s32 s3, s28  }
0x19: {  	[tilespmem:s15], [sflag:$0x2] =	stream.strided.gather [hbm4b:s28+s11], $0x4800, s12, s11, $0x38;
	[tilespmem:$0x16480] =	vst v63  }
0x1a: {  	s28 =	sadd.s32 $0x48000, s28  }
0x1b: {  	[tilespmem:s16], [sflag:$0x2] =	stream.linear.gather [hbm4b:s28+s2], $0x300, $0x38;
	[tilespmem:$0x16480] =	vst v63  }
0x1c: {  	_ =	swait.ge [sflag:s17], $0x4B00  }
0x1d: {  	p0 =	seq.s32 s24, $0x0;
	[sflag:s17] =	ssyncset.done $0x0  }
0x1e: {  	s28 =	simm.s32 @!p0 $0x3;
	[sflag:s17] =	ssyncadd.s32 $0xFFFFB500  }
0x1f: {  	_ =	swait.ge @!p0 [sflag:s28], $0x400  }
0x20: {  	[sflag:s28] =	ssyncset.done @!p0 $0x0  }
0x21: {  	[sflag:s28] =	ssyncadd.s32 @!p0 $0xFFFFFC00;
	s28 =	simm.s32 $0x0  }
0x22: {  	v0 =	vld [tilespmem:s28+$0xC480]  }
0x23: {  	v1 =	vld [tilespmem:s28+$0xC580]  }
0x24: {  	v2 =	vld [tilespmem:s28+$0xC500];
	_ =	sdelay $0x1  }
0x25: {  	s28 =	simm.s32 $0x180  }
0x26: {  	v15 =	vld [tilespmem:s28+$0xC480]  }
0x27: {  	v19 =	vld [tilespmem:s28+$0xC500];
	v3 =	vadd.s32 $0x620C, v0  }
0x28: {  	v23 =	vld [tilespmem:s28+$0xC580];
	v4 =	vadd.s32 $0x620C, v1  }
0x29: {  	v5 =	vadd.s32 $0x620C, v2;
	v6 =	vld.idx.msk [tilespmem:v0+s2+$0x0], $0xffff  }
0x2a: {  	v7 =	vadd.s32 $0x3106, v1;
	v8 =	vld.idx.msk [tilespmem:v1+s2+$0x0], $0xffff  }
0x2b: {  	v12 =	vadd.s32 $0x3106, v2;
	v10 =	vld.idx.msk [tilespmem:v2+s2+$0x0], $0xffff  }
0x2c: {  	v3 =	vld.idx.msk [tilespmem:v3+s2+$0x0], $0xffff  }
0x2d: {  	v11 =	vimm.f32 $0.0e+00;
	v4 =	vld.idx.msk [tilespmem:v4+s2+$0x0], $0xffff  }
0x2e: {  	v13 =	vadd.s32 $0x9312, v0;
	v14 =	vadd.s32 $0x9312, v1;
	v9 =	vld.idx.msk [tilespmem:v5+s2+$0x0], $0xffff;
	v5 =	vadd.s32 $0x3106, v0  }
0x2f: {  	v22 =	vadd.s32 $0x3106, v15;
	v20 =	vadd.s32 $0x620C, v15;
	v0 =	vadd.s32 $0x9312, v2;
	v7 =	vld.idx.msk [tilespmem:v7+s2+$0x0], $0xffff  }
0x30: {  	v27 =	vadd.s32 $0x620C, v19;
	v24 =	vld.idx.msk [tilespmem:v12+s2+$0x0], $0xffff;
	v12 =	vadd.s32 $0x3106, v23;
	v2 =	vunpack.i.u.bf16.f32 v6  }
0x31: {  	v6 =	vunpack.i.l.bf16.f32 v6;
	v16 =	vunpack.i.l.bf16.f32 v8;
	v18 =	vunpack.i.l.bf16.f32 v10  }
0x32: {  	v8 =	vunpack.i.u.bf16.f32 v8;
	v6 =	vadd.f32 v6, v11;
	v2 =	vadd.f32 v2, v11  }
0x33: {  	v1 =	vunpack.i.u.bf16.f32 v3;
	v3 =	vunpack.i.l.bf16.f32 v3;
	v17 =	vunpack.i.u.bf16.f32 v9;
	v21 =	vld.idx.msk [tilespmem:v5+s2+$0x0], $0xffff  }
0x34: {  	v5 =	vunpack.i.u.bf16.f32 v10;
	v26 =	vunpack.i.u.bf16.f32 v4;
	v10 =	vld.idx.msk [tilespmem:v0+s2+$0x0], $0xffff;
	v1 =	vadd.f32 v1, v11  }
0x35: {  	v0 =	vadd.s32 $0x9312, v15;
	v28 =	vunpack.i.u.bf16.f32 v7;
	v6 =	vadd.f32 v18, v6  }
0x36: {  	v29 =	vunpack.i.l.bf16.f32 v4;
	v3 =	vadd.f32 v3, v11;
	v25 =	vadd.f32 v17, v1  }
0x37: {  	v1 =	vadd.s32 $0x3106, v19;
	v17 =	vadd.f32 v5, v2;
	v5 =	vadd.f32 v16, v6;
	v6 =	vld.idx.msk [tilespmem:v13+s2+$0x0], $0xffff  }
0x38: {  	v13 =	vadd.s32 $0x620C, v23;
	v16 =	vld.idx.msk [tilespmem:v15+s2+$0x0], $0xffff;
	v15 =	vunpack.i.u.bf16.f32 v24;
	v24 =	vunpack.i.l.bf16.f32 v24  }
0x39: {  	v8 =	vadd.f32 v8, v17;
	v4 =	vunpack.i.u.bf16.f32 v21;
	v17 =	vunpack.i.u.bf16.f32 v10  }
0x3a: {  	v14 =	vld.idx.msk [tilespmem:v14+s2+$0x0], $0xffff;
	v18 =	vunpack.i.l.bf16.f32 v10;
	v10 =	vadd.f32 v4, v11;
	v4 =	vunpack.i.l.bf16.f32 v9  }
0x3b: {  	v20 =	vld.idx.msk [tilespmem:v20+s2+$0x0], $0xffff;
	v9 =	vunpack.i.l.bf16.f32 v7;
	v7 =	vunpack.i.l.bf16.f32 v21;
	v21 =	vadd.f32 v4, v3  }
0x3c: {  	v4 =	vld.idx.msk [tilespmem:v23+s2+$0x0], $0xffff;
	v7 =	vadd.f32 v7, v11;
	v30 =	vunpack.i.u.bf16.f32 v6;
	v31 =	vunpack.i.l.bf16.f32 v6  }
0x3d: {  	v15 =	vadd.f32 v15, v10;
	v6 =	vld.idx.msk [tilespmem:v13+s2+$0x0], $0xffff;
	v13 =	vadd.s32 $0x9312, v23;
	v23 =	vadd.f32 v26, v25  }
0x3e: {  	v2 =	vadd.s32 $0x9312, v19;
	v3 =	vld.idx.msk [tilespmem:v22+s2+$0x0], $0xffff;
	v10 =	vadd.f32 v29, v21;
	v63 =	vadd.f32 v24, v7  }
0x3f: {  	v21 =	vunpack.i.u.bf16.f32 v16;
	v22 =	vadd.f32 v30, v11;
	v24 =	vadd.f32 v31, v11;
	v7 =	vld.idx.msk [tilespmem:v27+s2+$0x0], $0xffff  }
0x40: {  	s29 =	simm.s32 $0xC00;
	s28 =	sshll.u32 s24, $0x8;
	v19 =	vld.idx.msk [tilespmem:v19+s2+$0x0], $0xffff;
	v11 =	vadd.f32 v28, v15;
	v15 =	vunpack.i.l.bf16.f32 v20;
	v9 =	vadd.f32 v9, v63  }
.LBB2_3:
0x41: {  	s30 =	sshra.s32 s29, $0x2;
	p1 =	sne.s32 s29, $0x12600;
	s29 =	sadd.s32 $0x600, s29;
	v16 =	vunpack.i.l.bf16.f32 v16;
	v20 =	vunpack.i.u.bf16.f32 v20;
	v25 =	vld.idx.msk [tilespmem:v12+s2+$0x0], $0xffff;
	v12 =	vadd.f32 v18, v24  }
0x42: {  	v17 =	vadd.f32 v17, v22;
	v22 =	vunpack.i.u.bf16.f32 v14;
	v14 =	vunpack.i.l.bf16.f32 v14;
	v18 =	vld [tilespmem:s30+$0xC480]  }
0x43: {  	v20 =	vadd.f32 v20, v23;
	v23 =	vunpack.i.l.bf16.f32 v4;
	v24 =	vld [tilespmem:s30+$0xC500];
	v26 =	vadd.f32 v14, v12  }
0x44: {  	v5 =	vadd.f32 v16, v5;
	v12 =	vunpack.i.u.bf16.f32 v7;
	v22 =	vadd.f32 v22, v17;
	v27 =	vld [tilespmem:s30+$0xC580]  }
0x45: {  	v8 =	vadd.f32 v21, v8;
	v14 =	vunpack.i.l.bf16.f32 v19;
	v28 =	vadd.f32 v12, v20  }
0x46: {  	v29 =	vunpack.i.u.bf16.f32 v6;
	v16 =	vunpack.i.u.bf16.f32 v19;
	v5 =	vadd.f32 v14, v5;
	v19 =	vld.idx.msk [tilespmem:v2+s2+$0x0], $0xffff  }
0x47: {  	v21 =	vadd.s32 $0x3106, v18;
	v20 =	vadd.s32 $0x620C, v18;
	v2 =	vadd.s32 $0x9312, v18  }
0x48: {  	v32 =	vunpack.i.u.bf16.f32 v25;
	v30 =	vadd.s32 $0x620C, v24;
	v31 =	vld.idx.msk [tilespmem:v1+s2+$0x0], $0xffff;
	v1 =	vadd.s32 $0x3106, v24  }
0x49: {  	v8 =	vadd.f32 v16, v8;
	v5 =	vadd.f32 v23, v5;
	v12 =	vadd.s32 $0x3106, v27;
	v33 =	vld.idx.msk [tilespmem:v0+s2+$0x0], $0xffff;
	v0 =	vmovc v2  }
0x4a: {  	v4 =	vunpack.i.u.bf16.f32 v4;
	v2 =	vadd.s32 $0x9312, v24;
	v23 =	vadd.s32 $0x620C, v27;
	v14 =	vld.idx.msk [tilespmem:v13+s2+$0x0], $0xffff  }
0x4b: {  	v10 =	vadd.f32 v15, v10;
	v8 =	vadd.f32 v4, v8;
	v13 =	vunpack.i.l.bf16.f32 v6;
	v16 =	vld.idx.msk [tilespmem:v18+s2+$0x0], $0xffff  }
0x4c: {  	v6 =	vunpack.i.u.bf16.f32 v3;
	v17 =	vunpack.i.u.bf16.f32 v19;
	v18 =	vunpack.i.l.bf16.f32 v19;
	v4 =	vld.idx.msk [tilespmem:v27+s2+$0x0], $0xffff  }
0x4d: {  	v25 =	vunpack.i.l.bf16.f32 v25;
	v11 =	vadd.f32 v6, v11;
	v6 =	vunpack.i.l.bf16.f32 v7;
	v20 =	vld.idx.msk [tilespmem:v20+s2+$0x0], $0xffff  }
0x4e: {  	v7 =	vunpack.i.l.bf16.f32 v3;
	v10 =	vadd.f32 v6, v10;
	v15 =	vunpack.i.u.bf16.f32 v31;
	v3 =	vld.idx.msk [tilespmem:v21+s2+$0x0], $0xffff  }
.Ltmp0:
0x4f: {  	v9 =	vadd.f32 v7, v9;
	v6 =	vld.idx.msk [tilespmem:v23+s2+$0x0], $0xffff;
	v23 =	vunpack.i.u.bf16.f32 v33;
	v33 =	vunpack.i.l.bf16.f32 v33;
	(pc) =	sbr.rel @p1 .LBB2_3-.Ltmp0, $4  }
0x50: {  	v11 =	vadd.f32 v15, v11;
	v10 =	vadd.f32 v13, v10;
	v19 =	vld.idx.msk [tilespmem:v24+s2+$0x0], $0xffff;
	v24 =	vunpack.i.l.bf16.f32 v31  }
0x51: {  	v21 =	vunpack.i.u.bf16.f32 v16;
	v22 =	vadd.f32 v23, v22;
	v7 =	vld.idx.msk [tilespmem:v30+s2+$0x0], $0xffff;
	v9 =	vadd.f32 v24, v9  }
0x52: {  	v13 =	vadd.s32 $0x9312, v27;
	v11 =	vadd.f32 v32, v11;
	v24 =	vadd.f32 v33, v26  }
0x53: {  	v23 =	vadd.f32 v29, v28;
	v15 =	vunpack.i.l.bf16.f32 v20;
	v9 =	vadd.f32 v25, v9  }
0x54: {  	_ = 	snop  }
0x55: {  	v16 =	vunpack.i.l.bf16.f32 v16  }
0x56: {  	v20 =	vunpack.i.u.bf16.f32 v20;
	v18 =	vadd.f32 v18, v24;
	v17 =	vadd.f32 v17, v22  }
0x57: {  	v22 =	vunpack.i.u.bf16.f32 v14;
	v14 =	vunpack.i.l.bf16.f32 v14;
	v8 =	vadd.f32 v21, v8  }
0x58: {  	v12 =	vld.idx.msk [tilespmem:v12+s2+$0x0], $0xffff;
	v10 =	vadd.f32 v15, v10;
	v20 =	vadd.f32 v20, v23;
	v23 =	vunpack.i.l.bf16.f32 v4  }
0x59: {  	v5 =	vadd.f32 v16, v5;
	v4 =	vunpack.i.u.bf16.f32 v4;
	v14 =	vadd.f32 v14, v18  }
0x5a: {  	v16 =	vunpack.i.u.bf16.f32 v7;
	v18 =	vunpack.i.l.bf16.f32 v19;
	v17 =	vadd.f32 v22, v17  }
0x5b: {  	v1 =	vld.idx.msk [tilespmem:v1+s2+$0x0], $0xffff;
	v19 =	vunpack.i.u.bf16.f32 v19;
	v7 =	vunpack.i.l.bf16.f32 v7;
	v5 =	vadd.f32 v18, v5  }
0x5c: {  	v0 =	vld.idx.msk [tilespmem:v0+s2+$0x0], $0xffff;
	v16 =	vadd.f32 v16, v20;
	v18 =	vunpack.i.u.bf16.f32 v6;
	v8 =	vadd.f32 v19, v8  }
0x5d: {  	v6 =	vunpack.i.l.bf16.f32 v6;
	v7 =	vadd.f32 v7, v10;
	v19 =	vunpack.i.u.bf16.f32 v12  }
0x5e: {  	v2 =	vld.idx.msk [tilespmem:v2+s2+$0x0], $0xffff;
	v5 =	vadd.f32 v23, v5;
	v4 =	vadd.f32 v4, v8;
	v8 =	vunpack.i.l.bf16.f32 v3  }
0x5f: {  	v3 =	vunpack.i.u.bf16.f32 v3;
	v12 =	vunpack.i.l.bf16.f32 v12;
	v8 =	vadd.f32 v8, v9  }
0x60: {  	v3 =	vadd.f32 v3, v11;
	v9 =	vunpack.i.l.bf16.f32 v1;
	v11 =	vld.idx.msk [tilespmem:v13+s2+$0x0], $0xffff;
	v1 =	vunpack.i.u.bf16.f32 v1  }
0x61: {  	[tilespmem:$0x15D00] =	vst v4;
	v4 =	vadd.f32 v6, v7;
	v8 =	vadd.f32 v9, v8;
	v9 =	vunpack.i.l.bf16.f32 v0  }
0x62: {  	v1 =	vadd.f32 v1, v3;
	v0 =	vunpack.i.u.bf16.f32 v0;
	v3 =	vadd.f32 v9, v14  }
0x63: {  	[tilespmem:$0x15C80] =	vst v5;
	v5 =	vunpack.i.l.bf16.f32 v2;
	v0 =	vadd.f32 v0, v17;
	v8 =	vadd.f32 v12, v8  }
0x64: {  	v2 =	vunpack.i.u.bf16.f32 v2;
	[tilespmem:$0x15E80] =	vst v4;
	v1 =	vadd.f32 v19, v1;
	v3 =	vadd.f32 v5, v3  }
0x65: {  	v5 =	vadd.f32 v18, v16;
	v0 =	vadd.f32 v2, v0;
	v2 =	vunpack.i.l.bf16.f32 v11;
	[tilespmem:$0x15D80] =	vst v8  }
0x66: {  	[tilespmem:$0x15E00] =	vst v1;
	v1 =	vunpack.i.u.bf16.f32 v11;
	v2 =	vadd.f32 v2, v3  }
0x67: {  	v0 =	vadd.f32 v1, v0;
	[tilespmem:$0x15F00] =	vst v5  }
0x68: {  	[tilespmem:$0x15F80] =	vst v2  }
0x69: {  	s29 =	simm.s32 $0xFFFFB500;
	[tilespmem:$0x16000] =	vst v0  }
0x6a: {  	v0 =	vld [tilespmem:s29+$0x10F90]  }
0x6b: {  	v1 =	vld [tilespmem:s29+$0x11090]  }
0x6c: {  	v2 =	vld [tilespmem:s29+$0x11010];
	_ =	sdelay $0x1  }
0x6d: {  	s29 =	simm.s32 $0xFFFFB680  }
0x6e: {  	v15 =	vld [tilespmem:s29+$0x10F90]  }
0x6f: {  	v19 =	vld [tilespmem:s29+$0x11010];
	v3 =	vadd.s32 $0x620C, v0  }
0x70: {  	v23 =	vld [tilespmem:s29+$0x11090];
	v4 =	vadd.s32 $0x620C, v1  }
0x71: {  	v5 =	vadd.s32 $0x620C, v2;
	v6 =	vld.idx.msk [tilespmem:v0+s2+$0x0], $0xffff  }
0x72: {  	v7 =	vadd.s32 $0x3106, v1;
	v8 =	vld.idx.msk [tilespmem:v1+s2+$0x0], $0xffff  }
0x73: {  	v12 =	vadd.s32 $0x3106, v2;
	v10 =	vld.idx.msk [tilespmem:v2+s2+$0x0], $0xffff  }
0x74: {  	v3 =	vld.idx.msk [tilespmem:v3+s2+$0x0], $0xffff  }
0x75: {  	v11 =	vimm.f32 $0.0e+00;
	v4 =	vld.idx.msk [tilespmem:v4+s2+$0x0], $0xffff  }
0x76: {  	v13 =	vadd.s32 $0x9312, v0;
	v14 =	vadd.s32 $0x9312, v1;
	v9 =	vld.idx.msk [tilespmem:v5+s2+$0x0], $0xffff;
	v5 =	vadd.s32 $0x3106, v0  }
0x77: {  	v22 =	vadd.s32 $0x3106, v15;
	v20 =	vadd.s32 $0x620C, v15;
	v0 =	vadd.s32 $0x9312, v2;
	v7 =	vld.idx.msk [tilespmem:v7+s2+$0x0], $0xffff  }
0x78: {  	v27 =	vadd.s32 $0x620C, v19;
	v24 =	vld.idx.msk [tilespmem:v12+s2+$0x0], $0xffff;
	v12 =	vadd.s32 $0x3106, v23;
	v2 =	vunpack.i.u.bf16.f32 v6  }
0x79: {  	v6 =	vunpack.i.l.bf16.f32 v6;
	v16 =	vunpack.i.l.bf16.f32 v8;
	v18 =	vunpack.i.l.bf16.f32 v10  }
0x7a: {  	v8 =	vunpack.i.u.bf16.f32 v8;
	v6 =	vadd.f32 v6, v11;
	v2 =	vadd.f32 v2, v11  }
0x7b: {  	v1 =	vunpack.i.u.bf16.f32 v3;
	v3 =	vunpack.i.l.bf16.f32 v3;
	v17 =	vunpack.i.u.bf16.f32 v9;
	v21 =	vld.idx.msk [tilespmem:v5+s2+$0x0], $0xffff  }
0x7c: {  	v5 =	vunpack.i.u.bf16.f32 v10;
	v26 =	vunpack.i.u.bf16.f32 v4;
	v10 =	vld.idx.msk [tilespmem:v0+s2+$0x0], $0xffff;
	v1 =	vadd.f32 v1, v11  }
0x7d: {  	v0 =	vadd.s32 $0x9312, v15;
	v28 =	vunpack.i.u.bf16.f32 v7;
	v6 =	vadd.f32 v18, v6  }
0x7e: {  	v29 =	vunpack.i.l.bf16.f32 v4;
	v3 =	vadd.f32 v3, v11;
	v25 =	vadd.f32 v17, v1  }
0x7f: {  	v1 =	vadd.s32 $0x3106, v19;
	v17 =	vadd.f32 v5, v2;
	v5 =	vadd.f32 v16, v6;
	v6 =	vld.idx.msk [tilespmem:v13+s2+$0x0], $0xffff  }
0x80: {  	v13 =	vadd.s32 $0x620C, v23;
	v16 =	vld.idx.msk [tilespmem:v15+s2+$0x0], $0xffff;
	v15 =	vunpack.i.u.bf16.f32 v24;
	v24 =	vunpack.i.l.bf16.f32 v24  }
0x81: {  	v8 =	vadd.f32 v8, v17;
	v4 =	vunpack.i.u.bf16.f32 v21;
	v17 =	vunpack.i.u.bf16.f32 v10  }
0x82: {  	v14 =	vld.idx.msk [tilespmem:v14+s2+$0x0], $0xffff;
	v18 =	vunpack.i.l.bf16.f32 v10;
	v10 =	vadd.f32 v4, v11;
	v4 =	vunpack.i.l.bf16.f32 v9  }
0x83: {  	v20 =	vld.idx.msk [tilespmem:v20+s2+$0x0], $0xffff;
	v9 =	vunpack.i.l.bf16.f32 v7;
	v7 =	vunpack.i.l.bf16.f32 v21;
	v21 =	vadd.f32 v4, v3  }
0x84: {  	v4 =	vld.idx.msk [tilespmem:v23+s2+$0x0], $0xffff;
	v7 =	vadd.f32 v7, v11;
	v30 =	vunpack.i.u.bf16.f32 v6;
	v31 =	vunpack.i.l.bf16.f32 v6  }
0x85: {  	v15 =	vadd.f32 v15, v10;
	v6 =	vld.idx.msk [tilespmem:v13+s2+$0x0], $0xffff;
	v13 =	vadd.s32 $0x9312, v23;
	v23 =	vadd.f32 v26, v25  }
0x86: {  	v2 =	vadd.s32 $0x9312, v19;
	v3 =	vld.idx.msk [tilespmem:v22+s2+$0x0], $0xffff;
	v10 =	vadd.f32 v29, v21;
	v63 =	vadd.f32 v24, v7  }
0x87: {  	v21 =	vunpack.i.u.bf16.f32 v16;
	v22 =	vadd.f32 v30, v11;
	v24 =	vadd.f32 v31, v11;
	v7 =	vld.idx.msk [tilespmem:v27+s2+$0x0], $0xffff  }
0x88: {  	s29 =	simm.s32 $0xFFFEE000;
	v19 =	vld.idx.msk [tilespmem:v19+s2+$0x0], $0xffff;
	v11 =	vadd.f32 v28, v15;
	v15 =	vunpack.i.l.bf16.f32 v20;
	v9 =	vadd.f32 v9, v63  }
.LBB2_5:
0x89: {  	s30 =	sshra.s32 s29, $0x2;
	p1 =	sne.s32 s29, $0xFFFFFA00;
	s29 =	sadd.s32 $0x600, s29;
	v16 =	vunpack.i.l.bf16.f32 v16;
	v20 =	vunpack.i.u.bf16.f32 v20;
	v25 =	vld.idx.msk [tilespmem:v12+s2+$0x0], $0xffff;
	v12 =	vadd.f32 v18, v24  }
0x8a: {  	v17 =	vadd.f32 v17, v22;
	v22 =	vunpack.i.u.bf16.f32 v14;
	v14 =	vunpack.i.l.bf16.f32 v14;
	v18 =	vld [tilespmem:s30+$0x10F90]  }
0x8b: {  	v20 =	vadd.f32 v20, v23;
	v23 =	vunpack.i.l.bf16.f32 v4;
	v24 =	vld [tilespmem:s30+$0x11010];
	v26 =	vadd.f32 v14, v12  }
0x8c: {  	v5 =	vadd.f32 v16, v5;
	v12 =	vunpack.i.u.bf16.f32 v7;
	v22 =	vadd.f32 v22, v17;
	v27 =	vld [tilespmem:s30+$0x11090]  }
0x8d: {  	v8 =	vadd.f32 v21, v8;
	v14 =	vunpack.i.l.bf16.f32 v19;
	v28 =	vadd.f32 v12, v20  }
0x8e: {  	v29 =	vunpack.i.u.bf16.f32 v6;
	v16 =	vunpack.i.u.bf16.f32 v19;
	v5 =	vadd.f32 v14, v5;
	v19 =	vld.idx.msk [tilespmem:v2+s2+$0x0], $0xffff  }
0x8f: {  	v21 =	vadd.s32 $0x3106, v18;
	v20 =	vadd.s32 $0x620C, v18;
	v2 =	vadd.s32 $0x9312, v18  }
0x90: {  	v32 =	vunpack.i.u.bf16.f32 v25;
	v30 =	vadd.s32 $0x620C, v24;
	v31 =	vld.idx.msk [tilespmem:v1+s2+$0x0], $0xffff;
	v1 =	vadd.s32 $0x3106, v24  }
0x91: {  	v8 =	vadd.f32 v16, v8;
	v5 =	vadd.f32 v23, v5;
	v12 =	vadd.s32 $0x3106, v27;
	v33 =	vld.idx.msk [tilespmem:v0+s2+$0x0], $0xffff;
	v0 =	vmovc v2  }
0x92: {  	v4 =	vunpack.i.u.bf16.f32 v4;
	v2 =	vadd.s32 $0x9312, v24;
	v23 =	vadd.s32 $0x620C, v27;
	v14 =	vld.idx.msk [tilespmem:v13+s2+$0x0], $0xffff  }
0x93: {  	v10 =	vadd.f32 v15, v10;
	v8 =	vadd.f32 v4, v8;
	v13 =	vunpack.i.l.bf16.f32 v6;
	v16 =	vld.idx.msk [tilespmem:v18+s2+$0x0], $0xffff  }
0x94: {  	v6 =	vunpack.i.u.bf16.f32 v3;
	v17 =	vunpack.i.u.bf16.f32 v19;
	v18 =	vunpack.i.l.bf16.f32 v19;
	v4 =	vld.idx.msk [tilespmem:v27+s2+$0x0], $0xffff  }
0x95: {  	v25 =	vunpack.i.l.bf16.f32 v25;
	v11 =	vadd.f32 v6, v11;
	v6 =	vunpack.i.l.bf16.f32 v7;
	v20 =	vld.idx.msk [tilespmem:v20+s2+$0x0], $0xffff  }
0x96: {  	v7 =	vunpack.i.l.bf16.f32 v3;
	v10 =	vadd.f32 v6, v10;
	v15 =	vunpack.i.u.bf16.f32 v31;
	v3 =	vld.idx.msk [tilespmem:v21+s2+$0x0], $0xffff  }
.Ltmp1:
0x97: {  	v9 =	vadd.f32 v7, v9;
	v6 =	vld.idx.msk [tilespmem:v23+s2+$0x0], $0xffff;
	v23 =	vunpack.i.u.bf16.f32 v33;
	v33 =	vunpack.i.l.bf16.f32 v33;
	(pc) =	sbr.rel @p1 .LBB2_5-.Ltmp1, $4  }
0x98: {  	v11 =	vadd.f32 v15, v11;
	v10 =	vadd.f32 v13, v10;
	v19 =	vld.idx.msk [tilespmem:v24+s2+$0x0], $0xffff;
	v24 =	vunpack.i.l.bf16.f32 v31  }
0x99: {  	v21 =	vunpack.i.u.bf16.f32 v16;
	v22 =	vadd.f32 v23, v22;
	v7 =	vld.idx.msk [tilespmem:v30+s2+$0x0], $0xffff;
	v9 =	vadd.f32 v24, v9  }
0x9a: {  	v13 =	vadd.s32 $0x9312, v27;
	v11 =	vadd.f32 v32, v11;
	v24 =	vadd.f32 v33, v26  }
0x9b: {  	v23 =	vadd.f32 v29, v28;
	v15 =	vunpack.i.l.bf16.f32 v20;
	v9 =	vadd.f32 v25, v9  }
0x9c: {  	_ = 	snop  }
0x9d: {  	v16 =	vunpack.i.l.bf16.f32 v16  }
0x9e: {  	v20 =	vunpack.i.u.bf16.f32 v20;
	v18 =	vadd.f32 v18, v24;
	v17 =	vadd.f32 v17, v22  }
0x9f: {  	v22 =	vunpack.i.u.bf16.f32 v14;
	v14 =	vunpack.i.l.bf16.f32 v14;
	v8 =	vadd.f32 v21, v8  }
0xa0: {  	v12 =	vld.idx.msk [tilespmem:v12+s2+$0x0], $0xffff;
	v10 =	vadd.f32 v15, v10;
	v20 =	vadd.f32 v20, v23;
	v23 =	vunpack.i.l.bf16.f32 v4  }
0xa1: {  	v5 =	vadd.f32 v16, v5;
	v4 =	vunpack.i.u.bf16.f32 v4;
	v14 =	vadd.f32 v14, v18  }
0xa2: {  	v16 =	vunpack.i.u.bf16.f32 v7;
	v18 =	vunpack.i.l.bf16.f32 v19;
	v17 =	vadd.f32 v22, v17  }
0xa3: {  	v1 =	vld.idx.msk [tilespmem:v1+s2+$0x0], $0xffff;
	v19 =	vunpack.i.u.bf16.f32 v19;
	v7 =	vunpack.i.l.bf16.f32 v7;
	v5 =	vadd.f32 v18, v5  }
0xa4: {  	v0 =	vld.idx.msk [tilespmem:v0+s2+$0x0], $0xffff;
	v16 =	vadd.f32 v16, v20;
	v18 =	vunpack.i.u.bf16.f32 v6;
	v8 =	vadd.f32 v19, v8  }
0xa5: {  	v6 =	vunpack.i.l.bf16.f32 v6;
	v7 =	vadd.f32 v7, v10;
	v19 =	vunpack.i.u.bf16.f32 v12  }
0xa6: {  	v2 =	vld.idx.msk [tilespmem:v2+s2+$0x0], $0xffff;
	v5 =	vadd.f32 v23, v5;
	v4 =	vadd.f32 v4, v8;
	v8 =	vunpack.i.l.bf16.f32 v3  }
0xa7: {  	v3 =	vunpack.i.u.bf16.f32 v3;
	v12 =	vunpack.i.l.bf16.f32 v12;
	v8 =	vadd.f32 v8, v9  }
0xa8: {  	v3 =	vadd.f32 v3, v11;
	v9 =	vunpack.i.l.bf16.f32 v1;
	v11 =	vld.idx.msk [tilespmem:v13+s2+$0x0], $0xffff;
	v1 =	vunpack.i.u.bf16.f32 v1  }
0xa9: {  	[tilespmem:$0x15D10] =	vst v4;
	v4 =	vadd.f32 v6, v7;
	v8 =	vadd.f32 v9, v8;
	v9 =	vunpack.i.l.bf16.f32 v0  }
0xaa: {  	v1 =	vadd.f32 v1, v3;
	v0 =	vunpack.i.u.bf16.f32 v0;
	v3 =	vadd.f32 v9, v14  }
0xab: {  	[tilespmem:$0x15C90] =	vst v5;
	v5 =	vunpack.i.l.bf16.f32 v2;
	v0 =	vadd.f32 v0, v17;
	v8 =	vadd.f32 v12, v8  }
0xac: {  	v2 =	vunpack.i.u.bf16.f32 v2;
	[tilespmem:$0x15E90] =	vst v4;
	v1 =	vadd.f32 v19, v1;
	v3 =	vadd.f32 v5, v3  }
0xad: {  	v5 =	vadd.f32 v18, v16;
	v0 =	vadd.f32 v2, v0;
	v2 =	vunpack.i.l.bf16.f32 v11;
	[tilespmem:$0x15D90] =	vst v8  }
0xae: {  	[tilespmem:$0x15E10] =	vst v1;
	v1 =	vunpack.i.u.bf16.f32 v11;
	v2 =	vadd.f32 v2, v3  }
0xaf: {  	v0 =	vadd.f32 v1, v0;
	[tilespmem:$0x15F10] =	vst v5  }
0xb0: {  	[tilespmem:$0x15F90] =	vst v2  }
0xb1: {  	s29 =	simm.s32 $0xFFFFB500;
	[tilespmem:$0x16010] =	vst v0  }
0xb2: {  	v0 =	vld [tilespmem:s29+$0x10FA0]  }
0xb3: {  	v1 =	vld [tilespmem:s29+$0x110A0]  }
0xb4: {  	v2 =	vld [tilespmem:s29+$0x11020];
	_ =	sdelay $0x1  }
0xb5: {  	s29 =	simm.s32 $0xFFFFB680  }
0xb6: {  	v15 =	vld [tilespmem:s29+$0x10FA0]  }
0xb7: {  	v19 =	vld [tilespmem:s29+$0x11020];
	v3 =	vadd.s32 $0x620C, v0  }
0xb8: {  	v23 =	vld [tilespmem:s29+$0x110A0];
	v4 =	vadd.s32 $0x620C, v1  }
0xb9: {  	v5 =	vadd.s32 $0x620C, v2;
	v6 =	vld.idx.msk [tilespmem:v0+s2+$0x0], $0xffff  }
0xba: {  	v7 =	vadd.s32 $0x3106, v1;
	v8 =	vld.idx.msk [tilespmem:v1+s2+$0x0], $0xffff  }
0xbb: {  	v12 =	vadd.s32 $0x3106, v2;
	v10 =	vld.idx.msk [tilespmem:v2+s2+$0x0], $0xffff  }
0xbc: {  	v3 =	vld.idx.msk [tilespmem:v3+s2+$0x0], $0xffff  }
0xbd: {  	v11 =	vimm.f32 $0.0e+00;
	v4 =	vld.idx.msk [tilespmem:v4+s2+$0x0], $0xffff  }
0xbe: {  	v13 =	vadd.s32 $0x9312, v0;
	v14 =	vadd.s32 $0x9312, v1;
	v9 =	vld.idx.msk [tilespmem:v5+s2+$0x0], $0xffff;
	v5 =	vadd.s32 $0x3106, v0  }
0xbf: {  	v22 =	vadd.s32 $0x3106, v15;
	v20 =	vadd.s32 $0x620C, v15;
	v0 =	vadd.s32 $0x9312, v2;
	v7 =	vld.idx.msk [tilespmem:v7+s2+$0x0], $0xffff  }
0xc0: {  	v27 =	vadd.s32 $0x620C, v19;
	v24 =	vld.idx.msk [tilespmem:v12+s2+$0x0], $0xffff;
	v12 =	vadd.s32 $0x3106, v23;
	v2 =	vunpack.i.u.bf16.f32 v6  }
0xc1: {  	v6 =	vunpack.i.l.bf16.f32 v6;
	v16 =	vunpack.i.l.bf16.f32 v8;
	v18 =	vunpack.i.l.bf16.f32 v10  }
0xc2: {  	v8 =	vunpack.i.u.bf16.f32 v8;
	v6 =	vadd.f32 v6, v11;
	v2 =	vadd.f32 v2, v11  }
0xc3: {  	v1 =	vunpack.i.u.bf16.f32 v3;
	v3 =	vunpack.i.l.bf16.f32 v3;
	v17 =	vunpack.i.u.bf16.f32 v9;
	v21 =	vld.idx.msk [tilespmem:v5+s2+$0x0], $0xffff  }
0xc4: {  	v5 =	vunpack.i.u.bf16.f32 v10;
	v26 =	vunpack.i.u.bf16.f32 v4;
	v10 =	vld.idx.msk [tilespmem:v0+s2+$0x0], $0xffff;
	v1 =	vadd.f32 v1, v11  }
0xc5: {  	v0 =	vadd.s32 $0x9312, v15;
	v28 =	vunpack.i.u.bf16.f32 v7;
	v6 =	vadd.f32 v18, v6  }
0xc6: {  	v29 =	vunpack.i.l.bf16.f32 v4;
	v3 =	vadd.f32 v3, v11;
	v25 =	vadd.f32 v17, v1  }
0xc7: {  	v1 =	vadd.s32 $0x3106, v19;
	v17 =	vadd.f32 v5, v2;
	v5 =	vadd.f32 v16, v6;
	v6 =	vld.idx.msk [tilespmem:v13+s2+$0x0], $0xffff  }
0xc8: {  	v13 =	vadd.s32 $0x620C, v23;
	v16 =	vld.idx.msk [tilespmem:v15+s2+$0x0], $0xffff;
	v15 =	vunpack.i.u.bf16.f32 v24;
	v24 =	vunpack.i.l.bf16.f32 v24  }
0xc9: {  	v8 =	vadd.f32 v8, v17;
	v4 =	vunpack.i.u.bf16.f32 v21;
	v17 =	vunpack.i.u.bf16.f32 v10  }
0xca: {  	v14 =	vld.idx.msk [tilespmem:v14+s2+$0x0], $0xffff;
	v18 =	vunpack.i.l.bf16.f32 v10;
	v10 =	vadd.f32 v4, v11;
	v4 =	vunpack.i.l.bf16.f32 v9  }
0xcb: {  	v20 =	vld.idx.msk [tilespmem:v20+s2+$0x0], $0xffff;
	v9 =	vunpack.i.l.bf16.f32 v7;
	v7 =	vunpack.i.l.bf16.f32 v21;
	v21 =	vadd.f32 v4, v3  }
0xcc: {  	v4 =	vld.idx.msk [tilespmem:v23+s2+$0x0], $0xffff;
	v7 =	vadd.f32 v7, v11;
	v30 =	vunpack.i.u.bf16.f32 v6;
	v31 =	vunpack.i.l.bf16.f32 v6  }
0xcd: {  	v15 =	vadd.f32 v15, v10;
	v6 =	vld.idx.msk [tilespmem:v13+s2+$0x0], $0xffff;
	v13 =	vadd.s32 $0x9312, v23;
	v23 =	vadd.f32 v26, v25  }
0xce: {  	v2 =	vadd.s32 $0x9312, v19;
	v3 =	vld.idx.msk [tilespmem:v22+s2+$0x0], $0xffff;
	v10 =	vadd.f32 v29, v21;
	v63 =	vadd.f32 v24, v7  }
0xcf: {  	v21 =	vunpack.i.u.bf16.f32 v16;
	v22 =	vadd.f32 v30, v11;
	v24 =	vadd.f32 v31, v11;
	v7 =	vld.idx.msk [tilespmem:v27+s2+$0x0], $0xffff  }
0xd0: {  	s29 =	simm.s32 $0xFFFEE000;
	v19 =	vld.idx.msk [tilespmem:v19+s2+$0x0], $0xffff;
	v11 =	vadd.f32 v28, v15;
	v15 =	vunpack.i.l.bf16.f32 v20;
	v9 =	vadd.f32 v9, v63  }
.LBB2_7:
0xd1: {  	s30 =	sshra.s32 s29, $0x2;
	p1 =	sne.s32 s29, $0xFFFFFA00;
	s29 =	sadd.s32 $0x600, s29;
	v16 =	vunpack.i.l.bf16.f32 v16;
	v20 =	vunpack.i.u.bf16.f32 v20;
	v25 =	vld.idx.msk [tilespmem:v12+s2+$0x0], $0xffff;
	v12 =	vadd.f32 v18, v24  }
0xd2: {  	v17 =	vadd.f32 v17, v22;
	v22 =	vunpack.i.u.bf16.f32 v14;
	v14 =	vunpack.i.l.bf16.f32 v14;
	v18 =	vld [tilespmem:s30+$0x10FA0]  }
0xd3: {  	v20 =	vadd.f32 v20, v23;
	v23 =	vunpack.i.l.bf16.f32 v4;
	v24 =	vld [tilespmem:s30+$0x11020];
	v26 =	vadd.f32 v14, v12  }
0xd4: {  	v5 =	vadd.f32 v16, v5;
	v12 =	vunpack.i.u.bf16.f32 v7;
	v22 =	vadd.f32 v22, v17;
	v27 =	vld [tilespmem:s30+$0x110A0]  }
0xd5: {  	v8 =	vadd.f32 v21, v8;
	v14 =	vunpack.i.l.bf16.f32 v19;
	v28 =	vadd.f32 v12, v20  }
0xd6: {  	v29 =	vunpack.i.u.bf16.f32 v6;
	v16 =	vunpack.i.u.bf16.f32 v19;
	v5 =	vadd.f32 v14, v5;
	v19 =	vld.idx.msk [tilespmem:v2+s2+$0x0], $0xffff  }
0xd7: {  	v21 =	vadd.s32 $0x3106, v18;
	v20 =	vadd.s32 $0x620C, v18;
	v2 =	vadd.s32 $0x9312, v18  }
0xd8: {  	v32 =	vunpack.i.u.bf16.f32 v25;
	v30 =	vadd.s32 $0x620C, v24;
	v31 =	vld.idx.msk [tilespmem:v1+s2+$0x0], $0xffff;
	v1 =	vadd.s32 $0x3106, v24  }
0xd9: {  	v8 =	vadd.f32 v16, v8;
	v5 =	vadd.f32 v23, v5;
	v12 =	vadd.s32 $0x3106, v27;
	v33 =	vld.idx.msk [tilespmem:v0+s2+$0x0], $0xffff;
	v0 =	vmovc v2  }
0xda: {  	v4 =	vunpack.i.u.bf16.f32 v4;
	v2 =	vadd.s32 $0x9312, v24;
	v23 =	vadd.s32 $0x620C, v27;
	v14 =	vld.idx.msk [tilespmem:v13+s2+$0x0], $0xffff  }
0xdb: {  	v10 =	vadd.f32 v15, v10;
	v8 =	vadd.f32 v4, v8;
	v13 =	vunpack.i.l.bf16.f32 v6;
	v16 =	vld.idx.msk [tilespmem:v18+s2+$0x0], $0xffff  }
0xdc: {  	v6 =	vunpack.i.u.bf16.f32 v3;
	v17 =	vunpack.i.u.bf16.f32 v19;
	v18 =	vunpack.i.l.bf16.f32 v19;
	v4 =	vld.idx.msk [tilespmem:v27+s2+$0x0], $0xffff  }
0xdd: {  	v25 =	vunpack.i.l.bf16.f32 v25;
	v11 =	vadd.f32 v6, v11;
	v6 =	vunpack.i.l.bf16.f32 v7;
	v20 =	vld.idx.msk [tilespmem:v20+s2+$0x0], $0xffff  }
0xde: {  	v7 =	vunpack.i.l.bf16.f32 v3;
	v10 =	vadd.f32 v6, v10;
	v15 =	vunpack.i.u.bf16.f32 v31;
	v3 =	vld.idx.msk [tilespmem:v21+s2+$0x0], $0xffff  }
.Ltmp2:
0xdf: {  	v9 =	vadd.f32 v7, v9;
	v6 =	vld.idx.msk [tilespmem:v23+s2+$0x0], $0xffff;
	v23 =	vunpack.i.u.bf16.f32 v33;
	v33 =	vunpack.i.l.bf16.f32 v33;
	(pc) =	sbr.rel @p1 .LBB2_7-.Ltmp2, $4  }
0xe0: {  	v11 =	vadd.f32 v15, v11;
	v10 =	vadd.f32 v13, v10;
	v19 =	vld.idx.msk [tilespmem:v24+s2+$0x0], $0xffff;
	v24 =	vunpack.i.l.bf16.f32 v31  }
0xe1: {  	v21 =	vunpack.i.u.bf16.f32 v16;
	v22 =	vadd.f32 v23, v22;
	v7 =	vld.idx.msk [tilespmem:v30+s2+$0x0], $0xffff;
	v9 =	vadd.f32 v24, v9  }
0xe2: {  	v13 =	vadd.s32 $0x9312, v27;
	v11 =	vadd.f32 v32, v11;
	v24 =	vadd.f32 v33, v26  }
0xe3: {  	v23 =	vadd.f32 v29, v28;
	v15 =	vunpack.i.l.bf16.f32 v20;
	v9 =	vadd.f32 v25, v9  }
0xe4: {  	_ = 	snop  }
0xe5: {  	v16 =	vunpack.i.l.bf16.f32 v16  }
0xe6: {  	v20 =	vunpack.i.u.bf16.f32 v20;
	v18 =	vadd.f32 v18, v24;
	v17 =	vadd.f32 v17, v22  }
0xe7: {  	v22 =	vunpack.i.u.bf16.f32 v14;
	v14 =	vunpack.i.l.bf16.f32 v14;
	v8 =	vadd.f32 v21, v8  }
0xe8: {  	v12 =	vld.idx.msk [tilespmem:v12+s2+$0x0], $0xffff;
	v10 =	vadd.f32 v15, v10;
	v20 =	vadd.f32 v20, v23;
	v23 =	vunpack.i.l.bf16.f32 v4  }
0xe9: {  	v5 =	vadd.f32 v16, v5;
	v4 =	vunpack.i.u.bf16.f32 v4;
	v14 =	vadd.f32 v14, v18  }
0xea: {  	v16 =	vunpack.i.u.bf16.f32 v7;
	v18 =	vunpack.i.l.bf16.f32 v19;
	v17 =	vadd.f32 v22, v17  }
0xeb: {  	v1 =	vld.idx.msk [tilespmem:v1+s2+$0x0], $0xffff;
	v19 =	vunpack.i.u.bf16.f32 v19;
	v7 =	vunpack.i.l.bf16.f32 v7;
	v5 =	vadd.f32 v18, v5  }
0xec: {  	v0 =	vld.idx.msk [tilespmem:v0+s2+$0x0], $0xffff;
	v16 =	vadd.f32 v16, v20;
	v18 =	vunpack.i.u.bf16.f32 v6;
	v8 =	vadd.f32 v19, v8  }
0xed: {  	v6 =	vunpack.i.l.bf16.f32 v6;
	v7 =	vadd.f32 v7, v10;
	v19 =	vunpack.i.u.bf16.f32 v12  }
0xee: {  	v2 =	vld.idx.msk [tilespmem:v2+s2+$0x0], $0xffff;
	v5 =	vadd.f32 v23, v5;
	v4 =	vadd.f32 v4, v8;
	v8 =	vunpack.i.l.bf16.f32 v3  }
0xef: {  	v3 =	vunpack.i.u.bf16.f32 v3;
	v12 =	vunpack.i.l.bf16.f32 v12;
	v8 =	vadd.f32 v8, v9  }
0xf0: {  	v3 =	vadd.f32 v3, v11;
	v9 =	vunpack.i.l.bf16.f32 v1;
	v11 =	vld.idx.msk [tilespmem:v13+s2+$0x0], $0xffff;
	v1 =	vunpack.i.u.bf16.f32 v1  }
0xf1: {  	[tilespmem:$0x15D20] =	vst v4;
	v4 =	vadd.f32 v6, v7;
	v8 =	vadd.f32 v9, v8;
	v9 =	vunpack.i.l.bf16.f32 v0  }
0xf2: {  	v1 =	vadd.f32 v1, v3;
	v0 =	vunpack.i.u.bf16.f32 v0;
	v3 =	vadd.f32 v9, v14  }
0xf3: {  	[tilespmem:$0x15CA0] =	vst v5;
	v5 =	vunpack.i.l.bf16.f32 v2;
	v0 =	vadd.f32 v0, v17;
	v8 =	vadd.f32 v12, v8  }
0xf4: {  	v2 =	vunpack.i.u.bf16.f32 v2;
	[tilespmem:$0x15EA0] =	vst v4;
	v1 =	vadd.f32 v19, v1;
	v3 =	vadd.f32 v5, v3  }
0xf5: {  	v5 =	vadd.f32 v18, v16;
	v0 =	vadd.f32 v2, v0;
	v2 =	vunpack.i.l.bf16.f32 v11;
	[tilespmem:$0x15DA0] =	vst v8  }
0xf6: {  	[tilespmem:$0x15E20] =	vst v1;
	v1 =	vunpack.i.u.bf16.f32 v11;
	v2 =	vadd.f32 v2, v3  }
0xf7: {  	v0 =	vadd.f32 v1, v0;
	[tilespmem:$0x15F20] =	vst v5  }
0xf8: {  	[tilespmem:$0x15FA0] =	vst v2  }
0xf9: {  	s29 =	simm.s32 $0xFFFFB500;
	[tilespmem:$0x16020] =	vst v0  }
0xfa: {  	v0 =	vld [tilespmem:s29+$0x10FB0]  }
0xfb: {  	v1 =	vld [tilespmem:s29+$0x110B0]  }
0xfc: {  	v2 =	vld [tilespmem:s29+$0x11030];
	_ =	sdelay $0x1  }
0xfd: {  	s29 =	simm.s32 $0xFFFFB680  }
0xfe: {  	v15 =	vld [tilespmem:s29+$0x10FB0]  }
0xff: {  	v19 =	vld [tilespmem:s29+$0x11030];
	v3 =	vadd.s32 $0x620C, v0  }
0x100: {  	v23 =	vld [tilespmem:s29+$0x110B0];
	v4 =	vadd.s32 $0x620C, v1  }
0x101: {  	v5 =	vadd.s32 $0x620C, v2;
	v6 =	vld.idx.msk [tilespmem:v0+s2+$0x0], $0xffff  }
0x102: {  	v7 =	vadd.s32 $0x3106, v1;
	v8 =	vld.idx.msk [tilespmem:v1+s2+$0x0], $0xffff  }
0x103: {  	v12 =	vadd.s32 $0x3106, v2;
	v10 =	vld.idx.msk [tilespmem:v2+s2+$0x0], $0xffff  }
0x104: {  	v3 =	vld.idx.msk [tilespmem:v3+s2+$0x0], $0xffff  }
0x105: {  	v11 =	vimm.f32 $0.0e+00;
	v4 =	vld.idx.msk [tilespmem:v4+s2+$0x0], $0xffff  }
0x106: {  	v13 =	vadd.s32 $0x9312, v0;
	v14 =	vadd.s32 $0x9312, v1;
	v9 =	vld.idx.msk [tilespmem:v5+s2+$0x0], $0xffff;
	v5 =	vadd.s32 $0x3106, v0  }
0x107: {  	v22 =	vadd.s32 $0x3106, v15;
	v20 =	vadd.s32 $0x620C, v15;
	v0 =	vadd.s32 $0x9312, v2;
	v7 =	vld.idx.msk [tilespmem:v7+s2+$0x0], $0xffff  }
0x108: {  	v27 =	vadd.s32 $0x620C, v19;
	v24 =	vld.idx.msk [tilespmem:v12+s2+$0x0], $0xffff;
	v12 =	vadd.s32 $0x3106, v23;
	v2 =	vunpack.i.u.bf16.f32 v6  }
0x109: {  	v6 =	vunpack.i.l.bf16.f32 v6;
	v16 =	vunpack.i.l.bf16.f32 v8;
	v18 =	vunpack.i.l.bf16.f32 v10  }
0x10a: {  	v8 =	vunpack.i.u.bf16.f32 v8;
	v6 =	vadd.f32 v6, v11;
	v2 =	vadd.f32 v2, v11  }
0x10b: {  	v1 =	vunpack.i.u.bf16.f32 v3;
	v3 =	vunpack.i.l.bf16.f32 v3;
	v17 =	vunpack.i.u.bf16.f32 v9;
	v21 =	vld.idx.msk [tilespmem:v5+s2+$0x0], $0xffff  }
0x10c: {  	v5 =	vunpack.i.u.bf16.f32 v10;
	v26 =	vunpack.i.u.bf16.f32 v4;
	v10 =	vld.idx.msk [tilespmem:v0+s2+$0x0], $0xffff;
	v1 =	vadd.f32 v1, v11  }
0x10d: {  	v0 =	vadd.s32 $0x9312, v15;
	v28 =	vunpack.i.u.bf16.f32 v7;
	v6 =	vadd.f32 v18, v6  }
0x10e: {  	v29 =	vunpack.i.l.bf16.f32 v4;
	v3 =	vadd.f32 v3, v11;
	v25 =	vadd.f32 v17, v1  }
0x10f: {  	v1 =	vadd.s32 $0x3106, v19;
	v17 =	vadd.f32 v5, v2;
	v5 =	vadd.f32 v16, v6;
	v6 =	vld.idx.msk [tilespmem:v13+s2+$0x0], $0xffff  }
0x110: {  	v13 =	vadd.s32 $0x620C, v23;
	v16 =	vld.idx.msk [tilespmem:v15+s2+$0x0], $0xffff;
	v15 =	vunpack.i.u.bf16.f32 v24;
	v24 =	vunpack.i.l.bf16.f32 v24  }
0x111: {  	v8 =	vadd.f32 v8, v17;
	v4 =	vunpack.i.u.bf16.f32 v21;
	v17 =	vunpack.i.u.bf16.f32 v10  }
0x112: {  	v14 =	vld.idx.msk [tilespmem:v14+s2+$0x0], $0xffff;
	v18 =	vunpack.i.l.bf16.f32 v10;
	v10 =	vadd.f32 v4, v11;
	v4 =	vunpack.i.l.bf16.f32 v9  }
0x113: {  	v20 =	vld.idx.msk [tilespmem:v20+s2+$0x0], $0xffff;
	v9 =	vunpack.i.l.bf16.f32 v7;
	v7 =	vunpack.i.l.bf16.f32 v21;
	v21 =	vadd.f32 v4, v3  }
0x114: {  	v4 =	vld.idx.msk [tilespmem:v23+s2+$0x0], $0xffff;
	v7 =	vadd.f32 v7, v11;
	v30 =	vunpack.i.u.bf16.f32 v6;
	v31 =	vunpack.i.l.bf16.f32 v6  }
0x115: {  	v15 =	vadd.f32 v15, v10;
	v6 =	vld.idx.msk [tilespmem:v13+s2+$0x0], $0xffff;
	v13 =	vadd.s32 $0x9312, v23;
	v23 =	vadd.f32 v26, v25  }
0x116: {  	v2 =	vadd.s32 $0x9312, v19;
	v3 =	vld.idx.msk [tilespmem:v22+s2+$0x0], $0xffff;
	v10 =	vadd.f32 v29, v21;
	v63 =	vadd.f32 v24, v7  }
0x117: {  	v21 =	vunpack.i.u.bf16.f32 v16;
	v22 =	vadd.f32 v30, v11;
	v24 =	vadd.f32 v31, v11;
	v7 =	vld.idx.msk [tilespmem:v27+s2+$0x0], $0xffff  }
0x118: {  	s29 =	simm.s32 $0xFFFEE000;
	v19 =	vld.idx.msk [tilespmem:v19+s2+$0x0], $0xffff;
	v11 =	vadd.f32 v28, v15;
	v15 =	vunpack.i.l.bf16.f32 v20;
	v9 =	vadd.f32 v9, v63  }
.LBB2_9:
0x119: {  	s30 =	sshra.s32 s29, $0x2;
	p1 =	sne.s32 s29, $0xFFFFFA00;
	s29 =	sadd.s32 $0x600, s29;
	v16 =	vunpack.i.l.bf16.f32 v16;
	v20 =	vunpack.i.u.bf16.f32 v20;
	v25 =	vld.idx.msk [tilespmem:v12+s2+$0x0], $0xffff;
	v12 =	vadd.f32 v18, v24  }
0x11a: {  	v17 =	vadd.f32 v17, v22;
	v22 =	vunpack.i.u.bf16.f32 v14;
	v14 =	vunpack.i.l.bf16.f32 v14;
	v18 =	vld [tilespmem:s30+$0x10FB0]  }
0x11b: {  	v20 =	vadd.f32 v20, v23;
	v23 =	vunpack.i.l.bf16.f32 v4;
	v24 =	vld [tilespmem:s30+$0x11030];
	v26 =	vadd.f32 v14, v12  }
0x11c: {  	v5 =	vadd.f32 v16, v5;
	v12 =	vunpack.i.u.bf16.f32 v7;
	v22 =	vadd.f32 v22, v17;
	v27 =	vld [tilespmem:s30+$0x110B0]  }
0x11d: {  	v8 =	vadd.f32 v21, v8;
	v14 =	vunpack.i.l.bf16.f32 v19;
	v28 =	vadd.f32 v12, v20  }
0x11e: {  	v29 =	vunpack.i.u.bf16.f32 v6;
	v16 =	vunpack.i.u.bf16.f32 v19;
	v5 =	vadd.f32 v14, v5;
	v19 =	vld.idx.msk [tilespmem:v2+s2+$0x0], $0xffff  }
0x11f: {  	v21 =	vadd.s32 $0x3106, v18;
	v20 =	vadd.s32 $0x620C, v18;
	v2 =	vadd.s32 $0x9312, v18  }
0x120: {  	v32 =	vunpack.i.u.bf16.f32 v25;
	v30 =	vadd.s32 $0x620C, v24;
	v31 =	vld.idx.msk [tilespmem:v1+s2+$0x0], $0xffff;
	v1 =	vadd.s32 $0x3106, v24  }
0x121: {  	v8 =	vadd.f32 v16, v8;
	v5 =	vadd.f32 v23, v5;
	v12 =	vadd.s32 $0x3106, v27;
	v33 =	vld.idx.msk [tilespmem:v0+s2+$0x0], $0xffff;
	v0 =	vmovc v2  }
0x122: {  	v4 =	vunpack.i.u.bf16.f32 v4;
	v2 =	vadd.s32 $0x9312, v24;
	v23 =	vadd.s32 $0x620C, v27;
	v14 =	vld.idx.msk [tilespmem:v13+s2+$0x0], $0xffff  }
0x123: {  	v10 =	vadd.f32 v15, v10;
	v8 =	vadd.f32 v4, v8;
	v13 =	vunpack.i.l.bf16.f32 v6;
	v16 =	vld.idx.msk [tilespmem:v18+s2+$0x0], $0xffff  }
0x124: {  	v6 =	vunpack.i.u.bf16.f32 v3;
	v17 =	vunpack.i.u.bf16.f32 v19;
	v18 =	vunpack.i.l.bf16.f32 v19;
	v4 =	vld.idx.msk [tilespmem:v27+s2+$0x0], $0xffff  }
0x125: {  	v25 =	vunpack.i.l.bf16.f32 v25;
	v11 =	vadd.f32 v6, v11;
	v6 =	vunpack.i.l.bf16.f32 v7;
	v20 =	vld.idx.msk [tilespmem:v20+s2+$0x0], $0xffff  }
0x126: {  	v7 =	vunpack.i.l.bf16.f32 v3;
	v10 =	vadd.f32 v6, v10;
	v15 =	vunpack.i.u.bf16.f32 v31;
	v3 =	vld.idx.msk [tilespmem:v21+s2+$0x0], $0xffff  }
.Ltmp3:
0x127: {  	v9 =	vadd.f32 v7, v9;
	v6 =	vld.idx.msk [tilespmem:v23+s2+$0x0], $0xffff;
	v23 =	vunpack.i.u.bf16.f32 v33;
	v33 =	vunpack.i.l.bf16.f32 v33;
	(pc) =	sbr.rel @p1 .LBB2_9-.Ltmp3, $4  }
0x128: {  	v11 =	vadd.f32 v15, v11;
	v10 =	vadd.f32 v13, v10;
	v19 =	vld.idx.msk [tilespmem:v24+s2+$0x0], $0xffff;
	v24 =	vunpack.i.l.bf16.f32 v31  }
0x129: {  	v21 =	vunpack.i.u.bf16.f32 v16;
	v22 =	vadd.f32 v23, v22;
	v7 =	vld.idx.msk [tilespmem:v30+s2+$0x0], $0xffff;
	v9 =	vadd.f32 v24, v9  }
0x12a: {  	v13 =	vadd.s32 $0x9312, v27;
	v11 =	vadd.f32 v32, v11;
	v24 =	vadd.f32 v33, v26  }
0x12b: {  	v23 =	vadd.f32 v29, v28;
	v15 =	vunpack.i.l.bf16.f32 v20;
	v9 =	vadd.f32 v25, v9  }
0x12c: {  	_ = 	snop  }
0x12d: {  	v16 =	vunpack.i.l.bf16.f32 v16  }
0x12e: {  	v20 =	vunpack.i.u.bf16.f32 v20;
	v18 =	vadd.f32 v18, v24;
	v17 =	vadd.f32 v17, v22  }
0x12f: {  	v22 =	vunpack.i.u.bf16.f32 v14;
	v14 =	vunpack.i.l.bf16.f32 v14;
	v8 =	vadd.f32 v21, v8  }
0x130: {  	v12 =	vld.idx.msk [tilespmem:v12+s2+$0x0], $0xffff;
	v10 =	vadd.f32 v15, v10;
	v20 =	vadd.f32 v20, v23;
	v23 =	vunpack.i.l.bf16.f32 v4  }
0x131: {  	v5 =	vadd.f32 v16, v5;
	v4 =	vunpack.i.u.bf16.f32 v4;
	v14 =	vadd.f32 v14, v18  }
0x132: {  	v16 =	vunpack.i.u.bf16.f32 v7;
	v18 =	vunpack.i.l.bf16.f32 v19;
	v17 =	vadd.f32 v22, v17  }
0x133: {  	v1 =	vld.idx.msk [tilespmem:v1+s2+$0x0], $0xffff;
	v19 =	vunpack.i.u.bf16.f32 v19;
	v7 =	vunpack.i.l.bf16.f32 v7;
	v5 =	vadd.f32 v18, v5  }
0x134: {  	v0 =	vld.idx.msk [tilespmem:v0+s2+$0x0], $0xffff;
	v16 =	vadd.f32 v16, v20;
	v18 =	vunpack.i.u.bf16.f32 v6;
	v8 =	vadd.f32 v19, v8  }
0x135: {  	v6 =	vunpack.i.l.bf16.f32 v6;
	v7 =	vadd.f32 v7, v10;
	v19 =	vunpack.i.u.bf16.f32 v12  }
0x136: {  	v2 =	vld.idx.msk [tilespmem:v2+s2+$0x0], $0xffff;
	v5 =	vadd.f32 v23, v5;
	v4 =	vadd.f32 v4, v8;
	v8 =	vunpack.i.l.bf16.f32 v3  }
0x137: {  	v3 =	vunpack.i.u.bf16.f32 v3;
	v12 =	vunpack.i.l.bf16.f32 v12;
	v8 =	vadd.f32 v8, v9  }
0x138: {  	v3 =	vadd.f32 v3, v11;
	v9 =	vunpack.i.l.bf16.f32 v1;
	v11 =	vld.idx.msk [tilespmem:v13+s2+$0x0], $0xffff;
	v1 =	vunpack.i.u.bf16.f32 v1  }
0x139: {  	[tilespmem:$0x15D30] =	vst v4;
	v4 =	vadd.f32 v6, v7;
	v8 =	vadd.f32 v9, v8;
	v9 =	vunpack.i.l.bf16.f32 v0  }
0x13a: {  	v1 =	vadd.f32 v1, v3;
	v0 =	vunpack.i.u.bf16.f32 v0;
	v3 =	vadd.f32 v9, v14  }
0x13b: {  	[tilespmem:$0x15CB0] =	vst v5;
	v5 =	vunpack.i.l.bf16.f32 v2;
	v0 =	vadd.f32 v0, v17;
	v8 =	vadd.f32 v12, v8  }
0x13c: {  	v2 =	vunpack.i.u.bf16.f32 v2;
	[tilespmem:$0x15EB0] =	vst v4;
	v1 =	vadd.f32 v19, v1;
	v3 =	vadd.f32 v5, v3  }
0x13d: {  	v5 =	vadd.f32 v18, v16;
	v0 =	vadd.f32 v2, v0;
	v2 =	vunpack.i.l.bf16.f32 v11;
	[tilespmem:$0x15DB0] =	vst v8  }
0x13e: {  	[tilespmem:$0x15E30] =	vst v1;
	v1 =	vunpack.i.u.bf16.f32 v11;
	v2 =	vadd.f32 v2, v3  }
0x13f: {  	v0 =	vadd.f32 v1, v0;
	[tilespmem:$0x15F30] =	vst v5  }
0x140: {  	[tilespmem:$0x15FB0] =	vst v2  }
0x141: {  	s29 =	simm.s32 $0xFFFFB500;
	[tilespmem:$0x16030] =	vst v0  }
0x142: {  	v0 =	vld [tilespmem:s29+$0x10FC0]  }
0x143: {  	v1 =	vld [tilespmem:s29+$0x110C0]  }
0x144: {  	v2 =	vld [tilespmem:s29+$0x11040];
	_ =	sdelay $0x1  }
0x145: {  	s29 =	simm.s32 $0xFFFFB680  }
0x146: {  	v15 =	vld [tilespmem:s29+$0x10FC0]  }
0x147: {  	v19 =	vld [tilespmem:s29+$0x11040];
	v3 =	vadd.s32 $0x620C, v0  }
0x148: {  	v23 =	vld [tilespmem:s29+$0x110C0];
	v4 =	vadd.s32 $0x620C, v1  }
0x149: {  	v5 =	vadd.s32 $0x620C, v2;
	v6 =	vld.idx.msk [tilespmem:v0+s2+$0x0], $0xffff  }
0x14a: {  	v7 =	vadd.s32 $0x3106, v1;
	v8 =	vld.idx.msk [tilespmem:v1+s2+$0x0], $0xffff  }
0x14b: {  	v12 =	vadd.s32 $0x3106, v2;
	v10 =	vld.idx.msk [tilespmem:v2+s2+$0x0], $0xffff  }
0x14c: {  	v3 =	vld.idx.msk [tilespmem:v3+s2+$0x0], $0xffff  }
0x14d: {  	v11 =	vimm.f32 $0.0e+00;
	v4 =	vld.idx.msk [tilespmem:v4+s2+$0x0], $0xffff  }
0x14e: {  	v13 =	vadd.s32 $0x9312, v0;
	v14 =	vadd.s32 $0x9312, v1;
	v9 =	vld.idx.msk [tilespmem:v5+s2+$0x0], $0xffff;
	v5 =	vadd.s32 $0x3106, v0  }
0x14f: {  	v22 =	vadd.s32 $0x3106, v15;
	v20 =	vadd.s32 $0x620C, v15;
	v0 =	vadd.s32 $0x9312, v2;
	v7 =	vld.idx.msk [tilespmem:v7+s2+$0x0], $0xffff  }
0x150: {  	v27 =	vadd.s32 $0x620C, v19;
	v24 =	vld.idx.msk [tilespmem:v12+s2+$0x0], $0xffff;
	v12 =	vadd.s32 $0x3106, v23;
	v2 =	vunpack.i.u.bf16.f32 v6  }
0x151: {  	v6 =	vunpack.i.l.bf16.f32 v6;
	v16 =	vunpack.i.l.bf16.f32 v8;
	v18 =	vunpack.i.l.bf16.f32 v10  }
0x152: {  	v8 =	vunpack.i.u.bf16.f32 v8;
	v6 =	vadd.f32 v6, v11;
	v2 =	vadd.f32 v2, v11  }
0x153: {  	v1 =	vunpack.i.u.bf16.f32 v3;
	v3 =	vunpack.i.l.bf16.f32 v3;
	v17 =	vunpack.i.u.bf16.f32 v9;
	v21 =	vld.idx.msk [tilespmem:v5+s2+$0x0], $0xffff  }
0x154: {  	v5 =	vunpack.i.u.bf16.f32 v10;
	v26 =	vunpack.i.u.bf16.f32 v4;
	v10 =	vld.idx.msk [tilespmem:v0+s2+$0x0], $0xffff;
	v1 =	vadd.f32 v1, v11  }
0x155: {  	v0 =	vadd.s32 $0x9312, v15;
	v28 =	vunpack.i.u.bf16.f32 v7;
	v6 =	vadd.f32 v18, v6  }
0x156: {  	v29 =	vunpack.i.l.bf16.f32 v4;
	v3 =	vadd.f32 v3, v11;
	v25 =	vadd.f32 v17, v1  }
0x157: {  	v1 =	vadd.s32 $0x3106, v19;
	v17 =	vadd.f32 v5, v2;
	v5 =	vadd.f32 v16, v6;
	v6 =	vld.idx.msk [tilespmem:v13+s2+$0x0], $0xffff  }
0x158: {  	v13 =	vadd.s32 $0x620C, v23;
	v16 =	vld.idx.msk [tilespmem:v15+s2+$0x0], $0xffff;
	v15 =	vunpack.i.u.bf16.f32 v24;
	v24 =	vunpack.i.l.bf16.f32 v24  }
0x159: {  	v8 =	vadd.f32 v8, v17;
	v4 =	vunpack.i.u.bf16.f32 v21;
	v17 =	vunpack.i.u.bf16.f32 v10  }
0x15a: {  	v14 =	vld.idx.msk [tilespmem:v14+s2+$0x0], $0xffff;
	v18 =	vunpack.i.l.bf16.f32 v10;
	v10 =	vadd.f32 v4, v11;
	v4 =	vunpack.i.l.bf16.f32 v9  }
0x15b: {  	v20 =	vld.idx.msk [tilespmem:v20+s2+$0x0], $0xffff;
	v9 =	vunpack.i.l.bf16.f32 v7;
	v7 =	vunpack.i.l.bf16.f32 v21;
	v21 =	vadd.f32 v4, v3  }
0x15c: {  	v4 =	vld.idx.msk [tilespmem:v23+s2+$0x0], $0xffff;
	v7 =	vadd.f32 v7, v11;
	v30 =	vunpack.i.u.bf16.f32 v6;
	v31 =	vunpack.i.l.bf16.f32 v6  }
0x15d: {  	v15 =	vadd.f32 v15, v10;
	v6 =	vld.idx.msk [tilespmem:v13+s2+$0x0], $0xffff;
	v13 =	vadd.s32 $0x9312, v23;
	v23 =	vadd.f32 v26, v25  }
0x15e: {  	v2 =	vadd.s32 $0x9312, v19;
	v3 =	vld.idx.msk [tilespmem:v22+s2+$0x0], $0xffff;
	v10 =	vadd.f32 v29, v21;
	v63 =	vadd.f32 v24, v7  }
0x15f: {  	v21 =	vunpack.i.u.bf16.f32 v16;
	v22 =	vadd.f32 v30, v11;
	v24 =	vadd.f32 v31, v11;
	v7 =	vld.idx.msk [tilespmem:v27+s2+$0x0], $0xffff  }
0x160: {  	s29 =	simm.s32 $0xFFFEE000;
	v19 =	vld.idx.msk [tilespmem:v19+s2+$0x0], $0xffff;
	v11 =	vadd.f32 v28, v15;
	v15 =	vunpack.i.l.bf16.f32 v20;
	v9 =	vadd.f32 v9, v63  }
.LBB2_11:
0x161: {  	s30 =	sshra.s32 s29, $0x2;
	p1 =	sne.s32 s29, $0xFFFFFA00;
	s29 =	sadd.s32 $0x600, s29;
	v16 =	vunpack.i.l.bf16.f32 v16;
	v20 =	vunpack.i.u.bf16.f32 v20;
	v25 =	vld.idx.msk [tilespmem:v12+s2+$0x0], $0xffff;
	v12 =	vadd.f32 v18, v24  }
0x162: {  	v17 =	vadd.f32 v17, v22;
	v22 =	vunpack.i.u.bf16.f32 v14;
	v14 =	vunpack.i.l.bf16.f32 v14;
	v18 =	vld [tilespmem:s30+$0x10FC0]  }
0x163: {  	v20 =	vadd.f32 v20, v23;
	v23 =	vunpack.i.l.bf16.f32 v4;
	v24 =	vld [tilespmem:s30+$0x11040];
	v26 =	vadd.f32 v14, v12  }
0x164: {  	v5 =	vadd.f32 v16, v5;
	v12 =	vunpack.i.u.bf16.f32 v7;
	v22 =	vadd.f32 v22, v17;
	v27 =	vld [tilespmem:s30+$0x110C0]  }
0x165: {  	v8 =	vadd.f32 v21, v8;
	v14 =	vunpack.i.l.bf16.f32 v19;
	v28 =	vadd.f32 v12, v20  }
0x166: {  	v29 =	vunpack.i.u.bf16.f32 v6;
	v16 =	vunpack.i.u.bf16.f32 v19;
	v5 =	vadd.f32 v14, v5;
	v19 =	vld.idx.msk [tilespmem:v2+s2+$0x0], $0xffff  }
0x167: {  	v21 =	vadd.s32 $0x3106, v18;
	v20 =	vadd.s32 $0x620C, v18;
	v2 =	vadd.s32 $0x9312, v18  }
0x168: {  	v32 =	vunpack.i.u.bf16.f32 v25;
	v30 =	vadd.s32 $0x620C, v24;
	v31 =	vld.idx.msk [tilespmem:v1+s2+$0x0], $0xffff;
	v1 =	vadd.s32 $0x3106, v24  }
0x169: {  	v8 =	vadd.f32 v16, v8;
	v5 =	vadd.f32 v23, v5;
	v12 =	vadd.s32 $0x3106, v27;
	v33 =	vld.idx.msk [tilespmem:v0+s2+$0x0], $0xffff;
	v0 =	vmovc v2  }
0x16a: {  	v4 =	vunpack.i.u.bf16.f32 v4;
	v2 =	vadd.s32 $0x9312, v24;
	v23 =	vadd.s32 $0x620C, v27;
	v14 =	vld.idx.msk [tilespmem:v13+s2+$0x0], $0xffff  }
0x16b: {  	v10 =	vadd.f32 v15, v10;
	v8 =	vadd.f32 v4, v8;
	v13 =	vunpack.i.l.bf16.f32 v6;
	v16 =	vld.idx.msk [tilespmem:v18+s2+$0x0], $0xffff  }
0x16c: {  	v6 =	vunpack.i.u.bf16.f32 v3;
	v17 =	vunpack.i.u.bf16.f32 v19;
	v18 =	vunpack.i.l.bf16.f32 v19;
	v4 =	vld.idx.msk [tilespmem:v27+s2+$0x0], $0xffff  }
0x16d: {  	v25 =	vunpack.i.l.bf16.f32 v25;
	v11 =	vadd.f32 v6, v11;
	v6 =	vunpack.i.l.bf16.f32 v7;
	v20 =	vld.idx.msk [tilespmem:v20+s2+$0x0], $0xffff  }
0x16e: {  	v7 =	vunpack.i.l.bf16.f32 v3;
	v10 =	vadd.f32 v6, v10;
	v15 =	vunpack.i.u.bf16.f32 v31;
	v3 =	vld.idx.msk [tilespmem:v21+s2+$0x0], $0xffff  }
.Ltmp4:
0x16f: {  	v9 =	vadd.f32 v7, v9;
	v6 =	vld.idx.msk [tilespmem:v23+s2+$0x0], $0xffff;
	v23 =	vunpack.i.u.bf16.f32 v33;
	v33 =	vunpack.i.l.bf16.f32 v33;
	(pc) =	sbr.rel @p1 .LBB2_11-.Ltmp4, $4  }
0x170: {  	v11 =	vadd.f32 v15, v11;
	v10 =	vadd.f32 v13, v10;
	v19 =	vld.idx.msk [tilespmem:v24+s2+$0x0], $0xffff;
	v24 =	vunpack.i.l.bf16.f32 v31  }
0x171: {  	v21 =	vunpack.i.u.bf16.f32 v16;
	v22 =	vadd.f32 v23, v22;
	v7 =	vld.idx.msk [tilespmem:v30+s2+$0x0], $0xffff;
	v9 =	vadd.f32 v24, v9  }
0x172: {  	v13 =	vadd.s32 $0x9312, v27;
	v11 =	vadd.f32 v32, v11;
	v24 =	vadd.f32 v33, v26  }
0x173: {  	v23 =	vadd.f32 v29, v28;
	v15 =	vunpack.i.l.bf16.f32 v20;
	v9 =	vadd.f32 v25, v9  }
0x174: {  	_ = 	snop  }
0x175: {  	v16 =	vunpack.i.l.bf16.f32 v16  }
0x176: {  	v20 =	vunpack.i.u.bf16.f32 v20;
	v18 =	vadd.f32 v18, v24;
	v17 =	vadd.f32 v17, v22  }
0x177: {  	v22 =	vunpack.i.u.bf16.f32 v14;
	v14 =	vunpack.i.l.bf16.f32 v14;
	v8 =	vadd.f32 v21, v8  }
0x178: {  	v12 =	vld.idx.msk [tilespmem:v12+s2+$0x0], $0xffff;
	v10 =	vadd.f32 v15, v10;
	v20 =	vadd.f32 v20, v23;
	v23 =	vunpack.i.l.bf16.f32 v4  }
0x179: {  	v5 =	vadd.f32 v16, v5;
	v4 =	vunpack.i.u.bf16.f32 v4;
	v14 =	vadd.f32 v14, v18  }
0x17a: {  	v16 =	vunpack.i.u.bf16.f32 v7;
	v18 =	vunpack.i.l.bf16.f32 v19;
	v17 =	vadd.f32 v22, v17  }
0x17b: {  	v1 =	vld.idx.msk [tilespmem:v1+s2+$0x0], $0xffff;
	v19 =	vunpack.i.u.bf16.f32 v19;
	v7 =	vunpack.i.l.bf16.f32 v7;
	v5 =	vadd.f32 v18, v5  }
0x17c: {  	v0 =	vld.idx.msk [tilespmem:v0+s2+$0x0], $0xffff;
	v16 =	vadd.f32 v16, v20;
	v18 =	vunpack.i.u.bf16.f32 v6;
	v8 =	vadd.f32 v19, v8  }
0x17d: {  	v6 =	vunpack.i.l.bf16.f32 v6;
	v7 =	vadd.f32 v7, v10;
	v19 =	vunpack.i.u.bf16.f32 v12  }
0x17e: {  	v2 =	vld.idx.msk [tilespmem:v2+s2+$0x0], $0xffff;
	v5 =	vadd.f32 v23, v5;
	v4 =	vadd.f32 v4, v8;
	v8 =	vunpack.i.l.bf16.f32 v3  }
0x17f: {  	v3 =	vunpack.i.u.bf16.f32 v3;
	v12 =	vunpack.i.l.bf16.f32 v12;
	v8 =	vadd.f32 v8, v9  }
0x180: {  	v3 =	vadd.f32 v3, v11;
	v9 =	vunpack.i.l.bf16.f32 v1;
	v11 =	vld.idx.msk [tilespmem:v13+s2+$0x0], $0xffff;
	v1 =	vunpack.i.u.bf16.f32 v1  }
0x181: {  	[tilespmem:$0x15D40] =	vst v4;
	v4 =	vadd.f32 v6, v7;
	v8 =	vadd.f32 v9, v8;
	v9 =	vunpack.i.l.bf16.f32 v0  }
0x182: {  	v1 =	vadd.f32 v1, v3;
	v0 =	vunpack.i.u.bf16.f32 v0;
	v3 =	vadd.f32 v9, v14  }
0x183: {  	[tilespmem:$0x15CC0] =	vst v5;
	v5 =	vunpack.i.l.bf16.f32 v2;
	v0 =	vadd.f32 v0, v17;
	v8 =	vadd.f32 v12, v8  }
0x184: {  	v2 =	vunpack.i.u.bf16.f32 v2;
	[tilespmem:$0x15EC0] =	vst v4;
	v1 =	vadd.f32 v19, v1;
	v3 =	vadd.f32 v5, v3  }
0x185: {  	v5 =	vadd.f32 v18, v16;
	v0 =	vadd.f32 v2, v0;
	v2 =	vunpack.i.l.bf16.f32 v11;
	[tilespmem:$0x15DC0] =	vst v8  }
0x186: {  	[tilespmem:$0x15E40] =	vst v1;
	v1 =	vunpack.i.u.bf16.f32 v11;
	v2 =	vadd.f32 v2, v3  }
0x187: {  	v0 =	vadd.f32 v1, v0;
	[tilespmem:$0x15F40] =	vst v5  }
0x188: {  	[tilespmem:$0x15FC0] =	vst v2  }
0x189: {  	s29 =	simm.s32 $0xFFFFB500;
	[tilespmem:$0x16040] =	vst v0  }
0x18a: {  	v0 =	vld [tilespmem:s29+$0x10FD0]  }
0x18b: {  	v1 =	vld [tilespmem:s29+$0x110D0]  }
0x18c: {  	v2 =	vld [tilespmem:s29+$0x11050];
	_ =	sdelay $0x1  }
0x18d: {  	s29 =	simm.s32 $0xFFFFB680  }
0x18e: {  	v15 =	vld [tilespmem:s29+$0x10FD0]  }
0x18f: {  	v19 =	vld [tilespmem:s29+$0x11050];
	v3 =	vadd.s32 $0x620C, v0  }
0x190: {  	v23 =	vld [tilespmem:s29+$0x110D0];
	v4 =	vadd.s32 $0x620C, v1  }
0x191: {  	v5 =	vadd.s32 $0x620C, v2;
	v6 =	vld.idx.msk [tilespmem:v0+s2+$0x0], $0xffff  }
0x192: {  	v7 =	vadd.s32 $0x3106, v1;
	v8 =	vld.idx.msk [tilespmem:v1+s2+$0x0], $0xffff  }
0x193: {  	v12 =	vadd.s32 $0x3106, v2;
	v10 =	vld.idx.msk [tilespmem:v2+s2+$0x0], $0xffff  }
0x194: {  	v3 =	vld.idx.msk [tilespmem:v3+s2+$0x0], $0xffff  }
0x195: {  	v11 =	vimm.f32 $0.0e+00;
	v4 =	vld.idx.msk [tilespmem:v4+s2+$0x0], $0xffff  }
0x196: {  	v13 =	vadd.s32 $0x9312, v0;
	v14 =	vadd.s32 $0x9312, v1;
	v9 =	vld.idx.msk [tilespmem:v5+s2+$0x0], $0xffff;
	v5 =	vadd.s32 $0x3106, v0  }
0x197: {  	v22 =	vadd.s32 $0x3106, v15;
	v20 =	vadd.s32 $0x620C, v15;
	v0 =	vadd.s32 $0x9312, v2;
	v7 =	vld.idx.msk [tilespmem:v7+s2+$0x0], $0xffff  }
0x198: {  	v27 =	vadd.s32 $0x620C, v19;
	v24 =	vld.idx.msk [tilespmem:v12+s2+$0x0], $0xffff;
	v12 =	vadd.s32 $0x3106, v23;
	v2 =	vunpack.i.u.bf16.f32 v6  }
0x199: {  	v6 =	vunpack.i.l.bf16.f32 v6;
	v16 =	vunpack.i.l.bf16.f32 v8;
	v18 =	vunpack.i.l.bf16.f32 v10  }
0x19a: {  	v8 =	vunpack.i.u.bf16.f32 v8;
	v6 =	vadd.f32 v6, v11;
	v2 =	vadd.f32 v2, v11  }
0x19b: {  	v1 =	vunpack.i.u.bf16.f32 v3;
	v3 =	vunpack.i.l.bf16.f32 v3;
	v17 =	vunpack.i.u.bf16.f32 v9;
	v21 =	vld.idx.msk [tilespmem:v5+s2+$0x0], $0xffff  }
0x19c: {  	v5 =	vunpack.i.u.bf16.f32 v10;
	v26 =	vunpack.i.u.bf16.f32 v4;
	v10 =	vld.idx.msk [tilespmem:v0+s2+$0x0], $0xffff;
	v1 =	vadd.f32 v1, v11  }
0x19d: {  	v0 =	vadd.s32 $0x9312, v15;
	v28 =	vunpack.i.u.bf16.f32 v7;
	v6 =	vadd.f32 v18, v6  }
0x19e: {  	v29 =	vunpack.i.l.bf16.f32 v4;
	v3 =	vadd.f32 v3, v11;
	v25 =	vadd.f32 v17, v1  }
0x19f: {  	v1 =	vadd.s32 $0x3106, v19;
	v17 =	vadd.f32 v5, v2;
	v5 =	vadd.f32 v16, v6;
	v6 =	vld.idx.msk [tilespmem:v13+s2+$0x0], $0xffff  }
0x1a0: {  	v13 =	vadd.s32 $0x620C, v23;
	v16 =	vld.idx.msk [tilespmem:v15+s2+$0x0], $0xffff;
	v15 =	vunpack.i.u.bf16.f32 v24;
	v24 =	vunpack.i.l.bf16.f32 v24  }
0x1a1: {  	v8 =	vadd.f32 v8, v17;
	v4 =	vunpack.i.u.bf16.f32 v21;
	v17 =	vunpack.i.u.bf16.f32 v10  }
0x1a2: {  	v14 =	vld.idx.msk [tilespmem:v14+s2+$0x0], $0xffff;
	v18 =	vunpack.i.l.bf16.f32 v10;
	v10 =	vadd.f32 v4, v11;
	v4 =	vunpack.i.l.bf16.f32 v9  }
0x1a3: {  	v20 =	vld.idx.msk [tilespmem:v20+s2+$0x0], $0xffff;
	v9 =	vunpack.i.l.bf16.f32 v7;
	v7 =	vunpack.i.l.bf16.f32 v21;
	v21 =	vadd.f32 v4, v3  }
0x1a4: {  	v4 =	vld.idx.msk [tilespmem:v23+s2+$0x0], $0xffff;
	v7 =	vadd.f32 v7, v11;
	v30 =	vunpack.i.u.bf16.f32 v6;
	v31 =	vunpack.i.l.bf16.f32 v6  }
0x1a5: {  	v15 =	vadd.f32 v15, v10;
	v6 =	vld.idx.msk [tilespmem:v13+s2+$0x0], $0xffff;
	v13 =	vadd.s32 $0x9312, v23;
	v23 =	vadd.f32 v26, v25  }
0x1a6: {  	v2 =	vadd.s32 $0x9312, v19;
	v3 =	vld.idx.msk [tilespmem:v22+s2+$0x0], $0xffff;
	v10 =	vadd.f32 v29, v21;
	v63 =	vadd.f32 v24, v7  }
0x1a7: {  	v21 =	vunpack.i.u.bf16.f32 v16;
	v22 =	vadd.f32 v30, v11;
	v24 =	vadd.f32 v31, v11;
	v7 =	vld.idx.msk [tilespmem:v27+s2+$0x0], $0xffff  }
0x1a8: {  	s29 =	simm.s32 $0xFFFEE000;
	v19 =	vld.idx.msk [tilespmem:v19+s2+$0x0], $0xffff;
	v11 =	vadd.f32 v28, v15;
	v15 =	vunpack.i.l.bf16.f32 v20;
	v9 =	vadd.f32 v9, v63  }
.LBB2_13:
0x1a9: {  	s30 =	sshra.s32 s29, $0x2;
	p1 =	sne.s32 s29, $0xFFFFFA00;
	s29 =	sadd.s32 $0x600, s29;
	v16 =	vunpack.i.l.bf16.f32 v16;
	v20 =	vunpack.i.u.bf16.f32 v20;
	v25 =	vld.idx.msk [tilespmem:v12+s2+$0x0], $0xffff;
	v12 =	vadd.f32 v18, v24  }
0x1aa: {  	v17 =	vadd.f32 v17, v22;
	v22 =	vunpack.i.u.bf16.f32 v14;
	v14 =	vunpack.i.l.bf16.f32 v14;
	v18 =	vld [tilespmem:s30+$0x10FD0]  }
0x1ab: {  	v20 =	vadd.f32 v20, v23;
	v23 =	vunpack.i.l.bf16.f32 v4;
	v24 =	vld [tilespmem:s30+$0x11050];
	v26 =	vadd.f32 v14, v12  }
0x1ac: {  	v5 =	vadd.f32 v16, v5;
	v12 =	vunpack.i.u.bf16.f32 v7;
	v22 =	vadd.f32 v22, v17;
	v27 =	vld [tilespmem:s30+$0x110D0]  }
0x1ad: {  	v8 =	vadd.f32 v21, v8;
	v14 =	vunpack.i.l.bf16.f32 v19;
	v28 =	vadd.f32 v12, v20  }
0x1ae: {  	v29 =	vunpack.i.u.bf16.f32 v6;
	v16 =	vunpack.i.u.bf16.f32 v19;
	v5 =	vadd.f32 v14, v5;
	v19 =	vld.idx.msk [tilespmem:v2+s2+$0x0], $0xffff  }
0x1af: {  	v21 =	vadd.s32 $0x3106, v18;
	v20 =	vadd.s32 $0x620C, v18;
	v2 =	vadd.s32 $0x9312, v18  }
0x1b0: {  	v32 =	vunpack.i.u.bf16.f32 v25;
	v30 =	vadd.s32 $0x620C, v24;
	v31 =	vld.idx.msk [tilespmem:v1+s2+$0x0], $0xffff;
	v1 =	vadd.s32 $0x3106, v24  }
0x1b1: {  	v8 =	vadd.f32 v16, v8;
	v5 =	vadd.f32 v23, v5;
	v12 =	vadd.s32 $0x3106, v27;
	v33 =	vld.idx.msk [tilespmem:v0+s2+$0x0], $0xffff;
	v0 =	vmovc v2  }
0x1b2: {  	v4 =	vunpack.i.u.bf16.f32 v4;
	v2 =	vadd.s32 $0x9312, v24;
	v23 =	vadd.s32 $0x620C, v27;
	v14 =	vld.idx.msk [tilespmem:v13+s2+$0x0], $0xffff  }
0x1b3: {  	v10 =	vadd.f32 v15, v10;
	v8 =	vadd.f32 v4, v8;
	v13 =	vunpack.i.l.bf16.f32 v6;
	v16 =	vld.idx.msk [tilespmem:v18+s2+$0x0], $0xffff  }
0x1b4: {  	v6 =	vunpack.i.u.bf16.f32 v3;
	v17 =	vunpack.i.u.bf16.f32 v19;
	v18 =	vunpack.i.l.bf16.f32 v19;
	v4 =	vld.idx.msk [tilespmem:v27+s2+$0x0], $0xffff  }
0x1b5: {  	v25 =	vunpack.i.l.bf16.f32 v25;
	v11 =	vadd.f32 v6, v11;
	v6 =	vunpack.i.l.bf16.f32 v7;
	v20 =	vld.idx.msk [tilespmem:v20+s2+$0x0], $0xffff  }
0x1b6: {  	v7 =	vunpack.i.l.bf16.f32 v3;
	v10 =	vadd.f32 v6, v10;
	v15 =	vunpack.i.u.bf16.f32 v31;
	v3 =	vld.idx.msk [tilespmem:v21+s2+$0x0], $0xffff  }
.Ltmp5:
0x1b7: {  	v9 =	vadd.f32 v7, v9;
	v6 =	vld.idx.msk [tilespmem:v23+s2+$0x0], $0xffff;
	v23 =	vunpack.i.u.bf16.f32 v33;
	v33 =	vunpack.i.l.bf16.f32 v33;
	(pc) =	sbr.rel @p1 .LBB2_13-.Ltmp5, $4  }
0x1b8: {  	v11 =	vadd.f32 v15, v11;
	v10 =	vadd.f32 v13, v10;
	v19 =	vld.idx.msk [tilespmem:v24+s2+$0x0], $0xffff;
	v24 =	vunpack.i.l.bf16.f32 v31  }
0x1b9: {  	v21 =	vunpack.i.u.bf16.f32 v16;
	v22 =	vadd.f32 v23, v22;
	v7 =	vld.idx.msk [tilespmem:v30+s2+$0x0], $0xffff;
	v9 =	vadd.f32 v24, v9  }
0x1ba: {  	v13 =	vadd.s32 $0x9312, v27;
	v11 =	vadd.f32 v32, v11;
	v24 =	vadd.f32 v33, v26  }
0x1bb: {  	v23 =	vadd.f32 v29, v28;
	v15 =	vunpack.i.l.bf16.f32 v20;
	v9 =	vadd.f32 v25, v9  }
0x1bc: {  	_ = 	snop  }
0x1bd: {  	v16 =	vunpack.i.l.bf16.f32 v16  }
0x1be: {  	v20 =	vunpack.i.u.bf16.f32 v20;
	v18 =	vadd.f32 v18, v24;
	v17 =	vadd.f32 v17, v22  }
0x1bf: {  	v22 =	vunpack.i.u.bf16.f32 v14;
	v14 =	vunpack.i.l.bf16.f32 v14;
	v8 =	vadd.f32 v21, v8  }
0x1c0: {  	v12 =	vld.idx.msk [tilespmem:v12+s2+$0x0], $0xffff;
	v10 =	vadd.f32 v15, v10;
	v20 =	vadd.f32 v20, v23;
	v23 =	vunpack.i.l.bf16.f32 v4  }
0x1c1: {  	v5 =	vadd.f32 v16, v5;
	v4 =	vunpack.i.u.bf16.f32 v4;
	v14 =	vadd.f32 v14, v18  }
0x1c2: {  	v16 =	vunpack.i.u.bf16.f32 v7;
	v18 =	vunpack.i.l.bf16.f32 v19;
	v17 =	vadd.f32 v22, v17  }
0x1c3: {  	v1 =	vld.idx.msk [tilespmem:v1+s2+$0x0], $0xffff;
	v19 =	vunpack.i.u.bf16.f32 v19;
	v7 =	vunpack.i.l.bf16.f32 v7;
	v5 =	vadd.f32 v18, v5  }
0x1c4: {  	v0 =	vld.idx.msk [tilespmem:v0+s2+$0x0], $0xffff;
	v16 =	vadd.f32 v16, v20;
	v18 =	vunpack.i.u.bf16.f32 v6;
	v8 =	vadd.f32 v19, v8  }
0x1c5: {  	v6 =	vunpack.i.l.bf16.f32 v6;
	v7 =	vadd.f32 v7, v10;
	v19 =	vunpack.i.u.bf16.f32 v12  }
0x1c6: {  	v2 =	vld.idx.msk [tilespmem:v2+s2+$0x0], $0xffff;
	v5 =	vadd.f32 v23, v5;
	v4 =	vadd.f32 v4, v8;
	v8 =	vunpack.i.l.bf16.f32 v3  }
0x1c7: {  	v3 =	vunpack.i.u.bf16.f32 v3;
	v12 =	vunpack.i.l.bf16.f32 v12;
	v8 =	vadd.f32 v8, v9  }
0x1c8: {  	v3 =	vadd.f32 v3, v11;
	v9 =	vunpack.i.l.bf16.f32 v1;
	v11 =	vld.idx.msk [tilespmem:v13+s2+$0x0], $0xffff;
	v1 =	vunpack.i.u.bf16.f32 v1  }
0x1c9: {  	[tilespmem:$0x15D50] =	vst v4;
	v4 =	vadd.f32 v6, v7;
	v8 =	vadd.f32 v9, v8;
	v9 =	vunpack.i.l.bf16.f32 v0  }
0x1ca: {  	v1 =	vadd.f32 v1, v3;
	v0 =	vunpack.i.u.bf16.f32 v0;
	v3 =	vadd.f32 v9, v14  }
0x1cb: {  	[tilespmem:$0x15CD0] =	vst v5;
	v5 =	vunpack.i.l.bf16.f32 v2;
	v0 =	vadd.f32 v0, v17;
	v8 =	vadd.f32 v12, v8  }
0x1cc: {  	v2 =	vunpack.i.u.bf16.f32 v2;
	[tilespmem:$0x15ED0] =	vst v4;
	v1 =	vadd.f32 v19, v1;
	v3 =	vadd.f32 v5, v3  }
0x1cd: {  	v5 =	vadd.f32 v18, v16;
	v0 =	vadd.f32 v2, v0;
	v2 =	vunpack.i.l.bf16.f32 v11;
	[tilespmem:$0x15DD0] =	vst v8  }
0x1ce: {  	[tilespmem:$0x15E50] =	vst v1;
	v1 =	vunpack.i.u.bf16.f32 v11;
	v2 =	vadd.f32 v2, v3  }
0x1cf: {  	v0 =	vadd.f32 v1, v0;
	[tilespmem:$0x15F50] =	vst v5  }
0x1d0: {  	[tilespmem:$0x15FD0] =	vst v2  }
0x1d1: {  	s29 =	simm.s32 $0xFFFFB500;
	[tilespmem:$0x16050] =	vst v0  }
0x1d2: {  	v0 =	vld [tilespmem:s29+$0x10FE0]  }
0x1d3: {  	v1 =	vld [tilespmem:s29+$0x110E0]  }
0x1d4: {  	v2 =	vld [tilespmem:s29+$0x11060];
	_ =	sdelay $0x1  }
0x1d5: {  	s29 =	simm.s32 $0xFFFFB680  }
0x1d6: {  	v15 =	vld [tilespmem:s29+$0x10FE0]  }
0x1d7: {  	v19 =	vld [tilespmem:s29+$0x11060];
	v3 =	vadd.s32 $0x620C, v0  }
0x1d8: {  	v23 =	vld [tilespmem:s29+$0x110E0];
	v4 =	vadd.s32 $0x620C, v1  }
0x1d9: {  	v5 =	vadd.s32 $0x620C, v2;
	v6 =	vld.idx.msk [tilespmem:v0+s2+$0x0], $0xffff  }
0x1da: {  	v7 =	vadd.s32 $0x3106, v1;
	v8 =	vld.idx.msk [tilespmem:v1+s2+$0x0], $0xffff  }
0x1db: {  	v12 =	vadd.s32 $0x3106, v2;
	v10 =	vld.idx.msk [tilespmem:v2+s2+$0x0], $0xffff  }
0x1dc: {  	v3 =	vld.idx.msk [tilespmem:v3+s2+$0x0], $0xffff  }
0x1dd: {  	v11 =	vimm.f32 $0.0e+00;
	v4 =	vld.idx.msk [tilespmem:v4+s2+$0x0], $0xffff  }
0x1de: {  	v13 =	vadd.s32 $0x9312, v0;
	v14 =	vadd.s32 $0x9312, v1;
	v9 =	vld.idx.msk [tilespmem:v5+s2+$0x0], $0xffff;
	v5 =	vadd.s32 $0x3106, v0  }
0x1df: {  	v22 =	vadd.s32 $0x3106, v15;
	v20 =	vadd.s32 $0x620C, v15;
	v0 =	vadd.s32 $0x9312, v2;
	v7 =	vld.idx.msk [tilespmem:v7+s2+$0x0], $0xffff  }
0x1e0: {  	v27 =	vadd.s32 $0x620C, v19;
	v24 =	vld.idx.msk [tilespmem:v12+s2+$0x0], $0xffff;
	v12 =	vadd.s32 $0x3106, v23;
	v2 =	vunpack.i.u.bf16.f32 v6  }
0x1e1: {  	v6 =	vunpack.i.l.bf16.f32 v6;
	v16 =	vunpack.i.l.bf16.f32 v8;
	v18 =	vunpack.i.l.bf16.f32 v10  }
0x1e2: {  	v8 =	vunpack.i.u.bf16.f32 v8;
	v6 =	vadd.f32 v6, v11;
	v2 =	vadd.f32 v2, v11  }
0x1e3: {  	v1 =	vunpack.i.u.bf16.f32 v3;
	v3 =	vunpack.i.l.bf16.f32 v3;
	v17 =	vunpack.i.u.bf16.f32 v9;
	v21 =	vld.idx.msk [tilespmem:v5+s2+$0x0], $0xffff  }
0x1e4: {  	v5 =	vunpack.i.u.bf16.f32 v10;
	v26 =	vunpack.i.u.bf16.f32 v4;
	v10 =	vld.idx.msk [tilespmem:v0+s2+$0x0], $0xffff;
	v1 =	vadd.f32 v1, v11  }
0x1e5: {  	v0 =	vadd.s32 $0x9312, v15;
	v28 =	vunpack.i.u.bf16.f32 v7;
	v6 =	vadd.f32 v18, v6  }
0x1e6: {  	v29 =	vunpack.i.l.bf16.f32 v4;
	v3 =	vadd.f32 v3, v11;
	v25 =	vadd.f32 v17, v1  }
0x1e7: {  	v1 =	vadd.s32 $0x3106, v19;
	v17 =	vadd.f32 v5, v2;
	v5 =	vadd.f32 v16, v6;
	v6 =	vld.idx.msk [tilespmem:v13+s2+$0x0], $0xffff  }
0x1e8: {  	v13 =	vadd.s32 $0x620C, v23;
	v16 =	vld.idx.msk [tilespmem:v15+s2+$0x0], $0xffff;
	v15 =	vunpack.i.u.bf16.f32 v24;
	v24 =	vunpack.i.l.bf16.f32 v24  }
0x1e9: {  	v8 =	vadd.f32 v8, v17;
	v4 =	vunpack.i.u.bf16.f32 v21;
	v17 =	vunpack.i.u.bf16.f32 v10  }
0x1ea: {  	v14 =	vld.idx.msk [tilespmem:v14+s2+$0x0], $0xffff;
	v18 =	vunpack.i.l.bf16.f32 v10;
	v10 =	vadd.f32 v4, v11;
	v4 =	vunpack.i.l.bf16.f32 v9  }
0x1eb: {  	v20 =	vld.idx.msk [tilespmem:v20+s2+$0x0], $0xffff;
	v9 =	vunpack.i.l.bf16.f32 v7;
	v7 =	vunpack.i.l.bf16.f32 v21;
	v21 =	vadd.f32 v4, v3  }
0x1ec: {  	v4 =	vld.idx.msk [tilespmem:v23+s2+$0x0], $0xffff;
	v7 =	vadd.f32 v7, v11;
	v30 =	vunpack.i.u.bf16.f32 v6;
	v31 =	vunpack.i.l.bf16.f32 v6  }
0x1ed: {  	v15 =	vadd.f32 v15, v10;
	v6 =	vld.idx.msk [tilespmem:v13+s2+$0x0], $0xffff;
	v13 =	vadd.s32 $0x9312, v23;
	v23 =	vadd.f32 v26, v25  }
0x1ee: {  	v2 =	vadd.s32 $0x9312, v19;
	v3 =	vld.idx.msk [tilespmem:v22+s2+$0x0], $0xffff;
	v10 =	vadd.f32 v29, v21;
	v63 =	vadd.f32 v24, v7  }
0x1ef: {  	v21 =	vunpack.i.u.bf16.f32 v16;
	v22 =	vadd.f32 v30, v11;
	v24 =	vadd.f32 v31, v11;
	v7 =	vld.idx.msk [tilespmem:v27+s2+$0x0], $0xffff  }
0x1f0: {  	s29 =	simm.s32 $0xFFFEE000;
	v19 =	vld.idx.msk [tilespmem:v19+s2+$0x0], $0xffff;
	v11 =	vadd.f32 v28, v15;
	v15 =	vunpack.i.l.bf16.f32 v20;
	v9 =	vadd.f32 v9, v63  }
.LBB2_15:
0x1f1: {  	s30 =	sshra.s32 s29, $0x2;
	p1 =	sne.s32 s29, $0xFFFFFA00;
	s29 =	sadd.s32 $0x600, s29;
	v16 =	vunpack.i.l.bf16.f32 v16;
	v20 =	vunpack.i.u.bf16.f32 v20;
	v25 =	vld.idx.msk [tilespmem:v12+s2+$0x0], $0xffff;
	v12 =	vadd.f32 v18, v24  }
0x1f2: {  	v17 =	vadd.f32 v17, v22;
	v22 =	vunpack.i.u.bf16.f32 v14;
	v14 =	vunpack.i.l.bf16.f32 v14;
	v18 =	vld [tilespmem:s30+$0x10FE0]  }
0x1f3: {  	v20 =	vadd.f32 v20, v23;
	v23 =	vunpack.i.l.bf16.f32 v4;
	v24 =	vld [tilespmem:s30+$0x11060];
	v26 =	vadd.f32 v14, v12  }
0x1f4: {  	v5 =	vadd.f32 v16, v5;
	v12 =	vunpack.i.u.bf16.f32 v7;
	v22 =	vadd.f32 v22, v17;
	v27 =	vld [tilespmem:s30+$0x110E0]  }
0x1f5: {  	v8 =	vadd.f32 v21, v8;
	v14 =	vunpack.i.l.bf16.f32 v19;
	v28 =	vadd.f32 v12, v20  }
0x1f6: {  	v29 =	vunpack.i.u.bf16.f32 v6;
	v16 =	vunpack.i.u.bf16.f32 v19;
	v5 =	vadd.f32 v14, v5;
	v19 =	vld.idx.msk [tilespmem:v2+s2+$0x0], $0xffff  }
0x1f7: {  	v21 =	vadd.s32 $0x3106, v18;
	v20 =	vadd.s32 $0x620C, v18;
	v2 =	vadd.s32 $0x9312, v18  }
0x1f8: {  	v32 =	vunpack.i.u.bf16.f32 v25;
	v30 =	vadd.s32 $0x620C, v24;
	v31 =	vld.idx.msk [tilespmem:v1+s2+$0x0], $0xffff;
	v1 =	vadd.s32 $0x3106, v24  }
0x1f9: {  	v8 =	vadd.f32 v16, v8;
	v5 =	vadd.f32 v23, v5;
	v12 =	vadd.s32 $0x3106, v27;
	v33 =	vld.idx.msk [tilespmem:v0+s2+$0x0], $0xffff;
	v0 =	vmovc v2  }
0x1fa: {  	v4 =	vunpack.i.u.bf16.f32 v4;
	v2 =	vadd.s32 $0x9312, v24;
	v23 =	vadd.s32 $0x620C, v27;
	v14 =	vld.idx.msk [tilespmem:v13+s2+$0x0], $0xffff  }
0x1fb: {  	v10 =	vadd.f32 v15, v10;
	v8 =	vadd.f32 v4, v8;
	v13 =	vunpack.i.l.bf16.f32 v6;
	v16 =	vld.idx.msk [tilespmem:v18+s2+$0x0], $0xffff  }
0x1fc: {  	v6 =	vunpack.i.u.bf16.f32 v3;
	v17 =	vunpack.i.u.bf16.f32 v19;
	v18 =	vunpack.i.l.bf16.f32 v19;
	v4 =	vld.idx.msk [tilespmem:v27+s2+$0x0], $0xffff  }
0x1fd: {  	v25 =	vunpack.i.l.bf16.f32 v25;
	v11 =	vadd.f32 v6, v11;
	v6 =	vunpack.i.l.bf16.f32 v7;
	v20 =	vld.idx.msk [tilespmem:v20+s2+$0x0], $0xffff  }
0x1fe: {  	v7 =	vunpack.i.l.bf16.f32 v3;
	v10 =	vadd.f32 v6, v10;
	v15 =	vunpack.i.u.bf16.f32 v31;
	v3 =	vld.idx.msk [tilespmem:v21+s2+$0x0], $0xffff  }
.Ltmp6:
0x1ff: {  	v9 =	vadd.f32 v7, v9;
	v6 =	vld.idx.msk [tilespmem:v23+s2+$0x0], $0xffff;
	v23 =	vunpack.i.u.bf16.f32 v33;
	v33 =	vunpack.i.l.bf16.f32 v33;
	(pc) =	sbr.rel @p1 .LBB2_15-.Ltmp6, $4  }
0x200: {  	v11 =	vadd.f32 v15, v11;
	v10 =	vadd.f32 v13, v10;
	v19 =	vld.idx.msk [tilespmem:v24+s2+$0x0], $0xffff;
	v24 =	vunpack.i.l.bf16.f32 v31  }
0x201: {  	v21 =	vunpack.i.u.bf16.f32 v16;
	v22 =	vadd.f32 v23, v22;
	v7 =	vld.idx.msk [tilespmem:v30+s2+$0x0], $0xffff;
	v9 =	vadd.f32 v24, v9  }
0x202: {  	v13 =	vadd.s32 $0x9312, v27;
	v11 =	vadd.f32 v32, v11;
	v24 =	vadd.f32 v33, v26  }
0x203: {  	v23 =	vadd.f32 v29, v28;
	v15 =	vunpack.i.l.bf16.f32 v20;
	v9 =	vadd.f32 v25, v9  }
0x204: {  	_ = 	snop  }
0x205: {  	v16 =	vunpack.i.l.bf16.f32 v16  }
0x206: {  	v20 =	vunpack.i.u.bf16.f32 v20;
	v18 =	vadd.f32 v18, v24;
	v17 =	vadd.f32 v17, v22  }
0x207: {  	v22 =	vunpack.i.u.bf16.f32 v14;
	v14 =	vunpack.i.l.bf16.f32 v14;
	v8 =	vadd.f32 v21, v8  }
0x208: {  	v12 =	vld.idx.msk [tilespmem:v12+s2+$0x0], $0xffff;
	v10 =	vadd.f32 v15, v10;
	v20 =	vadd.f32 v20, v23;
	v23 =	vunpack.i.l.bf16.f32 v4  }
0x209: {  	v5 =	vadd.f32 v16, v5;
	v4 =	vunpack.i.u.bf16.f32 v4;
	v14 =	vadd.f32 v14, v18  }
0x20a: {  	v16 =	vunpack.i.u.bf16.f32 v7;
	v18 =	vunpack.i.l.bf16.f32 v19;
	v17 =	vadd.f32 v22, v17  }
0x20b: {  	v1 =	vld.idx.msk [tilespmem:v1+s2+$0x0], $0xffff;
	v19 =	vunpack.i.u.bf16.f32 v19;
	v7 =	vunpack.i.l.bf16.f32 v7;
	v5 =	vadd.f32 v18, v5  }
0x20c: {  	v0 =	vld.idx.msk [tilespmem:v0+s2+$0x0], $0xffff;
	v16 =	vadd.f32 v16, v20;
	v18 =	vunpack.i.u.bf16.f32 v6;
	v8 =	vadd.f32 v19, v8  }
0x20d: {  	v6 =	vunpack.i.l.bf16.f32 v6;
	v7 =	vadd.f32 v7, v10;
	v19 =	vunpack.i.u.bf16.f32 v12  }
0x20e: {  	v2 =	vld.idx.msk [tilespmem:v2+s2+$0x0], $0xffff;
	v5 =	vadd.f32 v23, v5;
	v4 =	vadd.f32 v4, v8;
	v8 =	vunpack.i.l.bf16.f32 v3  }
0x20f: {  	v3 =	vunpack.i.u.bf16.f32 v3;
	v12 =	vunpack.i.l.bf16.f32 v12;
	v8 =	vadd.f32 v8, v9  }
0x210: {  	v3 =	vadd.f32 v3, v11;
	v9 =	vunpack.i.l.bf16.f32 v1;
	v11 =	vld.idx.msk [tilespmem:v13+s2+$0x0], $0xffff;
	v1 =	vunpack.i.u.bf16.f32 v1  }
0x211: {  	[tilespmem:$0x15D60] =	vst v4;
	v4 =	vadd.f32 v6, v7;
	v8 =	vadd.f32 v9, v8;
	v9 =	vunpack.i.l.bf16.f32 v0  }
0x212: {  	v1 =	vadd.f32 v1, v3;
	v0 =	vunpack.i.u.bf16.f32 v0;
	v3 =	vadd.f32 v9, v14  }
0x213: {  	[tilespmem:$0x15CE0] =	vst v5;
	v5 =	vunpack.i.l.bf16.f32 v2;
	v0 =	vadd.f32 v0, v17;
	v8 =	vadd.f32 v12, v8  }
0x214: {  	v2 =	vunpack.i.u.bf16.f32 v2;
	[tilespmem:$0x15EE0] =	vst v4;
	v1 =	vadd.f32 v19, v1;
	v3 =	vadd.f32 v5, v3  }
0x215: {  	v5 =	vadd.f32 v18, v16;
	v0 =	vadd.f32 v2, v0;
	v2 =	vunpack.i.l.bf16.f32 v11;
	[tilespmem:$0x15DE0] =	vst v8  }
0x216: {  	[tilespmem:$0x15E60] =	vst v1;
	v1 =	vunpack.i.u.bf16.f32 v11;
	v2 =	vadd.f32 v2, v3  }
0x217: {  	v0 =	vadd.f32 v1, v0;
	[tilespmem:$0x15F60] =	vst v5  }
0x218: {  	[tilespmem:$0x15FE0] =	vst v2  }
0x219: {  	s29 =	simm.s32 $0xFFFFB500;
	[tilespmem:$0x16060] =	vst v0  }
0x21a: {  	v0 =	vld [tilespmem:s29+$0x10FF0]  }
0x21b: {  	v1 =	vld [tilespmem:s29+$0x110F0]  }
0x21c: {  	v2 =	vld [tilespmem:s29+$0x11070];
	_ =	sdelay $0x1  }
0x21d: {  	s29 =	simm.s32 $0xFFFFB680  }
0x21e: {  	v15 =	vld [tilespmem:s29+$0x10FF0]  }
0x21f: {  	v19 =	vld [tilespmem:s29+$0x11070];
	v3 =	vadd.s32 $0x620C, v0  }
0x220: {  	v23 =	vld [tilespmem:s29+$0x110F0];
	v4 =	vadd.s32 $0x620C, v1  }
0x221: {  	v5 =	vadd.s32 $0x620C, v2;
	v6 =	vld.idx.msk [tilespmem:v0+s2+$0x0], $0xffff  }
0x222: {  	v7 =	vadd.s32 $0x3106, v1;
	v8 =	vld.idx.msk [tilespmem:v1+s2+$0x0], $0xffff  }
0x223: {  	v12 =	vadd.s32 $0x3106, v2;
	v10 =	vld.idx.msk [tilespmem:v2+s2+$0x0], $0xffff  }
0x224: {  	v3 =	vld.idx.msk [tilespmem:v3+s2+$0x0], $0xffff  }
0x225: {  	v11 =	vimm.f32 $0.0e+00;
	v4 =	vld.idx.msk [tilespmem:v4+s2+$0x0], $0xffff  }
0x226: {  	v13 =	vadd.s32 $0x9312, v0;
	v14 =	vadd.s32 $0x9312, v1;
	v9 =	vld.idx.msk [tilespmem:v5+s2+$0x0], $0xffff;
	v5 =	vadd.s32 $0x3106, v0  }
0x227: {  	v22 =	vadd.s32 $0x3106, v15;
	v20 =	vadd.s32 $0x620C, v15;
	v0 =	vadd.s32 $0x9312, v2;
	v7 =	vld.idx.msk [tilespmem:v7+s2+$0x0], $0xffff  }
0x228: {  	v27 =	vadd.s32 $0x620C, v19;
	v24 =	vld.idx.msk [tilespmem:v12+s2+$0x0], $0xffff;
	v12 =	vadd.s32 $0x3106, v23;
	v2 =	vunpack.i.u.bf16.f32 v6  }
0x229: {  	v6 =	vunpack.i.l.bf16.f32 v6;
	v16 =	vunpack.i.l.bf16.f32 v8;
	v18 =	vunpack.i.l.bf16.f32 v10  }
0x22a: {  	v8 =	vunpack.i.u.bf16.f32 v8;
	v6 =	vadd.f32 v6, v11;
	v2 =	vadd.f32 v2, v11  }
0x22b: {  	v1 =	vunpack.i.u.bf16.f32 v3;
	v3 =	vunpack.i.l.bf16.f32 v3;
	v17 =	vunpack.i.u.bf16.f32 v9;
	v21 =	vld.idx.msk [tilespmem:v5+s2+$0x0], $0xffff  }
0x22c: {  	v5 =	vunpack.i.u.bf16.f32 v10;
	v26 =	vunpack.i.u.bf16.f32 v4;
	v10 =	vld.idx.msk [tilespmem:v0+s2+$0x0], $0xffff;
	v1 =	vadd.f32 v1, v11  }
0x22d: {  	v0 =	vadd.s32 $0x9312, v15;
	v28 =	vunpack.i.u.bf16.f32 v7;
	v6 =	vadd.f32 v18, v6  }
0x22e: {  	v29 =	vunpack.i.l.bf16.f32 v4;
	v3 =	vadd.f32 v3, v11;
	v25 =	vadd.f32 v17, v1  }
0x22f: {  	v1 =	vadd.s32 $0x3106, v19;
	v17 =	vadd.f32 v5, v2;
	v5 =	vadd.f32 v16, v6;
	v6 =	vld.idx.msk [tilespmem:v13+s2+$0x0], $0xffff  }
0x230: {  	v13 =	vadd.s32 $0x620C, v23;
	v16 =	vld.idx.msk [tilespmem:v15+s2+$0x0], $0xffff;
	v15 =	vunpack.i.u.bf16.f32 v24;
	v24 =	vunpack.i.l.bf16.f32 v24  }
0x231: {  	v8 =	vadd.f32 v8, v17;
	v4 =	vunpack.i.u.bf16.f32 v21;
	v17 =	vunpack.i.u.bf16.f32 v10  }
0x232: {  	v14 =	vld.idx.msk [tilespmem:v14+s2+$0x0], $0xffff;
	v18 =	vunpack.i.l.bf16.f32 v10;
	v10 =	vadd.f32 v4, v11;
	v4 =	vunpack.i.l.bf16.f32 v9  }
0x233: {  	v20 =	vld.idx.msk [tilespmem:v20+s2+$0x0], $0xffff;
	v9 =	vunpack.i.l.bf16.f32 v7;
	v7 =	vunpack.i.l.bf16.f32 v21;
	v21 =	vadd.f32 v4, v3  }
0x234: {  	v4 =	vld.idx.msk [tilespmem:v23+s2+$0x0], $0xffff;
	v7 =	vadd.f32 v7, v11;
	v30 =	vunpack.i.u.bf16.f32 v6;
	v31 =	vunpack.i.l.bf16.f32 v6  }
0x235: {  	v15 =	vadd.f32 v15, v10;
	v6 =	vld.idx.msk [tilespmem:v13+s2+$0x0], $0xffff;
	v13 =	vadd.s32 $0x9312, v23;
	v23 =	vadd.f32 v26, v25  }
0x236: {  	v2 =	vadd.s32 $0x9312, v19;
	v3 =	vld.idx.msk [tilespmem:v22+s2+$0x0], $0xffff;
	v10 =	vadd.f32 v29, v21;
	v63 =	vadd.f32 v24, v7  }
0x237: {  	v21 =	vunpack.i.u.bf16.f32 v16;
	v22 =	vadd.f32 v30, v11;
	v24 =	vadd.f32 v31, v11;
	v7 =	vld.idx.msk [tilespmem:v27+s2+$0x0], $0xffff  }
0x238: {  	s29 =	simm.s32 $0xFFFEE000;
	v19 =	vld.idx.msk [tilespmem:v19+s2+$0x0], $0xffff;
	v11 =	vadd.f32 v28, v15;
	v15 =	vunpack.i.l.bf16.f32 v20;
	v9 =	vadd.f32 v9, v63  }
.LBB2_17:
0x239: {  	s30 =	sshra.s32 s29, $0x2;
	p1 =	sne.s32 s29, $0xFFFFFA00;
	s29 =	sadd.s32 $0x600, s29;
	v16 =	vunpack.i.l.bf16.f32 v16;
	v20 =	vunpack.i.u.bf16.f32 v20;
	v25 =	vld.idx.msk [tilespmem:v12+s2+$0x0], $0xffff;
	v12 =	vadd.f32 v18, v24  }
0x23a: {  	v17 =	vadd.f32 v17, v22;
	v22 =	vunpack.i.u.bf16.f32 v14;
	v14 =	vunpack.i.l.bf16.f32 v14;
	v18 =	vld [tilespmem:s30+$0x10FF0]  }
0x23b: {  	v20 =	vadd.f32 v20, v23;
	v23 =	vunpack.i.l.bf16.f32 v4;
	v24 =	vld [tilespmem:s30+$0x11070];
	v26 =	vadd.f32 v14, v12  }
0x23c: {  	v5 =	vadd.f32 v16, v5;
	v12 =	vunpack.i.u.bf16.f32 v7;
	v22 =	vadd.f32 v22, v17;
	v27 =	vld [tilespmem:s30+$0x110F0]  }
0x23d: {  	v8 =	vadd.f32 v21, v8;
	v14 =	vunpack.i.l.bf16.f32 v19;
	v28 =	vadd.f32 v12, v20  }
0x23e: {  	v29 =	vunpack.i.u.bf16.f32 v6;
	v16 =	vunpack.i.u.bf16.f32 v19;
	v5 =	vadd.f32 v14, v5;
	v19 =	vld.idx.msk [tilespmem:v2+s2+$0x0], $0xffff  }
0x23f: {  	v21 =	vadd.s32 $0x3106, v18;
	v20 =	vadd.s32 $0x620C, v18;
	v2 =	vadd.s32 $0x9312, v18  }
0x240: {  	v32 =	vunpack.i.u.bf16.f32 v25;
	v30 =	vadd.s32 $0x620C, v24;
	v31 =	vld.idx.msk [tilespmem:v1+s2+$0x0], $0xffff;
	v1 =	vadd.s32 $0x3106, v24  }
0x241: {  	v8 =	vadd.f32 v16, v8;
	v5 =	vadd.f32 v23, v5;
	v12 =	vadd.s32 $0x3106, v27;
	v33 =	vld.idx.msk [tilespmem:v0+s2+$0x0], $0xffff;
	v0 =	vmovc v2  }
0x242: {  	v4 =	vunpack.i.u.bf16.f32 v4;
	v2 =	vadd.s32 $0x9312, v24;
	v23 =	vadd.s32 $0x620C, v27;
	v14 =	vld.idx.msk [tilespmem:v13+s2+$0x0], $0xffff  }
0x243: {  	v10 =	vadd.f32 v15, v10;
	v8 =	vadd.f32 v4, v8;
	v13 =	vunpack.i.l.bf16.f32 v6;
	v16 =	vld.idx.msk [tilespmem:v18+s2+$0x0], $0xffff  }
0x244: {  	v6 =	vunpack.i.u.bf16.f32 v3;
	v17 =	vunpack.i.u.bf16.f32 v19;
	v18 =	vunpack.i.l.bf16.f32 v19;
	v4 =	vld.idx.msk [tilespmem:v27+s2+$0x0], $0xffff  }
0x245: {  	v25 =	vunpack.i.l.bf16.f32 v25;
	v11 =	vadd.f32 v6, v11;
	v6 =	vunpack.i.l.bf16.f32 v7;
	v20 =	vld.idx.msk [tilespmem:v20+s2+$0x0], $0xffff  }
0x246: {  	v7 =	vunpack.i.l.bf16.f32 v3;
	v10 =	vadd.f32 v6, v10;
	v15 =	vunpack.i.u.bf16.f32 v31;
	v3 =	vld.idx.msk [tilespmem:v21+s2+$0x0], $0xffff  }
.Ltmp7:
0x247: {  	v9 =	vadd.f32 v7, v9;
	v6 =	vld.idx.msk [tilespmem:v23+s2+$0x0], $0xffff;
	v23 =	vunpack.i.u.bf16.f32 v33;
	v33 =	vunpack.i.l.bf16.f32 v33;
	(pc) =	sbr.rel @p1 .LBB2_17-.Ltmp7, $4  }
0x248: {  	v11 =	vadd.f32 v15, v11;
	v10 =	vadd.f32 v13, v10;
	v19 =	vld.idx.msk [tilespmem:v24+s2+$0x0], $0xffff;
	v24 =	vunpack.i.l.bf16.f32 v31  }
0x249: {  	v21 =	vunpack.i.u.bf16.f32 v16;
	v22 =	vadd.f32 v23, v22;
	v7 =	vld.idx.msk [tilespmem:v30+s2+$0x0], $0xffff;
	v9 =	vadd.f32 v24, v9  }
0x24a: {  	v13 =	vadd.s32 $0x9312, v27;
	v11 =	vadd.f32 v32, v11;
	v24 =	vadd.f32 v33, v26  }
0x24b: {  	v23 =	vadd.f32 v29, v28;
	v15 =	vunpack.i.l.bf16.f32 v20;
	v9 =	vadd.f32 v25, v9  }
0x24c: {  	v16 =	vunpack.i.l.bf16.f32 v16  }
0x24d: {  	v20 =	vunpack.i.u.bf16.f32 v20;
	v18 =	vadd.f32 v18, v24;
	v17 =	vadd.f32 v17, v22  }
0x24e: {  	v42 =	vunpack.i.u.bf16.f32 v14;
	v43 =	vunpack.i.l.bf16.f32 v14;
	v44 =	vunpack.i.l.bf16.f32 v4  }
0x24f: {  	v8 =	vadd.f32 v21, v8;
	v48 =	vunpack.i.u.bf16.f32 v6;
	v50 =	vunpack.i.u.bf16.f32 v4  }
0x250: {  	v10 =	vadd.f32 v15, v10;
	v51 =	vunpack.i.l.bf16.f32 v3;
	v53 =	vunpack.i.u.bf16.f32 v3  }
0x251: {  	v12 =	vld.idx.msk [tilespmem:v12+s2+$0x0], $0xffff;
	v20 =	vadd.f32 v20, v23;
	v5 =	vadd.f32 v16, v5;
	v46 =	vunpack.i.l.bf16.f32 v19  }
0x252: {  	v1 =	vld.idx.msk [tilespmem:v1+s2+$0x0], $0xffff;
	v47 =	vunpack.i.u.bf16.f32 v19;
	v3 =	vadd.f32 v53, v11;
	v14 =	vadd.f32 v43, v18  }
0x253: {  	v0 =	vld.idx.msk [tilespmem:v0+s2+$0x0], $0xffff;
	v45 =	vunpack.i.u.bf16.f32 v7;
	v17 =	vadd.f32 v42, v17;
	v8 =	vadd.f32 v47, v8  }
0x254: {  	v54 =	vunpack.i.l.bf16.f32 v7;
	v5 =	vadd.f32 v46, v5;
	v16 =	vadd.f32 v45, v20  }
0x255: {  	v2 =	vld.idx.msk [tilespmem:v2+s2+$0x0], $0xffff;
	v52 =	vunpack.i.l.bf16.f32 v6;
	v7 =	vadd.f32 v54, v10;
	v4 =	vadd.f32 v50, v8  }
0x256: {  	v8 =	vadd.f32 v51, v9;
	v49 =	vunpack.i.u.bf16.f32 v12;
	v5 =	vadd.f32 v44, v5  }
0x257: {  	v56 =	vld.idx.msk [tilespmem:v13+s2+$0x0], $0xffff;
	v55 =	vunpack.i.l.bf16.f32 v1;
	v12 =	vunpack.i.l.bf16.f32 v12;
	v1 =	vunpack.i.u.bf16.f32 v1  }
0x258: {  	v57 =	vunpack.i.l.bf16.f32 v0;
	v60 =	vadd.f32 v52, v7;
	v61 =	vadd.f32 v48, v16  }
0x259: {  	v0 =	vunpack.i.u.bf16.f32 v0;
	v8 =	vadd.f32 v55, v8;
	v58 =	vadd.f32 v57, v14;
	[tilespmem:$0x15D70] =	vst v4  }
0x25a: {  	v59 =	vunpack.i.l.bf16.f32 v2;
	v1 =	vadd.f32 v1, v3;
	v0 =	vadd.f32 v0, v17;
	[tilespmem:$0x15CF0] =	vst v5  }
0x25b: {  	v2 =	vunpack.i.u.bf16.f32 v2;
	[tilespmem:$0x15EF0] =	vst v60;
	v8 =	vadd.f32 v12, v8;
	v3 =	vadd.f32 v59, v58  }
0x25c: {  	p1 =	sne.s32 s24, $0x3F;
	v62 =	vunpack.i.l.bf16.f32 v56;
	[tilespmem:$0x15F70] =	vst v61;
	v1 =	vadd.f32 v49, v1;
	v0 =	vadd.f32 v2, v0  }
.Ltmp8:
0x25d: {  	v63 =	vunpack.i.u.bf16.f32 v56;
	[tilespmem:$0x15DF0] =	vst v8;
	v2 =	vadd.f32 v62, v3;
	(pc) =	sbr.rel @p1 .LBB2_20-.Ltmp8, $4  }
0x25e: {  	s26 =	sor.u32 s7, s26;
	[tilespmem:$0x15E70] =	vst v1;
	v0 =	vadd.f32 v63, v0  }
0x25f: {  	s26 =	sshrl.u32 s26, $0x3;
	[tilespmem:$0x15FF0] =	vst v2  }
0x260: {  	s26 =	sadd.s32 s4, s26;
	[tilespmem:$0x16070] =	vst v0  }
0x261: {  	[hbm4b:s26+s2] =	stream.linear.scatter [tilespmem:s18], [sflag:$0x3], $0x400, $0x38;
	[tilespmem:$0x16480] =	vst v63  }
.Ltmp9:
0x262: {  	(pc) =	sbr.rel .LBB2_21-.Ltmp9, $4  }
0x263: {  	_ = 	snop  }
0x264: {  	_ =	swait.ge [sflag:s19], $0x4B00  }
0x265: {  	[sflag:s19] =	ssyncset.done $0x0  }
0x266: {  	[sflag:s19] =	ssyncadd.s32 $0xFFFFB500  }
.LBB2_20:
0x267: {  	s26 =	sadd.s32 s28, s8  }
0x268: {  	[tilespmem:s13], [sflag:$0x1] =	stream.strided.gather [hbm4b:s26+s11], $0x4800, s12, s11, $0x38;
	[tilespmem:$0x16480] =	vst v63  }
.Ltmp10:
0x269: {  	s26 =	sadd.s32 $0x48000, s26;
	(pc) =	sbr.rel @p0 .LBB2_22-.Ltmp10, $4  }
0x26a: {  	[tilespmem:s14], [sflag:$0x1] =	stream.linear.gather [hbm4b:s26+s2], $0x300, $0x38;
	[tilespmem:$0x16480] =	vst v63  }
0x26b: {  	_ =	swait.ge [sflag:s19], $0x4B00  }
0x26c: {  	[sflag:s19] =	ssyncset.done $0x0  }
0x26d: {  	[sflag:s19] =	ssyncadd.s32 $0xFFFFB500  }
.LBB2_21:
0x26e: {  	_ =	swait.ge [sflag:s20], $0x400  }
0x26f: {  	[sflag:s20] =	ssyncset.done $0x0  }
0x270: {  	[sflag:s20] =	ssyncadd.s32 $0xFFFFFC00  }
.LBB2_22:
0x271: {  	s26 =	simm.s32 $0x0  }
0x272: {  	v0 =	vld [tilespmem:s26+$0x11080]  }
0x273: {  	v1 =	vld [tilespmem:s26+$0x11180]  }
0x274: {  	v2 =	vld [tilespmem:s26+$0x11100];
	_ =	sdelay $0x1  }
0x275: {  	s31 =	simm.s32 $0x180  }
0x276: {  	v15 =	vld [tilespmem:s31+$0x11080]  }
0x277: {  	v19 =	vld [tilespmem:s31+$0x11100];
	v3 =	vadd.s32 $0x620C, v0  }
0x278: {  	v23 =	vld [tilespmem:s31+$0x11180];
	v4 =	vadd.s32 $0x620C, v1  }
0x279: {  	v5 =	vadd.s32 $0x620C, v2;
	v6 =	vld.idx.msk [tilespmem:v0+s2+$0x0], $0xffff  }
0x27a: {  	v7 =	vadd.s32 $0x3106, v1;
	v8 =	vld.idx.msk [tilespmem:v1+s2+$0x0], $0xffff  }
0x27b: {  	v12 =	vadd.s32 $0x3106, v2;
	v10 =	vld.idx.msk [tilespmem:v2+s2+$0x0], $0xffff  }
0x27c: {  	v3 =	vld.idx.msk [tilespmem:v3+s2+$0x0], $0xffff  }
0x27d: {  	v11 =	vimm.f32 $0.0e+00;
	v4 =	vld.idx.msk [tilespmem:v4+s2+$0x0], $0xffff  }
0x27e: {  	v13 =	vadd.s32 $0x9312, v0;
	v14 =	vadd.s32 $0x9312, v1;
	v9 =	vld.idx.msk [tilespmem:v5+s2+$0x0], $0xffff;
	v5 =	vadd.s32 $0x3106, v0  }
0x27f: {  	v22 =	vadd.s32 $0x3106, v15;
	v20 =	vadd.s32 $0x620C, v15;
	v0 =	vadd.s32 $0x9312, v2;
	v7 =	vld.idx.msk [tilespmem:v7+s2+$0x0], $0xffff  }
0x280: {  	v27 =	vadd.s32 $0x620C, v19;
	v24 =	vld.idx.msk [tilespmem:v12+s2+$0x0], $0xffff;
	v12 =	vadd.s32 $0x3106, v23;
	v2 =	vunpack.i.u.bf16.f32 v6  }
0x281: {  	v6 =	vunpack.i.l.bf16.f32 v6;
	v16 =	vunpack.i.l.bf16.f32 v8;
	v18 =	vunpack.i.l.bf16.f32 v10  }
0x282: {  	v8 =	vunpack.i.u.bf16.f32 v8;
	v6 =	vadd.f32 v6, v11;
	v2 =	vadd.f32 v2, v11  }
0x283: {  	v1 =	vunpack.i.u.bf16.f32 v3;
	v3 =	vunpack.i.l.bf16.f32 v3;
	v17 =	vunpack.i.u.bf16.f32 v9;
	v21 =	vld.idx.msk [tilespmem:v5+s2+$0x0], $0xffff  }
0x284: {  	v5 =	vunpack.i.u.bf16.f32 v10;
	v26 =	vunpack.i.u.bf16.f32 v4;
	v10 =	vld.idx.msk [tilespmem:v0+s2+$0x0], $0xffff;
	v1 =	vadd.f32 v1, v11  }
0x285: {  	v0 =	vadd.s32 $0x9312, v15;
	v28 =	vunpack.i.u.bf16.f32 v7;
	v6 =	vadd.f32 v18, v6  }
0x286: {  	v29 =	vunpack.i.l.bf16.f32 v4;
	v3 =	vadd.f32 v3, v11;
	v25 =	vadd.f32 v17, v1  }
0x287: {  	v1 =	vadd.s32 $0x3106, v19;
	v17 =	vadd.f32 v5, v2;
	v5 =	vadd.f32 v16, v6;
	v6 =	vld.idx.msk [tilespmem:v13+s2+$0x0], $0xffff  }
0x288: {  	v13 =	vadd.s32 $0x620C, v23;
	v16 =	vld.idx.msk [tilespmem:v15+s2+$0x0], $0xffff;
	v15 =	vunpack.i.u.bf16.f32 v24;
	v24 =	vunpack.i.l.bf16.f32 v24  }
0x289: {  	v8 =	vadd.f32 v8, v17;
	v4 =	vunpack.i.u.bf16.f32 v21;
	v17 =	vunpack.i.u.bf16.f32 v10  }
0x28a: {  	v14 =	vld.idx.msk [tilespmem:v14+s2+$0x0], $0xffff;
	v18 =	vunpack.i.l.bf16.f32 v10;
	v10 =	vadd.f32 v4, v11;
	v4 =	vunpack.i.l.bf16.f32 v9  }
0x28b: {  	v20 =	vld.idx.msk [tilespmem:v20+s2+$0x0], $0xffff;
	v9 =	vunpack.i.l.bf16.f32 v7;
	v7 =	vunpack.i.l.bf16.f32 v21;
	v21 =	vadd.f32 v4, v3  }
0x28c: {  	v4 =	vld.idx.msk [tilespmem:v23+s2+$0x0], $0xffff;
	v7 =	vadd.f32 v7, v11;
	v30 =	vunpack.i.u.bf16.f32 v6;
	v31 =	vunpack.i.l.bf16.f32 v6  }
0x28d: {  	v15 =	vadd.f32 v15, v10;
	v6 =	vld.idx.msk [tilespmem:v13+s2+$0x0], $0xffff;
	v13 =	vadd.s32 $0x9312, v23;
	v23 =	vadd.f32 v26, v25  }
0x28e: {  	v2 =	vadd.s32 $0x9312, v19;
	v3 =	vld.idx.msk [tilespmem:v22+s2+$0x0], $0xffff;
	v10 =	vadd.f32 v29, v21;
	v63 =	vadd.f32 v24, v7  }
0x28f: {  	v21 =	vunpack.i.u.bf16.f32 v16;
	v22 =	vadd.f32 v30, v11;
	v24 =	vadd.f32 v31, v11;
	v7 =	vld.idx.msk [tilespmem:v27+s2+$0x0], $0xffff  }
0x290: {  	s26 =	simm.s32 $0xC00;
	v19 =	vld.idx.msk [tilespmem:v19+s2+$0x0], $0xffff;
	v11 =	vadd.f32 v28, v15;
	v15 =	vunpack.i.l.bf16.f32 v20;
	v9 =	vadd.f32 v9, v63  }
.LBB2_23:
0x291: {  	s28 =	sshra.s32 s26, $0x2;
	p0 =	sne.s32 s26, $0x12600;
	s26 =	sadd.s32 $0x600, s26;
	v16 =	vunpack.i.l.bf16.f32 v16;
	v20 =	vunpack.i.u.bf16.f32 v20;
	v25 =	vld.idx.msk [tilespmem:v12+s2+$0x0], $0xffff;
	v12 =	vadd.f32 v18, v24  }
0x292: {  	v17 =	vadd.f32 v17, v22;
	v22 =	vunpack.i.u.bf16.f32 v14;
	v14 =	vunpack.i.l.bf16.f32 v14;
	v18 =	vld [tilespmem:s28+$0x11080]  }
0x293: {  	v20 =	vadd.f32 v20, v23;
	v23 =	vunpack.i.l.bf16.f32 v4;
	v24 =	vld [tilespmem:s28+$0x11100];
	v26 =	vadd.f32 v14, v12  }
0x294: {  	v5 =	vadd.f32 v16, v5;
	v12 =	vunpack.i.u.bf16.f32 v7;
	v22 =	vadd.f32 v22, v17;
	v27 =	vld [tilespmem:s28+$0x11180]  }
0x295: {  	v8 =	vadd.f32 v21, v8;
	v14 =	vunpack.i.l.bf16.f32 v19;
	v28 =	vadd.f32 v12, v20  }
0x296: {  	v29 =	vunpack.i.u.bf16.f32 v6;
	v16 =	vunpack.i.u.bf16.f32 v19;
	v5 =	vadd.f32 v14, v5;
	v19 =	vld.idx.msk [tilespmem:v2+s2+$0x0], $0xffff  }
0x297: {  	v21 =	vadd.s32 $0x3106, v18;
	v20 =	vadd.s32 $0x620C, v18;
	v2 =	vadd.s32 $0x9312, v18  }
0x298: {  	v32 =	vunpack.i.u.bf16.f32 v25;
	v30 =	vadd.s32 $0x620C, v24;
	v31 =	vld.idx.msk [tilespmem:v1+s2+$0x0], $0xffff;
	v1 =	vadd.s32 $0x3106, v24  }
0x299: {  	v8 =	vadd.f32 v16, v8;
	v5 =	vadd.f32 v23, v5;
	v12 =	vadd.s32 $0x3106, v27;
	v33 =	vld.idx.msk [tilespmem:v0+s2+$0x0], $0xffff;
	v0 =	vmovc v2  }
0x29a: {  	v4 =	vunpack.i.u.bf16.f32 v4;
	v2 =	vadd.s32 $0x9312, v24;
	v23 =	vadd.s32 $0x620C, v27;
	v14 =	vld.idx.msk [tilespmem:v13+s2+$0x0], $0xffff  }
0x29b: {  	v10 =	vadd.f32 v15, v10;
	v8 =	vadd.f32 v4, v8;
	v13 =	vunpack.i.l.bf16.f32 v6;
	v16 =	vld.idx.msk [tilespmem:v18+s2+$0x0], $0xffff  }
0x29c: {  	v6 =	vunpack.i.u.bf16.f32 v3;
	v17 =	vunpack.i.u.bf16.f32 v19;
	v18 =	vunpack.i.l.bf16.f32 v19;
	v4 =	vld.idx.msk [tilespmem:v27+s2+$0x0], $0xffff  }
0x29d: {  	v25 =	vunpack.i.l.bf16.f32 v25;
	v11 =	vadd.f32 v6, v11;
	v6 =	vunpack.i.l.bf16.f32 v7;
	v20 =	vld.idx.msk [tilespmem:v20+s2+$0x0], $0xffff  }
0x29e: {  	v7 =	vunpack.i.l.bf16.f32 v3;
	v10 =	vadd.f32 v6, v10;
	v15 =	vunpack.i.u.bf16.f32 v31;
	v3 =	vld.idx.msk [tilespmem:v21+s2+$0x0], $0xffff  }
.Ltmp11:
0x29f: {  	v9 =	vadd.f32 v7, v9;
	v6 =	vld.idx.msk [tilespmem:v23+s2+$0x0], $0xffff;
	v23 =	vunpack.i.u.bf16.f32 v33;
	v33 =	vunpack.i.l.bf16.f32 v33;
	(pc) =	sbr.rel @p0 .LBB2_23-.Ltmp11, $4  }
0x2a0: {  	v11 =	vadd.f32 v15, v11;
	v10 =	vadd.f32 v13, v10;
	v19 =	vld.idx.msk [tilespmem:v24+s2+$0x0], $0xffff;
	v24 =	vunpack.i.l.bf16.f32 v31  }
0x2a1: {  	v21 =	vunpack.i.u.bf16.f32 v16;
	v22 =	vadd.f32 v23, v22;
	v7 =	vld.idx.msk [tilespmem:v30+s2+$0x0], $0xffff;
	v9 =	vadd.f32 v24, v9  }
0x2a2: {  	v13 =	vadd.s32 $0x9312, v27;
	v11 =	vadd.f32 v32, v11;
	v24 =	vadd.f32 v33, v26  }
0x2a3: {  	v23 =	vadd.f32 v29, v28;
	v15 =	vunpack.i.l.bf16.f32 v20;
	v9 =	vadd.f32 v25, v9  }
0x2a4: {  	_ = 	snop  }
0x2a5: {  	v16 =	vunpack.i.l.bf16.f32 v16  }
0x2a6: {  	v20 =	vunpack.i.u.bf16.f32 v20;
	v18 =	vadd.f32 v18, v24;
	v17 =	vadd.f32 v17, v22  }
0x2a7: {  	v22 =	vunpack.i.u.bf16.f32 v14;
	v14 =	vunpack.i.l.bf16.f32 v14;
	v8 =	vadd.f32 v21, v8  }
0x2a8: {  	v12 =	vld.idx.msk [tilespmem:v12+s2+$0x0], $0xffff;
	v10 =	vadd.f32 v15, v10;
	v20 =	vadd.f32 v20, v23;
	v23 =	vunpack.i.l.bf16.f32 v4  }
0x2a9: {  	v5 =	vadd.f32 v16, v5;
	v4 =	vunpack.i.u.bf16.f32 v4;
	v14 =	vadd.f32 v14, v18  }
0x2aa: {  	v16 =	vunpack.i.u.bf16.f32 v7;
	v18 =	vunpack.i.l.bf16.f32 v19;
	v17 =	vadd.f32 v22, v17  }
0x2ab: {  	v1 =	vld.idx.msk [tilespmem:v1+s2+$0x0], $0xffff;
	v19 =	vunpack.i.u.bf16.f32 v19;
	v7 =	vunpack.i.l.bf16.f32 v7;
	v5 =	vadd.f32 v18, v5  }
0x2ac: {  	v0 =	vld.idx.msk [tilespmem:v0+s2+$0x0], $0xffff;
	v16 =	vadd.f32 v16, v20;
	v18 =	vunpack.i.u.bf16.f32 v6;
	v8 =	vadd.f32 v19, v8  }
0x2ad: {  	v6 =	vunpack.i.l.bf16.f32 v6;
	v7 =	vadd.f32 v7, v10;
	v19 =	vunpack.i.u.bf16.f32 v12  }
0x2ae: {  	v2 =	vld.idx.msk [tilespmem:v2+s2+$0x0], $0xffff;
	v5 =	vadd.f32 v23, v5;
	v4 =	vadd.f32 v4, v8;
	v8 =	vunpack.i.l.bf16.f32 v3  }
0x2af: {  	v3 =	vunpack.i.u.bf16.f32 v3;
	v12 =	vunpack.i.l.bf16.f32 v12;
	v8 =	vadd.f32 v8, v9  }
0x2b0: {  	v3 =	vadd.f32 v3, v11;
	v9 =	vunpack.i.l.bf16.f32 v1;
	v11 =	vld.idx.msk [tilespmem:v13+s2+$0x0], $0xffff;
	v1 =	vunpack.i.u.bf16.f32 v1  }
0x2b1: {  	[tilespmem:$0x16100] =	vst v4;
	v4 =	vadd.f32 v6, v7;
	v8 =	vadd.f32 v9, v8;
	v9 =	vunpack.i.l.bf16.f32 v0  }
0x2b2: {  	v1 =	vadd.f32 v1, v3;
	v0 =	vunpack.i.u.bf16.f32 v0;
	v3 =	vadd.f32 v9, v14  }
0x2b3: {  	[tilespmem:$0x16080] =	vst v5;
	v5 =	vunpack.i.l.bf16.f32 v2;
	v0 =	vadd.f32 v0, v17;
	v8 =	vadd.f32 v12, v8  }
0x2b4: {  	v2 =	vunpack.i.u.bf16.f32 v2;
	[tilespmem:$0x16280] =	vst v4;
	v1 =	vadd.f32 v19, v1;
	v3 =	vadd.f32 v5, v3  }
0x2b5: {  	v5 =	vadd.f32 v18, v16;
	v0 =	vadd.f32 v2, v0;
	v2 =	vunpack.i.l.bf16.f32 v11;
	[tilespmem:$0x16180] =	vst v8  }
0x2b6: {  	[tilespmem:$0x16200] =	vst v1;
	v1 =	vunpack.i.u.bf16.f32 v11;
	v2 =	vadd.f32 v2, v3  }
0x2b7: {  	v0 =	vadd.f32 v1, v0;
	[tilespmem:$0x16300] =	vst v5  }
0x2b8: {  	[tilespmem:$0x16380] =	vst v2  }
0x2b9: {  	s26 =	simm.s32 $0xFFFFB500;
	[tilespmem:$0x16400] =	vst v0  }
0x2ba: {  	v0 =	vld [tilespmem:s26+$0x15B90]  }
0x2bb: {  	v1 =	vld [tilespmem:s26+$0x15C90]  }
0x2bc: {  	v2 =	vld [tilespmem:s26+$0x15C10];
	_ =	sdelay $0x1  }
0x2bd: {  	s31 =	simm.s32 $0xFFFFB680  }
0x2be: {  	v15 =	vld [tilespmem:s31+$0x15B90]  }
0x2bf: {  	v19 =	vld [tilespmem:s31+$0x15C10];
	v3 =	vadd.s32 $0x620C, v0  }
0x2c0: {  	v23 =	vld [tilespmem:s31+$0x15C90];
	v4 =	vadd.s32 $0x620C, v1  }
0x2c1: {  	v5 =	vadd.s32 $0x620C, v2;
	v6 =	vld.idx.msk [tilespmem:v0+s2+$0x0], $0xffff  }
0x2c2: {  	v7 =	vadd.s32 $0x3106, v1;
	v8 =	vld.idx.msk [tilespmem:v1+s2+$0x0], $0xffff  }
0x2c3: {  	v12 =	vadd.s32 $0x3106, v2;
	v10 =	vld.idx.msk [tilespmem:v2+s2+$0x0], $0xffff  }
0x2c4: {  	v3 =	vld.idx.msk [tilespmem:v3+s2+$0x0], $0xffff  }
0x2c5: {  	v11 =	vimm.f32 $0.0e+00;
	v4 =	vld.idx.msk [tilespmem:v4+s2+$0x0], $0xffff  }
0x2c6: {  	v13 =	vadd.s32 $0x9312, v0;
	v14 =	vadd.s32 $0x9312, v1;
	v9 =	vld.idx.msk [tilespmem:v5+s2+$0x0], $0xffff;
	v5 =	vadd.s32 $0x3106, v0  }
0x2c7: {  	v22 =	vadd.s32 $0x3106, v15;
	v20 =	vadd.s32 $0x620C, v15;
	v0 =	vadd.s32 $0x9312, v2;
	v7 =	vld.idx.msk [tilespmem:v7+s2+$0x0], $0xffff  }
0x2c8: {  	v27 =	vadd.s32 $0x620C, v19;
	v24 =	vld.idx.msk [tilespmem:v12+s2+$0x0], $0xffff;
	v12 =	vadd.s32 $0x3106, v23;
	v2 =	vunpack.i.u.bf16.f32 v6  }
0x2c9: {  	v6 =	vunpack.i.l.bf16.f32 v6;
	v16 =	vunpack.i.l.bf16.f32 v8;
	v18 =	vunpack.i.l.bf16.f32 v10  }
0x2ca: {  	v8 =	vunpack.i.u.bf16.f32 v8;
	v6 =	vadd.f32 v6, v11;
	v2 =	vadd.f32 v2, v11  }
0x2cb: {  	v1 =	vunpack.i.u.bf16.f32 v3;
	v3 =	vunpack.i.l.bf16.f32 v3;
	v17 =	vunpack.i.u.bf16.f32 v9;
	v21 =	vld.idx.msk [tilespmem:v5+s2+$0x0], $0xffff  }
0x2cc: {  	v5 =	vunpack.i.u.bf16.f32 v10;
	v26 =	vunpack.i.u.bf16.f32 v4;
	v10 =	vld.idx.msk [tilespmem:v0+s2+$0x0], $0xffff;
	v1 =	vadd.f32 v1, v11  }
0x2cd: {  	v0 =	vadd.s32 $0x9312, v15;
	v28 =	vunpack.i.u.bf16.f32 v7;
	v6 =	vadd.f32 v18, v6  }
0x2ce: {  	v29 =	vunpack.i.l.bf16.f32 v4;
	v3 =	vadd.f32 v3, v11;
	v25 =	vadd.f32 v17, v1  }
0x2cf: {  	v1 =	vadd.s32 $0x3106, v19;
	v17 =	vadd.f32 v5, v2;
	v5 =	vadd.f32 v16, v6;
	v6 =	vld.idx.msk [tilespmem:v13+s2+$0x0], $0xffff  }
0x2d0: {  	v13 =	vadd.s32 $0x620C, v23;
	v16 =	vld.idx.msk [tilespmem:v15+s2+$0x0], $0xffff;
	v15 =	vunpack.i.u.bf16.f32 v24;
	v24 =	vunpack.i.l.bf16.f32 v24  }
0x2d1: {  	v8 =	vadd.f32 v8, v17;
	v4 =	vunpack.i.u.bf16.f32 v21;
	v17 =	vunpack.i.u.bf16.f32 v10  }
0x2d2: {  	v14 =	vld.idx.msk [tilespmem:v14+s2+$0x0], $0xffff;
	v18 =	vunpack.i.l.bf16.f32 v10;
	v10 =	vadd.f32 v4, v11;
	v4 =	vunpack.i.l.bf16.f32 v9  }
0x2d3: {  	v20 =	vld.idx.msk [tilespmem:v20+s2+$0x0], $0xffff;
	v9 =	vunpack.i.l.bf16.f32 v7;
	v7 =	vunpack.i.l.bf16.f32 v21;
	v21 =	vadd.f32 v4, v3  }
0x2d4: {  	v4 =	vld.idx.msk [tilespmem:v23+s2+$0x0], $0xffff;
	v7 =	vadd.f32 v7, v11;
	v30 =	vunpack.i.u.bf16.f32 v6;
	v31 =	vunpack.i.l.bf16.f32 v6  }
0x2d5: {  	v15 =	vadd.f32 v15, v10;
	v6 =	vld.idx.msk [tilespmem:v13+s2+$0x0], $0xffff;
	v13 =	vadd.s32 $0x9312, v23;
	v23 =	vadd.f32 v26, v25  }
0x2d6: {  	v2 =	vadd.s32 $0x9312, v19;
	v3 =	vld.idx.msk [tilespmem:v22+s2+$0x0], $0xffff;
	v10 =	vadd.f32 v29, v21;
	v63 =	vadd.f32 v24, v7  }
0x2d7: {  	v21 =	vunpack.i.u.bf16.f32 v16;
	v22 =	vadd.f32 v30, v11;
	v24 =	vadd.f32 v31, v11;
	v7 =	vld.idx.msk [tilespmem:v27+s2+$0x0], $0xffff  }
0x2d8: {  	s26 =	simm.s32 $0xFFFEE000;
	v19 =	vld.idx.msk [tilespmem:v19+s2+$0x0], $0xffff;
	v11 =	vadd.f32 v28, v15;
	v15 =	vunpack.i.l.bf16.f32 v20;
	v9 =	vadd.f32 v9, v63  }
.LBB2_25:
0x2d9: {  	s28 =	sshra.s32 s26, $0x2;
	p0 =	sne.s32 s26, $0xFFFFFA00;
	s26 =	sadd.s32 $0x600, s26;
	v16 =	vunpack.i.l.bf16.f32 v16;
	v20 =	vunpack.i.u.bf16.f32 v20;
	v25 =	vld.idx.msk [tilespmem:v12+s2+$0x0], $0xffff;
	v12 =	vadd.f32 v18, v24  }
0x2da: {  	v17 =	vadd.f32 v17, v22;
	v22 =	vunpack.i.u.bf16.f32 v14;
	v14 =	vunpack.i.l.bf16.f32 v14;
	v18 =	vld [tilespmem:s28+$0x15B90]  }
0x2db: {  	v20 =	vadd.f32 v20, v23;
	v23 =	vunpack.i.l.bf16.f32 v4;
	v24 =	vld [tilespmem:s28+$0x15C10];
	v26 =	vadd.f32 v14, v12  }
0x2dc: {  	v5 =	vadd.f32 v16, v5;
	v12 =	vunpack.i.u.bf16.f32 v7;
	v22 =	vadd.f32 v22, v17;
	v27 =	vld [tilespmem:s28+$0x15C90]  }
0x2dd: {  	v8 =	vadd.f32 v21, v8;
	v14 =	vunpack.i.l.bf16.f32 v19;
	v28 =	vadd.f32 v12, v20  }
0x2de: {  	v29 =	vunpack.i.u.bf16.f32 v6;
	v16 =	vunpack.i.u.bf16.f32 v19;
	v5 =	vadd.f32 v14, v5;
	v19 =	vld.idx.msk [tilespmem:v2+s2+$0x0], $0xffff  }
0x2df: {  	v21 =	vadd.s32 $0x3106, v18;
	v20 =	vadd.s32 $0x620C, v18;
	v2 =	vadd.s32 $0x9312, v18  }
0x2e0: {  	v32 =	vunpack.i.u.bf16.f32 v25;
	v30 =	vadd.s32 $0x620C, v24;
	v31 =	vld.idx.msk [tilespmem:v1+s2+$0x0], $0xffff;
	v1 =	vadd.s32 $0x3106, v24  }
0x2e1: {  	v8 =	vadd.f32 v16, v8;
	v5 =	vadd.f32 v23, v5;
	v12 =	vadd.s32 $0x3106, v27;
	v33 =	vld.idx.msk [tilespmem:v0+s2+$0x0], $0xffff;
	v0 =	vmovc v2  }
0x2e2: {  	v4 =	vunpack.i.u.bf16.f32 v4;
	v2 =	vadd.s32 $0x9312, v24;
	v23 =	vadd.s32 $0x620C, v27;
	v14 =	vld.idx.msk [tilespmem:v13+s2+$0x0], $0xffff  }
0x2e3: {  	v10 =	vadd.f32 v15, v10;
	v8 =	vadd.f32 v4, v8;
	v13 =	vunpack.i.l.bf16.f32 v6;
	v16 =	vld.idx.msk [tilespmem:v18+s2+$0x0], $0xffff  }
0x2e4: {  	v6 =	vunpack.i.u.bf16.f32 v3;
	v17 =	vunpack.i.u.bf16.f32 v19;
	v18 =	vunpack.i.l.bf16.f32 v19;
	v4 =	vld.idx.msk [tilespmem:v27+s2+$0x0], $0xffff  }
0x2e5: {  	v25 =	vunpack.i.l.bf16.f32 v25;
	v11 =	vadd.f32 v6, v11;
	v6 =	vunpack.i.l.bf16.f32 v7;
	v20 =	vld.idx.msk [tilespmem:v20+s2+$0x0], $0xffff  }
0x2e6: {  	v7 =	vunpack.i.l.bf16.f32 v3;
	v10 =	vadd.f32 v6, v10;
	v15 =	vunpack.i.u.bf16.f32 v31;
	v3 =	vld.idx.msk [tilespmem:v21+s2+$0x0], $0xffff  }
.Ltmp12:
0x2e7: {  	v9 =	vadd.f32 v7, v9;
	v6 =	vld.idx.msk [tilespmem:v23+s2+$0x0], $0xffff;
	v23 =	vunpack.i.u.bf16.f32 v33;
	v33 =	vunpack.i.l.bf16.f32 v33;
	(pc) =	sbr.rel @p0 .LBB2_25-.Ltmp12, $4  }
0x2e8: {  	v11 =	vadd.f32 v15, v11;
	v10 =	vadd.f32 v13, v10;
	v19 =	vld.idx.msk [tilespmem:v24+s2+$0x0], $0xffff;
	v24 =	vunpack.i.l.bf16.f32 v31  }
0x2e9: {  	v21 =	vunpack.i.u.bf16.f32 v16;
	v22 =	vadd.f32 v23, v22;
	v7 =	vld.idx.msk [tilespmem:v30+s2+$0x0], $0xffff;
	v9 =	vadd.f32 v24, v9  }
0x2ea: {  	v13 =	vadd.s32 $0x9312, v27;
	v11 =	vadd.f32 v32, v11;
	v24 =	vadd.f32 v33, v26  }
0x2eb: {  	v23 =	vadd.f32 v29, v28;
	v15 =	vunpack.i.l.bf16.f32 v20;
	v9 =	vadd.f32 v25, v9  }
0x2ec: {  	_ = 	snop  }
0x2ed: {  	v16 =	vunpack.i.l.bf16.f32 v16  }
0x2ee: {  	v20 =	vunpack.i.u.bf16.f32 v20;
	v18 =	vadd.f32 v18, v24;
	v17 =	vadd.f32 v17, v22  }
0x2ef: {  	v22 =	vunpack.i.u.bf16.f32 v14;
	v14 =	vunpack.i.l.bf16.f32 v14;
	v8 =	vadd.f32 v21, v8  }
0x2f0: {  	v12 =	vld.idx.msk [tilespmem:v12+s2+$0x0], $0xffff;
	v10 =	vadd.f32 v15, v10;
	v20 =	vadd.f32 v20, v23;
	v23 =	vunpack.i.l.bf16.f32 v4  }
0x2f1: {  	v5 =	vadd.f32 v16, v5;
	v4 =	vunpack.i.u.bf16.f32 v4;
	v14 =	vadd.f32 v14, v18  }
0x2f2: {  	v16 =	vunpack.i.u.bf16.f32 v7;
	v18 =	vunpack.i.l.bf16.f32 v19;
	v17 =	vadd.f32 v22, v17  }
0x2f3: {  	v1 =	vld.idx.msk [tilespmem:v1+s2+$0x0], $0xffff;
	v19 =	vunpack.i.u.bf16.f32 v19;
	v7 =	vunpack.i.l.bf16.f32 v7;
	v5 =	vadd.f32 v18, v5  }
0x2f4: {  	v0 =	vld.idx.msk [tilespmem:v0+s2+$0x0], $0xffff;
	v16 =	vadd.f32 v16, v20;
	v18 =	vunpack.i.u.bf16.f32 v6;
	v8 =	vadd.f32 v19, v8  }
0x2f5: {  	v6 =	vunpack.i.l.bf16.f32 v6;
	v7 =	vadd.f32 v7, v10;
	v19 =	vunpack.i.u.bf16.f32 v12  }
0x2f6: {  	v2 =	vld.idx.msk [tilespmem:v2+s2+$0x0], $0xffff;
	v5 =	vadd.f32 v23, v5;
	v4 =	vadd.f32 v4, v8;
	v8 =	vunpack.i.l.bf16.f32 v3  }
0x2f7: {  	v3 =	vunpack.i.u.bf16.f32 v3;
	v12 =	vunpack.i.l.bf16.f32 v12;
	v8 =	vadd.f32 v8, v9  }
0x2f8: {  	v3 =	vadd.f32 v3, v11;
	v9 =	vunpack.i.l.bf16.f32 v1;
	v11 =	vld.idx.msk [tilespmem:v13+s2+$0x0], $0xffff;
	v1 =	vunpack.i.u.bf16.f32 v1  }
0x2f9: {  	[tilespmem:$0x16110] =	vst v4;
	v4 =	vadd.f32 v6, v7;
	v8 =	vadd.f32 v9, v8;
	v9 =	vunpack.i.l.bf16.f32 v0  }
0x2fa: {  	v1 =	vadd.f32 v1, v3;
	v0 =	vunpack.i.u.bf16.f32 v0;
	v3 =	vadd.f32 v9, v14  }
0x2fb: {  	[tilespmem:$0x16090] =	vst v5;
	v5 =	vunpack.i.l.bf16.f32 v2;
	v0 =	vadd.f32 v0, v17;
	v8 =	vadd.f32 v12, v8  }
0x2fc: {  	v2 =	vunpack.i.u.bf16.f32 v2;
	[tilespmem:$0x16290] =	vst v4;
	v1 =	vadd.f32 v19, v1;
	v3 =	vadd.f32 v5, v3  }
0x2fd: {  	v5 =	vadd.f32 v18, v16;
	v0 =	vadd.f32 v2, v0;
	v2 =	vunpack.i.l.bf16.f32 v11;
	[tilespmem:$0x16190] =	vst v8  }
0x2fe: {  	[tilespmem:$0x16210] =	vst v1;
	v1 =	vunpack.i.u.bf16.f32 v11;
	v2 =	vadd.f32 v2, v3  }
0x2ff: {  	v0 =	vadd.f32 v1, v0;
	[tilespmem:$0x16310] =	vst v5  }
0x300: {  	[tilespmem:$0x16390] =	vst v2  }
0x301: {  	s26 =	simm.s32 $0xFFFFB500;
	[tilespmem:$0x16410] =	vst v0  }
0x302: {  	v0 =	vld [tilespmem:s26+$0x15BA0]  }
0x303: {  	v1 =	vld [tilespmem:s26+$0x15CA0]  }
0x304: {  	v2 =	vld [tilespmem:s26+$0x15C20];
	_ =	sdelay $0x1  }
0x305: {  	s31 =	simm.s32 $0xFFFFB680  }
0x306: {  	v15 =	vld [tilespmem:s31+$0x15BA0]  }
0x307: {  	v19 =	vld [tilespmem:s31+$0x15C20];
	v3 =	vadd.s32 $0x620C, v0  }
0x308: {  	v23 =	vld [tilespmem:s31+$0x15CA0];
	v4 =	vadd.s32 $0x620C, v1  }
0x309: {  	v5 =	vadd.s32 $0x620C, v2;
	v6 =	vld.idx.msk [tilespmem:v0+s2+$0x0], $0xffff  }
0x30a: {  	v7 =	vadd.s32 $0x3106, v1;
	v8 =	vld.idx.msk [tilespmem:v1+s2+$0x0], $0xffff  }
0x30b: {  	v12 =	vadd.s32 $0x3106, v2;
	v10 =	vld.idx.msk [tilespmem:v2+s2+$0x0], $0xffff  }
0x30c: {  	v3 =	vld.idx.msk [tilespmem:v3+s2+$0x0], $0xffff  }
0x30d: {  	v11 =	vimm.f32 $0.0e+00;
	v4 =	vld.idx.msk [tilespmem:v4+s2+$0x0], $0xffff  }
0x30e: {  	v13 =	vadd.s32 $0x9312, v0;
	v14 =	vadd.s32 $0x9312, v1;
	v9 =	vld.idx.msk [tilespmem:v5+s2+$0x0], $0xffff;
	v5 =	vadd.s32 $0x3106, v0  }
0x30f: {  	v22 =	vadd.s32 $0x3106, v15;
	v20 =	vadd.s32 $0x620C, v15;
	v0 =	vadd.s32 $0x9312, v2;
	v7 =	vld.idx.msk [tilespmem:v7+s2+$0x0], $0xffff  }
0x310: {  	v27 =	vadd.s32 $0x620C, v19;
	v24 =	vld.idx.msk [tilespmem:v12+s2+$0x0], $0xffff;
	v12 =	vadd.s32 $0x3106, v23;
	v2 =	vunpack.i.u.bf16.f32 v6  }
0x311: {  	v6 =	vunpack.i.l.bf16.f32 v6;
	v16 =	vunpack.i.l.bf16.f32 v8;
	v18 =	vunpack.i.l.bf16.f32 v10  }
0x312: {  	v8 =	vunpack.i.u.bf16.f32 v8;
	v6 =	vadd.f32 v6, v11;
	v2 =	vadd.f32 v2, v11  }
0x313: {  	v1 =	vunpack.i.u.bf16.f32 v3;
	v3 =	vunpack.i.l.bf16.f32 v3;
	v17 =	vunpack.i.u.bf16.f32 v9;
	v21 =	vld.idx.msk [tilespmem:v5+s2+$0x0], $0xffff  }
0x314: {  	v5 =	vunpack.i.u.bf16.f32 v10;
	v26 =	vunpack.i.u.bf16.f32 v4;
	v10 =	vld.idx.msk [tilespmem:v0+s2+$0x0], $0xffff;
	v1 =	vadd.f32 v1, v11  }
0x315: {  	v0 =	vadd.s32 $0x9312, v15;
	v28 =	vunpack.i.u.bf16.f32 v7;
	v6 =	vadd.f32 v18, v6  }
0x316: {  	v29 =	vunpack.i.l.bf16.f32 v4;
	v3 =	vadd.f32 v3, v11;
	v25 =	vadd.f32 v17, v1  }
0x317: {  	v1 =	vadd.s32 $0x3106, v19;
	v17 =	vadd.f32 v5, v2;
	v5 =	vadd.f32 v16, v6;
	v6 =	vld.idx.msk [tilespmem:v13+s2+$0x0], $0xffff  }
0x318: {  	v13 =	vadd.s32 $0x620C, v23;
	v16 =	vld.idx.msk [tilespmem:v15+s2+$0x0], $0xffff;
	v15 =	vunpack.i.u.bf16.f32 v24;
	v24 =	vunpack.i.l.bf16.f32 v24  }
0x319: {  	v8 =	vadd.f32 v8, v17;
	v4 =	vunpack.i.u.bf16.f32 v21;
	v17 =	vunpack.i.u.bf16.f32 v10  }
0x31a: {  	v14 =	vld.idx.msk [tilespmem:v14+s2+$0x0], $0xffff;
	v18 =	vunpack.i.l.bf16.f32 v10;
	v10 =	vadd.f32 v4, v11;
	v4 =	vunpack.i.l.bf16.f32 v9  }
0x31b: {  	v20 =	vld.idx.msk [tilespmem:v20+s2+$0x0], $0xffff;
	v9 =	vunpack.i.l.bf16.f32 v7;
	v7 =	vunpack.i.l.bf16.f32 v21;
	v21 =	vadd.f32 v4, v3  }
0x31c: {  	v4 =	vld.idx.msk [tilespmem:v23+s2+$0x0], $0xffff;
	v7 =	vadd.f32 v7, v11;
	v30 =	vunpack.i.u.bf16.f32 v6;
	v31 =	vunpack.i.l.bf16.f32 v6  }
0x31d: {  	v15 =	vadd.f32 v15, v10;
	v6 =	vld.idx.msk [tilespmem:v13+s2+$0x0], $0xffff;
	v13 =	vadd.s32 $0x9312, v23;
	v23 =	vadd.f32 v26, v25  }
0x31e: {  	v2 =	vadd.s32 $0x9312, v19;
	v3 =	vld.idx.msk [tilespmem:v22+s2+$0x0], $0xffff;
	v10 =	vadd.f32 v29, v21;
	v63 =	vadd.f32 v24, v7  }
0x31f: {  	v21 =	vunpack.i.u.bf16.f32 v16;
	v22 =	vadd.f32 v30, v11;
	v24 =	vadd.f32 v31, v11;
	v7 =	vld.idx.msk [tilespmem:v27+s2+$0x0], $0xffff  }
0x320: {  	s26 =	simm.s32 $0xFFFEE000;
	v19 =	vld.idx.msk [tilespmem:v19+s2+$0x0], $0xffff;
	v11 =	vadd.f32 v28, v15;
	v15 =	vunpack.i.l.bf16.f32 v20;
	v9 =	vadd.f32 v9, v63  }
.LBB2_27:
0x321: {  	s28 =	sshra.s32 s26, $0x2;
	p0 =	sne.s32 s26, $0xFFFFFA00;
	s26 =	sadd.s32 $0x600, s26;
	v16 =	vunpack.i.l.bf16.f32 v16;
	v20 =	vunpack.i.u.bf16.f32 v20;
	v25 =	vld.idx.msk [tilespmem:v12+s2+$0x0], $0xffff;
	v12 =	vadd.f32 v18, v24  }
0x322: {  	v17 =	vadd.f32 v17, v22;
	v22 =	vunpack.i.u.bf16.f32 v14;
	v14 =	vunpack.i.l.bf16.f32 v14;
	v18 =	vld [tilespmem:s28+$0x15BA0]  }
0x323: {  	v20 =	vadd.f32 v20, v23;
	v23 =	vunpack.i.l.bf16.f32 v4;
	v24 =	vld [tilespmem:s28+$0x15C20];
	v26 =	vadd.f32 v14, v12  }
0x324: {  	v5 =	vadd.f32 v16, v5;
	v12 =	vunpack.i.u.bf16.f32 v7;
	v22 =	vadd.f32 v22, v17;
	v27 =	vld [tilespmem:s28+$0x15CA0]  }
0x325: {  	v8 =	vadd.f32 v21, v8;
	v14 =	vunpack.i.l.bf16.f32 v19;
	v28 =	vadd.f32 v12, v20  }
0x326: {  	v29 =	vunpack.i.u.bf16.f32 v6;
	v16 =	vunpack.i.u.bf16.f32 v19;
	v5 =	vadd.f32 v14, v5;
	v19 =	vld.idx.msk [tilespmem:v2+s2+$0x0], $0xffff  }
0x327: {  	v21 =	vadd.s32 $0x3106, v18;
	v20 =	vadd.s32 $0x620C, v18;
	v2 =	vadd.s32 $0x9312, v18  }
0x328: {  	v32 =	vunpack.i.u.bf16.f32 v25;
	v30 =	vadd.s32 $0x620C, v24;
	v31 =	vld.idx.msk [tilespmem:v1+s2+$0x0], $0xffff;
	v1 =	vadd.s32 $0x3106, v24  }
0x329: {  	v8 =	vadd.f32 v16, v8;
	v5 =	vadd.f32 v23, v5;
	v12 =	vadd.s32 $0x3106, v27;
	v33 =	vld.idx.msk [tilespmem:v0+s2+$0x0], $0xffff;
	v0 =	vmovc v2  }
0x32a: {  	v4 =	vunpack.i.u.bf16.f32 v4;
	v2 =	vadd.s32 $0x9312, v24;
	v23 =	vadd.s32 $0x620C, v27;
	v14 =	vld.idx.msk [tilespmem:v13+s2+$0x0], $0xffff  }
0x32b: {  	v10 =	vadd.f32 v15, v10;
	v8 =	vadd.f32 v4, v8;
	v13 =	vunpack.i.l.bf16.f32 v6;
	v16 =	vld.idx.msk [tilespmem:v18+s2+$0x0], $0xffff  }
0x32c: {  	v6 =	vunpack.i.u.bf16.f32 v3;
	v17 =	vunpack.i.u.bf16.f32 v19;
	v18 =	vunpack.i.l.bf16.f32 v19;
	v4 =	vld.idx.msk [tilespmem:v27+s2+$0x0], $0xffff  }
0x32d: {  	v25 =	vunpack.i.l.bf16.f32 v25;
	v11 =	vadd.f32 v6, v11;
	v6 =	vunpack.i.l.bf16.f32 v7;
	v20 =	vld.idx.msk [tilespmem:v20+s2+$0x0], $0xffff  }
0x32e: {  	v7 =	vunpack.i.l.bf16.f32 v3;
	v10 =	vadd.f32 v6, v10;
	v15 =	vunpack.i.u.bf16.f32 v31;
	v3 =	vld.idx.msk [tilespmem:v21+s2+$0x0], $0xffff  }
.Ltmp13:
0x32f: {  	v9 =	vadd.f32 v7, v9;
	v6 =	vld.idx.msk [tilespmem:v23+s2+$0x0], $0xffff;
	v23 =	vunpack.i.u.bf16.f32 v33;
	v33 =	vunpack.i.l.bf16.f32 v33;
	(pc) =	sbr.rel @p0 .LBB2_27-.Ltmp13, $4  }
0x330: {  	v11 =	vadd.f32 v15, v11;
	v10 =	vadd.f32 v13, v10;
	v19 =	vld.idx.msk [tilespmem:v24+s2+$0x0], $0xffff;
	v24 =	vunpack.i.l.bf16.f32 v31  }
0x331: {  	v21 =	vunpack.i.u.bf16.f32 v16;
	v22 =	vadd.f32 v23, v22;
	v7 =	vld.idx.msk [tilespmem:v30+s2+$0x0], $0xffff;
	v9 =	vadd.f32 v24, v9  }
0x332: {  	v13 =	vadd.s32 $0x9312, v27;
	v11 =	vadd.f32 v32, v11;
	v24 =	vadd.f32 v33, v26  }
0x333: {  	v23 =	vadd.f32 v29, v28;
	v15 =	vunpack.i.l.bf16.f32 v20;
	v9 =	vadd.f32 v25, v9  }
0x334: {  	_ = 	snop  }
0x335: {  	v16 =	vunpack.i.l.bf16.f32 v16  }
0x336: {  	v20 =	vunpack.i.u.bf16.f32 v20;
	v18 =	vadd.f32 v18, v24;
	v17 =	vadd.f32 v17, v22  }
0x337: {  	v22 =	vunpack.i.u.bf16.f32 v14;
	v14 =	vunpack.i.l.bf16.f32 v14;
	v8 =	vadd.f32 v21, v8  }
0x338: {  	v12 =	vld.idx.msk [tilespmem:v12+s2+$0x0], $0xffff;
	v10 =	vadd.f32 v15, v10;
	v20 =	vadd.f32 v20, v23;
	v23 =	vunpack.i.l.bf16.f32 v4  }
0x339: {  	v5 =	vadd.f32 v16, v5;
	v4 =	vunpack.i.u.bf16.f32 v4;
	v14 =	vadd.f32 v14, v18  }
0x33a: {  	v16 =	vunpack.i.u.bf16.f32 v7;
	v18 =	vunpack.i.l.bf16.f32 v19;
	v17 =	vadd.f32 v22, v17  }
0x33b: {  	v1 =	vld.idx.msk [tilespmem:v1+s2+$0x0], $0xffff;
	v19 =	vunpack.i.u.bf16.f32 v19;
	v7 =	vunpack.i.l.bf16.f32 v7;
	v5 =	vadd.f32 v18, v5  }
0x33c: {  	v0 =	vld.idx.msk [tilespmem:v0+s2+$0x0], $0xffff;
	v16 =	vadd.f32 v16, v20;
	v18 =	vunpack.i.u.bf16.f32 v6;
	v8 =	vadd.f32 v19, v8  }
0x33d: {  	v6 =	vunpack.i.l.bf16.f32 v6;
	v7 =	vadd.f32 v7, v10;
	v19 =	vunpack.i.u.bf16.f32 v12  }
0x33e: {  	v2 =	vld.idx.msk [tilespmem:v2+s2+$0x0], $0xffff;
	v5 =	vadd.f32 v23, v5;
	v4 =	vadd.f32 v4, v8;
	v8 =	vunpack.i.l.bf16.f32 v3  }
0x33f: {  	v3 =	vunpack.i.u.bf16.f32 v3;
	v12 =	vunpack.i.l.bf16.f32 v12;
	v8 =	vadd.f32 v8, v9  }
0x340: {  	v3 =	vadd.f32 v3, v11;
	v9 =	vunpack.i.l.bf16.f32 v1;
	v11 =	vld.idx.msk [tilespmem:v13+s2+$0x0], $0xffff;
	v1 =	vunpack.i.u.bf16.f32 v1  }
0x341: {  	[tilespmem:$0x16120] =	vst v4;
	v4 =	vadd.f32 v6, v7;
	v8 =	vadd.f32 v9, v8;
	v9 =	vunpack.i.l.bf16.f32 v0  }
0x342: {  	v1 =	vadd.f32 v1, v3;
	v0 =	vunpack.i.u.bf16.f32 v0;
	v3 =	vadd.f32 v9, v14  }
0x343: {  	[tilespmem:$0x160A0] =	vst v5;
	v5 =	vunpack.i.l.bf16.f32 v2;
	v0 =	vadd.f32 v0, v17;
	v8 =	vadd.f32 v12, v8  }
0x344: {  	v2 =	vunpack.i.u.bf16.f32 v2;
	[tilespmem:$0x162A0] =	vst v4;
	v1 =	vadd.f32 v19, v1;
	v3 =	vadd.f32 v5, v3  }
0x345: {  	v5 =	vadd.f32 v18, v16;
	v0 =	vadd.f32 v2, v0;
	v2 =	vunpack.i.l.bf16.f32 v11;
	[tilespmem:$0x161A0] =	vst v8  }
0x346: {  	[tilespmem:$0x16220] =	vst v1;
	v1 =	vunpack.i.u.bf16.f32 v11;
	v2 =	vadd.f32 v2, v3  }
0x347: {  	v0 =	vadd.f32 v1, v0;
	[tilespmem:$0x16320] =	vst v5  }
0x348: {  	[tilespmem:$0x163A0] =	vst v2  }
0x349: {  	s26 =	simm.s32 $0xFFFFB500;
	[tilespmem:$0x16420] =	vst v0  }
0x34a: {  	v0 =	vld [tilespmem:s26+$0x15BB0]  }
0x34b: {  	v1 =	vld [tilespmem:s26+$0x15CB0]  }
0x34c: {  	v2 =	vld [tilespmem:s26+$0x15C30];
	_ =	sdelay $0x1  }
0x34d: {  	s31 =	simm.s32 $0xFFFFB680  }
0x34e: {  	v15 =	vld [tilespmem:s31+$0x15BB0]  }
0x34f: {  	v19 =	vld [tilespmem:s31+$0x15C30];
	v3 =	vadd.s32 $0x620C, v0  }
0x350: {  	v23 =	vld [tilespmem:s31+$0x15CB0];
	v4 =	vadd.s32 $0x620C, v1  }
0x351: {  	v5 =	vadd.s32 $0x620C, v2;
	v6 =	vld.idx.msk [tilespmem:v0+s2+$0x0], $0xffff  }
0x352: {  	v7 =	vadd.s32 $0x3106, v1;
	v8 =	vld.idx.msk [tilespmem:v1+s2+$0x0], $0xffff  }
0x353: {  	v12 =	vadd.s32 $0x3106, v2;
	v10 =	vld.idx.msk [tilespmem:v2+s2+$0x0], $0xffff  }
0x354: {  	v3 =	vld.idx.msk [tilespmem:v3+s2+$0x0], $0xffff  }
0x355: {  	v11 =	vimm.f32 $0.0e+00;
	v4 =	vld.idx.msk [tilespmem:v4+s2+$0x0], $0xffff  }
0x356: {  	v13 =	vadd.s32 $0x9312, v0;
	v14 =	vadd.s32 $0x9312, v1;
	v9 =	vld.idx.msk [tilespmem:v5+s2+$0x0], $0xffff;
	v5 =	vadd.s32 $0x3106, v0  }
0x357: {  	v22 =	vadd.s32 $0x3106, v15;
	v20 =	vadd.s32 $0x620C, v15;
	v0 =	vadd.s32 $0x9312, v2;
	v7 =	vld.idx.msk [tilespmem:v7+s2+$0x0], $0xffff  }
0x358: {  	v27 =	vadd.s32 $0x620C, v19;
	v24 =	vld.idx.msk [tilespmem:v12+s2+$0x0], $0xffff;
	v12 =	vadd.s32 $0x3106, v23;
	v2 =	vunpack.i.u.bf16.f32 v6  }
0x359: {  	v6 =	vunpack.i.l.bf16.f32 v6;
	v16 =	vunpack.i.l.bf16.f32 v8;
	v18 =	vunpack.i.l.bf16.f32 v10  }
0x35a: {  	v8 =	vunpack.i.u.bf16.f32 v8;
	v6 =	vadd.f32 v6, v11;
	v2 =	vadd.f32 v2, v11  }
0x35b: {  	v1 =	vunpack.i.u.bf16.f32 v3;
	v3 =	vunpack.i.l.bf16.f32 v3;
	v17 =	vunpack.i.u.bf16.f32 v9;
	v21 =	vld.idx.msk [tilespmem:v5+s2+$0x0], $0xffff  }
0x35c: {  	v5 =	vunpack.i.u.bf16.f32 v10;
	v26 =	vunpack.i.u.bf16.f32 v4;
	v10 =	vld.idx.msk [tilespmem:v0+s2+$0x0], $0xffff;
	v1 =	vadd.f32 v1, v11  }
0x35d: {  	v0 =	vadd.s32 $0x9312, v15;
	v28 =	vunpack.i.u.bf16.f32 v7;
	v6 =	vadd.f32 v18, v6  }
0x35e: {  	v29 =	vunpack.i.l.bf16.f32 v4;
	v3 =	vadd.f32 v3, v11;
	v25 =	vadd.f32 v17, v1  }
0x35f: {  	v1 =	vadd.s32 $0x3106, v19;
	v17 =	vadd.f32 v5, v2;
	v5 =	vadd.f32 v16, v6;
	v6 =	vld.idx.msk [tilespmem:v13+s2+$0x0], $0xffff  }
0x360: {  	v13 =	vadd.s32 $0x620C, v23;
	v16 =	vld.idx.msk [tilespmem:v15+s2+$0x0], $0xffff;
	v15 =	vunpack.i.u.bf16.f32 v24;
	v24 =	vunpack.i.l.bf16.f32 v24  }
0x361: {  	v8 =	vadd.f32 v8, v17;
	v4 =	vunpack.i.u.bf16.f32 v21;
	v17 =	vunpack.i.u.bf16.f32 v10  }
0x362: {  	v14 =	vld.idx.msk [tilespmem:v14+s2+$0x0], $0xffff;
	v18 =	vunpack.i.l.bf16.f32 v10;
	v10 =	vadd.f32 v4, v11;
	v4 =	vunpack.i.l.bf16.f32 v9  }
0x363: {  	v20 =	vld.idx.msk [tilespmem:v20+s2+$0x0], $0xffff;
	v9 =	vunpack.i.l.bf16.f32 v7;
	v7 =	vunpack.i.l.bf16.f32 v21;
	v21 =	vadd.f32 v4, v3  }
0x364: {  	v4 =	vld.idx.msk [tilespmem:v23+s2+$0x0], $0xffff;
	v7 =	vadd.f32 v7, v11;
	v30 =	vunpack.i.u.bf16.f32 v6;
	v31 =	vunpack.i.l.bf16.f32 v6  }
0x365: {  	v15 =	vadd.f32 v15, v10;
	v6 =	vld.idx.msk [tilespmem:v13+s2+$0x0], $0xffff;
	v13 =	vadd.s32 $0x9312, v23;
	v23 =	vadd.f32 v26, v25  }
0x366: {  	v2 =	vadd.s32 $0x9312, v19;
	v3 =	vld.idx.msk [tilespmem:v22+s2+$0x0], $0xffff;
	v10 =	vadd.f32 v29, v21;
	v63 =	vadd.f32 v24, v7  }
0x367: {  	v21 =	vunpack.i.u.bf16.f32 v16;
	v22 =	vadd.f32 v30, v11;
	v24 =	vadd.f32 v31, v11;
	v7 =	vld.idx.msk [tilespmem:v27+s2+$0x0], $0xffff  }
0x368: {  	s26 =	simm.s32 $0xFFFEE000;
	v19 =	vld.idx.msk [tilespmem:v19+s2+$0x0], $0xffff;
	v11 =	vadd.f32 v28, v15;
	v15 =	vunpack.i.l.bf16.f32 v20;
	v9 =	vadd.f32 v9, v63  }
.LBB2_29:
0x369: {  	s28 =	sshra.s32 s26, $0x2;
	p0 =	sne.s32 s26, $0xFFFFFA00;
	s26 =	sadd.s32 $0x600, s26;
	v16 =	vunpack.i.l.bf16.f32 v16;
	v20 =	vunpack.i.u.bf16.f32 v20;
	v25 =	vld.idx.msk [tilespmem:v12+s2+$0x0], $0xffff;
	v12 =	vadd.f32 v18, v24  }
0x36a: {  	v17 =	vadd.f32 v17, v22;
	v22 =	vunpack.i.u.bf16.f32 v14;
	v14 =	vunpack.i.l.bf16.f32 v14;
	v18 =	vld [tilespmem:s28+$0x15BB0]  }
0x36b: {  	v20 =	vadd.f32 v20, v23;
	v23 =	vunpack.i.l.bf16.f32 v4;
	v24 =	vld [tilespmem:s28+$0x15C30];
	v26 =	vadd.f32 v14, v12  }
0x36c: {  	v5 =	vadd.f32 v16, v5;
	v12 =	vunpack.i.u.bf16.f32 v7;
	v22 =	vadd.f32 v22, v17;
	v27 =	vld [tilespmem:s28+$0x15CB0]  }
0x36d: {  	v8 =	vadd.f32 v21, v8;
	v14 =	vunpack.i.l.bf16.f32 v19;
	v28 =	vadd.f32 v12, v20  }
0x36e: {  	v29 =	vunpack.i.u.bf16.f32 v6;
	v16 =	vunpack.i.u.bf16.f32 v19;
	v5 =	vadd.f32 v14, v5;
	v19 =	vld.idx.msk [tilespmem:v2+s2+$0x0], $0xffff  }
0x36f: {  	v21 =	vadd.s32 $0x3106, v18;
	v20 =	vadd.s32 $0x620C, v18;
	v2 =	vadd.s32 $0x9312, v18  }
0x370: {  	v32 =	vunpack.i.u.bf16.f32 v25;
	v30 =	vadd.s32 $0x620C, v24;
	v31 =	vld.idx.msk [tilespmem:v1+s2+$0x0], $0xffff;
	v1 =	vadd.s32 $0x3106, v24  }
0x371: {  	v8 =	vadd.f32 v16, v8;
	v5 =	vadd.f32 v23, v5;
	v12 =	vadd.s32 $0x3106, v27;
	v33 =	vld.idx.msk [tilespmem:v0+s2+$0x0], $0xffff;
	v0 =	vmovc v2  }
0x372: {  	v4 =	vunpack.i.u.bf16.f32 v4;
	v2 =	vadd.s32 $0x9312, v24;
	v23 =	vadd.s32 $0x620C, v27;
	v14 =	vld.idx.msk [tilespmem:v13+s2+$0x0], $0xffff  }
0x373: {  	v10 =	vadd.f32 v15, v10;
	v8 =	vadd.f32 v4, v8;
	v13 =	vunpack.i.l.bf16.f32 v6;
	v16 =	vld.idx.msk [tilespmem:v18+s2+$0x0], $0xffff  }
0x374: {  	v6 =	vunpack.i.u.bf16.f32 v3;
	v17 =	vunpack.i.u.bf16.f32 v19;
	v18 =	vunpack.i.l.bf16.f32 v19;
	v4 =	vld.idx.msk [tilespmem:v27+s2+$0x0], $0xffff  }
0x375: {  	v25 =	vunpack.i.l.bf16.f32 v25;
	v11 =	vadd.f32 v6, v11;
	v6 =	vunpack.i.l.bf16.f32 v7;
	v20 =	vld.idx.msk [tilespmem:v20+s2+$0x0], $0xffff  }
0x376: {  	v7 =	vunpack.i.l.bf16.f32 v3;
	v10 =	vadd.f32 v6, v10;
	v15 =	vunpack.i.u.bf16.f32 v31;
	v3 =	vld.idx.msk [tilespmem:v21+s2+$0x0], $0xffff  }
.Ltmp14:
0x377: {  	v9 =	vadd.f32 v7, v9;
	v6 =	vld.idx.msk [tilespmem:v23+s2+$0x0], $0xffff;
	v23 =	vunpack.i.u.bf16.f32 v33;
	v33 =	vunpack.i.l.bf16.f32 v33;
	(pc) =	sbr.rel @p0 .LBB2_29-.Ltmp14, $4  }
0x378: {  	v11 =	vadd.f32 v15, v11;
	v10 =	vadd.f32 v13, v10;
	v19 =	vld.idx.msk [tilespmem:v24+s2+$0x0], $0xffff;
	v24 =	vunpack.i.l.bf16.f32 v31  }
0x379: {  	v21 =	vunpack.i.u.bf16.f32 v16;
	v22 =	vadd.f32 v23, v22;
	v7 =	vld.idx.msk [tilespmem:v30+s2+$0x0], $0xffff;
	v9 =	vadd.f32 v24, v9  }
0x37a: {  	v13 =	vadd.s32 $0x9312, v27;
	v11 =	vadd.f32 v32, v11;
	v24 =	vadd.f32 v33, v26  }
0x37b: {  	v23 =	vadd.f32 v29, v28;
	v15 =	vunpack.i.l.bf16.f32 v20;
	v9 =	vadd.f32 v25, v9  }
0x37c: {  	_ = 	snop  }
0x37d: {  	v16 =	vunpack.i.l.bf16.f32 v16  }
0x37e: {  	v20 =	vunpack.i.u.bf16.f32 v20;
	v18 =	vadd.f32 v18, v24;
	v17 =	vadd.f32 v17, v22  }
0x37f: {  	v22 =	vunpack.i.u.bf16.f32 v14;
	v14 =	vunpack.i.l.bf16.f32 v14;
	v8 =	vadd.f32 v21, v8  }
0x380: {  	v12 =	vld.idx.msk [tilespmem:v12+s2+$0x0], $0xffff;
	v10 =	vadd.f32 v15, v10;
	v20 =	vadd.f32 v20, v23;
	v23 =	vunpack.i.l.bf16.f32 v4  }
0x381: {  	v5 =	vadd.f32 v16, v5;
	v4 =	vunpack.i.u.bf16.f32 v4;
	v14 =	vadd.f32 v14, v18  }
0x382: {  	v16 =	vunpack.i.u.bf16.f32 v7;
	v18 =	vunpack.i.l.bf16.f32 v19;
	v17 =	vadd.f32 v22, v17  }
0x383: {  	v1 =	vld.idx.msk [tilespmem:v1+s2+$0x0], $0xffff;
	v19 =	vunpack.i.u.bf16.f32 v19;
	v7 =	vunpack.i.l.bf16.f32 v7;
	v5 =	vadd.f32 v18, v5  }
0x384: {  	v0 =	vld.idx.msk [tilespmem:v0+s2+$0x0], $0xffff;
	v16 =	vadd.f32 v16, v20;
	v18 =	vunpack.i.u.bf16.f32 v6;
	v8 =	vadd.f32 v19, v8  }
0x385: {  	v6 =	vunpack.i.l.bf16.f32 v6;
	v7 =	vadd.f32 v7, v10;
	v19 =	vunpack.i.u.bf16.f32 v12  }
0x386: {  	v2 =	vld.idx.msk [tilespmem:v2+s2+$0x0], $0xffff;
	v5 =	vadd.f32 v23, v5;
	v4 =	vadd.f32 v4, v8;
	v8 =	vunpack.i.l.bf16.f32 v3  }
0x387: {  	v3 =	vunpack.i.u.bf16.f32 v3;
	v12 =	vunpack.i.l.bf16.f32 v12;
	v8 =	vadd.f32 v8, v9  }
0x388: {  	v3 =	vadd.f32 v3, v11;
	v9 =	vunpack.i.l.bf16.f32 v1;
	v11 =	vld.idx.msk [tilespmem:v13+s2+$0x0], $0xffff;
	v1 =	vunpack.i.u.bf16.f32 v1  }
0x389: {  	[tilespmem:$0x16130] =	vst v4;
	v4 =	vadd.f32 v6, v7;
	v8 =	vadd.f32 v9, v8;
	v9 =	vunpack.i.l.bf16.f32 v0  }
0x38a: {  	v1 =	vadd.f32 v1, v3;
	v0 =	vunpack.i.u.bf16.f32 v0;
	v3 =	vadd.f32 v9, v14  }
0x38b: {  	[tilespmem:$0x160B0] =	vst v5;
	v5 =	vunpack.i.l.bf16.f32 v2;
	v0 =	vadd.f32 v0, v17;
	v8 =	vadd.f32 v12, v8  }
0x38c: {  	v2 =	vunpack.i.u.bf16.f32 v2;
	[tilespmem:$0x162B0] =	vst v4;
	v1 =	vadd.f32 v19, v1;
	v3 =	vadd.f32 v5, v3  }
0x38d: {  	v5 =	vadd.f32 v18, v16;
	v0 =	vadd.f32 v2, v0;
	v2 =	vunpack.i.l.bf16.f32 v11;
	[tilespmem:$0x161B0] =	vst v8  }
0x38e: {  	[tilespmem:$0x16230] =	vst v1;
	v1 =	vunpack.i.u.bf16.f32 v11;
	v2 =	vadd.f32 v2, v3  }
0x38f: {  	v0 =	vadd.f32 v1, v0;
	[tilespmem:$0x16330] =	vst v5  }
0x390: {  	[tilespmem:$0x163B0] =	vst v2  }
0x391: {  	s26 =	simm.s32 $0xFFFFB500;
	[tilespmem:$0x16430] =	vst v0  }
0x392: {  	v0 =	vld [tilespmem:s26+$0x15BC0]  }
0x393: {  	v1 =	vld [tilespmem:s26+$0x15CC0]  }
0x394: {  	v2 =	vld [tilespmem:s26+$0x15C40];
	_ =	sdelay $0x1  }
0x395: {  	s31 =	simm.s32 $0xFFFFB680  }
0x396: {  	v15 =	vld [tilespmem:s31+$0x15BC0]  }
0x397: {  	v19 =	vld [tilespmem:s31+$0x15C40];
	v3 =	vadd.s32 $0x620C, v0  }
0x398: {  	v23 =	vld [tilespmem:s31+$0x15CC0];
	v4 =	vadd.s32 $0x620C, v1  }
0x399: {  	v5 =	vadd.s32 $0x620C, v2;
	v6 =	vld.idx.msk [tilespmem:v0+s2+$0x0], $0xffff  }
0x39a: {  	v7 =	vadd.s32 $0x3106, v1;
	v8 =	vld.idx.msk [tilespmem:v1+s2+$0x0], $0xffff  }
0x39b: {  	v12 =	vadd.s32 $0x3106, v2;
	v10 =	vld.idx.msk [tilespmem:v2+s2+$0x0], $0xffff  }
0x39c: {  	v3 =	vld.idx.msk [tilespmem:v3+s2+$0x0], $0xffff  }
0x39d: {  	v11 =	vimm.f32 $0.0e+00;
	v4 =	vld.idx.msk [tilespmem:v4+s2+$0x0], $0xffff  }
0x39e: {  	v13 =	vadd.s32 $0x9312, v0;
	v14 =	vadd.s32 $0x9312, v1;
	v9 =	vld.idx.msk [tilespmem:v5+s2+$0x0], $0xffff;
	v5 =	vadd.s32 $0x3106, v0  }
0x39f: {  	v22 =	vadd.s32 $0x3106, v15;
	v20 =	vadd.s32 $0x620C, v15;
	v0 =	vadd.s32 $0x9312, v2;
	v7 =	vld.idx.msk [tilespmem:v7+s2+$0x0], $0xffff  }
0x3a0: {  	v27 =	vadd.s32 $0x620C, v19;
	v24 =	vld.idx.msk [tilespmem:v12+s2+$0x0], $0xffff;
	v12 =	vadd.s32 $0x3106, v23;
	v2 =	vunpack.i.u.bf16.f32 v6  }
0x3a1: {  	v6 =	vunpack.i.l.bf16.f32 v6;
	v16 =	vunpack.i.l.bf16.f32 v8;
	v18 =	vunpack.i.l.bf16.f32 v10  }
0x3a2: {  	v8 =	vunpack.i.u.bf16.f32 v8;
	v6 =	vadd.f32 v6, v11;
	v2 =	vadd.f32 v2, v11  }
0x3a3: {  	v1 =	vunpack.i.u.bf16.f32 v3;
	v3 =	vunpack.i.l.bf16.f32 v3;
	v17 =	vunpack.i.u.bf16.f32 v9;
	v21 =	vld.idx.msk [tilespmem:v5+s2+$0x0], $0xffff  }
0x3a4: {  	v5 =	vunpack.i.u.bf16.f32 v10;
	v26 =	vunpack.i.u.bf16.f32 v4;
	v10 =	vld.idx.msk [tilespmem:v0+s2+$0x0], $0xffff;
	v1 =	vadd.f32 v1, v11  }
0x3a5: {  	v0 =	vadd.s32 $0x9312, v15;
	v28 =	vunpack.i.u.bf16.f32 v7;
	v6 =	vadd.f32 v18, v6  }
0x3a6: {  	v29 =	vunpack.i.l.bf16.f32 v4;
	v3 =	vadd.f32 v3, v11;
	v25 =	vadd.f32 v17, v1  }
0x3a7: {  	v1 =	vadd.s32 $0x3106, v19;
	v17 =	vadd.f32 v5, v2;
	v5 =	vadd.f32 v16, v6;
	v6 =	vld.idx.msk [tilespmem:v13+s2+$0x0], $0xffff  }
0x3a8: {  	v13 =	vadd.s32 $0x620C, v23;
	v16 =	vld.idx.msk [tilespmem:v15+s2+$0x0], $0xffff;
	v15 =	vunpack.i.u.bf16.f32 v24;
	v24 =	vunpack.i.l.bf16.f32 v24  }
0x3a9: {  	v8 =	vadd.f32 v8, v17;
	v4 =	vunpack.i.u.bf16.f32 v21;
	v17 =	vunpack.i.u.bf16.f32 v10  }
0x3aa: {  	v14 =	vld.idx.msk [tilespmem:v14+s2+$0x0], $0xffff;
	v18 =	vunpack.i.l.bf16.f32 v10;
	v10 =	vadd.f32 v4, v11;
	v4 =	vunpack.i.l.bf16.f32 v9  }
0x3ab: {  	v20 =	vld.idx.msk [tilespmem:v20+s2+$0x0], $0xffff;
	v9 =	vunpack.i.l.bf16.f32 v7;
	v7 =	vunpack.i.l.bf16.f32 v21;
	v21 =	vadd.f32 v4, v3  }
0x3ac: {  	v4 =	vld.idx.msk [tilespmem:v23+s2+$0x0], $0xffff;
	v7 =	vadd.f32 v7, v11;
	v30 =	vunpack.i.u.bf16.f32 v6;
	v31 =	vunpack.i.l.bf16.f32 v6  }
0x3ad: {  	v15 =	vadd.f32 v15, v10;
	v6 =	vld.idx.msk [tilespmem:v13+s2+$0x0], $0xffff;
	v13 =	vadd.s32 $0x9312, v23;
	v23 =	vadd.f32 v26, v25  }
0x3ae: {  	v2 =	vadd.s32 $0x9312, v19;
	v3 =	vld.idx.msk [tilespmem:v22+s2+$0x0], $0xffff;
	v10 =	vadd.f32 v29, v21;
	v63 =	vadd.f32 v24, v7  }
0x3af: {  	v21 =	vunpack.i.u.bf16.f32 v16;
	v22 =	vadd.f32 v30, v11;
	v24 =	vadd.f32 v31, v11;
	v7 =	vld.idx.msk [tilespmem:v27+s2+$0x0], $0xffff  }
0x3b0: {  	s26 =	simm.s32 $0xFFFEE000;
	v19 =	vld.idx.msk [tilespmem:v19+s2+$0x0], $0xffff;
	v11 =	vadd.f32 v28, v15;
	v15 =	vunpack.i.l.bf16.f32 v20;
	v9 =	vadd.f32 v9, v63  }
.LBB2_31:
0x3b1: {  	s28 =	sshra.s32 s26, $0x2;
	p0 =	sne.s32 s26, $0xFFFFFA00;
	s26 =	sadd.s32 $0x600, s26;
	v16 =	vunpack.i.l.bf16.f32 v16;
	v20 =	vunpack.i.u.bf16.f32 v20;
	v25 =	vld.idx.msk [tilespmem:v12+s2+$0x0], $0xffff;
	v12 =	vadd.f32 v18, v24  }
0x3b2: {  	v17 =	vadd.f32 v17, v22;
	v22 =	vunpack.i.u.bf16.f32 v14;
	v14 =	vunpack.i.l.bf16.f32 v14;
	v18 =	vld [tilespmem:s28+$0x15BC0]  }
0x3b3: {  	v20 =	vadd.f32 v20, v23;
	v23 =	vunpack.i.l.bf16.f32 v4;
	v24 =	vld [tilespmem:s28+$0x15C40];
	v26 =	vadd.f32 v14, v12  }
0x3b4: {  	v5 =	vadd.f32 v16, v5;
	v12 =	vunpack.i.u.bf16.f32 v7;
	v22 =	vadd.f32 v22, v17;
	v27 =	vld [tilespmem:s28+$0x15CC0]  }
0x3b5: {  	v8 =	vadd.f32 v21, v8;
	v14 =	vunpack.i.l.bf16.f32 v19;
	v28 =	vadd.f32 v12, v20  }
0x3b6: {  	v29 =	vunpack.i.u.bf16.f32 v6;
	v16 =	vunpack.i.u.bf16.f32 v19;
	v5 =	vadd.f32 v14, v5;
	v19 =	vld.idx.msk [tilespmem:v2+s2+$0x0], $0xffff  }
0x3b7: {  	v21 =	vadd.s32 $0x3106, v18;
	v20 =	vadd.s32 $0x620C, v18;
	v2 =	vadd.s32 $0x9312, v18  }
0x3b8: {  	v32 =	vunpack.i.u.bf16.f32 v25;
	v30 =	vadd.s32 $0x620C, v24;
	v31 =	vld.idx.msk [tilespmem:v1+s2+$0x0], $0xffff;
	v1 =	vadd.s32 $0x3106, v24  }
0x3b9: {  	v8 =	vadd.f32 v16, v8;
	v5 =	vadd.f32 v23, v5;
	v12 =	vadd.s32 $0x3106, v27;
	v33 =	vld.idx.msk [tilespmem:v0+s2+$0x0], $0xffff;
	v0 =	vmovc v2  }
0x3ba: {  	v4 =	vunpack.i.u.bf16.f32 v4;
	v2 =	vadd.s32 $0x9312, v24;
	v23 =	vadd.s32 $0x620C, v27;
	v14 =	vld.idx.msk [tilespmem:v13+s2+$0x0], $0xffff  }
0x3bb: {  	v10 =	vadd.f32 v15, v10;
	v8 =	vadd.f32 v4, v8;
	v13 =	vunpack.i.l.bf16.f32 v6;
	v16 =	vld.idx.msk [tilespmem:v18+s2+$0x0], $0xffff  }
0x3bc: {  	v6 =	vunpack.i.u.bf16.f32 v3;
	v17 =	vunpack.i.u.bf16.f32 v19;
	v18 =	vunpack.i.l.bf16.f32 v19;
	v4 =	vld.idx.msk [tilespmem:v27+s2+$0x0], $0xffff  }
0x3bd: {  	v25 =	vunpack.i.l.bf16.f32 v25;
	v11 =	vadd.f32 v6, v11;
	v6 =	vunpack.i.l.bf16.f32 v7;
	v20 =	vld.idx.msk [tilespmem:v20+s2+$0x0], $0xffff  }
0x3be: {  	v7 =	vunpack.i.l.bf16.f32 v3;
	v10 =	vadd.f32 v6, v10;
	v15 =	vunpack.i.u.bf16.f32 v31;
	v3 =	vld.idx.msk [tilespmem:v21+s2+$0x0], $0xffff  }
.Ltmp15:
0x3bf: {  	v9 =	vadd.f32 v7, v9;
	v6 =	vld.idx.msk [tilespmem:v23+s2+$0x0], $0xffff;
	v23 =	vunpack.i.u.bf16.f32 v33;
	v33 =	vunpack.i.l.bf16.f32 v33;
	(pc) =	sbr.rel @p0 .LBB2_31-.Ltmp15, $4  }
0x3c0: {  	v11 =	vadd.f32 v15, v11;
	v10 =	vadd.f32 v13, v10;
	v19 =	vld.idx.msk [tilespmem:v24+s2+$0x0], $0xffff;
	v24 =	vunpack.i.l.bf16.f32 v31  }
0x3c1: {  	v21 =	vunpack.i.u.bf16.f32 v16;
	v22 =	vadd.f32 v23, v22;
	v7 =	vld.idx.msk [tilespmem:v30+s2+$0x0], $0xffff;
	v9 =	vadd.f32 v24, v9  }
0x3c2: {  	v13 =	vadd.s32 $0x9312, v27;
	v11 =	vadd.f32 v32, v11;
	v24 =	vadd.f32 v33, v26  }
0x3c3: {  	v23 =	vadd.f32 v29, v28;
	v15 =	vunpack.i.l.bf16.f32 v20;
	v9 =	vadd.f32 v25, v9  }
0x3c4: {  	_ = 	snop  }
0x3c5: {  	v16 =	vunpack.i.l.bf16.f32 v16  }
0x3c6: {  	v20 =	vunpack.i.u.bf16.f32 v20;
	v18 =	vadd.f32 v18, v24;
	v17 =	vadd.f32 v17, v22  }
0x3c7: {  	v22 =	vunpack.i.u.bf16.f32 v14;
	v14 =	vunpack.i.l.bf16.f32 v14;
	v8 =	vadd.f32 v21, v8  }
0x3c8: {  	v12 =	vld.idx.msk [tilespmem:v12+s2+$0x0], $0xffff;
	v10 =	vadd.f32 v15, v10;
	v20 =	vadd.f32 v20, v23;
	v23 =	vunpack.i.l.bf16.f32 v4  }
0x3c9: {  	v5 =	vadd.f32 v16, v5;
	v4 =	vunpack.i.u.bf16.f32 v4;
	v14 =	vadd.f32 v14, v18  }
0x3ca: {  	v16 =	vunpack.i.u.bf16.f32 v7;
	v18 =	vunpack.i.l.bf16.f32 v19;
	v17 =	vadd.f32 v22, v17  }
0x3cb: {  	v1 =	vld.idx.msk [tilespmem:v1+s2+$0x0], $0xffff;
	v19 =	vunpack.i.u.bf16.f32 v19;
	v7 =	vunpack.i.l.bf16.f32 v7;
	v5 =	vadd.f32 v18, v5  }
0x3cc: {  	v0 =	vld.idx.msk [tilespmem:v0+s2+$0x0], $0xffff;
	v16 =	vadd.f32 v16, v20;
	v18 =	vunpack.i.u.bf16.f32 v6;
	v8 =	vadd.f32 v19, v8  }
0x3cd: {  	v6 =	vunpack.i.l.bf16.f32 v6;
	v7 =	vadd.f32 v7, v10;
	v19 =	vunpack.i.u.bf16.f32 v12  }
0x3ce: {  	v2 =	vld.idx.msk [tilespmem:v2+s2+$0x0], $0xffff;
	v5 =	vadd.f32 v23, v5;
	v4 =	vadd.f32 v4, v8;
	v8 =	vunpack.i.l.bf16.f32 v3  }
0x3cf: {  	v3 =	vunpack.i.u.bf16.f32 v3;
	v12 =	vunpack.i.l.bf16.f32 v12;
	v8 =	vadd.f32 v8, v9  }
0x3d0: {  	v3 =	vadd.f32 v3, v11;
	v9 =	vunpack.i.l.bf16.f32 v1;
	v11 =	vld.idx.msk [tilespmem:v13+s2+$0x0], $0xffff;
	v1 =	vunpack.i.u.bf16.f32 v1  }
0x3d1: {  	[tilespmem:$0x16140] =	vst v4;
	v4 =	vadd.f32 v6, v7;
	v8 =	vadd.f32 v9, v8;
	v9 =	vunpack.i.l.bf16.f32 v0  }
0x3d2: {  	v1 =	vadd.f32 v1, v3;
	v0 =	vunpack.i.u.bf16.f32 v0;
	v3 =	vadd.f32 v9, v14  }
0x3d3: {  	[tilespmem:$0x160C0] =	vst v5;
	v5 =	vunpack.i.l.bf16.f32 v2;
	v0 =	vadd.f32 v0, v17;
	v8 =	vadd.f32 v12, v8  }
0x3d4: {  	v2 =	vunpack.i.u.bf16.f32 v2;
	[tilespmem:$0x162C0] =	vst v4;
	v1 =	vadd.f32 v19, v1;
	v3 =	vadd.f32 v5, v3  }
0x3d5: {  	v5 =	vadd.f32 v18, v16;
	v0 =	vadd.f32 v2, v0;
	v2 =	vunpack.i.l.bf16.f32 v11;
	[tilespmem:$0x161C0] =	vst v8  }
0x3d6: {  	[tilespmem:$0x16240] =	vst v1;
	v1 =	vunpack.i.u.bf16.f32 v11;
	v2 =	vadd.f32 v2, v3  }
0x3d7: {  	v0 =	vadd.f32 v1, v0;
	[tilespmem:$0x16340] =	vst v5  }
0x3d8: {  	[tilespmem:$0x163C0] =	vst v2  }
0x3d9: {  	s26 =	simm.s32 $0xFFFFB500;
	[tilespmem:$0x16440] =	vst v0  }
0x3da: {  	v0 =	vld [tilespmem:s26+$0x15BD0]  }
0x3db: {  	v1 =	vld [tilespmem:s26+$0x15CD0]  }
0x3dc: {  	v2 =	vld [tilespmem:s26+$0x15C50];
	_ =	sdelay $0x1  }
0x3dd: {  	s31 =	simm.s32 $0xFFFFB680  }
0x3de: {  	v15 =	vld [tilespmem:s31+$0x15BD0]  }
0x3df: {  	v19 =	vld [tilespmem:s31+$0x15C50];
	v3 =	vadd.s32 $0x620C, v0  }
0x3e0: {  	v23 =	vld [tilespmem:s31+$0x15CD0];
	v4 =	vadd.s32 $0x620C, v1  }
0x3e1: {  	v5 =	vadd.s32 $0x620C, v2;
	v6 =	vld.idx.msk [tilespmem:v0+s2+$0x0], $0xffff  }
0x3e2: {  	v7 =	vadd.s32 $0x3106, v1;
	v8 =	vld.idx.msk [tilespmem:v1+s2+$0x0], $0xffff  }
0x3e3: {  	v12 =	vadd.s32 $0x3106, v2;
	v10 =	vld.idx.msk [tilespmem:v2+s2+$0x0], $0xffff  }
0x3e4: {  	v3 =	vld.idx.msk [tilespmem:v3+s2+$0x0], $0xffff  }
0x3e5: {  	v11 =	vimm.f32 $0.0e+00;
	v4 =	vld.idx.msk [tilespmem:v4+s2+$0x0], $0xffff  }
0x3e6: {  	v13 =	vadd.s32 $0x9312, v0;
	v14 =	vadd.s32 $0x9312, v1;
	v9 =	vld.idx.msk [tilespmem:v5+s2+$0x0], $0xffff;
	v5 =	vadd.s32 $0x3106, v0  }
0x3e7: {  	v22 =	vadd.s32 $0x3106, v15;
	v20 =	vadd.s32 $0x620C, v15;
	v0 =	vadd.s32 $0x9312, v2;
	v7 =	vld.idx.msk [tilespmem:v7+s2+$0x0], $0xffff  }
0x3e8: {  	v27 =	vadd.s32 $0x620C, v19;
	v24 =	vld.idx.msk [tilespmem:v12+s2+$0x0], $0xffff;
	v12 =	vadd.s32 $0x3106, v23;
	v2 =	vunpack.i.u.bf16.f32 v6  }
0x3e9: {  	v6 =	vunpack.i.l.bf16.f32 v6;
	v16 =	vunpack.i.l.bf16.f32 v8;
	v18 =	vunpack.i.l.bf16.f32 v10  }
0x3ea: {  	v8 =	vunpack.i.u.bf16.f32 v8;
	v6 =	vadd.f32 v6, v11;
	v2 =	vadd.f32 v2, v11  }
0x3eb: {  	v1 =	vunpack.i.u.bf16.f32 v3;
	v3 =	vunpack.i.l.bf16.f32 v3;
	v17 =	vunpack.i.u.bf16.f32 v9;
	v21 =	vld.idx.msk [tilespmem:v5+s2+$0x0], $0xffff  }
0x3ec: {  	v5 =	vunpack.i.u.bf16.f32 v10;
	v26 =	vunpack.i.u.bf16.f32 v4;
	v10 =	vld.idx.msk [tilespmem:v0+s2+$0x0], $0xffff;
	v1 =	vadd.f32 v1, v11  }
0x3ed: {  	v0 =	vadd.s32 $0x9312, v15;
	v28 =	vunpack.i.u.bf16.f32 v7;
	v6 =	vadd.f32 v18, v6  }
0x3ee: {  	v29 =	vunpack.i.l.bf16.f32 v4;
	v3 =	vadd.f32 v3, v11;
	v25 =	vadd.f32 v17, v1  }
0x3ef: {  	v1 =	vadd.s32 $0x3106, v19;
	v17 =	vadd.f32 v5, v2;
	v5 =	vadd.f32 v16, v6;
	v6 =	vld.idx.msk [tilespmem:v13+s2+$0x0], $0xffff  }
0x3f0: {  	v13 =	vadd.s32 $0x620C, v23;
	v16 =	vld.idx.msk [tilespmem:v15+s2+$0x0], $0xffff;
	v15 =	vunpack.i.u.bf16.f32 v24;
	v24 =	vunpack.i.l.bf16.f32 v24  }
0x3f1: {  	v8 =	vadd.f32 v8, v17;
	v4 =	vunpack.i.u.bf16.f32 v21;
	v17 =	vunpack.i.u.bf16.f32 v10  }
0x3f2: {  	v14 =	vld.idx.msk [tilespmem:v14+s2+$0x0], $0xffff;
	v18 =	vunpack.i.l.bf16.f32 v10;
	v10 =	vadd.f32 v4, v11;
	v4 =	vunpack.i.l.bf16.f32 v9  }
0x3f3: {  	v20 =	vld.idx.msk [tilespmem:v20+s2+$0x0], $0xffff;
	v9 =	vunpack.i.l.bf16.f32 v7;
	v7 =	vunpack.i.l.bf16.f32 v21;
	v21 =	vadd.f32 v4, v3  }
0x3f4: {  	v4 =	vld.idx.msk [tilespmem:v23+s2+$0x0], $0xffff;
	v7 =	vadd.f32 v7, v11;
	v30 =	vunpack.i.u.bf16.f32 v6;
	v31 =	vunpack.i.l.bf16.f32 v6  }
0x3f5: {  	v15 =	vadd.f32 v15, v10;
	v6 =	vld.idx.msk [tilespmem:v13+s2+$0x0], $0xffff;
	v13 =	vadd.s32 $0x9312, v23;
	v23 =	vadd.f32 v26, v25  }
0x3f6: {  	v2 =	vadd.s32 $0x9312, v19;
	v3 =	vld.idx.msk [tilespmem:v22+s2+$0x0], $0xffff;
	v10 =	vadd.f32 v29, v21;
	v63 =	vadd.f32 v24, v7  }
0x3f7: {  	v21 =	vunpack.i.u.bf16.f32 v16;
	v22 =	vadd.f32 v30, v11;
	v24 =	vadd.f32 v31, v11;
	v7 =	vld.idx.msk [tilespmem:v27+s2+$0x0], $0xffff  }
0x3f8: {  	s26 =	simm.s32 $0xFFFEE000;
	v19 =	vld.idx.msk [tilespmem:v19+s2+$0x0], $0xffff;
	v11 =	vadd.f32 v28, v15;
	v15 =	vunpack.i.l.bf16.f32 v20;
	v9 =	vadd.f32 v9, v63  }
.LBB2_33:
0x3f9: {  	s28 =	sshra.s32 s26, $0x2;
	p0 =	sne.s32 s26, $0xFFFFFA00;
	s26 =	sadd.s32 $0x600, s26;
	v16 =	vunpack.i.l.bf16.f32 v16;
	v20 =	vunpack.i.u.bf16.f32 v20;
	v25 =	vld.idx.msk [tilespmem:v12+s2+$0x0], $0xffff;
	v12 =	vadd.f32 v18, v24  }
0x3fa: {  	v17 =	vadd.f32 v17, v22;
	v22 =	vunpack.i.u.bf16.f32 v14;
	v14 =	vunpack.i.l.bf16.f32 v14;
	v18 =	vld [tilespmem:s28+$0x15BD0]  }
0x3fb: {  	v20 =	vadd.f32 v20, v23;
	v23 =	vunpack.i.l.bf16.f32 v4;
	v24 =	vld [tilespmem:s28+$0x15C50];
	v26 =	vadd.f32 v14, v12  }
0x3fc: {  	v5 =	vadd.f32 v16, v5;
	v12 =	vunpack.i.u.bf16.f32 v7;
	v22 =	vadd.f32 v22, v17;
	v27 =	vld [tilespmem:s28+$0x15CD0]  }
0x3fd: {  	v8 =	vadd.f32 v21, v8;
	v14 =	vunpack.i.l.bf16.f32 v19;
	v28 =	vadd.f32 v12, v20  }
0x3fe: {  	v29 =	vunpack.i.u.bf16.f32 v6;
	v16 =	vunpack.i.u.bf16.f32 v19;
	v5 =	vadd.f32 v14, v5;
	v19 =	vld.idx.msk [tilespmem:v2+s2+$0x0], $0xffff  }
0x3ff: {  	v21 =	vadd.s32 $0x3106, v18;
	v20 =	vadd.s32 $0x620C, v18;
	v2 =	vadd.s32 $0x9312, v18  }
0x400: {  	v32 =	vunpack.i.u.bf16.f32 v25;
	v30 =	vadd.s32 $0x620C, v24;
	v31 =	vld.idx.msk [tilespmem:v1+s2+$0x0], $0xffff;
	v1 =	vadd.s32 $0x3106, v24  }
0x401: {  	v8 =	vadd.f32 v16, v8;
	v5 =	vadd.f32 v23, v5;
	v12 =	vadd.s32 $0x3106, v27;
	v33 =	vld.idx.msk [tilespmem:v0+s2+$0x0], $0xffff;
	v0 =	vmovc v2  }
0x402: {  	v4 =	vunpack.i.u.bf16.f32 v4;
	v2 =	vadd.s32 $0x9312, v24;
	v23 =	vadd.s32 $0x620C, v27;
	v14 =	vld.idx.msk [tilespmem:v13+s2+$0x0], $0xffff  }
0x403: {  	v10 =	vadd.f32 v15, v10;
	v8 =	vadd.f32 v4, v8;
	v13 =	vunpack.i.l.bf16.f32 v6;
	v16 =	vld.idx.msk [tilespmem:v18+s2+$0x0], $0xffff  }
0x404: {  	v6 =	vunpack.i.u.bf16.f32 v3;
	v17 =	vunpack.i.u.bf16.f32 v19;
	v18 =	vunpack.i.l.bf16.f32 v19;
	v4 =	vld.idx.msk [tilespmem:v27+s2+$0x0], $0xffff  }
0x405: {  	v25 =	vunpack.i.l.bf16.f32 v25;
	v11 =	vadd.f32 v6, v11;
	v6 =	vunpack.i.l.bf16.f32 v7;
	v20 =	vld.idx.msk [tilespmem:v20+s2+$0x0], $0xffff  }
0x406: {  	v7 =	vunpack.i.l.bf16.f32 v3;
	v10 =	vadd.f32 v6, v10;
	v15 =	vunpack.i.u.bf16.f32 v31;
	v3 =	vld.idx.msk [tilespmem:v21+s2+$0x0], $0xffff  }
.Ltmp16:
0x407: {  	v9 =	vadd.f32 v7, v9;
	v6 =	vld.idx.msk [tilespmem:v23+s2+$0x0], $0xffff;
	v23 =	vunpack.i.u.bf16.f32 v33;
	v33 =	vunpack.i.l.bf16.f32 v33;
	(pc) =	sbr.rel @p0 .LBB2_33-.Ltmp16, $4  }
0x408: {  	v11 =	vadd.f32 v15, v11;
	v10 =	vadd.f32 v13, v10;
	v19 =	vld.idx.msk [tilespmem:v24+s2+$0x0], $0xffff;
	v24 =	vunpack.i.l.bf16.f32 v31  }
0x409: {  	v21 =	vunpack.i.u.bf16.f32 v16;
	v22 =	vadd.f32 v23, v22;
	v7 =	vld.idx.msk [tilespmem:v30+s2+$0x0], $0xffff;
	v9 =	vadd.f32 v24, v9  }
0x40a: {  	v13 =	vadd.s32 $0x9312, v27;
	v11 =	vadd.f32 v32, v11;
	v24 =	vadd.f32 v33, v26  }
0x40b: {  	v23 =	vadd.f32 v29, v28;
	v15 =	vunpack.i.l.bf16.f32 v20;
	v9 =	vadd.f32 v25, v9  }
0x40c: {  	_ = 	snop  }
0x40d: {  	v16 =	vunpack.i.l.bf16.f32 v16  }
0x40e: {  	v20 =	vunpack.i.u.bf16.f32 v20;
	v18 =	vadd.f32 v18, v24;
	v17 =	vadd.f32 v17, v22  }
0x40f: {  	v22 =	vunpack.i.u.bf16.f32 v14;
	v14 =	vunpack.i.l.bf16.f32 v14;
	v8 =	vadd.f32 v21, v8  }
0x410: {  	v12 =	vld.idx.msk [tilespmem:v12+s2+$0x0], $0xffff;
	v10 =	vadd.f32 v15, v10;
	v20 =	vadd.f32 v20, v23;
	v23 =	vunpack.i.l.bf16.f32 v4  }
0x411: {  	v5 =	vadd.f32 v16, v5;
	v4 =	vunpack.i.u.bf16.f32 v4;
	v14 =	vadd.f32 v14, v18  }
0x412: {  	v16 =	vunpack.i.u.bf16.f32 v7;
	v18 =	vunpack.i.l.bf16.f32 v19;
	v17 =	vadd.f32 v22, v17  }
0x413: {  	v1 =	vld.idx.msk [tilespmem:v1+s2+$0x0], $0xffff;
	v19 =	vunpack.i.u.bf16.f32 v19;
	v7 =	vunpack.i.l.bf16.f32 v7;
	v5 =	vadd.f32 v18, v5  }
0x414: {  	v0 =	vld.idx.msk [tilespmem:v0+s2+$0x0], $0xffff;
	v16 =	vadd.f32 v16, v20;
	v18 =	vunpack.i.u.bf16.f32 v6;
	v8 =	vadd.f32 v19, v8  }
0x415: {  	v6 =	vunpack.i.l.bf16.f32 v6;
	v7 =	vadd.f32 v7, v10;
	v19 =	vunpack.i.u.bf16.f32 v12  }
0x416: {  	v2 =	vld.idx.msk [tilespmem:v2+s2+$0x0], $0xffff;
	v5 =	vadd.f32 v23, v5;
	v4 =	vadd.f32 v4, v8;
	v8 =	vunpack.i.l.bf16.f32 v3  }
0x417: {  	v3 =	vunpack.i.u.bf16.f32 v3;
	v12 =	vunpack.i.l.bf16.f32 v12;
	v8 =	vadd.f32 v8, v9  }
0x418: {  	v3 =	vadd.f32 v3, v11;
	v9 =	vunpack.i.l.bf16.f32 v1;
	v11 =	vld.idx.msk [tilespmem:v13+s2+$0x0], $0xffff;
	v1 =	vunpack.i.u.bf16.f32 v1  }
0x419: {  	[tilespmem:$0x16150] =	vst v4;
	v4 =	vadd.f32 v6, v7;
	v8 =	vadd.f32 v9, v8;
	v9 =	vunpack.i.l.bf16.f32 v0  }
0x41a: {  	v1 =	vadd.f32 v1, v3;
	v0 =	vunpack.i.u.bf16.f32 v0;
	v3 =	vadd.f32 v9, v14  }
0x41b: {  	[tilespmem:$0x160D0] =	vst v5;
	v5 =	vunpack.i.l.bf16.f32 v2;
	v0 =	vadd.f32 v0, v17;
	v8 =	vadd.f32 v12, v8  }
0x41c: {  	v2 =	vunpack.i.u.bf16.f32 v2;
	[tilespmem:$0x162D0] =	vst v4;
	v1 =	vadd.f32 v19, v1;
	v3 =	vadd.f32 v5, v3  }
0x41d: {  	v5 =	vadd.f32 v18, v16;
	v0 =	vadd.f32 v2, v0;
	v2 =	vunpack.i.l.bf16.f32 v11;
	[tilespmem:$0x161D0] =	vst v8  }
0x41e: {  	[tilespmem:$0x16250] =	vst v1;
	v1 =	vunpack.i.u.bf16.f32 v11;
	v2 =	vadd.f32 v2, v3  }
0x41f: {  	v0 =	vadd.f32 v1, v0;
	[tilespmem:$0x16350] =	vst v5  }
0x420: {  	[tilespmem:$0x163D0] =	vst v2  }
0x421: {  	s26 =	simm.s32 $0xFFFFB500;
	[tilespmem:$0x16450] =	vst v0  }
0x422: {  	v0 =	vld [tilespmem:s26+$0x15BE0]  }
0x423: {  	v1 =	vld [tilespmem:s26+$0x15CE0]  }
0x424: {  	v2 =	vld [tilespmem:s26+$0x15C60];
	_ =	sdelay $0x1  }
0x425: {  	s31 =	simm.s32 $0xFFFFB680  }
0x426: {  	v15 =	vld [tilespmem:s31+$0x15BE0]  }
0x427: {  	v19 =	vld [tilespmem:s31+$0x15C60];
	v3 =	vadd.s32 $0x620C, v0  }
0x428: {  	v23 =	vld [tilespmem:s31+$0x15CE0];
	v4 =	vadd.s32 $0x620C, v1  }
0x429: {  	v5 =	vadd.s32 $0x620C, v2;
	v6 =	vld.idx.msk [tilespmem:v0+s2+$0x0], $0xffff  }
0x42a: {  	v7 =	vadd.s32 $0x3106, v1;
	v8 =	vld.idx.msk [tilespmem:v1+s2+$0x0], $0xffff  }
0x42b: {  	v12 =	vadd.s32 $0x3106, v2;
	v10 =	vld.idx.msk [tilespmem:v2+s2+$0x0], $0xffff  }
0x42c: {  	v3 =	vld.idx.msk [tilespmem:v3+s2+$0x0], $0xffff  }
0x42d: {  	v11 =	vimm.f32 $0.0e+00;
	v4 =	vld.idx.msk [tilespmem:v4+s2+$0x0], $0xffff  }
0x42e: {  	v13 =	vadd.s32 $0x9312, v0;
	v14 =	vadd.s32 $0x9312, v1;
	v9 =	vld.idx.msk [tilespmem:v5+s2+$0x0], $0xffff;
	v5 =	vadd.s32 $0x3106, v0  }
0x42f: {  	v22 =	vadd.s32 $0x3106, v15;
	v20 =	vadd.s32 $0x620C, v15;
	v0 =	vadd.s32 $0x9312, v2;
	v7 =	vld.idx.msk [tilespmem:v7+s2+$0x0], $0xffff  }
0x430: {  	v27 =	vadd.s32 $0x620C, v19;
	v24 =	vld.idx.msk [tilespmem:v12+s2+$0x0], $0xffff;
	v12 =	vadd.s32 $0x3106, v23;
	v2 =	vunpack.i.u.bf16.f32 v6  }
0x431: {  	v6 =	vunpack.i.l.bf16.f32 v6;
	v16 =	vunpack.i.l.bf16.f32 v8;
	v18 =	vunpack.i.l.bf16.f32 v10  }
0x432: {  	v8 =	vunpack.i.u.bf16.f32 v8;
	v6 =	vadd.f32 v6, v11;
	v2 =	vadd.f32 v2, v11  }
0x433: {  	v1 =	vunpack.i.u.bf16.f32 v3;
	v3 =	vunpack.i.l.bf16.f32 v3;
	v17 =	vunpack.i.u.bf16.f32 v9;
	v21 =	vld.idx.msk [tilespmem:v5+s2+$0x0], $0xffff  }
0x434: {  	v5 =	vunpack.i.u.bf16.f32 v10;
	v26 =	vunpack.i.u.bf16.f32 v4;
	v10 =	vld.idx.msk [tilespmem:v0+s2+$0x0], $0xffff;
	v1 =	vadd.f32 v1, v11  }
0x435: {  	v0 =	vadd.s32 $0x9312, v15;
	v28 =	vunpack.i.u.bf16.f32 v7;
	v6 =	vadd.f32 v18, v6  }
0x436: {  	v29 =	vunpack.i.l.bf16.f32 v4;
	v3 =	vadd.f32 v3, v11;
	v25 =	vadd.f32 v17, v1  }
0x437: {  	v1 =	vadd.s32 $0x3106, v19;
	v17 =	vadd.f32 v5, v2;
	v5 =	vadd.f32 v16, v6;
	v6 =	vld.idx.msk [tilespmem:v13+s2+$0x0], $0xffff  }
0x438: {  	v13 =	vadd.s32 $0x620C, v23;
	v16 =	vld.idx.msk [tilespmem:v15+s2+$0x0], $0xffff;
	v15 =	vunpack.i.u.bf16.f32 v24;
	v24 =	vunpack.i.l.bf16.f32 v24  }
0x439: {  	v8 =	vadd.f32 v8, v17;
	v4 =	vunpack.i.u.bf16.f32 v21;
	v17 =	vunpack.i.u.bf16.f32 v10  }
0x43a: {  	v14 =	vld.idx.msk [tilespmem:v14+s2+$0x0], $0xffff;
	v18 =	vunpack.i.l.bf16.f32 v10;
	v10 =	vadd.f32 v4, v11;
	v4 =	vunpack.i.l.bf16.f32 v9  }
0x43b: {  	v20 =	vld.idx.msk [tilespmem:v20+s2+$0x0], $0xffff;
	v9 =	vunpack.i.l.bf16.f32 v7;
	v7 =	vunpack.i.l.bf16.f32 v21;
	v21 =	vadd.f32 v4, v3  }
0x43c: {  	v4 =	vld.idx.msk [tilespmem:v23+s2+$0x0], $0xffff;
	v7 =	vadd.f32 v7, v11;
	v30 =	vunpack.i.u.bf16.f32 v6;
	v31 =	vunpack.i.l.bf16.f32 v6  }
0x43d: {  	v15 =	vadd.f32 v15, v10;
	v6 =	vld.idx.msk [tilespmem:v13+s2+$0x0], $0xffff;
	v13 =	vadd.s32 $0x9312, v23;
	v23 =	vadd.f32 v26, v25  }
0x43e: {  	v2 =	vadd.s32 $0x9312, v19;
	v3 =	vld.idx.msk [tilespmem:v22+s2+$0x0], $0xffff;
	v10 =	vadd.f32 v29, v21;
	v63 =	vadd.f32 v24, v7  }
0x43f: {  	v21 =	vunpack.i.u.bf16.f32 v16;
	v22 =	vadd.f32 v30, v11;
	v24 =	vadd.f32 v31, v11;
	v7 =	vld.idx.msk [tilespmem:v27+s2+$0x0], $0xffff  }
0x440: {  	s26 =	simm.s32 $0xFFFEE000;
	v19 =	vld.idx.msk [tilespmem:v19+s2+$0x0], $0xffff;
	v11 =	vadd.f32 v28, v15;
	v15 =	vunpack.i.l.bf16.f32 v20;
	v9 =	vadd.f32 v9, v63  }
.LBB2_35:
0x441: {  	s28 =	sshra.s32 s26, $0x2;
	p0 =	sne.s32 s26, $0xFFFFFA00;
	s26 =	sadd.s32 $0x600, s26;
	v16 =	vunpack.i.l.bf16.f32 v16;
	v20 =	vunpack.i.u.bf16.f32 v20;
	v25 =	vld.idx.msk [tilespmem:v12+s2+$0x0], $0xffff;
	v12 =	vadd.f32 v18, v24  }
0x442: {  	v17 =	vadd.f32 v17, v22;
	v22 =	vunpack.i.u.bf16.f32 v14;
	v14 =	vunpack.i.l.bf16.f32 v14;
	v18 =	vld [tilespmem:s28+$0x15BE0]  }
0x443: {  	v20 =	vadd.f32 v20, v23;
	v23 =	vunpack.i.l.bf16.f32 v4;
	v24 =	vld [tilespmem:s28+$0x15C60];
	v26 =	vadd.f32 v14, v12  }
0x444: {  	v5 =	vadd.f32 v16, v5;
	v12 =	vunpack.i.u.bf16.f32 v7;
	v22 =	vadd.f32 v22, v17;
	v27 =	vld [tilespmem:s28+$0x15CE0]  }
0x445: {  	v8 =	vadd.f32 v21, v8;
	v14 =	vunpack.i.l.bf16.f32 v19;
	v28 =	vadd.f32 v12, v20  }
0x446: {  	v29 =	vunpack.i.u.bf16.f32 v6;
	v16 =	vunpack.i.u.bf16.f32 v19;
	v5 =	vadd.f32 v14, v5;
	v19 =	vld.idx.msk [tilespmem:v2+s2+$0x0], $0xffff  }
0x447: {  	v21 =	vadd.s32 $0x3106, v18;
	v20 =	vadd.s32 $0x620C, v18;
	v2 =	vadd.s32 $0x9312, v18  }
0x448: {  	v32 =	vunpack.i.u.bf16.f32 v25;
	v30 =	vadd.s32 $0x620C, v24;
	v31 =	vld.idx.msk [tilespmem:v1+s2+$0x0], $0xffff;
	v1 =	vadd.s32 $0x3106, v24  }
0x449: {  	v8 =	vadd.f32 v16, v8;
	v5 =	vadd.f32 v23, v5;
	v12 =	vadd.s32 $0x3106, v27;
	v33 =	vld.idx.msk [tilespmem:v0+s2+$0x0], $0xffff;
	v0 =	vmovc v2  }
0x44a: {  	v4 =	vunpack.i.u.bf16.f32 v4;
	v2 =	vadd.s32 $0x9312, v24;
	v23 =	vadd.s32 $0x620C, v27;
	v14 =	vld.idx.msk [tilespmem:v13+s2+$0x0], $0xffff  }
0x44b: {  	v10 =	vadd.f32 v15, v10;
	v8 =	vadd.f32 v4, v8;
	v13 =	vunpack.i.l.bf16.f32 v6;
	v16 =	vld.idx.msk [tilespmem:v18+s2+$0x0], $0xffff  }
0x44c: {  	v6 =	vunpack.i.u.bf16.f32 v3;
	v17 =	vunpack.i.u.bf16.f32 v19;
	v18 =	vunpack.i.l.bf16.f32 v19;
	v4 =	vld.idx.msk [tilespmem:v27+s2+$0x0], $0xffff  }
0x44d: {  	v25 =	vunpack.i.l.bf16.f32 v25;
	v11 =	vadd.f32 v6, v11;
	v6 =	vunpack.i.l.bf16.f32 v7;
	v20 =	vld.idx.msk [tilespmem:v20+s2+$0x0], $0xffff  }
0x44e: {  	v7 =	vunpack.i.l.bf16.f32 v3;
	v10 =	vadd.f32 v6, v10;
	v15 =	vunpack.i.u.bf16.f32 v31;
	v3 =	vld.idx.msk [tilespmem:v21+s2+$0x0], $0xffff  }
.Ltmp17:
0x44f: {  	v9 =	vadd.f32 v7, v9;
	v6 =	vld.idx.msk [tilespmem:v23+s2+$0x0], $0xffff;
	v23 =	vunpack.i.u.bf16.f32 v33;
	v33 =	vunpack.i.l.bf16.f32 v33;
	(pc) =	sbr.rel @p0 .LBB2_35-.Ltmp17, $4  }
0x450: {  	v11 =	vadd.f32 v15, v11;
	v10 =	vadd.f32 v13, v10;
	v19 =	vld.idx.msk [tilespmem:v24+s2+$0x0], $0xffff;
	v24 =	vunpack.i.l.bf16.f32 v31  }
0x451: {  	v21 =	vunpack.i.u.bf16.f32 v16;
	v22 =	vadd.f32 v23, v22;
	v7 =	vld.idx.msk [tilespmem:v30+s2+$0x0], $0xffff;
	v9 =	vadd.f32 v24, v9  }
0x452: {  	v13 =	vadd.s32 $0x9312, v27;
	v11 =	vadd.f32 v32, v11;
	v24 =	vadd.f32 v33, v26  }
0x453: {  	v23 =	vadd.f32 v29, v28;
	v15 =	vunpack.i.l.bf16.f32 v20;
	v9 =	vadd.f32 v25, v9  }
0x454: {  	_ = 	snop  }
0x455: {  	v16 =	vunpack.i.l.bf16.f32 v16  }
0x456: {  	v20 =	vunpack.i.u.bf16.f32 v20;
	v18 =	vadd.f32 v18, v24;
	v17 =	vadd.f32 v17, v22  }
0x457: {  	v22 =	vunpack.i.u.bf16.f32 v14;
	v14 =	vunpack.i.l.bf16.f32 v14;
	v8 =	vadd.f32 v21, v8  }
0x458: {  	v12 =	vld.idx.msk [tilespmem:v12+s2+$0x0], $0xffff;
	v10 =	vadd.f32 v15, v10;
	v20 =	vadd.f32 v20, v23;
	v23 =	vunpack.i.l.bf16.f32 v4  }
0x459: {  	v5 =	vadd.f32 v16, v5;
	v4 =	vunpack.i.u.bf16.f32 v4;
	v14 =	vadd.f32 v14, v18  }
0x45a: {  	v16 =	vunpack.i.u.bf16.f32 v7;
	v18 =	vunpack.i.l.bf16.f32 v19;
	v17 =	vadd.f32 v22, v17  }
0x45b: {  	v1 =	vld.idx.msk [tilespmem:v1+s2+$0x0], $0xffff;
	v19 =	vunpack.i.u.bf16.f32 v19;
	v7 =	vunpack.i.l.bf16.f32 v7;
	v5 =	vadd.f32 v18, v5  }
0x45c: {  	v0 =	vld.idx.msk [tilespmem:v0+s2+$0x0], $0xffff;
	v16 =	vadd.f32 v16, v20;
	v18 =	vunpack.i.u.bf16.f32 v6;
	v8 =	vadd.f32 v19, v8  }
0x45d: {  	v6 =	vunpack.i.l.bf16.f32 v6;
	v7 =	vadd.f32 v7, v10;
	v19 =	vunpack.i.u.bf16.f32 v12  }
0x45e: {  	v2 =	vld.idx.msk [tilespmem:v2+s2+$0x0], $0xffff;
	v5 =	vadd.f32 v23, v5;
	v4 =	vadd.f32 v4, v8;
	v8 =	vunpack.i.l.bf16.f32 v3  }
0x45f: {  	v3 =	vunpack.i.u.bf16.f32 v3;
	v12 =	vunpack.i.l.bf16.f32 v12;
	v8 =	vadd.f32 v8, v9  }
0x460: {  	v3 =	vadd.f32 v3, v11;
	v9 =	vunpack.i.l.bf16.f32 v1;
	v11 =	vld.idx.msk [tilespmem:v13+s2+$0x0], $0xffff;
	v1 =	vunpack.i.u.bf16.f32 v1  }
0x461: {  	[tilespmem:$0x16160] =	vst v4;
	v4 =	vadd.f32 v6, v7;
	v8 =	vadd.f32 v9, v8;
	v9 =	vunpack.i.l.bf16.f32 v0  }
0x462: {  	v1 =	vadd.f32 v1, v3;
	v0 =	vunpack.i.u.bf16.f32 v0;
	v3 =	vadd.f32 v9, v14  }
0x463: {  	[tilespmem:$0x160E0] =	vst v5;
	v5 =	vunpack.i.l.bf16.f32 v2;
	v0 =	vadd.f32 v0, v17;
	v8 =	vadd.f32 v12, v8  }
0x464: {  	v2 =	vunpack.i.u.bf16.f32 v2;
	[tilespmem:$0x162E0] =	vst v4;
	v1 =	vadd.f32 v19, v1;
	v3 =	vadd.f32 v5, v3  }
0x465: {  	v5 =	vadd.f32 v18, v16;
	v0 =	vadd.f32 v2, v0;
	v2 =	vunpack.i.l.bf16.f32 v11;
	[tilespmem:$0x161E0] =	vst v8  }
0x466: {  	[tilespmem:$0x16260] =	vst v1;
	v1 =	vunpack.i.u.bf16.f32 v11;
	v2 =	vadd.f32 v2, v3  }
0x467: {  	v0 =	vadd.f32 v1, v0;
	[tilespmem:$0x16360] =	vst v5  }
0x468: {  	[tilespmem:$0x163E0] =	vst v2  }
0x469: {  	s26 =	simm.s32 $0xFFFFB500;
	[tilespmem:$0x16460] =	vst v0  }
0x46a: {  	v0 =	vld [tilespmem:s26+$0x15BF0]  }
0x46b: {  	v1 =	vld [tilespmem:s26+$0x15CF0]  }
0x46c: {  	v2 =	vld [tilespmem:s26+$0x15C70];
	_ =	sdelay $0x1  }
0x46d: {  	s31 =	simm.s32 $0xFFFFB680  }
0x46e: {  	v15 =	vld [tilespmem:s31+$0x15BF0]  }
0x46f: {  	v19 =	vld [tilespmem:s31+$0x15C70];
	v3 =	vadd.s32 $0x620C, v0  }
0x470: {  	v23 =	vld [tilespmem:s31+$0x15CF0];
	v4 =	vadd.s32 $0x620C, v1  }
0x471: {  	v5 =	vadd.s32 $0x620C, v2;
	v6 =	vld.idx.msk [tilespmem:v0+s2+$0x0], $0xffff  }
0x472: {  	v7 =	vadd.s32 $0x3106, v1;
	v8 =	vld.idx.msk [tilespmem:v1+s2+$0x0], $0xffff  }
0x473: {  	v12 =	vadd.s32 $0x3106, v2;
	v10 =	vld.idx.msk [tilespmem:v2+s2+$0x0], $0xffff  }
0x474: {  	v3 =	vld.idx.msk [tilespmem:v3+s2+$0x0], $0xffff  }
0x475: {  	v11 =	vimm.f32 $0.0e+00;
	v4 =	vld.idx.msk [tilespmem:v4+s2+$0x0], $0xffff  }
0x476: {  	v13 =	vadd.s32 $0x9312, v0;
	v14 =	vadd.s32 $0x9312, v1;
	v9 =	vld.idx.msk [tilespmem:v5+s2+$0x0], $0xffff;
	v5 =	vadd.s32 $0x3106, v0  }
0x477: {  	v22 =	vadd.s32 $0x3106, v15;
	v20 =	vadd.s32 $0x620C, v15;
	v0 =	vadd.s32 $0x9312, v2;
	v7 =	vld.idx.msk [tilespmem:v7+s2+$0x0], $0xffff  }
0x478: {  	v27 =	vadd.s32 $0x620C, v19;
	v24 =	vld.idx.msk [tilespmem:v12+s2+$0x0], $0xffff;
	v12 =	vadd.s32 $0x3106, v23;
	v2 =	vunpack.i.u.bf16.f32 v6  }
0x479: {  	v6 =	vunpack.i.l.bf16.f32 v6;
	v16 =	vunpack.i.l.bf16.f32 v8;
	v18 =	vunpack.i.l.bf16.f32 v10  }
0x47a: {  	v8 =	vunpack.i.u.bf16.f32 v8;
	v6 =	vadd.f32 v6, v11;
	v2 =	vadd.f32 v2, v11  }
0x47b: {  	v1 =	vunpack.i.u.bf16.f32 v3;
	v3 =	vunpack.i.l.bf16.f32 v3;
	v17 =	vunpack.i.u.bf16.f32 v9;
	v21 =	vld.idx.msk [tilespmem:v5+s2+$0x0], $0xffff  }
0x47c: {  	v5 =	vunpack.i.u.bf16.f32 v10;
	v26 =	vunpack.i.u.bf16.f32 v4;
	v10 =	vld.idx.msk [tilespmem:v0+s2+$0x0], $0xffff;
	v1 =	vadd.f32 v1, v11  }
0x47d: {  	v0 =	vadd.s32 $0x9312, v15;
	v28 =	vunpack.i.u.bf16.f32 v7;
	v6 =	vadd.f32 v18, v6  }
0x47e: {  	v29 =	vunpack.i.l.bf16.f32 v4;
	v3 =	vadd.f32 v3, v11;
	v25 =	vadd.f32 v17, v1  }
0x47f: {  	v1 =	vadd.s32 $0x3106, v19;
	v17 =	vadd.f32 v5, v2;
	v5 =	vadd.f32 v16, v6;
	v6 =	vld.idx.msk [tilespmem:v13+s2+$0x0], $0xffff  }
0x480: {  	v13 =	vadd.s32 $0x620C, v23;
	v16 =	vld.idx.msk [tilespmem:v15+s2+$0x0], $0xffff;
	v15 =	vunpack.i.u.bf16.f32 v24;
	v24 =	vunpack.i.l.bf16.f32 v24  }
0x481: {  	v8 =	vadd.f32 v8, v17;
	v4 =	vunpack.i.u.bf16.f32 v21;
	v17 =	vunpack.i.u.bf16.f32 v10  }
0x482: {  	v14 =	vld.idx.msk [tilespmem:v14+s2+$0x0], $0xffff;
	v18 =	vunpack.i.l.bf16.f32 v10;
	v10 =	vadd.f32 v4, v11;
	v4 =	vunpack.i.l.bf16.f32 v9  }
0x483: {  	v20 =	vld.idx.msk [tilespmem:v20+s2+$0x0], $0xffff;
	v9 =	vunpack.i.l.bf16.f32 v7;
	v7 =	vunpack.i.l.bf16.f32 v21;
	v21 =	vadd.f32 v4, v3  }
0x484: {  	v4 =	vld.idx.msk [tilespmem:v23+s2+$0x0], $0xffff;
	v7 =	vadd.f32 v7, v11;
	v30 =	vunpack.i.u.bf16.f32 v6;
	v31 =	vunpack.i.l.bf16.f32 v6  }
0x485: {  	v15 =	vadd.f32 v15, v10;
	v6 =	vld.idx.msk [tilespmem:v13+s2+$0x0], $0xffff;
	v13 =	vadd.s32 $0x9312, v23;
	v23 =	vadd.f32 v26, v25  }
0x486: {  	v2 =	vadd.s32 $0x9312, v19;
	v3 =	vld.idx.msk [tilespmem:v22+s2+$0x0], $0xffff;
	v10 =	vadd.f32 v29, v21;
	v63 =	vadd.f32 v24, v7  }
0x487: {  	v21 =	vunpack.i.u.bf16.f32 v16;
	v22 =	vadd.f32 v30, v11;
	v24 =	vadd.f32 v31, v11;
	v7 =	vld.idx.msk [tilespmem:v27+s2+$0x0], $0xffff  }
0x488: {  	s26 =	simm.s32 $0xFFFEE000;
	v19 =	vld.idx.msk [tilespmem:v19+s2+$0x0], $0xffff;
	v11 =	vadd.f32 v28, v15;
	v15 =	vunpack.i.l.bf16.f32 v20;
	v9 =	vadd.f32 v9, v63  }
.LBB2_37:
0x489: {  	s28 =	sshra.s32 s26, $0x2;
	p0 =	sne.s32 s26, $0xFFFFFA00;
	s26 =	sadd.s32 $0x600, s26;
	v16 =	vunpack.i.l.bf16.f32 v16;
	v20 =	vunpack.i.u.bf16.f32 v20;
	v25 =	vld.idx.msk [tilespmem:v12+s2+$0x0], $0xffff;
	v12 =	vadd.f32 v18, v24  }
0x48a: {  	v17 =	vadd.f32 v17, v22;
	v22 =	vunpack.i.u.bf16.f32 v14;
	v14 =	vunpack.i.l.bf16.f32 v14;
	v18 =	vld [tilespmem:s28+$0x15BF0]  }
0x48b: {  	v20 =	vadd.f32 v20, v23;
	v23 =	vunpack.i.l.bf16.f32 v4;
	v24 =	vld [tilespmem:s28+$0x15C70];
	v26 =	vadd.f32 v14, v12  }
0x48c: {  	v5 =	vadd.f32 v16, v5;
	v12 =	vunpack.i.u.bf16.f32 v7;
	v22 =	vadd.f32 v22, v17;
	v27 =	vld [tilespmem:s28+$0x15CF0]  }
0x48d: {  	v8 =	vadd.f32 v21, v8;
	v14 =	vunpack.i.l.bf16.f32 v19;
	v28 =	vadd.f32 v12, v20  }
0x48e: {  	v29 =	vunpack.i.u.bf16.f32 v6;
	v16 =	vunpack.i.u.bf16.f32 v19;
	v5 =	vadd.f32 v14, v5;
	v19 =	vld.idx.msk [tilespmem:v2+s2+$0x0], $0xffff  }
0x48f: {  	v21 =	vadd.s32 $0x3106, v18;
	v20 =	vadd.s32 $0x620C, v18;
	v2 =	vadd.s32 $0x9312, v18  }
0x490: {  	v32 =	vunpack.i.u.bf16.f32 v25;
	v30 =	vadd.s32 $0x620C, v24;
	v31 =	vld.idx.msk [tilespmem:v1+s2+$0x0], $0xffff;
	v1 =	vadd.s32 $0x3106, v24  }
0x491: {  	v8 =	vadd.f32 v16, v8;
	v5 =	vadd.f32 v23, v5;
	v12 =	vadd.s32 $0x3106, v27;
	v33 =	vld.idx.msk [tilespmem:v0+s2+$0x0], $0xffff;
	v0 =	vmovc v2  }
0x492: {  	v4 =	vunpack.i.u.bf16.f32 v4;
	v2 =	vadd.s32 $0x9312, v24;
	v23 =	vadd.s32 $0x620C, v27;
	v14 =	vld.idx.msk [tilespmem:v13+s2+$0x0], $0xffff  }
0x493: {  	v10 =	vadd.f32 v15, v10;
	v8 =	vadd.f32 v4, v8;
	v13 =	vunpack.i.l.bf16.f32 v6;
	v16 =	vld.idx.msk [tilespmem:v18+s2+$0x0], $0xffff  }
0x494: {  	v6 =	vunpack.i.u.bf16.f32 v3;
	v17 =	vunpack.i.u.bf16.f32 v19;
	v18 =	vunpack.i.l.bf16.f32 v19;
	v4 =	vld.idx.msk [tilespmem:v27+s2+$0x0], $0xffff  }
0x495: {  	v25 =	vunpack.i.l.bf16.f32 v25;
	v11 =	vadd.f32 v6, v11;
	v6 =	vunpack.i.l.bf16.f32 v7;
	v20 =	vld.idx.msk [tilespmem:v20+s2+$0x0], $0xffff  }
0x496: {  	v7 =	vunpack.i.l.bf16.f32 v3;
	v10 =	vadd.f32 v6, v10;
	v15 =	vunpack.i.u.bf16.f32 v31;
	v3 =	vld.idx.msk [tilespmem:v21+s2+$0x0], $0xffff  }
.Ltmp18:
0x497: {  	v9 =	vadd.f32 v7, v9;
	v6 =	vld.idx.msk [tilespmem:v23+s2+$0x0], $0xffff;
	v23 =	vunpack.i.u.bf16.f32 v33;
	v33 =	vunpack.i.l.bf16.f32 v33;
	(pc) =	sbr.rel @p0 .LBB2_37-.Ltmp18, $4  }
0x498: {  	v11 =	vadd.f32 v15, v11;
	v10 =	vadd.f32 v13, v10;
	v19 =	vld.idx.msk [tilespmem:v24+s2+$0x0], $0xffff;
	v24 =	vunpack.i.l.bf16.f32 v31  }
0x499: {  	v21 =	vunpack.i.u.bf16.f32 v16;
	v22 =	vadd.f32 v23, v22;
	v7 =	vld.idx.msk [tilespmem:v30+s2+$0x0], $0xffff;
	v9 =	vadd.f32 v24, v9  }
0x49a: {  	v13 =	vadd.s32 $0x9312, v27;
	v11 =	vadd.f32 v32, v11;
	v24 =	vadd.f32 v33, v26  }
0x49b: {  	v23 =	vadd.f32 v29, v28;
	v15 =	vunpack.i.l.bf16.f32 v20;
	v9 =	vadd.f32 v25, v9  }
0x49c: {  	v16 =	vunpack.i.l.bf16.f32 v16  }
0x49d: {  	v20 =	vunpack.i.u.bf16.f32 v20;
	v18 =	vadd.f32 v18, v24;
	v17 =	vadd.f32 v17, v22  }
0x49e: {  	v42 =	vunpack.i.u.bf16.f32 v14;
	v43 =	vunpack.i.l.bf16.f32 v14;
	v44 =	vunpack.i.l.bf16.f32 v4  }
0x49f: {  	v8 =	vadd.f32 v21, v8;
	v48 =	vunpack.i.u.bf16.f32 v6;
	v50 =	vunpack.i.u.bf16.f32 v4  }
0x4a0: {  	v10 =	vadd.f32 v15, v10;
	v51 =	vunpack.i.l.bf16.f32 v3;
	v53 =	vunpack.i.u.bf16.f32 v3  }
0x4a1: {  	v12 =	vld.idx.msk [tilespmem:v12+s2+$0x0], $0xffff;
	v20 =	vadd.f32 v20, v23;
	v5 =	vadd.f32 v16, v5;
	v46 =	vunpack.i.l.bf16.f32 v19  }
0x4a2: {  	v1 =	vld.idx.msk [tilespmem:v1+s2+$0x0], $0xffff;
	v47 =	vunpack.i.u.bf16.f32 v19;
	v3 =	vadd.f32 v53, v11;
	v14 =	vadd.f32 v43, v18  }
0x4a3: {  	v0 =	vld.idx.msk [tilespmem:v0+s2+$0x0], $0xffff;
	v45 =	vunpack.i.u.bf16.f32 v7;
	v17 =	vadd.f32 v42, v17;
	v8 =	vadd.f32 v47, v8  }
0x4a4: {  	v54 =	vunpack.i.l.bf16.f32 v7;
	v5 =	vadd.f32 v46, v5;
	v16 =	vadd.f32 v45, v20  }
0x4a5: {  	v2 =	vld.idx.msk [tilespmem:v2+s2+$0x0], $0xffff;
	v52 =	vunpack.i.l.bf16.f32 v6;
	v7 =	vadd.f32 v54, v10;
	v4 =	vadd.f32 v50, v8  }
0x4a6: {  	v8 =	vadd.f32 v51, v9;
	v49 =	vunpack.i.u.bf16.f32 v12;
	v5 =	vadd.f32 v44, v5  }
0x4a7: {  	v56 =	vld.idx.msk [tilespmem:v13+s2+$0x0], $0xffff;
	v55 =	vunpack.i.l.bf16.f32 v1;
	v12 =	vunpack.i.l.bf16.f32 v12;
	v1 =	vunpack.i.u.bf16.f32 v1  }
0x4a8: {  	v57 =	vunpack.i.l.bf16.f32 v0;
	v60 =	vadd.f32 v52, v7;
	v61 =	vadd.f32 v48, v16  }
0x4a9: {  	v0 =	vunpack.i.u.bf16.f32 v0;
	v8 =	vadd.f32 v55, v8;
	v58 =	vadd.f32 v57, v14;
	[tilespmem:$0x16170] =	vst v4  }
0x4aa: {  	v59 =	vunpack.i.l.bf16.f32 v2;
	v1 =	vadd.f32 v1, v3;
	v0 =	vadd.f32 v0, v17;
	[tilespmem:$0x160F0] =	vst v5  }
0x4ab: {  	s24 =	sadd.s32 $0x1, s24;
	v2 =	vunpack.i.u.bf16.f32 v2;
	[tilespmem:$0x162F0] =	vst v60;
	v8 =	vadd.f32 v12, v8;
	v3 =	vadd.f32 v59, v58  }
0x4ac: {  	p0 =	sne.s32 s24, $0x40;
	v62 =	vunpack.i.l.bf16.f32 v56;
	[tilespmem:$0x16370] =	vst v61;
	v1 =	vadd.f32 v49, v1;
	v0 =	vadd.f32 v2, v0  }
.Ltmp19:
0x4ad: {  	v63 =	vunpack.i.u.bf16.f32 v56;
	[tilespmem:$0x161F0] =	vst v8;
	v2 =	vadd.f32 v62, v3;
	(pc) =	sbr.rel @p0 .LBB2_2-.Ltmp19, $4  }
0x4ae: {  	s25 =	sor.u32 s7, s25;
	[tilespmem:$0x16270] =	vst v1;
	v0 =	vadd.f32 v63, v0  }
0x4af: {  	s25 =	sshrl.u32 s25, $0x3;
	[tilespmem:$0x163F0] =	vst v2  }
0x4b0: {  	s25 =	sadd.s32 s4, s25;
	[tilespmem:$0x16470] =	vst v0  }
0x4b1: {  	[hbm4b:s25+s2] =	stream.linear.scatter [tilespmem:s21], [sflag:$0x4], $0x400, $0x38;
	[tilespmem:$0x16480] =	vst v63  }
0x4b2: {  	s23 =	sadd.s32 $0x1, s23  }
0x4b3: {  	_ =	swait.ge [sflag:s22], $0x400;
	p0 =	sne.s32 s23, s9  }
.Ltmp20:
0x4b4: {  	[sflag:s22] =	ssyncset.done $0x0;
	(pc) =	sbr.rel @p0 .LBB2_1-.Ltmp20, $4  }
0x4b5: {  	[sflag:s22] =	ssyncadd.s32 $0xFFFFFC00  }
0x4b6: {  	_ =	swait.ge [sflag:s20], $0x400  }
0x4b7: {  	[sflag:s20] =	ssyncset.done $0x0  }
0x4b8: {  	[sflag:s20] =	ssyncadd.s32 $0xFFFFFC00  }
0x4b9: {  	_ =	sfence.sel $0x180000  }
0x4ba: {  	[bflag:$0x0] =	sbarrier.arrive $0xFFFF  }
0x4bb: {  	p0 =	sne.s32 s0, $0x0;
	_ =	strace $0x90000047  }
0x4bc: {  	s0 =	sadd.s32 @!p0 $0x100000, s1;
	[bflag:$0x2] =	sbarrier.arrive $0xFFFF  }
0x4bd: {  	[sflag:s0] =	ssyncadd.tile.s32 @!p0 $0x1;
	_ =	shalt  }
.Lfunc_end2:
_tile_overlayer_lowered:
.L_overlay_start_2:
0x4be: {  	(tag) =	ssettag $0x2  }
0x4bf: {  	s0 =	rddreg [dreg:$0x0];
	s2 =	stileid.u32  }
0x4c0: {  	s1 =	rddreg [dreg:$0x1];
	p0 =	sne.s32 s2, $0x0  }
0x4c1: {  	s3 =	rddreg [dreg:$0x2];
	[bflag:$0x3] =	sbarrier.arrive $0xFFFF;
	s2 =	simm.s32 @!p0 $0x1C05  }
0x4c2: {  	[timem:s3], [sflag:s2] =	dma.local @!p0 [hbm:s0], s1  }
0x4c3: {  	s0 =	simm.s32 @!p0 $0x5  }
0x4c4: {  	_ =	swait.ge @!p0 [sflag:s0], s1  }
0x4c5: {  	s1 =	ssub.s32 @!p0 $0x0, s1;
	[sflag:s0] =	ssyncset.done @!p0 $0x0  }
0x4c6: {  	[sflag:s0] =	ssyncadd.s32 @!p0 s1  }
0x4c7: {  	[bflag:$0x3] =	sbarrier.arrive $0xFFFF  }
0x4c8: {  	_ =	shalt  }

</sc_bundles>
